<compile_context>
chip_gen: v7x
topology: tpu7x:2x2x1
jax: 0.10.2.dev20260603
libtpu: 0.0.44.dev20260713+nightly
codegen_flags: <defaults>
</compile_context>

<pallas_src>
import functools

import jax
import jax.numpy as jnp
from jax import lax
from jax.experimental import pallas as pl
from jax.experimental.pallas import tpu as pltpu
from jax.experimental.pallas import tpu_sc as plsc

B, L = 4096, 50
D = 64
LPAD, DPAD = 56, 128
N = B * L
NC, NS = 2, 16
NW = NC * NS
RPW = N // NW
K = 4
CC = K * L
NCHUNK = RPW // CC
P = 8

_mesh = plsc.VectorSubcoreMesh(core_axis_name="c", subcore_axis_name="s")


@functools.partial(
    pl.kernel,
    mesh=_mesh,
    out_type=jax.ShapeDtypeStruct((B, LPAD, DPAD), jnp.float32),
    compiler_params=pltpu.CompilerParams(use_tc_tiling_on_sc=False),
    scratch_types=[
        pltpu.VMEM((RPW,), jnp.int32),
        pltpu.VMEM((RPW,), jnp.int32),
        pltpu.VMEM((RPW,), jnp.int32),
        pltpu.VMEM((P, CC, D), jnp.float32),
    ] + [pltpu.SemaphoreType.DMA] * 24,
)
def _triple_embed(oid, tid, cid, t1, t2, t3, out,
                  i1, i2, i3, acc, *sems):
    wid = lax.axis_index("s") * NC + lax.axis_index("c")
    wb = wid * RPW

    pltpu.sync_copy(oid.at[pl.ds(wb, RPW)], i1)
    pltpu.sync_copy(tid.at[pl.ds(wb, RPW)], i2)
    pltpu.sync_copy(cid.at[pl.ds(wb, RPW)], i3)

    sa = sems[0:P]
    sb = sems[P:2 * P]
    sd = sems[2 * P:]

    def f1(c, p):
        pltpu.async_copy(t1.at[i1.at[pl.ds(c * CC, CC)]], acc.at[p], sa[p])

    def f23(c, p):
        isl = pl.ds(c * CC, CC)
        pltpu.make_async_copy(t1.at[i1.at[isl]], acc.at[p], sa[p]).wait()
        pltpu.async_copy(t2.at[i2.at[isl]], acc.at[p], sb[p], add=True)
        pltpu.async_copy(t3.at[i3.at[isl]], acc.at[p], sb[p], add=True)

    def wbf(c, p):
        isl = pl.ds(c * CC, CC)
        pltpu.make_async_copy(t2.at[i2.at[isl]], acc.at[p], sb[p]).wait()
        pltpu.make_async_copy(t3.at[i3.at[isl]], acc.at[p], sb[p]).wait()
        bb = wid * (B // NW) + c * K
        for j in range(K):
            pltpu.async_copy(acc.at[p, pl.ds(j * L, L)],
                             out.at[bb + j, pl.ds(0, L), pl.ds(0, D)], sd[p])

    def wbw(c, p):
        bb = wid * (B // NW) + c * K
        for j in range(K):
            pltpu.make_async_copy(acc.at[p, pl.ds(j * L, L)],
                                  out.at[bb + j, pl.ds(0, L), pl.ds(0, D)],
                                  sd[p]).wait()

    for s in range(P):
        f1(s, s)
        if s >= 3:
            f23(s - 3, s - 3)
        if s >= 5:
            wbf(s - 5, s - 5)
        if s >= 7:
            wbw(s - 7, s - 7)

    def body(h, carry):
        s0 = P * h
        for q in range(P):
            s = s0 + q
            wbw(s - 7, (q + 1) % P)
            f1(s, q)
            f23(s - 3, (q + 5) % P)
            wbf(s - 5, (q + 3) % P)
        return carry

    lax.fori_loop(1, NCHUNK // P, body, 0)

    for s in range(NCHUNK, NCHUNK + 7):
        if s - 7 < NCHUNK:
            wbw(s - 7, (s - 7) % P)
        if s - 3 < NCHUNK:
            f23(s - 3, (s - 3) % P)
        if s - 5 < NCHUNK:
            wbf(s - 5, (s - 5) % P)


def kernel(out_ids, tree_ids, ctx_ids, out_table, tree_table, ctx_table):
    oid = out_ids.reshape(-1).astype(jnp.int32)
    tid = tree_ids.reshape(-1).astype(jnp.int32)
    cid = ctx_ids.reshape(-1).astype(jnp.int32)
    res = _triple_embed(oid, tid, cid, out_table, tree_table, ctx_table)
    return lax.slice(res, (0, 0, 0), (B, L, D))

# --- scband reference (transcript-rebuilt; emitter-appended) ---
"""Pipeline reference for scband-triple-embedding-82789789597915 (READ-ONLY COPY).

The authoritative reference and input builder live on the scoring server;
editing this copy changes nothing except your own understanding.
"""

import jax, jax.numpy as jnp
import numpy as np

OUT_VOCAB = 100000
TREE_VOCAB = 100000
CTX_VOCAB = 100000
EMBED_DIM = 64
B, L = 4096, 50

def setup_inputs(seed: int = 0) -> dict:
    key = jax.random.key(seed)
    k1, k2, k3, k4, k5, k6 = jax.random.split(key, 6)
    out_ids = jax.random.randint(k1, (B, L), 0, OUT_VOCAB, dtype=jnp.int64 if jax.config.jax_enable_x64 else jnp.int32)
    tree_ids = jax.random.randint(k2, (B, L), 0, TREE_VOCAB, dtype=jnp.int64 if jax.config.jax_enable_x64 else jnp.int32)
    ctx_ids = jax.random.randint(k3, (B, L), 0, CTX_VOCAB, dtype=jnp.int64 if jax.config.jax_enable_x64 else jnp.int32)
    out_table = jax.random.normal(k4, (OUT_VOCAB, EMBED_DIM), dtype=jnp.float32)
    tree_table = jax.random.normal(k5, (TREE_VOCAB, EMBED_DIM), dtype=jnp.float32)
    ctx_table = jax.random.normal(k6, (CTX_VOCAB, EMBED_DIM), dtype=jnp.float32)
    return {"out_ids": out_ids, "tree_ids": tree_ids, "ctx_ids": ctx_ids,
            "out_table": out_table, "tree_table": tree_table, "ctx_table": ctx_table}

def reference(out_ids, tree_ids, ctx_ids, out_table, tree_table, ctx_table):
    out_e = jnp.take(out_table, out_ids, axis=0)
    tree_e = jnp.take(tree_table, tree_ids, axis=0)
    ctx_e = jnp.take(ctx_table, ctx_ids, axis=0)
    return out_e + tree_e + ctx_e

if __name__ == "__main__":
    import jax
    _d = setup_inputs()
    print(jax.jit(kernel)(*tuple(_d.values())))

</pallas_src>

<mosaic_0001>
#map = affine_map<(d0, d1) -> (0)>
#map1 = affine_map<(d0, d1) -> (0, 0)>
#map2 = affine_map<(d0, d1) -> (0, 0, 0)>
module attributes {stable_mosaic.version = 14 : i64} {
  func.func @_triple_embed(%arg0: i32, %arg1: i32, %arg2: memref<204800xi32, #tpu.memory_space<hbm>>, %arg3: memref<204800xi32, #tpu.memory_space<hbm>>, %arg4: memref<204800xi32, #tpu.memory_space<hbm>>, %arg5: memref<100000x64xf32, #tpu.memory_space<hbm>>, %arg6: memref<100000x64xf32, #tpu.memory_space<hbm>>, %arg7: memref<100000x64xf32, #tpu.memory_space<hbm>>, %arg8: memref<4096x56x128xf32, #tpu.memory_space<hbm>>, %arg9: memref<6400xi32, #tpu.memory_space<vmem>>, %arg10: memref<6400xi32, #tpu.memory_space<vmem>>, %arg11: memref<6400xi32, #tpu.memory_space<vmem>>, %arg12: memref<8x200x64xf32, #tpu.memory_space<vmem>>, %arg13: memref<!tpu.dma_semaphore, #tpu.memory_space<semaphore_mem>>, %arg14: memref<!tpu.dma_semaphore, #tpu.memory_space<semaphore_mem>>, %arg15: memref<!tpu.dma_semaphore, #tpu.memory_space<semaphore_mem>>, %arg16: memref<!tpu.dma_semaphore, #tpu.memory_space<semaphore_mem>>, %arg17: memref<!tpu.dma_semaphore, #tpu.memory_space<semaphore_mem>>, %arg18: memref<!tpu.dma_semaphore, #tpu.memory_space<semaphore_mem>>, %arg19: memref<!tpu.dma_semaphore, #tpu.memory_space<semaphore_mem>>, %arg20: memref<!tpu.dma_semaphore, #tpu.memory_space<semaphore_mem>>, %arg21: memref<!tpu.dma_semaphore, #tpu.memory_space<semaphore_mem>>, %arg22: memref<!tpu.dma_semaphore, #tpu.memory_space<semaphore_mem>>, %arg23: memref<!tpu.dma_semaphore, #tpu.memory_space<semaphore_mem>>, %arg24: memref<!tpu.dma_semaphore, #tpu.memory_space<semaphore_mem>>, %arg25: memref<!tpu.dma_semaphore, #tpu.memory_space<semaphore_mem>>, %arg26: memref<!tpu.dma_semaphore, #tpu.memory_space<semaphore_mem>>, %arg27: memref<!tpu.dma_semaphore, #tpu.memory_space<semaphore_mem>>, %arg28: memref<!tpu.dma_semaphore, #tpu.memory_space<semaphore_mem>>, %arg29: memref<!tpu.dma_semaphore, #tpu.memory_space<semaphore_mem>>, %arg30: memref<!tpu.dma_semaphore, #tpu.memory_space<semaphore_mem>>, %arg31: memref<!tpu.dma_semaphore, #tpu.memory_space<semaphore_mem>>, %arg32: memref<!tpu.dma_semaphore, #tpu.memory_space<semaphore_mem>>, %arg33: memref<!tpu.dma_semaphore, #tpu.memory_space<semaphore_mem>>, %arg34: memref<!tpu.dma_semaphore, #tpu.memory_space<semaphore_mem>>, %arg35: memref<!tpu.dma_semaphore, #tpu.memory_space<semaphore_mem>>, %arg36: memref<!tpu.dma_semaphore, #tpu.memory_space<semaphore_mem>>) attributes {dimension_semantics = [#tpu.dimension_semantics<core_parallel>, #tpu.dimension_semantics<subcore_parallel>], iteration_bounds = array<i64: 2, 16>, scalar_prefetch = 0 : i64, scratch_operands = 28 : i64, tpu.core_type = #tpu.core_type<sc_vector_subcore>, window_params = [{transform_indices = #map}, {transform_indices = #map}, {transform_indices = #map}, {transform_indices = #map1}, {transform_indices = #map1}, {transform_indices = #map1}, {transform_indices = #map2}]} {
    %mul3A = arith.constant 2 : i32
    %mul3A_0 = arith.muli %arg1, %mul3A : i32
    %add3A = arith.addi %mul3A_0, %arg0 : i32
    %mul3A_1 = arith.constant 6400 : i32
    %mul3A_2 = arith.muli %add3A, %mul3A_1 : i32
    "tpu.region"() ({
      %run_scoped3A = tpu.sem_alloc : memref<!tpu.dma_semaphore, #tpu.memory_space<semaphore_mem>>
      %dma_start3A_1766 = tpu.memref_slice %arg2[%mul3A_2] : memref<204800xi32, #tpu.memory_space<hbm>> -> memref<6400xi32, #tpu.memory_space<hbm>>
      %dma_start3A_1767 = tpu.memref_slice %arg2[%mul3A_2] : memref<204800xi32, #tpu.memory_space<hbm>> -> memref<6400xi32, #tpu.memory_space<hbm>>
      tpu.enqueue_dma source(%dma_start3A_1767 : memref<6400xi32, #tpu.memory_space<hbm>>) target(%arg9 : memref<6400xi32, #tpu.memory_space<vmem>>) target_semaphore(%run_scoped3A : memref<!tpu.dma_semaphore, #tpu.memory_space<semaphore_mem>>)
      %dma_wait3A_1768 = tpu.memref_slice %arg2[%mul3A_2] : memref<204800xi32, #tpu.memory_space<hbm>> -> memref<6400xi32, #tpu.memory_space<hbm>>
      %dma_wait3A_1769 = tpu.memref_slice %arg2[%mul3A_2] : memref<204800xi32, #tpu.memory_space<hbm>> -> memref<6400xi32, #tpu.memory_space<hbm>>
      tpu.wait_dma2 semaphore(%run_scoped3A : memref<!tpu.dma_semaphore, #tpu.memory_space<semaphore_mem>>) src(%dma_wait3A_1769 : memref<6400xi32, #tpu.memory_space<hbm>>) dst(%arg9 : memref<6400xi32, #tpu.memory_space<vmem>>)
      tpu.yield
    }) : () -> ()
    "tpu.region"() ({
      %run_scoped3A = tpu.sem_alloc : memref<!tpu.dma_semaphore, #tpu.memory_space<semaphore_mem>>
      %dma_start3A_1766 = tpu.memref_slice %arg3[%mul3A_2] : memref<204800xi32, #tpu.memory_space<hbm>> -> memref<6400xi32, #tpu.memory_space<hbm>>
      %dma_start3A_1767 = tpu.memref_slice %arg3[%mul3A_2] : memref<204800xi32, #tpu.memory_space<hbm>> -> memref<6400xi32, #tpu.memory_space<hbm>>
      tpu.enqueue_dma source(%dma_start3A_1767 : memref<6400xi32, #tpu.memory_space<hbm>>) target(%arg10 : memref<6400xi32, #tpu.memory_space<vmem>>) target_semaphore(%run_scoped3A : memref<!tpu.dma_semaphore, #tpu.memory_space<semaphore_mem>>)
      %dma_wait3A_1768 = tpu.memref_slice %arg3[%mul3A_2] : memref<204800xi32, #tpu.memory_space<hbm>> -> memref<6400xi32, #tpu.memory_space<hbm>>
      %dma_wait3A_1769 = tpu.memref_slice %arg3[%mul3A_2] : memref<204800xi32, #tpu.memory_space<hbm>> -> memref<6400xi32, #tpu.memory_space<hbm>>
      tpu.wait_dma2 semaphore(%run_scoped3A : memref<!tpu.dma_semaphore, #tpu.memory_space<semaphore_mem>>) src(%dma_wait3A_1769 : memref<6400xi32, #tpu.memory_space<hbm>>) dst(%arg10 : memref<6400xi32, #tpu.memory_space<vmem>>)
      tpu.yield
    }) : () -> ()
    "tpu.region"() ({
      %run_scoped3A = tpu.sem_alloc : memref<!tpu.dma_semaphore, #tpu.memory_space<semaphore_mem>>
      %dma_start3A_1766 = tpu.memref_slice %arg4[%mul3A_2] : memref<204800xi32, #tpu.memory_space<hbm>> -> memref<6400xi32, #tpu.memory_space<hbm>>
      %dma_start3A_1767 = tpu.memref_slice %arg4[%mul3A_2] : memref<204800xi32, #tpu.memory_space<hbm>> -> memref<6400xi32, #tpu.memory_space<hbm>>
      tpu.enqueue_dma source(%dma_start3A_1767 : memref<6400xi32, #tpu.memory_space<hbm>>) target(%arg11 : memref<6400xi32, #tpu.memory_space<vmem>>) target_semaphore(%run_scoped3A : memref<!tpu.dma_semaphore, #tpu.memory_space<semaphore_mem>>)
      %dma_wait3A_1768 = tpu.memref_slice %arg4[%mul3A_2] : memref<204800xi32, #tpu.memory_space<hbm>> -> memref<6400xi32, #tpu.memory_space<hbm>>
      %dma_wait3A_1769 = tpu.memref_slice %arg4[%mul3A_2] : memref<204800xi32, #tpu.memory_space<hbm>> -> memref<6400xi32, #tpu.memory_space<hbm>>
      tpu.wait_dma2 semaphore(%run_scoped3A : memref<!tpu.dma_semaphore, #tpu.memory_space<semaphore_mem>>) src(%dma_wait3A_1769 : memref<6400xi32, #tpu.memory_space<hbm>>) dst(%arg11 : memref<6400xi32, #tpu.memory_space<vmem>>)
      tpu.yield
    }) : () -> ()
    %dma_start3A = arith.constant 0 : i32
    %dma_start3A_3 = arith.constant 0 : i32
    %dma_start3A_4 = arith.constant 0 : i32
    %dma_start3A_5 = tpu.memref_slice %arg12[%dma_start3A, %dma_start3A_3, %dma_start3A_4] : memref<8x200x64xf32, #tpu.memory_space<vmem>> -> memref<1x200x64xf32, #tpu.memory_space<vmem>>
    %dma_start3A_6 = tpu.memref_squeeze %dma_start3A_5 : memref<1x200x64xf32, #tpu.memory_space<vmem>> -> memref<200x64xf32, #tpu.memory_space<vmem>>
    %dma_start3A_7 = arith.constant 0 : i32
    %dma_start3A_8 = tpu.memref_slice %arg9[%dma_start3A_7] : memref<6400xi32, #tpu.memory_space<vmem>> -> memref<200xi32, #tpu.memory_space<vmem>>
    %dma_start3A_9 = arith.constant 0 : i32
    %dma_start3A_10 = arith.constant 0 : i32
    %dma_start3A_11 = tpu.memref_slice %arg5[%dma_start3A_9, %dma_start3A_10] : memref<100000x64xf32, #tpu.memory_space<hbm>> -> memref<100000x64xf32, #tpu.memory_space<hbm>>
    tpu.enqueue_indirect_dma source(%dma_start3A_11 : memref<100000x64xf32, #tpu.memory_space<hbm>>) target(%dma_start3A_6 : memref<200x64xf32, #tpu.memory_space<vmem>>) offsets(%dma_start3A_8 : memref<200xi32, #tpu.memory_space<vmem>>) semaphore(%arg13 : memref<!tpu.dma_semaphore, #tpu.memory_space<semaphore_mem>>)
    %dma_start3A_12 = arith.constant 1 : i32
    %dma_start3A_13 = arith.constant 0 : i32
    %dma_start3A_14 = arith.constant 0 : i32
    %dma_start3A_15 = tpu.memref_slice %arg12[%dma_start3A_12, %dma_start3A_13, %dma_start3A_14] : memref<8x200x64xf32, #tpu.memory_space<vmem>> -> memref<1x200x64xf32, #tpu.memory_space<vmem>>
    %dma_start3A_16 = tpu.memref_squeeze %dma_start3A_15 : memref<1x200x64xf32, #tpu.memory_space<vmem>> -> memref<200x64xf32, #tpu.memory_space<vmem>>
    %dma_start3A_17 = arith.constant 200 : i32
    %dma_start3A_18 = tpu.memref_slice %arg9[%dma_start3A_17] : memref<6400xi32, #tpu.memory_space<vmem>> -> memref<200xi32, #tpu.memory_space<vmem>>
    %dma_start3A_19 = arith.constant 0 : i32
    %dma_start3A_20 = arith.constant 0 : i32
    %dma_start3A_21 = tpu.memref_slice %arg5[%dma_start3A_19, %dma_start3A_20] : memref<100000x64xf32, #tpu.memory_space<hbm>> -> memref<100000x64xf32, #tpu.memory_space<hbm>>
    tpu.enqueue_indirect_dma source(%dma_start3A_21 : memref<100000x64xf32, #tpu.memory_space<hbm>>) target(%dma_start3A_16 : memref<200x64xf32, #tpu.memory_space<vmem>>) offsets(%dma_start3A_18 : memref<200xi32, #tpu.memory_space<vmem>>) semaphore(%arg14 : memref<!tpu.dma_semaphore, #tpu.memory_space<semaphore_mem>>)
    %dma_start3A_22 = arith.constant 2 : i32
    %dma_start3A_23 = arith.constant 0 : i32
    %dma_start3A_24 = arith.constant 0 : i32
    %dma_start3A_25 = tpu.memref_slice %arg12[%dma_start3A_22, %dma_start3A_23, %dma_start3A_24] : memref<8x200x64xf32, #tpu.memory_space<vmem>> -> memref<1x200x64xf32, #tpu.memory_space<vmem>>
    %dma_start3A_26 = tpu.memref_squeeze %dma_start3A_25 : memref<1x200x64xf32, #tpu.memory_space<vmem>> -> memref<200x64xf32, #tpu.memory_space<vmem>>
    %dma_start3A_27 = arith.constant 400 : i32
    %dma_start3A_28 = tpu.memref_slice %arg9[%dma_start3A_27] : memref<6400xi32, #tpu.memory_space<vmem>> -> memref<200xi32, #tpu.memory_space<vmem>>
    %dma_start3A_29 = arith.constant 0 : i32
    %dma_start3A_30 = arith.constant 0 : i32
    %dma_start3A_31 = tpu.memref_slice %arg5[%dma_start3A_29, %dma_start3A_30] : memref<100000x64xf32, #tpu.memory_space<hbm>> -> memref<100000x64xf32, #tpu.memory_space<hbm>>
    tpu.enqueue_indirect_dma source(%dma_start3A_31 : memref<100000x64xf32, #tpu.memory_space<hbm>>) target(%dma_start3A_26 : memref<200x64xf32, #tpu.memory_space<vmem>>) offsets(%dma_start3A_28 : memref<200xi32, #tpu.memory_space<vmem>>) semaphore(%arg15 : memref<!tpu.dma_semaphore, #tpu.memory_space<semaphore_mem>>)
    %dma_start3A_32 = arith.constant 3 : i32
    %dma_start3A_33 = arith.constant 0 : i32
    %dma_start3A_34 = arith.constant 0 : i32
    %dma_start3A_35 = tpu.memref_slice %arg12[%dma_start3A_32, %dma_start3A_33, %dma_start3A_34] : memref<8x200x64xf32, #tpu.memory_space<vmem>> -> memref<1x200x64xf32, #tpu.memory_space<vmem>>
    %dma_start3A_36 = tpu.memref_squeeze %dma_start3A_35 : memref<1x200x64xf32, #tpu.memory_space<vmem>> -> memref<200x64xf32, #tpu.memory_space<vmem>>
    %dma_start3A_37 = arith.constant 600 : i32
    %dma_start3A_38 = tpu.memref_slice %arg9[%dma_start3A_37] : memref<6400xi32, #tpu.memory_space<vmem>> -> memref<200xi32, #tpu.memory_space<vmem>>
    %dma_start3A_39 = arith.constant 0 : i32
    %dma_start3A_40 = arith.constant 0 : i32
    %dma_start3A_41 = tpu.memref_slice %arg5[%dma_start3A_39, %dma_start3A_40] : memref<100000x64xf32, #tpu.memory_space<hbm>> -> memref<100000x64xf32, #tpu.memory_space<hbm>>
    tpu.enqueue_indirect_dma source(%dma_start3A_41 : memref<100000x64xf32, #tpu.memory_space<hbm>>) target(%dma_start3A_36 : memref<200x64xf32, #tpu.memory_space<vmem>>) offsets(%dma_start3A_38 : memref<200xi32, #tpu.memory_space<vmem>>) semaphore(%arg16 : memref<!tpu.dma_semaphore, #tpu.memory_space<semaphore_mem>>)
    %dma_wait3A = arith.constant 0 : i32
    %dma_wait3A_42 = arith.constant 0 : i32
    %dma_wait3A_43 = arith.constant 0 : i32
    %dma_wait3A_44 = tpu.memref_slice %arg12[%dma_wait3A, %dma_wait3A_42, %dma_wait3A_43] : memref<8x200x64xf32, #tpu.memory_space<vmem>> -> memref<1x200x64xf32, #tpu.memory_space<vmem>>
    %dma_wait3A_45 = tpu.memref_squeeze %dma_wait3A_44 : memref<1x200x64xf32, #tpu.memory_space<vmem>> -> memref<200x64xf32, #tpu.memory_space<vmem>>
    %dma_wait3A_46 = arith.constant 0 : i32
    %dma_wait3A_47 = tpu.memref_slice %arg9[%dma_wait3A_46] : memref<6400xi32, #tpu.memory_space<vmem>> -> memref<200xi32, #tpu.memory_space<vmem>>
    %dma_wait3A_48 = arith.constant 0 : i32
    %dma_wait3A_49 = arith.constant 0 : i32
    %dma_wait3A_50 = tpu.memref_slice %arg5[%dma_wait3A_48, %dma_wait3A_49] : memref<100000x64xf32, #tpu.memory_space<hbm>> -> memref<100000x64xf32, #tpu.memory_space<hbm>>
    tpu.wait_indirect_dma semaphore(%arg13 : memref<!tpu.dma_semaphore, #tpu.memory_space<semaphore_mem>>) src(%dma_wait3A_50 : memref<100000x64xf32, #tpu.memory_space<hbm>>) dst(%dma_wait3A_45 : memref<200x64xf32, #tpu.memory_space<vmem>>)
    %dma_start3A_51 = arith.constant 0 : i32
    %dma_start3A_52 = arith.constant 0 : i32
    %dma_start3A_53 = arith.constant 0 : i32
    %dma_start3A_54 = tpu.memref_slice %arg12[%dma_start3A_51, %dma_start3A_52, %dma_start3A_53] : memref<8x200x64xf32, #tpu.memory_space<vmem>> -> memref<1x200x64xf32, #tpu.memory_space<vmem>>
    %dma_start3A_55 = tpu.memref_squeeze %dma_start3A_54 : memref<1x200x64xf32, #tpu.memory_space<vmem>> -> memref<200x64xf32, #tpu.memory_space<vmem>>
    %dma_start3A_56 = arith.constant 0 : i32
    %dma_start3A_57 = tpu.memref_slice %arg10[%dma_start3A_56] : memref<6400xi32, #tpu.memory_space<vmem>> -> memref<200xi32, #tpu.memory_space<vmem>>
    %dma_start3A_58 = arith.constant 0 : i32
    %dma_start3A_59 = arith.constant 0 : i32
    %dma_start3A_60 = tpu.memref_slice %arg6[%dma_start3A_58, %dma_start3A_59] : memref<100000x64xf32, #tpu.memory_space<hbm>> -> memref<100000x64xf32, #tpu.memory_space<hbm>>
    tpu.enqueue_indirect_dma source(%dma_start3A_60 : memref<100000x64xf32, #tpu.memory_space<hbm>>) target(%dma_start3A_55 : memref<200x64xf32, #tpu.memory_space<vmem>>) offsets(%dma_start3A_57 : memref<200xi32, #tpu.memory_space<vmem>>) semaphore(%arg21 : memref<!tpu.dma_semaphore, #tpu.memory_space<semaphore_mem>>) {add = true}
    %dma_start3A_61 = arith.constant 0 : i32
    %dma_start3A_62 = arith.constant 0 : i32
    %dma_start3A_63 = arith.constant 0 : i32
    %dma_start3A_64 = tpu.memref_slice %arg12[%dma_start3A_61, %dma_start3A_62, %dma_start3A_63] : memref<8x200x64xf32, #tpu.memory_space<vmem>> -> memref<1x200x64xf32, #tpu.memory_space<vmem>>
    %dma_start3A_65 = tpu.memref_squeeze %dma_start3A_64 : memref<1x200x64xf32, #tpu.memory_space<vmem>> -> memref<200x64xf32, #tpu.memory_space<vmem>>
    %dma_start3A_66 = arith.constant 0 : i32
    %dma_start3A_67 = tpu.memref_slice %arg11[%dma_start3A_66] : memref<6400xi32, #tpu.memory_space<vmem>> -> memref<200xi32, #tpu.memory_space<vmem>>
    %dma_start3A_68 = arith.constant 0 : i32
    %dma_start3A_69 = arith.constant 0 : i32
    %dma_start3A_70 = tpu.memref_slice %arg7[%dma_start3A_68, %dma_start3A_69] : memref<100000x64xf32, #tpu.memory_space<hbm>> -> memref<100000x64xf32, #tpu.memory_space<hbm>>
    tpu.enqueue_indirect_dma source(%dma_start3A_70 : memref<100000x64xf32, #tpu.memory_space<hbm>>) target(%dma_start3A_65 : memref<200x64xf32, #tpu.memory_space<vmem>>) offsets(%dma_start3A_67 : memref<200xi32, #tpu.memory_space<vmem>>) semaphore(%arg21 : memref<!tpu.dma_semaphore, #tpu.memory_space<semaphore_mem>>) {add = true}
    %dma_start3A_71 = arith.constant 4 : i32
    %dma_start3A_72 = arith.constant 0 : i32
    %dma_start3A_73 = arith.constant 0 : i32
    %dma_start3A_74 = tpu.memref_slice %arg12[%dma_start3A_71, %dma_start3A_72, %dma_start3A_73] : memref<8x200x64xf32, #tpu.memory_space<vmem>> -> memref<1x200x64xf32, #tpu.memory_space<vmem>>
    %dma_start3A_75 = tpu.memref_squeeze %dma_start3A_74 : memref<1x200x64xf32, #tpu.memory_space<vmem>> -> memref<200x64xf32, #tpu.memory_space<vmem>>
    %dma_start3A_76 = arith.constant 800 : i32
    %dma_start3A_77 = tpu.memref_slice %arg9[%dma_start3A_76] : memref<6400xi32, #tpu.memory_space<vmem>> -> memref<200xi32, #tpu.memory_space<vmem>>
    %dma_start3A_78 = arith.constant 0 : i32
    %dma_start3A_79 = arith.constant 0 : i32
    %dma_start3A_80 = tpu.memref_slice %arg5[%dma_start3A_78, %dma_start3A_79] : memref<100000x64xf32, #tpu.memory_space<hbm>> -> memref<100000x64xf32, #tpu.memory_space<hbm>>
    tpu.enqueue_indirect_dma source(%dma_start3A_80 : memref<100000x64xf32, #tpu.memory_space<hbm>>) target(%dma_start3A_75 : memref<200x64xf32, #tpu.memory_space<vmem>>) offsets(%dma_start3A_77 : memref<200xi32, #tpu.memory_space<vmem>>) semaphore(%arg17 : memref<!tpu.dma_semaphore, #tpu.memory_space<semaphore_mem>>)
    %dma_wait3A_81 = arith.constant 1 : i32
    %dma_wait3A_82 = arith.constant 0 : i32
    %dma_wait3A_83 = arith.constant 0 : i32
    %dma_wait3A_84 = tpu.memref_slice %arg12[%dma_wait3A_81, %dma_wait3A_82, %dma_wait3A_83] : memref<8x200x64xf32, #tpu.memory_space<vmem>> -> memref<1x200x64xf32, #tpu.memory_space<vmem>>
    %dma_wait3A_85 = tpu.memref_squeeze %dma_wait3A_84 : memref<1x200x64xf32, #tpu.memory_space<vmem>> -> memref<200x64xf32, #tpu.memory_space<vmem>>
    %dma_wait3A_86 = arith.constant 200 : i32
    %dma_wait3A_87 = tpu.memref_slice %arg9[%dma_wait3A_86] : memref<6400xi32, #tpu.memory_space<vmem>> -> memref<200xi32, #tpu.memory_space<vmem>>
    %dma_wait3A_88 = arith.constant 0 : i32
    %dma_wait3A_89 = arith.constant 0 : i32
    %dma_wait3A_90 = tpu.memref_slice %arg5[%dma_wait3A_88, %dma_wait3A_89] : memref<100000x64xf32, #tpu.memory_space<hbm>> -> memref<100000x64xf32, #tpu.memory_space<hbm>>
    tpu.wait_indirect_dma semaphore(%arg14 : memref<!tpu.dma_semaphore, #tpu.memory_space<semaphore_mem>>) src(%dma_wait3A_90 : memref<100000x64xf32, #tpu.memory_space<hbm>>) dst(%dma_wait3A_85 : memref<200x64xf32, #tpu.memory_space<vmem>>)
    %dma_start3A_91 = arith.constant 1 : i32
    %dma_start3A_92 = arith.constant 0 : i32
    %dma_start3A_93 = arith.constant 0 : i32
    %dma_start3A_94 = tpu.memref_slice %arg12[%dma_start3A_91, %dma_start3A_92, %dma_start3A_93] : memref<8x200x64xf32, #tpu.memory_space<vmem>> -> memref<1x200x64xf32, #tpu.memory_space<vmem>>
    %dma_start3A_95 = tpu.memref_squeeze %dma_start3A_94 : memref<1x200x64xf32, #tpu.memory_space<vmem>> -> memref<200x64xf32, #tpu.memory_space<vmem>>
    %dma_start3A_96 = arith.constant 200 : i32
    %dma_start3A_97 = tpu.memref_slice %arg10[%dma_start3A_96] : memref<6400xi32, #tpu.memory_space<vmem>> -> memref<200xi32, #tpu.memory_space<vmem>>
    %dma_start3A_98 = arith.constant 0 : i32
    %dma_start3A_99 = arith.constant 0 : i32
    %dma_start3A_100 = tpu.memref_slice %arg6[%dma_start3A_98, %dma_start3A_99] : memref<100000x64xf32, #tpu.memory_space<hbm>> -> memref<100000x64xf32, #tpu.memory_space<hbm>>
    tpu.enqueue_indirect_dma source(%dma_start3A_100 : memref<100000x64xf32, #tpu.memory_space<hbm>>) target(%dma_start3A_95 : memref<200x64xf32, #tpu.memory_space<vmem>>) offsets(%dma_start3A_97 : memref<200xi32, #tpu.memory_space<vmem>>) semaphore(%arg22 : memref<!tpu.dma_semaphore, #tpu.memory_space<semaphore_mem>>) {add = true}
    %dma_start3A_101 = arith.constant 1 : i32
    %dma_start3A_102 = arith.constant 0 : i32
    %dma_start3A_103 = arith.constant 0 : i32
    %dma_start3A_104 = tpu.memref_slice %arg12[%dma_start3A_101, %dma_start3A_102, %dma_start3A_103] : memref<8x200x64xf32, #tpu.memory_space<vmem>> -> memref<1x200x64xf32, #tpu.memory_space<vmem>>
    %dma_start3A_105 = tpu.memref_squeeze %dma_start3A_104 : memref<1x200x64xf32, #tpu.memory_space<vmem>> -> memref<200x64xf32, #tpu.memory_space<vmem>>
    %dma_start3A_106 = arith.constant 200 : i32
    %dma_start3A_107 = tpu.memref_slice %arg11[%dma_start3A_106] : memref<6400xi32, #tpu.memory_space<vmem>> -> memref<200xi32, #tpu.memory_space<vmem>>
    %dma_start3A_108 = arith.constant 0 : i32
    %dma_start3A_109 = arith.constant 0 : i32
    %dma_start3A_110 = tpu.memref_slice %arg7[%dma_start3A_108, %dma_start3A_109] : memref<100000x64xf32, #tpu.memory_space<hbm>> -> memref<100000x64xf32, #tpu.memory_space<hbm>>
    tpu.enqueue_indirect_dma source(%dma_start3A_110 : memref<100000x64xf32, #tpu.memory_space<hbm>>) target(%dma_start3A_105 : memref<200x64xf32, #tpu.memory_space<vmem>>) offsets(%dma_start3A_107 : memref<200xi32, #tpu.memory_space<vmem>>) semaphore(%arg22 : memref<!tpu.dma_semaphore, #tpu.memory_space<semaphore_mem>>) {add = true}
    %dma_start3A_111 = arith.constant 5 : i32
    %dma_start3A_112 = arith.constant 0 : i32
    %dma_start3A_113 = arith.constant 0 : i32
    %dma_start3A_114 = tpu.memref_slice %arg12[%dma_start3A_111, %dma_start3A_112, %dma_start3A_113] : memref<8x200x64xf32, #tpu.memory_space<vmem>> -> memref<1x200x64xf32, #tpu.memory_space<vmem>>
    %dma_start3A_115 = tpu.memref_squeeze %dma_start3A_114 : memref<1x200x64xf32, #tpu.memory_space<vmem>> -> memref<200x64xf32, #tpu.memory_space<vmem>>
    %dma_start3A_116 = arith.constant 1000 : i32
    %dma_start3A_117 = tpu.memref_slice %arg9[%dma_start3A_116] : memref<6400xi32, #tpu.memory_space<vmem>> -> memref<200xi32, #tpu.memory_space<vmem>>
    %dma_start3A_118 = arith.constant 0 : i32
    %dma_start3A_119 = arith.constant 0 : i32
    %dma_start3A_120 = tpu.memref_slice %arg5[%dma_start3A_118, %dma_start3A_119] : memref<100000x64xf32, #tpu.memory_space<hbm>> -> memref<100000x64xf32, #tpu.memory_space<hbm>>
    tpu.enqueue_indirect_dma source(%dma_start3A_120 : memref<100000x64xf32, #tpu.memory_space<hbm>>) target(%dma_start3A_115 : memref<200x64xf32, #tpu.memory_space<vmem>>) offsets(%dma_start3A_117 : memref<200xi32, #tpu.memory_space<vmem>>) semaphore(%arg18 : memref<!tpu.dma_semaphore, #tpu.memory_space<semaphore_mem>>)
    %dma_wait3A_121 = arith.constant 2 : i32
    %dma_wait3A_122 = arith.constant 0 : i32
    %dma_wait3A_123 = arith.constant 0 : i32
    %dma_wait3A_124 = tpu.memref_slice %arg12[%dma_wait3A_121, %dma_wait3A_122, %dma_wait3A_123] : memref<8x200x64xf32, #tpu.memory_space<vmem>> -> memref<1x200x64xf32, #tpu.memory_space<vmem>>
    %dma_wait3A_125 = tpu.memref_squeeze %dma_wait3A_124 : memref<1x200x64xf32, #tpu.memory_space<vmem>> -> memref<200x64xf32, #tpu.memory_space<vmem>>
    %dma_wait3A_126 = arith.constant 400 : i32
    %dma_wait3A_127 = tpu.memref_slice %arg9[%dma_wait3A_126] : memref<6400xi32, #tpu.memory_space<vmem>> -> memref<200xi32, #tpu.memory_space<vmem>>
    %dma_wait3A_128 = arith.constant 0 : i32
    %dma_wait3A_129 = arith.constant 0 : i32
    %dma_wait3A_130 = tpu.memref_slice %arg5[%dma_wait3A_128, %dma_wait3A_129] : memref<100000x64xf32, #tpu.memory_space<hbm>> -> memref<100000x64xf32, #tpu.memory_space<hbm>>
    tpu.wait_indirect_dma semaphore(%arg15 : memref<!tpu.dma_semaphore, #tpu.memory_space<semaphore_mem>>) src(%dma_wait3A_130 : memref<100000x64xf32, #tpu.memory_space<hbm>>) dst(%dma_wait3A_125 : memref<200x64xf32, #tpu.memory_space<vmem>>)
    %dma_start3A_131 = arith.constant 2 : i32
    %dma_start3A_132 = arith.constant 0 : i32
    %dma_start3A_133 = arith.constant 0 : i32
    %dma_start3A_134 = tpu.memref_slice %arg12[%dma_start3A_131, %dma_start3A_132, %dma_start3A_133] : memref<8x200x64xf32, #tpu.memory_space<vmem>> -> memref<1x200x64xf32, #tpu.memory_space<vmem>>
    %dma_start3A_135 = tpu.memref_squeeze %dma_start3A_134 : memref<1x200x64xf32, #tpu.memory_space<vmem>> -> memref<200x64xf32, #tpu.memory_space<vmem>>
    %dma_start3A_136 = arith.constant 400 : i32
    %dma_start3A_137 = tpu.memref_slice %arg10[%dma_start3A_136] : memref<6400xi32, #tpu.memory_space<vmem>> -> memref<200xi32, #tpu.memory_space<vmem>>
    %dma_start3A_138 = arith.constant 0 : i32
    %dma_start3A_139 = arith.constant 0 : i32
    %dma_start3A_140 = tpu.memref_slice %arg6[%dma_start3A_138, %dma_start3A_139] : memref<100000x64xf32, #tpu.memory_space<hbm>> -> memref<100000x64xf32, #tpu.memory_space<hbm>>
    tpu.enqueue_indirect_dma source(%dma_start3A_140 : memref<100000x64xf32, #tpu.memory_space<hbm>>) target(%dma_start3A_135 : memref<200x64xf32, #tpu.memory_space<vmem>>) offsets(%dma_start3A_137 : memref<200xi32, #tpu.memory_space<vmem>>) semaphore(%arg23 : memref<!tpu.dma_semaphore, #tpu.memory_space<semaphore_mem>>) {add = true}
    %dma_start3A_141 = arith.constant 2 : i32
    %dma_start3A_142 = arith.constant 0 : i32
    %dma_start3A_143 = arith.constant 0 : i32
    %dma_start3A_144 = tpu.memref_slice %arg12[%dma_start3A_141, %dma_start3A_142, %dma_start3A_143] : memref<8x200x64xf32, #tpu.memory_space<vmem>> -> memref<1x200x64xf32, #tpu.memory_space<vmem>>
    %dma_start3A_145 = tpu.memref_squeeze %dma_start3A_144 : memref<1x200x64xf32, #tpu.memory_space<vmem>> -> memref<200x64xf32, #tpu.memory_space<vmem>>
    %dma_start3A_146 = arith.constant 400 : i32
    %dma_start3A_147 = tpu.memref_slice %arg11[%dma_start3A_146] : memref<6400xi32, #tpu.memory_space<vmem>> -> memref<200xi32, #tpu.memory_space<vmem>>
    %dma_start3A_148 = arith.constant 0 : i32
    %dma_start3A_149 = arith.constant 0 : i32
    %dma_start3A_150 = tpu.memref_slice %arg7[%dma_start3A_148, %dma_start3A_149] : memref<100000x64xf32, #tpu.memory_space<hbm>> -> memref<100000x64xf32, #tpu.memory_space<hbm>>
    tpu.enqueue_indirect_dma source(%dma_start3A_150 : memref<100000x64xf32, #tpu.memory_space<hbm>>) target(%dma_start3A_145 : memref<200x64xf32, #tpu.memory_space<vmem>>) offsets(%dma_start3A_147 : memref<200xi32, #tpu.memory_space<vmem>>) semaphore(%arg23 : memref<!tpu.dma_semaphore, #tpu.memory_space<semaphore_mem>>) {add = true}
    %dma_wait3A_151 = arith.constant 0 : i32
    %dma_wait3A_152 = arith.constant 0 : i32
    %dma_wait3A_153 = arith.constant 0 : i32
    %dma_wait3A_154 = tpu.memref_slice %arg12[%dma_wait3A_151, %dma_wait3A_152, %dma_wait3A_153] : memref<8x200x64xf32, #tpu.memory_space<vmem>> -> memref<1x200x64xf32, #tpu.memory_space<vmem>>
    %dma_wait3A_155 = tpu.memref_squeeze %dma_wait3A_154 : memref<1x200x64xf32, #tpu.memory_space<vmem>> -> memref<200x64xf32, #tpu.memory_space<vmem>>
    %dma_wait3A_156 = arith.constant 0 : i32
    %dma_wait3A_157 = tpu.memref_slice %arg10[%dma_wait3A_156] : memref<6400xi32, #tpu.memory_space<vmem>> -> memref<200xi32, #tpu.memory_space<vmem>>
    %dma_wait3A_158 = arith.constant 0 : i32
    %dma_wait3A_159 = arith.constant 0 : i32
    %dma_wait3A_160 = tpu.memref_slice %arg6[%dma_wait3A_158, %dma_wait3A_159] : memref<100000x64xf32, #tpu.memory_space<hbm>> -> memref<100000x64xf32, #tpu.memory_space<hbm>>
    tpu.wait_indirect_dma semaphore(%arg21 : memref<!tpu.dma_semaphore, #tpu.memory_space<semaphore_mem>>) src(%dma_wait3A_160 : memref<100000x64xf32, #tpu.memory_space<hbm>>) dst(%dma_wait3A_155 : memref<200x64xf32, #tpu.memory_space<vmem>>)
    %dma_wait3A_161 = arith.constant 0 : i32
    %dma_wait3A_162 = arith.constant 0 : i32
    %dma_wait3A_163 = arith.constant 0 : i32
    %dma_wait3A_164 = tpu.memref_slice %arg12[%dma_wait3A_161, %dma_wait3A_162, %dma_wait3A_163] : memref<8x200x64xf32, #tpu.memory_space<vmem>> -> memref<1x200x64xf32, #tpu.memory_space<vmem>>
    %dma_wait3A_165 = tpu.memref_squeeze %dma_wait3A_164 : memref<1x200x64xf32, #tpu.memory_space<vmem>> -> memref<200x64xf32, #tpu.memory_space<vmem>>
    %dma_wait3A_166 = arith.constant 0 : i32
    %dma_wait3A_167 = tpu.memref_slice %arg11[%dma_wait3A_166] : memref<6400xi32, #tpu.memory_space<vmem>> -> memref<200xi32, #tpu.memory_space<vmem>>
    %dma_wait3A_168 = arith.constant 0 : i32
    %dma_wait3A_169 = arith.constant 0 : i32
    %dma_wait3A_170 = tpu.memref_slice %arg7[%dma_wait3A_168, %dma_wait3A_169] : memref<100000x64xf32, #tpu.memory_space<hbm>> -> memref<100000x64xf32, #tpu.memory_space<hbm>>
    tpu.wait_indirect_dma semaphore(%arg21 : memref<!tpu.dma_semaphore, #tpu.memory_space<semaphore_mem>>) src(%dma_wait3A_170 : memref<100000x64xf32, #tpu.memory_space<hbm>>) dst(%dma_wait3A_165 : memref<200x64xf32, #tpu.memory_space<vmem>>)
    %mul3A_171 = arith.constant 128 : i32
    %mul3A_172 = arith.muli %add3A, %mul3A_171 : i32
    %add3A_173 = arith.constant 0 : i32
    %add3A_174 = arith.addi %mul3A_172, %add3A_173 : i32
    %add3A_175 = arith.constant 0 : i32
    %add3A_176 = arith.addi %add3A_174, %add3A_175 : i32
    %dma_start3A_177 = arith.constant 0 : i32
    %dma_start3A_178 = arith.constant 0 : i32
    %dma_start3A_179 = arith.constant 0 : i32
    %dma_start3A_180 = tpu.memref_slice %arg12[%dma_start3A_177, %dma_start3A_178, %dma_start3A_179] : memref<8x200x64xf32, #tpu.memory_space<vmem>> -> memref<1x50x64xf32, #tpu.memory_space<vmem>>
    %dma_start3A_181 = tpu.memref_squeeze %dma_start3A_180 : memref<1x50x64xf32, #tpu.memory_space<vmem>> -> memref<50x64xf32, #tpu.memory_space<vmem>>
    %dma_start3A_182 = arith.constant 0 : i32
    %dma_start3A_183 = arith.constant 0 : i32
    %dma_start3A_184 = tpu.memref_slice %arg8[%add3A_176, %dma_start3A_182, %dma_start3A_183] : memref<4096x56x128xf32, #tpu.memory_space<hbm>> -> memref<1x50x64xf32, #tpu.memory_space<hbm>>
    %dma_start3A_185 = tpu.memref_squeeze %dma_start3A_184 : memref<1x50x64xf32, #tpu.memory_space<hbm>> -> memref<50x64xf32, #tpu.memory_space<hbm>>
    %dma_start3A_186 = arith.constant 0 : i32
    %dma_start3A_187 = arith.constant 0 : i32
    %dma_start3A_188 = tpu.memref_slice %arg8[%add3A_176, %dma_start3A_186, %dma_start3A_187] : memref<4096x56x128xf32, #tpu.memory_space<hbm>> -> memref<1x50x64xf32, #tpu.memory_space<hbm>>
    %dma_start3A_189 = tpu.memref_squeeze %dma_start3A_188 : memref<1x50x64xf32, #tpu.memory_space<hbm>> -> memref<50x64xf32, #tpu.memory_space<hbm>>
    %dma_start3A_190 = arith.constant 0 : i32
    %dma_start3A_191 = arith.constant 0 : i32
    %dma_start3A_192 = tpu.memref_slice %arg12[%dma_start3A_177, %dma_start3A_190, %dma_start3A_191] : memref<8x200x64xf32, #tpu.memory_space<vmem>> -> memref<1x50x64xf32, #tpu.memory_space<vmem>>
    %dma_start3A_193 = tpu.memref_squeeze %dma_start3A_192 : memref<1x50x64xf32, #tpu.memory_space<vmem>> -> memref<50x64xf32, #tpu.memory_space<vmem>>
    tpu.enqueue_dma source(%dma_start3A_193 : memref<50x64xf32, #tpu.memory_space<vmem>>) target(%dma_start3A_189 : memref<50x64xf32, #tpu.memory_space<hbm>>) target_semaphore(%arg29 : memref<!tpu.dma_semaphore, #tpu.memory_space<semaphore_mem>>)
    %add3A_194 = arith.constant 1 : i32
    %add3A_195 = arith.addi %add3A_174, %add3A_194 : i32
    %dma_start3A_196 = arith.constant 0 : i32
    %dma_start3A_197 = arith.constant 50 : i32
    %dma_start3A_198 = arith.constant 0 : i32
    %dma_start3A_199 = tpu.memref_slice %arg12[%dma_start3A_196, %dma_start3A_197, %dma_start3A_198] : memref<8x200x64xf32, #tpu.memory_space<vmem>> -> memref<1x50x64xf32, #tpu.memory_space<vmem>>
    %dma_start3A_200 = tpu.memref_squeeze %dma_start3A_199 : memref<1x50x64xf32, #tpu.memory_space<vmem>> -> memref<50x64xf32, #tpu.memory_space<vmem>>
    %dma_start3A_201 = arith.constant 0 : i32
    %dma_start3A_202 = arith.constant 0 : i32
    %dma_start3A_203 = tpu.memref_slice %arg8[%add3A_195, %dma_start3A_201, %dma_start3A_202] : memref<4096x56x128xf32, #tpu.memory_space<hbm>> -> memref<1x50x64xf32, #tpu.memory_space<hbm>>
    %dma_start3A_204 = tpu.memref_squeeze %dma_start3A_203 : memref<1x50x64xf32, #tpu.memory_space<hbm>> -> memref<50x64xf32, #tpu.memory_space<hbm>>
    %dma_start3A_205 = arith.constant 0 : i32
    %dma_start3A_206 = arith.constant 0 : i32
    %dma_start3A_207 = tpu.memref_slice %arg8[%add3A_195, %dma_start3A_205, %dma_start3A_206] : memref<4096x56x128xf32, #tpu.memory_space<hbm>> -> memref<1x50x64xf32, #tpu.memory_space<hbm>>
    %dma_start3A_208 = tpu.memref_squeeze %dma_start3A_207 : memref<1x50x64xf32, #tpu.memory_space<hbm>> -> memref<50x64xf32, #tpu.memory_space<hbm>>
    %dma_start3A_209 = arith.constant 50 : i32
    %dma_start3A_210 = arith.constant 0 : i32
    %dma_start3A_211 = tpu.memref_slice %arg12[%dma_start3A_196, %dma_start3A_209, %dma_start3A_210] : memref<8x200x64xf32, #tpu.memory_space<vmem>> -> memref<1x50x64xf32, #tpu.memory_space<vmem>>
    %dma_start3A_212 = tpu.memref_squeeze %dma_start3A_211 : memref<1x50x64xf32, #tpu.memory_space<vmem>> -> memref<50x64xf32, #tpu.memory_space<vmem>>
    tpu.enqueue_dma source(%dma_start3A_212 : memref<50x64xf32, #tpu.memory_space<vmem>>) target(%dma_start3A_208 : memref<50x64xf32, #tpu.memory_space<hbm>>) target_semaphore(%arg29 : memref<!tpu.dma_semaphore, #tpu.memory_space<semaphore_mem>>)
    %add3A_213 = arith.constant 2 : i32
    %add3A_214 = arith.addi %add3A_174, %add3A_213 : i32
    %dma_start3A_215 = arith.constant 0 : i32
    %dma_start3A_216 = arith.constant 100 : i32
    %dma_start3A_217 = arith.constant 0 : i32
    %dma_start3A_218 = tpu.memref_slice %arg12[%dma_start3A_215, %dma_start3A_216, %dma_start3A_217] : memref<8x200x64xf32, #tpu.memory_space<vmem>> -> memref<1x50x64xf32, #tpu.memory_space<vmem>>
    %dma_start3A_219 = tpu.memref_squeeze %dma_start3A_218 : memref<1x50x64xf32, #tpu.memory_space<vmem>> -> memref<50x64xf32, #tpu.memory_space<vmem>>
    %dma_start3A_220 = arith.constant 0 : i32
    %dma_start3A_221 = arith.constant 0 : i32
    %dma_start3A_222 = tpu.memref_slice %arg8[%add3A_214, %dma_start3A_220, %dma_start3A_221] : memref<4096x56x128xf32, #tpu.memory_space<hbm>> -> memref<1x50x64xf32, #tpu.memory_space<hbm>>
    %dma_start3A_223 = tpu.memref_squeeze %dma_start3A_222 : memref<1x50x64xf32, #tpu.memory_space<hbm>> -> memref<50x64xf32, #tpu.memory_space<hbm>>
    %dma_start3A_224 = arith.constant 0 : i32
    %dma_start3A_225 = arith.constant 0 : i32
    %dma_start3A_226 = tpu.memref_slice %arg8[%add3A_214, %dma_start3A_224, %dma_start3A_225] : memref<4096x56x128xf32, #tpu.memory_space<hbm>> -> memref<1x50x64xf32, #tpu.memory_space<hbm>>
    %dma_start3A_227 = tpu.memref_squeeze %dma_start3A_226 : memref<1x50x64xf32, #tpu.memory_space<hbm>> -> memref<50x64xf32, #tpu.memory_space<hbm>>
    %dma_start3A_228 = arith.constant 100 : i32
    %dma_start3A_229 = arith.constant 0 : i32
    %dma_start3A_230 = tpu.memref_slice %arg12[%dma_start3A_215, %dma_start3A_228, %dma_start3A_229] : memref<8x200x64xf32, #tpu.memory_space<vmem>> -> memref<1x50x64xf32, #tpu.memory_space<vmem>>
    %dma_start3A_231 = tpu.memref_squeeze %dma_start3A_230 : memref<1x50x64xf32, #tpu.memory_space<vmem>> -> memref<50x64xf32, #tpu.memory_space<vmem>>
    tpu.enqueue_dma source(%dma_start3A_231 : memref<50x64xf32, #tpu.memory_space<vmem>>) target(%dma_start3A_227 : memref<50x64xf32, #tpu.memory_space<hbm>>) target_semaphore(%arg29 : memref<!tpu.dma_semaphore, #tpu.memory_space<semaphore_mem>>)
    %add3A_232 = arith.constant 3 : i32
    %add3A_233 = arith.addi %add3A_174, %add3A_232 : i32
    %dma_start3A_234 = arith.constant 0 : i32
    %dma_start3A_235 = arith.constant 150 : i32
    %dma_start3A_236 = arith.constant 0 : i32
    %dma_start3A_237 = tpu.memref_slice %arg12[%dma_start3A_234, %dma_start3A_235, %dma_start3A_236] : memref<8x200x64xf32, #tpu.memory_space<vmem>> -> memref<1x50x64xf32, #tpu.memory_space<vmem>>
    %dma_start3A_238 = tpu.memref_squeeze %dma_start3A_237 : memref<1x50x64xf32, #tpu.memory_space<vmem>> -> memref<50x64xf32, #tpu.memory_space<vmem>>
    %dma_start3A_239 = arith.constant 0 : i32
    %dma_start3A_240 = arith.constant 0 : i32
    %dma_start3A_241 = tpu.memref_slice %arg8[%add3A_233, %dma_start3A_239, %dma_start3A_240] : memref<4096x56x128xf32, #tpu.memory_space<hbm>> -> memref<1x50x64xf32, #tpu.memory_space<hbm>>
    %dma_start3A_242 = tpu.memref_squeeze %dma_start3A_241 : memref<1x50x64xf32, #tpu.memory_space<hbm>> -> memref<50x64xf32, #tpu.memory_space<hbm>>
    %dma_start3A_243 = arith.constant 0 : i32
    %dma_start3A_244 = arith.constant 0 : i32
    %dma_start3A_245 = tpu.memref_slice %arg8[%add3A_233, %dma_start3A_243, %dma_start3A_244] : memref<4096x56x128xf32, #tpu.memory_space<hbm>> -> memref<1x50x64xf32, #tpu.memory_space<hbm>>
    %dma_start3A_246 = tpu.memref_squeeze %dma_start3A_245 : memref<1x50x64xf32, #tpu.memory_space<hbm>> -> memref<50x64xf32, #tpu.memory_space<hbm>>
    %dma_start3A_247 = arith.constant 150 : i32
    %dma_start3A_248 = arith.constant 0 : i32
    %dma_start3A_249 = tpu.memref_slice %arg12[%dma_start3A_234, %dma_start3A_247, %dma_start3A_248] : memref<8x200x64xf32, #tpu.memory_space<vmem>> -> memref<1x50x64xf32, #tpu.memory_space<vmem>>
    %dma_start3A_250 = tpu.memref_squeeze %dma_start3A_249 : memref<1x50x64xf32, #tpu.memory_space<vmem>> -> memref<50x64xf32, #tpu.memory_space<vmem>>
    tpu.enqueue_dma source(%dma_start3A_250 : memref<50x64xf32, #tpu.memory_space<vmem>>) target(%dma_start3A_246 : memref<50x64xf32, #tpu.memory_space<hbm>>) target_semaphore(%arg29 : memref<!tpu.dma_semaphore, #tpu.memory_space<semaphore_mem>>)
    %dma_start3A_251 = arith.constant 6 : i32
    %dma_start3A_252 = arith.constant 0 : i32
    %dma_start3A_253 = arith.constant 0 : i32
    %dma_start3A_254 = tpu.memref_slice %arg12[%dma_start3A_251, %dma_start3A_252, %dma_start3A_253] : memref<8x200x64xf32, #tpu.memory_space<vmem>> -> memref<1x200x64xf32, #tpu.memory_space<vmem>>
    %dma_start3A_255 = tpu.memref_squeeze %dma_start3A_254 : memref<1x200x64xf32, #tpu.memory_space<vmem>> -> memref<200x64xf32, #tpu.memory_space<vmem>>
    %dma_start3A_256 = arith.constant 1200 : i32
    %dma_start3A_257 = tpu.memref_slice %arg9[%dma_start3A_256] : memref<6400xi32, #tpu.memory_space<vmem>> -> memref<200xi32, #tpu.memory_space<vmem>>
    %dma_start3A_258 = arith.constant 0 : i32
    %dma_start3A_259 = arith.constant 0 : i32
    %dma_start3A_260 = tpu.memref_slice %arg5[%dma_start3A_258, %dma_start3A_259] : memref<100000x64xf32, #tpu.memory_space<hbm>> -> memref<100000x64xf32, #tpu.memory_space<hbm>>
    tpu.enqueue_indirect_dma source(%dma_start3A_260 : memref<100000x64xf32, #tpu.memory_space<hbm>>) target(%dma_start3A_255 : memref<200x64xf32, #tpu.memory_space<vmem>>) offsets(%dma_start3A_257 : memref<200xi32, #tpu.memory_space<vmem>>) semaphore(%arg19 : memref<!tpu.dma_semaphore, #tpu.memory_space<semaphore_mem>>)
    %dma_wait3A_261 = arith.constant 3 : i32
    %dma_wait3A_262 = arith.constant 0 : i32
    %dma_wait3A_263 = arith.constant 0 : i32
    %dma_wait3A_264 = tpu.memref_slice %arg12[%dma_wait3A_261, %dma_wait3A_262, %dma_wait3A_263] : memref<8x200x64xf32, #tpu.memory_space<vmem>> -> memref<1x200x64xf32, #tpu.memory_space<vmem>>
    %dma_wait3A_265 = tpu.memref_squeeze %dma_wait3A_264 : memref<1x200x64xf32, #tpu.memory_space<vmem>> -> memref<200x64xf32, #tpu.memory_space<vmem>>
    %dma_wait3A_266 = arith.constant 600 : i32
    %dma_wait3A_267 = tpu.memref_slice %arg9[%dma_wait3A_266] : memref<6400xi32, #tpu.memory_space<vmem>> -> memref<200xi32, #tpu.memory_space<vmem>>
    %dma_wait3A_268 = arith.constant 0 : i32
    %dma_wait3A_269 = arith.constant 0 : i32
    %dma_wait3A_270 = tpu.memref_slice %arg5[%dma_wait3A_268, %dma_wait3A_269] : memref<100000x64xf32, #tpu.memory_space<hbm>> -> memref<100000x64xf32, #tpu.memory_space<hbm>>
    tpu.wait_indirect_dma semaphore(%arg16 : memref<!tpu.dma_semaphore, #tpu.memory_space<semaphore_mem>>) src(%dma_wait3A_270 : memref<100000x64xf32, #tpu.memory_space<hbm>>) dst(%dma_wait3A_265 : memref<200x64xf32, #tpu.memory_space<vmem>>)
    %dma_start3A_271 = arith.constant 3 : i32
    %dma_start3A_272 = arith.constant 0 : i32
    %dma_start3A_273 = arith.constant 0 : i32
    %dma_start3A_274 = tpu.memref_slice %arg12[%dma_start3A_271, %dma_start3A_272, %dma_start3A_273] : memref<8x200x64xf32, #tpu.memory_space<vmem>> -> memref<1x200x64xf32, #tpu.memory_space<vmem>>
    %dma_start3A_275 = tpu.memref_squeeze %dma_start3A_274 : memref<1x200x64xf32, #tpu.memory_space<vmem>> -> memref<200x64xf32, #tpu.memory_space<vmem>>
    %dma_start3A_276 = arith.constant 600 : i32
    %dma_start3A_277 = tpu.memref_slice %arg10[%dma_start3A_276] : memref<6400xi32, #tpu.memory_space<vmem>> -> memref<200xi32, #tpu.memory_space<vmem>>
    %dma_start3A_278 = arith.constant 0 : i32
    %dma_start3A_279 = arith.constant 0 : i32
    %dma_start3A_280 = tpu.memref_slice %arg6[%dma_start3A_278, %dma_start3A_279] : memref<100000x64xf32, #tpu.memory_space<hbm>> -> memref<100000x64xf32, #tpu.memory_space<hbm>>
    tpu.enqueue_indirect_dma source(%dma_start3A_280 : memref<100000x64xf32, #tpu.memory_space<hbm>>) target(%dma_start3A_275 : memref<200x64xf32, #tpu.memory_space<vmem>>) offsets(%dma_start3A_277 : memref<200xi32, #tpu.memory_space<vmem>>) semaphore(%arg24 : memref<!tpu.dma_semaphore, #tpu.memory_space<semaphore_mem>>) {add = true}
    %dma_start3A_281 = arith.constant 3 : i32
    %dma_start3A_282 = arith.constant 0 : i32
    %dma_start3A_283 = arith.constant 0 : i32
    %dma_start3A_284 = tpu.memref_slice %arg12[%dma_start3A_281, %dma_start3A_282, %dma_start3A_283] : memref<8x200x64xf32, #tpu.memory_space<vmem>> -> memref<1x200x64xf32, #tpu.memory_space<vmem>>
    %dma_start3A_285 = tpu.memref_squeeze %dma_start3A_284 : memref<1x200x64xf32, #tpu.memory_space<vmem>> -> memref<200x64xf32, #tpu.memory_space<vmem>>
    %dma_start3A_286 = arith.constant 600 : i32
    %dma_start3A_287 = tpu.memref_slice %arg11[%dma_start3A_286] : memref<6400xi32, #tpu.memory_space<vmem>> -> memref<200xi32, #tpu.memory_space<vmem>>
    %dma_start3A_288 = arith.constant 0 : i32
    %dma_start3A_289 = arith.constant 0 : i32
    %dma_start3A_290 = tpu.memref_slice %arg7[%dma_start3A_288, %dma_start3A_289] : memref<100000x64xf32, #tpu.memory_space<hbm>> -> memref<100000x64xf32, #tpu.memory_space<hbm>>
    tpu.enqueue_indirect_dma source(%dma_start3A_290 : memref<100000x64xf32, #tpu.memory_space<hbm>>) target(%dma_start3A_285 : memref<200x64xf32, #tpu.memory_space<vmem>>) offsets(%dma_start3A_287 : memref<200xi32, #tpu.memory_space<vmem>>) semaphore(%arg24 : memref<!tpu.dma_semaphore, #tpu.memory_space<semaphore_mem>>) {add = true}
    %dma_wait3A_291 = arith.constant 1 : i32
    %dma_wait3A_292 = arith.constant 0 : i32
    %dma_wait3A_293 = arith.constant 0 : i32
    %dma_wait3A_294 = tpu.memref_slice %arg12[%dma_wait3A_291, %dma_wait3A_292, %dma_wait3A_293] : memref<8x200x64xf32, #tpu.memory_space<vmem>> -> memref<1x200x64xf32, #tpu.memory_space<vmem>>
    %dma_wait3A_295 = tpu.memref_squeeze %dma_wait3A_294 : memref<1x200x64xf32, #tpu.memory_space<vmem>> -> memref<200x64xf32, #tpu.memory_space<vmem>>
    %dma_wait3A_296 = arith.constant 200 : i32
    %dma_wait3A_297 = tpu.memref_slice %arg10[%dma_wait3A_296] : memref<6400xi32, #tpu.memory_space<vmem>> -> memref<200xi32, #tpu.memory_space<vmem>>
    %dma_wait3A_298 = arith.constant 0 : i32
    %dma_wait3A_299 = arith.constant 0 : i32
    %dma_wait3A_300 = tpu.memref_slice %arg6[%dma_wait3A_298, %dma_wait3A_299] : memref<100000x64xf32, #tpu.memory_space<hbm>> -> memref<100000x64xf32, #tpu.memory_space<hbm>>
    tpu.wait_indirect_dma semaphore(%arg22 : memref<!tpu.dma_semaphore, #tpu.memory_space<semaphore_mem>>) src(%dma_wait3A_300 : memref<100000x64xf32, #tpu.memory_space<hbm>>) dst(%dma_wait3A_295 : memref<200x64xf32, #tpu.memory_space<vmem>>)
    %dma_wait3A_301 = arith.constant 1 : i32
    %dma_wait3A_302 = arith.constant 0 : i32
    %dma_wait3A_303 = arith.constant 0 : i32
    %dma_wait3A_304 = tpu.memref_slice %arg12[%dma_wait3A_301, %dma_wait3A_302, %dma_wait3A_303] : memref<8x200x64xf32, #tpu.memory_space<vmem>> -> memref<1x200x64xf32, #tpu.memory_space<vmem>>
    %dma_wait3A_305 = tpu.memref_squeeze %dma_wait3A_304 : memref<1x200x64xf32, #tpu.memory_space<vmem>> -> memref<200x64xf32, #tpu.memory_space<vmem>>
    %dma_wait3A_306 = arith.constant 200 : i32
    %dma_wait3A_307 = tpu.memref_slice %arg11[%dma_wait3A_306] : memref<6400xi32, #tpu.memory_space<vmem>> -> memref<200xi32, #tpu.memory_space<vmem>>
    %dma_wait3A_308 = arith.constant 0 : i32
    %dma_wait3A_309 = arith.constant 0 : i32
    %dma_wait3A_310 = tpu.memref_slice %arg7[%dma_wait3A_308, %dma_wait3A_309] : memref<100000x64xf32, #tpu.memory_space<hbm>> -> memref<100000x64xf32, #tpu.memory_space<hbm>>
    tpu.wait_indirect_dma semaphore(%arg22 : memref<!tpu.dma_semaphore, #tpu.memory_space<semaphore_mem>>) src(%dma_wait3A_310 : memref<100000x64xf32, #tpu.memory_space<hbm>>) dst(%dma_wait3A_305 : memref<200x64xf32, #tpu.memory_space<vmem>>)
    %mul3A_311 = arith.constant 128 : i32
    %mul3A_312 = arith.muli %add3A, %mul3A_311 : i32
    %add3A_313 = arith.constant 4 : i32
    %add3A_314 = arith.addi %mul3A_312, %add3A_313 : i32
    %add3A_315 = arith.constant 0 : i32
    %add3A_316 = arith.addi %add3A_314, %add3A_315 : i32
    %dma_start3A_317 = arith.constant 1 : i32
    %dma_start3A_318 = arith.constant 0 : i32
    %dma_start3A_319 = arith.constant 0 : i32
    %dma_start3A_320 = tpu.memref_slice %arg12[%dma_start3A_317, %dma_start3A_318, %dma_start3A_319] : memref<8x200x64xf32, #tpu.memory_space<vmem>> -> memref<1x50x64xf32, #tpu.memory_space<vmem>>
    %dma_start3A_321 = tpu.memref_squeeze %dma_start3A_320 : memref<1x50x64xf32, #tpu.memory_space<vmem>> -> memref<50x64xf32, #tpu.memory_space<vmem>>
    %dma_start3A_322 = arith.constant 0 : i32
    %dma_start3A_323 = arith.constant 0 : i32
    %dma_start3A_324 = tpu.memref_slice %arg8[%add3A_316, %dma_start3A_322, %dma_start3A_323] : memref<4096x56x128xf32, #tpu.memory_space<hbm>> -> memref<1x50x64xf32, #tpu.memory_space<hbm>>
    %dma_start3A_325 = tpu.memref_squeeze %dma_start3A_324 : memref<1x50x64xf32, #tpu.memory_space<hbm>> -> memref<50x64xf32, #tpu.memory_space<hbm>>
    %dma_start3A_326 = arith.constant 0 : i32
    %dma_start3A_327 = arith.constant 0 : i32
    %dma_start3A_328 = tpu.memref_slice %arg8[%add3A_316, %dma_start3A_326, %dma_start3A_327] : memref<4096x56x128xf32, #tpu.memory_space<hbm>> -> memref<1x50x64xf32, #tpu.memory_space<hbm>>
    %dma_start3A_329 = tpu.memref_squeeze %dma_start3A_328 : memref<1x50x64xf32, #tpu.memory_space<hbm>> -> memref<50x64xf32, #tpu.memory_space<hbm>>
    %dma_start3A_330 = arith.constant 0 : i32
    %dma_start3A_331 = arith.constant 0 : i32
    %dma_start3A_332 = tpu.memref_slice %arg12[%dma_start3A_317, %dma_start3A_330, %dma_start3A_331] : memref<8x200x64xf32, #tpu.memory_space<vmem>> -> memref<1x50x64xf32, #tpu.memory_space<vmem>>
    %dma_start3A_333 = tpu.memref_squeeze %dma_start3A_332 : memref<1x50x64xf32, #tpu.memory_space<vmem>> -> memref<50x64xf32, #tpu.memory_space<vmem>>
    tpu.enqueue_dma source(%dma_start3A_333 : memref<50x64xf32, #tpu.memory_space<vmem>>) target(%dma_start3A_329 : memref<50x64xf32, #tpu.memory_space<hbm>>) target_semaphore(%arg30 : memref<!tpu.dma_semaphore, #tpu.memory_space<semaphore_mem>>)
    %add3A_334 = arith.constant 1 : i32
    %add3A_335 = arith.addi %add3A_314, %add3A_334 : i32
    %dma_start3A_336 = arith.constant 1 : i32
    %dma_start3A_337 = arith.constant 50 : i32
    %dma_start3A_338 = arith.constant 0 : i32
    %dma_start3A_339 = tpu.memref_slice %arg12[%dma_start3A_336, %dma_start3A_337, %dma_start3A_338] : memref<8x200x64xf32, #tpu.memory_space<vmem>> -> memref<1x50x64xf32, #tpu.memory_space<vmem>>
    %dma_start3A_340 = tpu.memref_squeeze %dma_start3A_339 : memref<1x50x64xf32, #tpu.memory_space<vmem>> -> memref<50x64xf32, #tpu.memory_space<vmem>>
    %dma_start3A_341 = arith.constant 0 : i32
    %dma_start3A_342 = arith.constant 0 : i32
    %dma_start3A_343 = tpu.memref_slice %arg8[%add3A_335, %dma_start3A_341, %dma_start3A_342] : memref<4096x56x128xf32, #tpu.memory_space<hbm>> -> memref<1x50x64xf32, #tpu.memory_space<hbm>>
    %dma_start3A_344 = tpu.memref_squeeze %dma_start3A_343 : memref<1x50x64xf32, #tpu.memory_space<hbm>> -> memref<50x64xf32, #tpu.memory_space<hbm>>
    %dma_start3A_345 = arith.constant 0 : i32
    %dma_start3A_346 = arith.constant 0 : i32
    %dma_start3A_347 = tpu.memref_slice %arg8[%add3A_335, %dma_start3A_345, %dma_start3A_346] : memref<4096x56x128xf32, #tpu.memory_space<hbm>> -> memref<1x50x64xf32, #tpu.memory_space<hbm>>
    %dma_start3A_348 = tpu.memref_squeeze %dma_start3A_347 : memref<1x50x64xf32, #tpu.memory_space<hbm>> -> memref<50x64xf32, #tpu.memory_space<hbm>>
    %dma_start3A_349 = arith.constant 50 : i32
    %dma_start3A_350 = arith.constant 0 : i32
    %dma_start3A_351 = tpu.memref_slice %arg12[%dma_start3A_336, %dma_start3A_349, %dma_start3A_350] : memref<8x200x64xf32, #tpu.memory_space<vmem>> -> memref<1x50x64xf32, #tpu.memory_space<vmem>>
    %dma_start3A_352 = tpu.memref_squeeze %dma_start3A_351 : memref<1x50x64xf32, #tpu.memory_space<vmem>> -> memref<50x64xf32, #tpu.memory_space<vmem>>
    tpu.enqueue_dma source(%dma_start3A_352 : memref<50x64xf32, #tpu.memory_space<vmem>>) target(%dma_start3A_348 : memref<50x64xf32, #tpu.memory_space<hbm>>) target_semaphore(%arg30 : memref<!tpu.dma_semaphore, #tpu.memory_space<semaphore_mem>>)
    %add3A_353 = arith.constant 2 : i32
    %add3A_354 = arith.addi %add3A_314, %add3A_353 : i32
    %dma_start3A_355 = arith.constant 1 : i32
    %dma_start3A_356 = arith.constant 100 : i32
    %dma_start3A_357 = arith.constant 0 : i32
    %dma_start3A_358 = tpu.memref_slice %arg12[%dma_start3A_355, %dma_start3A_356, %dma_start3A_357] : memref<8x200x64xf32, #tpu.memory_space<vmem>> -> memref<1x50x64xf32, #tpu.memory_space<vmem>>
    %dma_start3A_359 = tpu.memref_squeeze %dma_start3A_358 : memref<1x50x64xf32, #tpu.memory_space<vmem>> -> memref<50x64xf32, #tpu.memory_space<vmem>>
    %dma_start3A_360 = arith.constant 0 : i32
    %dma_start3A_361 = arith.constant 0 : i32
    %dma_start3A_362 = tpu.memref_slice %arg8[%add3A_354, %dma_start3A_360, %dma_start3A_361] : memref<4096x56x128xf32, #tpu.memory_space<hbm>> -> memref<1x50x64xf32, #tpu.memory_space<hbm>>
    %dma_start3A_363 = tpu.memref_squeeze %dma_start3A_362 : memref<1x50x64xf32, #tpu.memory_space<hbm>> -> memref<50x64xf32, #tpu.memory_space<hbm>>
    %dma_start3A_364 = arith.constant 0 : i32
    %dma_start3A_365 = arith.constant 0 : i32
    %dma_start3A_366 = tpu.memref_slice %arg8[%add3A_354, %dma_start3A_364, %dma_start3A_365] : memref<4096x56x128xf32, #tpu.memory_space<hbm>> -> memref<1x50x64xf32, #tpu.memory_space<hbm>>
    %dma_start3A_367 = tpu.memref_squeeze %dma_start3A_366 : memref<1x50x64xf32, #tpu.memory_space<hbm>> -> memref<50x64xf32, #tpu.memory_space<hbm>>
    %dma_start3A_368 = arith.constant 100 : i32
    %dma_start3A_369 = arith.constant 0 : i32
    %dma_start3A_370 = tpu.memref_slice %arg12[%dma_start3A_355, %dma_start3A_368, %dma_start3A_369] : memref<8x200x64xf32, #tpu.memory_space<vmem>> -> memref<1x50x64xf32, #tpu.memory_space<vmem>>
    %dma_start3A_371 = tpu.memref_squeeze %dma_start3A_370 : memref<1x50x64xf32, #tpu.memory_space<vmem>> -> memref<50x64xf32, #tpu.memory_space<vmem>>
    tpu.enqueue_dma source(%dma_start3A_371 : memref<50x64xf32, #tpu.memory_space<vmem>>) target(%dma_start3A_367 : memref<50x64xf32, #tpu.memory_space<hbm>>) target_semaphore(%arg30 : memref<!tpu.dma_semaphore, #tpu.memory_space<semaphore_mem>>)
    %add3A_372 = arith.constant 3 : i32
    %add3A_373 = arith.addi %add3A_314, %add3A_372 : i32
    %dma_start3A_374 = arith.constant 1 : i32
    %dma_start3A_375 = arith.constant 150 : i32
    %dma_start3A_376 = arith.constant 0 : i32
    %dma_start3A_377 = tpu.memref_slice %arg12[%dma_start3A_374, %dma_start3A_375, %dma_start3A_376] : memref<8x200x64xf32, #tpu.memory_space<vmem>> -> memref<1x50x64xf32, #tpu.memory_space<vmem>>
    %dma_start3A_378 = tpu.memref_squeeze %dma_start3A_377 : memref<1x50x64xf32, #tpu.memory_space<vmem>> -> memref<50x64xf32, #tpu.memory_space<vmem>>
    %dma_start3A_379 = arith.constant 0 : i32
    %dma_start3A_380 = arith.constant 0 : i32
    %dma_start3A_381 = tpu.memref_slice %arg8[%add3A_373, %dma_start3A_379, %dma_start3A_380] : memref<4096x56x128xf32, #tpu.memory_space<hbm>> -> memref<1x50x64xf32, #tpu.memory_space<hbm>>
    %dma_start3A_382 = tpu.memref_squeeze %dma_start3A_381 : memref<1x50x64xf32, #tpu.memory_space<hbm>> -> memref<50x64xf32, #tpu.memory_space<hbm>>
    %dma_start3A_383 = arith.constant 0 : i32
    %dma_start3A_384 = arith.constant 0 : i32
    %dma_start3A_385 = tpu.memref_slice %arg8[%add3A_373, %dma_start3A_383, %dma_start3A_384] : memref<4096x56x128xf32, #tpu.memory_space<hbm>> -> memref<1x50x64xf32, #tpu.memory_space<hbm>>
    %dma_start3A_386 = tpu.memref_squeeze %dma_start3A_385 : memref<1x50x64xf32, #tpu.memory_space<hbm>> -> memref<50x64xf32, #tpu.memory_space<hbm>>
    %dma_start3A_387 = arith.constant 150 : i32
    %dma_start3A_388 = arith.constant 0 : i32
    %dma_start3A_389 = tpu.memref_slice %arg12[%dma_start3A_374, %dma_start3A_387, %dma_start3A_388] : memref<8x200x64xf32, #tpu.memory_space<vmem>> -> memref<1x50x64xf32, #tpu.memory_space<vmem>>
    %dma_start3A_390 = tpu.memref_squeeze %dma_start3A_389 : memref<1x50x64xf32, #tpu.memory_space<vmem>> -> memref<50x64xf32, #tpu.memory_space<vmem>>
    tpu.enqueue_dma source(%dma_start3A_390 : memref<50x64xf32, #tpu.memory_space<vmem>>) target(%dma_start3A_386 : memref<50x64xf32, #tpu.memory_space<hbm>>) target_semaphore(%arg30 : memref<!tpu.dma_semaphore, #tpu.memory_space<semaphore_mem>>)
    %dma_start3A_391 = arith.constant 7 : i32
    %dma_start3A_392 = arith.constant 0 : i32
    %dma_start3A_393 = arith.constant 0 : i32
    %dma_start3A_394 = tpu.memref_slice %arg12[%dma_start3A_391, %dma_start3A_392, %dma_start3A_393] : memref<8x200x64xf32, #tpu.memory_space<vmem>> -> memref<1x200x64xf32, #tpu.memory_space<vmem>>
    %dma_start3A_395 = tpu.memref_squeeze %dma_start3A_394 : memref<1x200x64xf32, #tpu.memory_space<vmem>> -> memref<200x64xf32, #tpu.memory_space<vmem>>
    %dma_start3A_396 = arith.constant 1400 : i32
    %dma_start3A_397 = tpu.memref_slice %arg9[%dma_start3A_396] : memref<6400xi32, #tpu.memory_space<vmem>> -> memref<200xi32, #tpu.memory_space<vmem>>
    %dma_start3A_398 = arith.constant 0 : i32
    %dma_start3A_399 = arith.constant 0 : i32
    %dma_start3A_400 = tpu.memref_slice %arg5[%dma_start3A_398, %dma_start3A_399] : memref<100000x64xf32, #tpu.memory_space<hbm>> -> memref<100000x64xf32, #tpu.memory_space<hbm>>
    tpu.enqueue_indirect_dma source(%dma_start3A_400 : memref<100000x64xf32, #tpu.memory_space<hbm>>) target(%dma_start3A_395 : memref<200x64xf32, #tpu.memory_space<vmem>>) offsets(%dma_start3A_397 : memref<200xi32, #tpu.memory_space<vmem>>) semaphore(%arg20 : memref<!tpu.dma_semaphore, #tpu.memory_space<semaphore_mem>>)
    %dma_wait3A_401 = arith.constant 4 : i32
    %dma_wait3A_402 = arith.constant 0 : i32
    %dma_wait3A_403 = arith.constant 0 : i32
    %dma_wait3A_404 = tpu.memref_slice %arg12[%dma_wait3A_401, %dma_wait3A_402, %dma_wait3A_403] : memref<8x200x64xf32, #tpu.memory_space<vmem>> -> memref<1x200x64xf32, #tpu.memory_space<vmem>>
    %dma_wait3A_405 = tpu.memref_squeeze %dma_wait3A_404 : memref<1x200x64xf32, #tpu.memory_space<vmem>> -> memref<200x64xf32, #tpu.memory_space<vmem>>
    %dma_wait3A_406 = arith.constant 800 : i32
    %dma_wait3A_407 = tpu.memref_slice %arg9[%dma_wait3A_406] : memref<6400xi32, #tpu.memory_space<vmem>> -> memref<200xi32, #tpu.memory_space<vmem>>
    %dma_wait3A_408 = arith.constant 0 : i32
    %dma_wait3A_409 = arith.constant 0 : i32
    %dma_wait3A_410 = tpu.memref_slice %arg5[%dma_wait3A_408, %dma_wait3A_409] : memref<100000x64xf32, #tpu.memory_space<hbm>> -> memref<100000x64xf32, #tpu.memory_space<hbm>>
    tpu.wait_indirect_dma semaphore(%arg17 : memref<!tpu.dma_semaphore, #tpu.memory_space<semaphore_mem>>) src(%dma_wait3A_410 : memref<100000x64xf32, #tpu.memory_space<hbm>>) dst(%dma_wait3A_405 : memref<200x64xf32, #tpu.memory_space<vmem>>)
    %dma_start3A_411 = arith.constant 4 : i32
    %dma_start3A_412 = arith.constant 0 : i32
    %dma_start3A_413 = arith.constant 0 : i32
    %dma_start3A_414 = tpu.memref_slice %arg12[%dma_start3A_411, %dma_start3A_412, %dma_start3A_413] : memref<8x200x64xf32, #tpu.memory_space<vmem>> -> memref<1x200x64xf32, #tpu.memory_space<vmem>>
    %dma_start3A_415 = tpu.memref_squeeze %dma_start3A_414 : memref<1x200x64xf32, #tpu.memory_space<vmem>> -> memref<200x64xf32, #tpu.memory_space<vmem>>
    %dma_start3A_416 = arith.constant 800 : i32
    %dma_start3A_417 = tpu.memref_slice %arg10[%dma_start3A_416] : memref<6400xi32, #tpu.memory_space<vmem>> -> memref<200xi32, #tpu.memory_space<vmem>>
    %dma_start3A_418 = arith.constant 0 : i32
    %dma_start3A_419 = arith.constant 0 : i32
    %dma_start3A_420 = tpu.memref_slice %arg6[%dma_start3A_418, %dma_start3A_419] : memref<100000x64xf32, #tpu.memory_space<hbm>> -> memref<100000x64xf32, #tpu.memory_space<hbm>>
    tpu.enqueue_indirect_dma source(%dma_start3A_420 : memref<100000x64xf32, #tpu.memory_space<hbm>>) target(%dma_start3A_415 : memref<200x64xf32, #tpu.memory_space<vmem>>) offsets(%dma_start3A_417 : memref<200xi32, #tpu.memory_space<vmem>>) semaphore(%arg25 : memref<!tpu.dma_semaphore, #tpu.memory_space<semaphore_mem>>) {add = true}
    %dma_start3A_421 = arith.constant 4 : i32
    %dma_start3A_422 = arith.constant 0 : i32
    %dma_start3A_423 = arith.constant 0 : i32
    %dma_start3A_424 = tpu.memref_slice %arg12[%dma_start3A_421, %dma_start3A_422, %dma_start3A_423] : memref<8x200x64xf32, #tpu.memory_space<vmem>> -> memref<1x200x64xf32, #tpu.memory_space<vmem>>
    %dma_start3A_425 = tpu.memref_squeeze %dma_start3A_424 : memref<1x200x64xf32, #tpu.memory_space<vmem>> -> memref<200x64xf32, #tpu.memory_space<vmem>>
    %dma_start3A_426 = arith.constant 800 : i32
    %dma_start3A_427 = tpu.memref_slice %arg11[%dma_start3A_426] : memref<6400xi32, #tpu.memory_space<vmem>> -> memref<200xi32, #tpu.memory_space<vmem>>
    %dma_start3A_428 = arith.constant 0 : i32
    %dma_start3A_429 = arith.constant 0 : i32
    %dma_start3A_430 = tpu.memref_slice %arg7[%dma_start3A_428, %dma_start3A_429] : memref<100000x64xf32, #tpu.memory_space<hbm>> -> memref<100000x64xf32, #tpu.memory_space<hbm>>
    tpu.enqueue_indirect_dma source(%dma_start3A_430 : memref<100000x64xf32, #tpu.memory_space<hbm>>) target(%dma_start3A_425 : memref<200x64xf32, #tpu.memory_space<vmem>>) offsets(%dma_start3A_427 : memref<200xi32, #tpu.memory_space<vmem>>) semaphore(%arg25 : memref<!tpu.dma_semaphore, #tpu.memory_space<semaphore_mem>>) {add = true}
    %dma_wait3A_431 = arith.constant 2 : i32
    %dma_wait3A_432 = arith.constant 0 : i32
    %dma_wait3A_433 = arith.constant 0 : i32
    %dma_wait3A_434 = tpu.memref_slice %arg12[%dma_wait3A_431, %dma_wait3A_432, %dma_wait3A_433] : memref<8x200x64xf32, #tpu.memory_space<vmem>> -> memref<1x200x64xf32, #tpu.memory_space<vmem>>
    %dma_wait3A_435 = tpu.memref_squeeze %dma_wait3A_434 : memref<1x200x64xf32, #tpu.memory_space<vmem>> -> memref<200x64xf32, #tpu.memory_space<vmem>>
    %dma_wait3A_436 = arith.constant 400 : i32
    %dma_wait3A_437 = tpu.memref_slice %arg10[%dma_wait3A_436] : memref<6400xi32, #tpu.memory_space<vmem>> -> memref<200xi32, #tpu.memory_space<vmem>>
    %dma_wait3A_438 = arith.constant 0 : i32
    %dma_wait3A_439 = arith.constant 0 : i32
    %dma_wait3A_440 = tpu.memref_slice %arg6[%dma_wait3A_438, %dma_wait3A_439] : memref<100000x64xf32, #tpu.memory_space<hbm>> -> memref<100000x64xf32, #tpu.memory_space<hbm>>
    tpu.wait_indirect_dma semaphore(%arg23 : memref<!tpu.dma_semaphore, #tpu.memory_space<semaphore_mem>>) src(%dma_wait3A_440 : memref<100000x64xf32, #tpu.memory_space<hbm>>) dst(%dma_wait3A_435 : memref<200x64xf32, #tpu.memory_space<vmem>>)
    %dma_wait3A_441 = arith.constant 2 : i32
    %dma_wait3A_442 = arith.constant 0 : i32
    %dma_wait3A_443 = arith.constant 0 : i32
    %dma_wait3A_444 = tpu.memref_slice %arg12[%dma_wait3A_441, %dma_wait3A_442, %dma_wait3A_443] : memref<8x200x64xf32, #tpu.memory_space<vmem>> -> memref<1x200x64xf32, #tpu.memory_space<vmem>>
    %dma_wait3A_445 = tpu.memref_squeeze %dma_wait3A_444 : memref<1x200x64xf32, #tpu.memory_space<vmem>> -> memref<200x64xf32, #tpu.memory_space<vmem>>
    %dma_wait3A_446 = arith.constant 400 : i32
    %dma_wait3A_447 = tpu.memref_slice %arg11[%dma_wait3A_446] : memref<6400xi32, #tpu.memory_space<vmem>> -> memref<200xi32, #tpu.memory_space<vmem>>
    %dma_wait3A_448 = arith.constant 0 : i32
    %dma_wait3A_449 = arith.constant 0 : i32
    %dma_wait3A_450 = tpu.memref_slice %arg7[%dma_wait3A_448, %dma_wait3A_449] : memref<100000x64xf32, #tpu.memory_space<hbm>> -> memref<100000x64xf32, #tpu.memory_space<hbm>>
    tpu.wait_indirect_dma semaphore(%arg23 : memref<!tpu.dma_semaphore, #tpu.memory_space<semaphore_mem>>) src(%dma_wait3A_450 : memref<100000x64xf32, #tpu.memory_space<hbm>>) dst(%dma_wait3A_445 : memref<200x64xf32, #tpu.memory_space<vmem>>)
    %mul3A_451 = arith.constant 128 : i32
    %mul3A_452 = arith.muli %add3A, %mul3A_451 : i32
    %add3A_453 = arith.constant 8 : i32
    %add3A_454 = arith.addi %mul3A_452, %add3A_453 : i32
    %add3A_455 = arith.constant 0 : i32
    %add3A_456 = arith.addi %add3A_454, %add3A_455 : i32
    %dma_start3A_457 = arith.constant 2 : i32
    %dma_start3A_458 = arith.constant 0 : i32
    %dma_start3A_459 = arith.constant 0 : i32
    %dma_start3A_460 = tpu.memref_slice %arg12[%dma_start3A_457, %dma_start3A_458, %dma_start3A_459] : memref<8x200x64xf32, #tpu.memory_space<vmem>> -> memref<1x50x64xf32, #tpu.memory_space<vmem>>
    %dma_start3A_461 = tpu.memref_squeeze %dma_start3A_460 : memref<1x50x64xf32, #tpu.memory_space<vmem>> -> memref<50x64xf32, #tpu.memory_space<vmem>>
    %dma_start3A_462 = arith.constant 0 : i32
    %dma_start3A_463 = arith.constant 0 : i32
    %dma_start3A_464 = tpu.memref_slice %arg8[%add3A_456, %dma_start3A_462, %dma_start3A_463] : memref<4096x56x128xf32, #tpu.memory_space<hbm>> -> memref<1x50x64xf32, #tpu.memory_space<hbm>>
    %dma_start3A_465 = tpu.memref_squeeze %dma_start3A_464 : memref<1x50x64xf32, #tpu.memory_space<hbm>> -> memref<50x64xf32, #tpu.memory_space<hbm>>
    %dma_start3A_466 = arith.constant 0 : i32
    %dma_start3A_467 = arith.constant 0 : i32
    %dma_start3A_468 = tpu.memref_slice %arg8[%add3A_456, %dma_start3A_466, %dma_start3A_467] : memref<4096x56x128xf32, #tpu.memory_space<hbm>> -> memref<1x50x64xf32, #tpu.memory_space<hbm>>
    %dma_start3A_469 = tpu.memref_squeeze %dma_start3A_468 : memref<1x50x64xf32, #tpu.memory_space<hbm>> -> memref<50x64xf32, #tpu.memory_space<hbm>>
    %dma_start3A_470 = arith.constant 0 : i32
    %dma_start3A_471 = arith.constant 0 : i32
    %dma_start3A_472 = tpu.memref_slice %arg12[%dma_start3A_457, %dma_start3A_470, %dma_start3A_471] : memref<8x200x64xf32, #tpu.memory_space<vmem>> -> memref<1x50x64xf32, #tpu.memory_space<vmem>>
    %dma_start3A_473 = tpu.memref_squeeze %dma_start3A_472 : memref<1x50x64xf32, #tpu.memory_space<vmem>> -> memref<50x64xf32, #tpu.memory_space<vmem>>
    tpu.enqueue_dma source(%dma_start3A_473 : memref<50x64xf32, #tpu.memory_space<vmem>>) target(%dma_start3A_469 : memref<50x64xf32, #tpu.memory_space<hbm>>) target_semaphore(%arg31 : memref<!tpu.dma_semaphore, #tpu.memory_space<semaphore_mem>>)
    %add3A_474 = arith.constant 1 : i32
    %add3A_475 = arith.addi %add3A_454, %add3A_474 : i32
    %dma_start3A_476 = arith.constant 2 : i32
    %dma_start3A_477 = arith.constant 50 : i32
    %dma_start3A_478 = arith.constant 0 : i32
    %dma_start3A_479 = tpu.memref_slice %arg12[%dma_start3A_476, %dma_start3A_477, %dma_start3A_478] : memref<8x200x64xf32, #tpu.memory_space<vmem>> -> memref<1x50x64xf32, #tpu.memory_space<vmem>>
    %dma_start3A_480 = tpu.memref_squeeze %dma_start3A_479 : memref<1x50x64xf32, #tpu.memory_space<vmem>> -> memref<50x64xf32, #tpu.memory_space<vmem>>
    %dma_start3A_481 = arith.constant 0 : i32
    %dma_start3A_482 = arith.constant 0 : i32
    %dma_start3A_483 = tpu.memref_slice %arg8[%add3A_475, %dma_start3A_481, %dma_start3A_482] : memref<4096x56x128xf32, #tpu.memory_space<hbm>> -> memref<1x50x64xf32, #tpu.memory_space<hbm>>
    %dma_start3A_484 = tpu.memref_squeeze %dma_start3A_483 : memref<1x50x64xf32, #tpu.memory_space<hbm>> -> memref<50x64xf32, #tpu.memory_space<hbm>>
    %dma_start3A_485 = arith.constant 0 : i32
    %dma_start3A_486 = arith.constant 0 : i32
    %dma_start3A_487 = tpu.memref_slice %arg8[%add3A_475, %dma_start3A_485, %dma_start3A_486] : memref<4096x56x128xf32, #tpu.memory_space<hbm>> -> memref<1x50x64xf32, #tpu.memory_space<hbm>>
    %dma_start3A_488 = tpu.memref_squeeze %dma_start3A_487 : memref<1x50x64xf32, #tpu.memory_space<hbm>> -> memref<50x64xf32, #tpu.memory_space<hbm>>
    %dma_start3A_489 = arith.constant 50 : i32
    %dma_start3A_490 = arith.constant 0 : i32
    %dma_start3A_491 = tpu.memref_slice %arg12[%dma_start3A_476, %dma_start3A_489, %dma_start3A_490] : memref<8x200x64xf32, #tpu.memory_space<vmem>> -> memref<1x50x64xf32, #tpu.memory_space<vmem>>
    %dma_start3A_492 = tpu.memref_squeeze %dma_start3A_491 : memref<1x50x64xf32, #tpu.memory_space<vmem>> -> memref<50x64xf32, #tpu.memory_space<vmem>>
    tpu.enqueue_dma source(%dma_start3A_492 : memref<50x64xf32, #tpu.memory_space<vmem>>) target(%dma_start3A_488 : memref<50x64xf32, #tpu.memory_space<hbm>>) target_semaphore(%arg31 : memref<!tpu.dma_semaphore, #tpu.memory_space<semaphore_mem>>)
    %add3A_493 = arith.constant 2 : i32
    %add3A_494 = arith.addi %add3A_454, %add3A_493 : i32
    %dma_start3A_495 = arith.constant 2 : i32
    %dma_start3A_496 = arith.constant 100 : i32
    %dma_start3A_497 = arith.constant 0 : i32
    %dma_start3A_498 = tpu.memref_slice %arg12[%dma_start3A_495, %dma_start3A_496, %dma_start3A_497] : memref<8x200x64xf32, #tpu.memory_space<vmem>> -> memref<1x50x64xf32, #tpu.memory_space<vmem>>
    %dma_start3A_499 = tpu.memref_squeeze %dma_start3A_498 : memref<1x50x64xf32, #tpu.memory_space<vmem>> -> memref<50x64xf32, #tpu.memory_space<vmem>>
    %dma_start3A_500 = arith.constant 0 : i32
    %dma_start3A_501 = arith.constant 0 : i32
    %dma_start3A_502 = tpu.memref_slice %arg8[%add3A_494, %dma_start3A_500, %dma_start3A_501] : memref<4096x56x128xf32, #tpu.memory_space<hbm>> -> memref<1x50x64xf32, #tpu.memory_space<hbm>>
    %dma_start3A_503 = tpu.memref_squeeze %dma_start3A_502 : memref<1x50x64xf32, #tpu.memory_space<hbm>> -> memref<50x64xf32, #tpu.memory_space<hbm>>
    %dma_start3A_504 = arith.constant 0 : i32
    %dma_start3A_505 = arith.constant 0 : i32
    %dma_start3A_506 = tpu.memref_slice %arg8[%add3A_494, %dma_start3A_504, %dma_start3A_505] : memref<4096x56x128xf32, #tpu.memory_space<hbm>> -> memref<1x50x64xf32, #tpu.memory_space<hbm>>
    %dma_start3A_507 = tpu.memref_squeeze %dma_start3A_506 : memref<1x50x64xf32, #tpu.memory_space<hbm>> -> memref<50x64xf32, #tpu.memory_space<hbm>>
    %dma_start3A_508 = arith.constant 100 : i32
    %dma_start3A_509 = arith.constant 0 : i32
    %dma_start3A_510 = tpu.memref_slice %arg12[%dma_start3A_495, %dma_start3A_508, %dma_start3A_509] : memref<8x200x64xf32, #tpu.memory_space<vmem>> -> memref<1x50x64xf32, #tpu.memory_space<vmem>>
    %dma_start3A_511 = tpu.memref_squeeze %dma_start3A_510 : memref<1x50x64xf32, #tpu.memory_space<vmem>> -> memref<50x64xf32, #tpu.memory_space<vmem>>
    tpu.enqueue_dma source(%dma_start3A_511 : memref<50x64xf32, #tpu.memory_space<vmem>>) target(%dma_start3A_507 : memref<50x64xf32, #tpu.memory_space<hbm>>) target_semaphore(%arg31 : memref<!tpu.dma_semaphore, #tpu.memory_space<semaphore_mem>>)
    %add3A_512 = arith.constant 3 : i32
    %add3A_513 = arith.addi %add3A_454, %add3A_512 : i32
    %dma_start3A_514 = arith.constant 2 : i32
    %dma_start3A_515 = arith.constant 150 : i32
    %dma_start3A_516 = arith.constant 0 : i32
    %dma_start3A_517 = tpu.memref_slice %arg12[%dma_start3A_514, %dma_start3A_515, %dma_start3A_516] : memref<8x200x64xf32, #tpu.memory_space<vmem>> -> memref<1x50x64xf32, #tpu.memory_space<vmem>>
    %dma_start3A_518 = tpu.memref_squeeze %dma_start3A_517 : memref<1x50x64xf32, #tpu.memory_space<vmem>> -> memref<50x64xf32, #tpu.memory_space<vmem>>
    %dma_start3A_519 = arith.constant 0 : i32
    %dma_start3A_520 = arith.constant 0 : i32
    %dma_start3A_521 = tpu.memref_slice %arg8[%add3A_513, %dma_start3A_519, %dma_start3A_520] : memref<4096x56x128xf32, #tpu.memory_space<hbm>> -> memref<1x50x64xf32, #tpu.memory_space<hbm>>
    %dma_start3A_522 = tpu.memref_squeeze %dma_start3A_521 : memref<1x50x64xf32, #tpu.memory_space<hbm>> -> memref<50x64xf32, #tpu.memory_space<hbm>>
    %dma_start3A_523 = arith.constant 0 : i32
    %dma_start3A_524 = arith.constant 0 : i32
    %dma_start3A_525 = tpu.memref_slice %arg8[%add3A_513, %dma_start3A_523, %dma_start3A_524] : memref<4096x56x128xf32, #tpu.memory_space<hbm>> -> memref<1x50x64xf32, #tpu.memory_space<hbm>>
    %dma_start3A_526 = tpu.memref_squeeze %dma_start3A_525 : memref<1x50x64xf32, #tpu.memory_space<hbm>> -> memref<50x64xf32, #tpu.memory_space<hbm>>
    %dma_start3A_527 = arith.constant 150 : i32
    %dma_start3A_528 = arith.constant 0 : i32
    %dma_start3A_529 = tpu.memref_slice %arg12[%dma_start3A_514, %dma_start3A_527, %dma_start3A_528] : memref<8x200x64xf32, #tpu.memory_space<vmem>> -> memref<1x50x64xf32, #tpu.memory_space<vmem>>
    %dma_start3A_530 = tpu.memref_squeeze %dma_start3A_529 : memref<1x50x64xf32, #tpu.memory_space<vmem>> -> memref<50x64xf32, #tpu.memory_space<vmem>>
    tpu.enqueue_dma source(%dma_start3A_530 : memref<50x64xf32, #tpu.memory_space<vmem>>) target(%dma_start3A_526 : memref<50x64xf32, #tpu.memory_space<hbm>>) target_semaphore(%arg31 : memref<!tpu.dma_semaphore, #tpu.memory_space<semaphore_mem>>)
    %mul3A_531 = arith.constant 128 : i32
    %mul3A_532 = arith.muli %add3A, %mul3A_531 : i32
    %add3A_533 = arith.constant 0 : i32
    %add3A_534 = arith.addi %mul3A_532, %add3A_533 : i32
    %add3A_535 = arith.constant 0 : i32
    %add3A_536 = arith.addi %add3A_534, %add3A_535 : i32
    %dma_wait3A_537 = arith.constant 0 : i32
    %dma_wait3A_538 = arith.constant 0 : i32
    %dma_wait3A_539 = arith.constant 0 : i32
    %dma_wait3A_540 = tpu.memref_slice %arg12[%dma_wait3A_537, %dma_wait3A_538, %dma_wait3A_539] : memref<8x200x64xf32, #tpu.memory_space<vmem>> -> memref<1x50x64xf32, #tpu.memory_space<vmem>>
    %dma_wait3A_541 = tpu.memref_squeeze %dma_wait3A_540 : memref<1x50x64xf32, #tpu.memory_space<vmem>> -> memref<50x64xf32, #tpu.memory_space<vmem>>
    %dma_wait3A_542 = arith.constant 0 : i32
    %dma_wait3A_543 = arith.constant 0 : i32
    %dma_wait3A_544 = tpu.memref_slice %arg8[%add3A_536, %dma_wait3A_542, %dma_wait3A_543] : memref<4096x56x128xf32, #tpu.memory_space<hbm>> -> memref<1x50x64xf32, #tpu.memory_space<hbm>>
    %dma_wait3A_545 = tpu.memref_squeeze %dma_wait3A_544 : memref<1x50x64xf32, #tpu.memory_space<hbm>> -> memref<50x64xf32, #tpu.memory_space<hbm>>
    %dma_wait3A_546 = arith.constant 0 : i32
    %dma_wait3A_547 = arith.constant 0 : i32
    %dma_wait3A_548 = tpu.memref_slice %arg8[%add3A_536, %dma_wait3A_546, %dma_wait3A_547] : memref<4096x56x128xf32, #tpu.memory_space<hbm>> -> memref<1x50x64xf32, #tpu.memory_space<hbm>>
    %dma_wait3A_549 = tpu.memref_squeeze %dma_wait3A_548 : memref<1x50x64xf32, #tpu.memory_space<hbm>> -> memref<50x64xf32, #tpu.memory_space<hbm>>
    %dma_wait3A_550 = arith.constant 0 : i32
    %dma_wait3A_551 = arith.constant 0 : i32
    %dma_wait3A_552 = tpu.memref_slice %arg12[%dma_wait3A_537, %dma_wait3A_550, %dma_wait3A_551] : memref<8x200x64xf32, #tpu.memory_space<vmem>> -> memref<1x50x64xf32, #tpu.memory_space<vmem>>
    %dma_wait3A_553 = tpu.memref_squeeze %dma_wait3A_552 : memref<1x50x64xf32, #tpu.memory_space<vmem>> -> memref<50x64xf32, #tpu.memory_space<vmem>>
    tpu.wait_dma2 semaphore(%arg29 : memref<!tpu.dma_semaphore, #tpu.memory_space<semaphore_mem>>) src(%dma_wait3A_553 : memref<50x64xf32, #tpu.memory_space<vmem>>) dst(%dma_wait3A_549 : memref<50x64xf32, #tpu.memory_space<hbm>>)
    %add3A_554 = arith.constant 1 : i32
    %add3A_555 = arith.addi %add3A_534, %add3A_554 : i32
    %dma_wait3A_556 = arith.constant 0 : i32
    %dma_wait3A_557 = arith.constant 50 : i32
    %dma_wait3A_558 = arith.constant 0 : i32
    %dma_wait3A_559 = tpu.memref_slice %arg12[%dma_wait3A_556, %dma_wait3A_557, %dma_wait3A_558] : memref<8x200x64xf32, #tpu.memory_space<vmem>> -> memref<1x50x64xf32, #tpu.memory_space<vmem>>
    %dma_wait3A_560 = tpu.memref_squeeze %dma_wait3A_559 : memref<1x50x64xf32, #tpu.memory_space<vmem>> -> memref<50x64xf32, #tpu.memory_space<vmem>>
    %dma_wait3A_561 = arith.constant 0 : i32
    %dma_wait3A_562 = arith.constant 0 : i32
    %dma_wait3A_563 = tpu.memref_slice %arg8[%add3A_555, %dma_wait3A_561, %dma_wait3A_562] : memref<4096x56x128xf32, #tpu.memory_space<hbm>> -> memref<1x50x64xf32, #tpu.memory_space<hbm>>
    %dma_wait3A_564 = tpu.memref_squeeze %dma_wait3A_563 : memref<1x50x64xf32, #tpu.memory_space<hbm>> -> memref<50x64xf32, #tpu.memory_space<hbm>>
    %dma_wait3A_565 = arith.constant 0 : i32
    %dma_wait3A_566 = arith.constant 0 : i32
    %dma_wait3A_567 = tpu.memref_slice %arg8[%add3A_555, %dma_wait3A_565, %dma_wait3A_566] : memref<4096x56x128xf32, #tpu.memory_space<hbm>> -> memref<1x50x64xf32, #tpu.memory_space<hbm>>
    %dma_wait3A_568 = tpu.memref_squeeze %dma_wait3A_567 : memref<1x50x64xf32, #tpu.memory_space<hbm>> -> memref<50x64xf32, #tpu.memory_space<hbm>>
    %dma_wait3A_569 = arith.constant 50 : i32
    %dma_wait3A_570 = arith.constant 0 : i32
    %dma_wait3A_571 = tpu.memref_slice %arg12[%dma_wait3A_556, %dma_wait3A_569, %dma_wait3A_570] : memref<8x200x64xf32, #tpu.memory_space<vmem>> -> memref<1x50x64xf32, #tpu.memory_space<vmem>>
    %dma_wait3A_572 = tpu.memref_squeeze %dma_wait3A_571 : memref<1x50x64xf32, #tpu.memory_space<vmem>> -> memref<50x64xf32, #tpu.memory_space<vmem>>
    tpu.wait_dma2 semaphore(%arg29 : memref<!tpu.dma_semaphore, #tpu.memory_space<semaphore_mem>>) src(%dma_wait3A_572 : memref<50x64xf32, #tpu.memory_space<vmem>>) dst(%dma_wait3A_568 : memref<50x64xf32, #tpu.memory_space<hbm>>)
    %add3A_573 = arith.constant 2 : i32
    %add3A_574 = arith.addi %add3A_534, %add3A_573 : i32
    %dma_wait3A_575 = arith.constant 0 : i32
    %dma_wait3A_576 = arith.constant 100 : i32
    %dma_wait3A_577 = arith.constant 0 : i32
    %dma_wait3A_578 = tpu.memref_slice %arg12[%dma_wait3A_575, %dma_wait3A_576, %dma_wait3A_577] : memref<8x200x64xf32, #tpu.memory_space<vmem>> -> memref<1x50x64xf32, #tpu.memory_space<vmem>>
    %dma_wait3A_579 = tpu.memref_squeeze %dma_wait3A_578 : memref<1x50x64xf32, #tpu.memory_space<vmem>> -> memref<50x64xf32, #tpu.memory_space<vmem>>
    %dma_wait3A_580 = arith.constant 0 : i32
    %dma_wait3A_581 = arith.constant 0 : i32
    %dma_wait3A_582 = tpu.memref_slice %arg8[%add3A_574, %dma_wait3A_580, %dma_wait3A_581] : memref<4096x56x128xf32, #tpu.memory_space<hbm>> -> memref<1x50x64xf32, #tpu.memory_space<hbm>>
    %dma_wait3A_583 = tpu.memref_squeeze %dma_wait3A_582 : memref<1x50x64xf32, #tpu.memory_space<hbm>> -> memref<50x64xf32, #tpu.memory_space<hbm>>
    %dma_wait3A_584 = arith.constant 0 : i32
    %dma_wait3A_585 = arith.constant 0 : i32
    %dma_wait3A_586 = tpu.memref_slice %arg8[%add3A_574, %dma_wait3A_584, %dma_wait3A_585] : memref<4096x56x128xf32, #tpu.memory_space<hbm>> -> memref<1x50x64xf32, #tpu.memory_space<hbm>>
    %dma_wait3A_587 = tpu.memref_squeeze %dma_wait3A_586 : memref<1x50x64xf32, #tpu.memory_space<hbm>> -> memref<50x64xf32, #tpu.memory_space<hbm>>
    %dma_wait3A_588 = arith.constant 100 : i32
    %dma_wait3A_589 = arith.constant 0 : i32
    %dma_wait3A_590 = tpu.memref_slice %arg12[%dma_wait3A_575, %dma_wait3A_588, %dma_wait3A_589] : memref<8x200x64xf32, #tpu.memory_space<vmem>> -> memref<1x50x64xf32, #tpu.memory_space<vmem>>
    %dma_wait3A_591 = tpu.memref_squeeze %dma_wait3A_590 : memref<1x50x64xf32, #tpu.memory_space<vmem>> -> memref<50x64xf32, #tpu.memory_space<vmem>>
    tpu.wait_dma2 semaphore(%arg29 : memref<!tpu.dma_semaphore, #tpu.memory_space<semaphore_mem>>) src(%dma_wait3A_591 : memref<50x64xf32, #tpu.memory_space<vmem>>) dst(%dma_wait3A_587 : memref<50x64xf32, #tpu.memory_space<hbm>>)
    %add3A_592 = arith.constant 3 : i32
    %add3A_593 = arith.addi %add3A_534, %add3A_592 : i32
    %dma_wait3A_594 = arith.constant 0 : i32
    %dma_wait3A_595 = arith.constant 150 : i32
    %dma_wait3A_596 = arith.constant 0 : i32
    %dma_wait3A_597 = tpu.memref_slice %arg12[%dma_wait3A_594, %dma_wait3A_595, %dma_wait3A_596] : memref<8x200x64xf32, #tpu.memory_space<vmem>> -> memref<1x50x64xf32, #tpu.memory_space<vmem>>
    %dma_wait3A_598 = tpu.memref_squeeze %dma_wait3A_597 : memref<1x50x64xf32, #tpu.memory_space<vmem>> -> memref<50x64xf32, #tpu.memory_space<vmem>>
    %dma_wait3A_599 = arith.constant 0 : i32
    %dma_wait3A_600 = arith.constant 0 : i32
    %dma_wait3A_601 = tpu.memref_slice %arg8[%add3A_593, %dma_wait3A_599, %dma_wait3A_600] : memref<4096x56x128xf32, #tpu.memory_space<hbm>> -> memref<1x50x64xf32, #tpu.memory_space<hbm>>
    %dma_wait3A_602 = tpu.memref_squeeze %dma_wait3A_601 : memref<1x50x64xf32, #tpu.memory_space<hbm>> -> memref<50x64xf32, #tpu.memory_space<hbm>>
    %dma_wait3A_603 = arith.constant 0 : i32
    %dma_wait3A_604 = arith.constant 0 : i32
    %dma_wait3A_605 = tpu.memref_slice %arg8[%add3A_593, %dma_wait3A_603, %dma_wait3A_604] : memref<4096x56x128xf32, #tpu.memory_space<hbm>> -> memref<1x50x64xf32, #tpu.memory_space<hbm>>
    %dma_wait3A_606 = tpu.memref_squeeze %dma_wait3A_605 : memref<1x50x64xf32, #tpu.memory_space<hbm>> -> memref<50x64xf32, #tpu.memory_space<hbm>>
    %dma_wait3A_607 = arith.constant 150 : i32
    %dma_wait3A_608 = arith.constant 0 : i32
    %dma_wait3A_609 = tpu.memref_slice %arg12[%dma_wait3A_594, %dma_wait3A_607, %dma_wait3A_608] : memref<8x200x64xf32, #tpu.memory_space<vmem>> -> memref<1x50x64xf32, #tpu.memory_space<vmem>>
    %dma_wait3A_610 = tpu.memref_squeeze %dma_wait3A_609 : memref<1x50x64xf32, #tpu.memory_space<vmem>> -> memref<50x64xf32, #tpu.memory_space<vmem>>
    tpu.wait_dma2 semaphore(%arg29 : memref<!tpu.dma_semaphore, #tpu.memory_space<semaphore_mem>>) src(%dma_wait3A_610 : memref<50x64xf32, #tpu.memory_space<vmem>>) dst(%dma_wait3A_606 : memref<50x64xf32, #tpu.memory_space<hbm>>)
    %scan3A = arith.constant 0 : i32
    %scan3A_611 = arith.constant 1 : i32
    %scan3A_612 = arith.constant 3 : i32
    %scan3A_613 = arith.addi %scan3A_611, %scan3A_612 : i32
    %scan3A_614 = arith.constant 1 : i32
    scf.for %scan3A_1766 = %scan3A_611 to %scan3A_613 step %scan3A_614  : i32 {
      %mul3A_1767 = arith.constant 8 : i32
      %mul3A_1768 = arith.muli %mul3A_1767, %scan3A_1766 : i32
      %add3A_1769 = arith.constant 0 : i32
      %add3A_1770 = arith.addi %mul3A_1768, %add3A_1769 : i32
      %sub3A = arith.constant 7 : i32
      %sub3A_1771 = arith.subi %add3A_1770, %sub3A : i32
      %mul3A_1772 = arith.constant 128 : i32
      %mul3A_1773 = arith.muli %add3A, %mul3A_1772 : i32
      %mul3A_1774 = arith.constant 4 : i32
      %mul3A_1775 = arith.muli %sub3A_1771, %mul3A_1774 : i32
      %add3A_1776 = arith.addi %mul3A_1773, %mul3A_1775 : i32
      %add3A_1777 = arith.constant 0 : i32
      %add3A_1778 = arith.addi %add3A_1776, %add3A_1777 : i32
      %dma_wait3A_1779 = arith.constant 1 : i32
      %dma_wait3A_1780 = arith.constant 0 : i32
      %dma_wait3A_1781 = arith.constant 0 : i32
      %dma_wait3A_1782 = tpu.memref_slice %arg12[%dma_wait3A_1779, %dma_wait3A_1780, %dma_wait3A_1781] : memref<8x200x64xf32, #tpu.memory_space<vmem>> -> memref<1x50x64xf32, #tpu.memory_space<vmem>>
      %dma_wait3A_1783 = tpu.memref_squeeze %dma_wait3A_1782 : memref<1x50x64xf32, #tpu.memory_space<vmem>> -> memref<50x64xf32, #tpu.memory_space<vmem>>
      %dma_wait3A_1784 = arith.constant 0 : i32
      %dma_wait3A_1785 = arith.constant 0 : i32
      %dma_wait3A_1786 = tpu.memref_slice %arg8[%add3A_1778, %dma_wait3A_1784, %dma_wait3A_1785] : memref<4096x56x128xf32, #tpu.memory_space<hbm>> -> memref<1x50x64xf32, #tpu.memory_space<hbm>>
      %dma_wait3A_1787 = tpu.memref_squeeze %dma_wait3A_1786 : memref<1x50x64xf32, #tpu.memory_space<hbm>> -> memref<50x64xf32, #tpu.memory_space<hbm>>
      %dma_wait3A_1788 = arith.constant 0 : i32
      %dma_wait3A_1789 = arith.constant 0 : i32
      %dma_wait3A_1790 = tpu.memref_slice %arg8[%add3A_1778, %dma_wait3A_1788, %dma_wait3A_1789] : memref<4096x56x128xf32, #tpu.memory_space<hbm>> -> memref<1x50x64xf32, #tpu.memory_space<hbm>>
      %dma_wait3A_1791 = tpu.memref_squeeze %dma_wait3A_1790 : memref<1x50x64xf32, #tpu.memory_space<hbm>> -> memref<50x64xf32, #tpu.memory_space<hbm>>
      %dma_wait3A_1792 = arith.constant 0 : i32
      %dma_wait3A_1793 = arith.constant 0 : i32
      %dma_wait3A_1794 = tpu.memref_slice %arg12[%dma_wait3A_1779, %dma_wait3A_1792, %dma_wait3A_1793] : memref<8x200x64xf32, #tpu.memory_space<vmem>> -> memref<1x50x64xf32, #tpu.memory_space<vmem>>
      %dma_wait3A_1795 = tpu.memref_squeeze %dma_wait3A_1794 : memref<1x50x64xf32, #tpu.memory_space<vmem>> -> memref<50x64xf32, #tpu.memory_space<vmem>>
      tpu.wait_dma2 semaphore(%arg30 : memref<!tpu.dma_semaphore, #tpu.memory_space<semaphore_mem>>) src(%dma_wait3A_1795 : memref<50x64xf32, #tpu.memory_space<vmem>>) dst(%dma_wait3A_1791 : memref<50x64xf32, #tpu.memory_space<hbm>>)
      %add3A_1796 = arith.constant 1 : i32
      %add3A_1797 = arith.addi %add3A_1776, %add3A_1796 : i32
      %dma_wait3A_1798 = arith.constant 1 : i32
      %dma_wait3A_1799 = arith.constant 50 : i32
      %dma_wait3A_1800 = arith.constant 0 : i32
      %dma_wait3A_1801 = tpu.memref_slice %arg12[%dma_wait3A_1798, %dma_wait3A_1799, %dma_wait3A_1800] : memref<8x200x64xf32, #tpu.memory_space<vmem>> -> memref<1x50x64xf32, #tpu.memory_space<vmem>>
      %dma_wait3A_1802 = tpu.memref_squeeze %dma_wait3A_1801 : memref<1x50x64xf32, #tpu.memory_space<vmem>> -> memref<50x64xf32, #tpu.memory_space<vmem>>
      %dma_wait3A_1803 = arith.constant 0 : i32
      %dma_wait3A_1804 = arith.constant 0 : i32
      %dma_wait3A_1805 = tpu.memref_slice %arg8[%add3A_1797, %dma_wait3A_1803, %dma_wait3A_1804] : memref<4096x56x128xf32, #tpu.memory_space<hbm>> -> memref<1x50x64xf32, #tpu.memory_space<hbm>>
      %dma_wait3A_1806 = tpu.memref_squeeze %dma_wait3A_1805 : memref<1x50x64xf32, #tpu.memory_space<hbm>> -> memref<50x64xf32, #tpu.memory_space<hbm>>
      %dma_wait3A_1807 = arith.constant 0 : i32
      %dma_wait3A_1808 = arith.constant 0 : i32
      %dma_wait3A_1809 = tpu.memref_slice %arg8[%add3A_1797, %dma_wait3A_1807, %dma_wait3A_1808] : memref<4096x56x128xf32, #tpu.memory_space<hbm>> -> memref<1x50x64xf32, #tpu.memory_space<hbm>>
      %dma_wait3A_1810 = tpu.memref_squeeze %dma_wait3A_1809 : memref<1x50x64xf32, #tpu.memory_space<hbm>> -> memref<50x64xf32, #tpu.memory_space<hbm>>
      %dma_wait3A_1811 = arith.constant 50 : i32
      %dma_wait3A_1812 = arith.constant 0 : i32
      %dma_wait3A_1813 = tpu.memref_slice %arg12[%dma_wait3A_1798, %dma_wait3A_1811, %dma_wait3A_1812] : memref<8x200x64xf32, #tpu.memory_space<vmem>> -> memref<1x50x64xf32, #tpu.memory_space<vmem>>
      %dma_wait3A_1814 = tpu.memref_squeeze %dma_wait3A_1813 : memref<1x50x64xf32, #tpu.memory_space<vmem>> -> memref<50x64xf32, #tpu.memory_space<vmem>>
      tpu.wait_dma2 semaphore(%arg30 : memref<!tpu.dma_semaphore, #tpu.memory_space<semaphore_mem>>) src(%dma_wait3A_1814 : memref<50x64xf32, #tpu.memory_space<vmem>>) dst(%dma_wait3A_1810 : memref<50x64xf32, #tpu.memory_space<hbm>>)
      %add3A_1815 = arith.constant 2 : i32
      %add3A_1816 = arith.addi %add3A_1776, %add3A_1815 : i32
      %dma_wait3A_1817 = arith.constant 1 : i32
      %dma_wait3A_1818 = arith.constant 100 : i32
      %dma_wait3A_1819 = arith.constant 0 : i32
      %dma_wait3A_1820 = tpu.memref_slice %arg12[%dma_wait3A_1817, %dma_wait3A_1818, %dma_wait3A_1819] : memref<8x200x64xf32, #tpu.memory_space<vmem>> -> memref<1x50x64xf32, #tpu.memory_space<vmem>>
      %dma_wait3A_1821 = tpu.memref_squeeze %dma_wait3A_1820 : memref<1x50x64xf32, #tpu.memory_space<vmem>> -> memref<50x64xf32, #tpu.memory_space<vmem>>
      %dma_wait3A_1822 = arith.constant 0 : i32
      %dma_wait3A_1823 = arith.constant 0 : i32
      %dma_wait3A_1824 = tpu.memref_slice %arg8[%add3A_1816, %dma_wait3A_1822, %dma_wait3A_1823] : memref<4096x56x128xf32, #tpu.memory_space<hbm>> -> memref<1x50x64xf32, #tpu.memory_space<hbm>>
      %dma_wait3A_1825 = tpu.memref_squeeze %dma_wait3A_1824 : memref<1x50x64xf32, #tpu.memory_space<hbm>> -> memref<50x64xf32, #tpu.memory_space<hbm>>
      %dma_wait3A_1826 = arith.constant 0 : i32
      %dma_wait3A_1827 = arith.constant 0 : i32
      %dma_wait3A_1828 = tpu.memref_slice %arg8[%add3A_1816, %dma_wait3A_1826, %dma_wait3A_1827] : memref<4096x56x128xf32, #tpu.memory_space<hbm>> -> memref<1x50x64xf32, #tpu.memory_space<hbm>>
      %dma_wait3A_1829 = tpu.memref_squeeze %dma_wait3A_1828 : memref<1x50x64xf32, #tpu.memory_space<hbm>> -> memref<50x64xf32, #tpu.memory_space<hbm>>
      %dma_wait3A_1830 = arith.constant 100 : i32
      %dma_wait3A_1831 = arith.constant 0 : i32
      %dma_wait3A_1832 = tpu.memref_slice %arg12[%dma_wait3A_1817, %dma_wait3A_1830, %dma_wait3A_1831] : memref<8x200x64xf32, #tpu.memory_space<vmem>> -> memref<1x50x64xf32, #tpu.memory_space<vmem>>
      %dma_wait3A_1833 = tpu.memref_squeeze %dma_wait3A_1832 : memref<1x50x64xf32, #tpu.memory_space<vmem>> -> memref<50x64xf32, #tpu.memory_space<vmem>>
      tpu.wait_dma2 semaphore(%arg30 : memref<!tpu.dma_semaphore, #tpu.memory_space<semaphore_mem>>) src(%dma_wait3A_1833 : memref<50x64xf32, #tpu.memory_space<vmem>>) dst(%dma_wait3A_1829 : memref<50x64xf32, #tpu.memory_space<hbm>>)
      %add3A_1834 = arith.constant 3 : i32
      %add3A_1835 = arith.addi %add3A_1776, %add3A_1834 : i32
      %dma_wait3A_1836 = arith.constant 1 : i32
      %dma_wait3A_1837 = arith.constant 150 : i32
      %dma_wait3A_1838 = arith.constant 0 : i32
      %dma_wait3A_1839 = tpu.memref_slice %arg12[%dma_wait3A_1836, %dma_wait3A_1837, %dma_wait3A_1838] : memref<8x200x64xf32, #tpu.memory_space<vmem>> -> memref<1x50x64xf32, #tpu.memory_space<vmem>>
      %dma_wait3A_1840 = tpu.memref_squeeze %dma_wait3A_1839 : memref<1x50x64xf32, #tpu.memory_space<vmem>> -> memref<50x64xf32, #tpu.memory_space<vmem>>
      %dma_wait3A_1841 = arith.constant 0 : i32
      %dma_wait3A_1842 = arith.constant 0 : i32
      %dma_wait3A_1843 = tpu.memref_slice %arg8[%add3A_1835, %dma_wait3A_1841, %dma_wait3A_1842] : memref<4096x56x128xf32, #tpu.memory_space<hbm>> -> memref<1x50x64xf32, #tpu.memory_space<hbm>>
      %dma_wait3A_1844 = tpu.memref_squeeze %dma_wait3A_1843 : memref<1x50x64xf32, #tpu.memory_space<hbm>> -> memref<50x64xf32, #tpu.memory_space<hbm>>
      %dma_wait3A_1845 = arith.constant 0 : i32
      %dma_wait3A_1846 = arith.constant 0 : i32
      %dma_wait3A_1847 = tpu.memref_slice %arg8[%add3A_1835, %dma_wait3A_1845, %dma_wait3A_1846] : memref<4096x56x128xf32, #tpu.memory_space<hbm>> -> memref<1x50x64xf32, #tpu.memory_space<hbm>>
      %dma_wait3A_1848 = tpu.memref_squeeze %dma_wait3A_1847 : memref<1x50x64xf32, #tpu.memory_space<hbm>> -> memref<50x64xf32, #tpu.memory_space<hbm>>
      %dma_wait3A_1849 = arith.constant 150 : i32
      %dma_wait3A_1850 = arith.constant 0 : i32
      %dma_wait3A_1851 = tpu.memref_slice %arg12[%dma_wait3A_1836, %dma_wait3A_1849, %dma_wait3A_1850] : memref<8x200x64xf32, #tpu.memory_space<vmem>> -> memref<1x50x64xf32, #tpu.memory_space<vmem>>
      %dma_wait3A_1852 = tpu.memref_squeeze %dma_wait3A_1851 : memref<1x50x64xf32, #tpu.memory_space<vmem>> -> memref<50x64xf32, #tpu.memory_space<vmem>>
      tpu.wait_dma2 semaphore(%arg30 : memref<!tpu.dma_semaphore, #tpu.memory_space<semaphore_mem>>) src(%dma_wait3A_1852 : memref<50x64xf32, #tpu.memory_space<vmem>>) dst(%dma_wait3A_1848 : memref<50x64xf32, #tpu.memory_space<hbm>>)
      %mul3A_1853 = arith.constant 200 : i32
      %mul3A_1854 = arith.muli %add3A_1770, %mul3A_1853 : i32
      %dma_start3A_1855 = arith.constant 0 : i32
      %dma_start3A_1856 = arith.constant 0 : i32
      %dma_start3A_1857 = arith.constant 0 : i32
      %dma_start3A_1858 = tpu.memref_slice %arg12[%dma_start3A_1855, %dma_start3A_1856, %dma_start3A_1857] : memref<8x200x64xf32, #tpu.memory_space<vmem>> -> memref<1x200x64xf32, #tpu.memory_space<vmem>>
      %dma_start3A_1859 = tpu.memref_squeeze %dma_start3A_1858 : memref<1x200x64xf32, #tpu.memory_space<vmem>> -> memref<200x64xf32, #tpu.memory_space<vmem>>
      %dma_start3A_1860 = tpu.memref_slice %arg9[%mul3A_1854] : memref<6400xi32, #tpu.memory_space<vmem>> -> memref<200xi32, #tpu.memory_space<vmem>>
      %dma_start3A_1861 = arith.constant 0 : i32
      %dma_start3A_1862 = arith.constant 0 : i32
      %dma_start3A_1863 = tpu.memref_slice %arg5[%dma_start3A_1861, %dma_start3A_1862] : memref<100000x64xf32, #tpu.memory_space<hbm>> -> memref<100000x64xf32, #tpu.memory_space<hbm>>
      tpu.enqueue_indirect_dma source(%dma_start3A_1863 : memref<100000x64xf32, #tpu.memory_space<hbm>>) target(%dma_start3A_1859 : memref<200x64xf32, #tpu.memory_space<vmem>>) offsets(%dma_start3A_1860 : memref<200xi32, #tpu.memory_space<vmem>>) semaphore(%arg13 : memref<!tpu.dma_semaphore, #tpu.memory_space<semaphore_mem>>)
      %sub3A_1864 = arith.constant 3 : i32
      %sub3A_1865 = arith.subi %add3A_1770, %sub3A_1864 : i32
      %mul3A_1866 = arith.constant 200 : i32
      %mul3A_1867 = arith.muli %sub3A_1865, %mul3A_1866 : i32
      %dma_wait3A_1868 = arith.constant 5 : i32
      %dma_wait3A_1869 = arith.constant 0 : i32
      %dma_wait3A_1870 = arith.constant 0 : i32
      %dma_wait3A_1871 = tpu.memref_slice %arg12[%dma_wait3A_1868, %dma_wait3A_1869, %dma_wait3A_1870] : memref<8x200x64xf32, #tpu.memory_space<vmem>> -> memref<1x200x64xf32, #tpu.memory_space<vmem>>
      %dma_wait3A_1872 = tpu.memref_squeeze %dma_wait3A_1871 : memref<1x200x64xf32, #tpu.memory_space<vmem>> -> memref<200x64xf32, #tpu.memory_space<vmem>>
      %dma_wait3A_1873 = tpu.memref_slice %arg9[%mul3A_1867] : memref<6400xi32, #tpu.memory_space<vmem>> -> memref<200xi32, #tpu.memory_space<vmem>>
      %dma_wait3A_1874 = arith.constant 0 : i32
      %dma_wait3A_1875 = arith.constant 0 : i32
      %dma_wait3A_1876 = tpu.memref_slice %arg5[%dma_wait3A_1874, %dma_wait3A_1875] : memref<100000x64xf32, #tpu.memory_space<hbm>> -> memref<100000x64xf32, #tpu.memory_space<hbm>>
      tpu.wait_indirect_dma semaphore(%arg18 : memref<!tpu.dma_semaphore, #tpu.memory_space<semaphore_mem>>) src(%dma_wait3A_1876 : memref<100000x64xf32, #tpu.memory_space<hbm>>) dst(%dma_wait3A_1872 : memref<200x64xf32, #tpu.memory_space<vmem>>)
      %dma_start3A_1877 = arith.constant 5 : i32
      %dma_start3A_1878 = arith.constant 0 : i32
      %dma_start3A_1879 = arith.constant 0 : i32
      %dma_start3A_1880 = tpu.memref_slice %arg12[%dma_start3A_1877, %dma_start3A_1878, %dma_start3A_1879] : memref<8x200x64xf32, #tpu.memory_space<vmem>> -> memref<1x200x64xf32, #tpu.memory_space<vmem>>
      %dma_start3A_1881 = tpu.memref_squeeze %dma_start3A_1880 : memref<1x200x64xf32, #tpu.memory_space<vmem>> -> memref<200x64xf32, #tpu.memory_space<vmem>>
      %dma_start3A_1882 = tpu.memref_slice %arg10[%mul3A_1867] : memref<6400xi32, #tpu.memory_space<vmem>> -> memref<200xi32, #tpu.memory_space<vmem>>
      %dma_start3A_1883 = arith.constant 0 : i32
      %dma_start3A_1884 = arith.constant 0 : i32
      %dma_start3A_1885 = tpu.memref_slice %arg6[%dma_start3A_1883, %dma_start3A_1884] : memref<100000x64xf32, #tpu.memory_space<hbm>> -> memref<100000x64xf32, #tpu.memory_space<hbm>>
      tpu.enqueue_indirect_dma source(%dma_start3A_1885 : memref<100000x64xf32, #tpu.memory_space<hbm>>) target(%dma_start3A_1881 : memref<200x64xf32, #tpu.memory_space<vmem>>) offsets(%dma_start3A_1882 : memref<200xi32, #tpu.memory_space<vmem>>) semaphore(%arg26 : memref<!tpu.dma_semaphore, #tpu.memory_space<semaphore_mem>>) {add = true}
      %dma_start3A_1886 = arith.constant 5 : i32
      %dma_start3A_1887 = arith.constant 0 : i32
      %dma_start3A_1888 = arith.constant 0 : i32
      %dma_start3A_1889 = tpu.memref_slice %arg12[%dma_start3A_1886, %dma_start3A_1887, %dma_start3A_1888] : memref<8x200x64xf32, #tpu.memory_space<vmem>> -> memref<1x200x64xf32, #tpu.memory_space<vmem>>
      %dma_start3A_1890 = tpu.memref_squeeze %dma_start3A_1889 : memref<1x200x64xf32, #tpu.memory_space<vmem>> -> memref<200x64xf32, #tpu.memory_space<vmem>>
      %dma_start3A_1891 = tpu.memref_slice %arg11[%mul3A_1867] : memref<6400xi32, #tpu.memory_space<vmem>> -> memref<200xi32, #tpu.memory_space<vmem>>
      %dma_start3A_1892 = arith.constant 0 : i32
      %dma_start3A_1893 = arith.constant 0 : i32
      %dma_start3A_1894 = tpu.memref_slice %arg7[%dma_start3A_1892, %dma_start3A_1893] : memref<100000x64xf32, #tpu.memory_space<hbm>> -> memref<100000x64xf32, #tpu.memory_space<hbm>>
      tpu.enqueue_indirect_dma source(%dma_start3A_1894 : memref<100000x64xf32, #tpu.memory_space<hbm>>) target(%dma_start3A_1890 : memref<200x64xf32, #tpu.memory_space<vmem>>) offsets(%dma_start3A_1891 : memref<200xi32, #tpu.memory_space<vmem>>) semaphore(%arg26 : memref<!tpu.dma_semaphore, #tpu.memory_space<semaphore_mem>>) {add = true}
      %sub3A_1895 = arith.constant 5 : i32
      %sub3A_1896 = arith.subi %add3A_1770, %sub3A_1895 : i32
      %mul3A_1897 = arith.constant 200 : i32
      %mul3A_1898 = arith.muli %sub3A_1896, %mul3A_1897 : i32
      %dma_wait3A_1899 = arith.constant 3 : i32
      %dma_wait3A_1900 = arith.constant 0 : i32
      %dma_wait3A_1901 = arith.constant 0 : i32
      %dma_wait3A_1902 = tpu.memref_slice %arg12[%dma_wait3A_1899, %dma_wait3A_1900, %dma_wait3A_1901] : memref<8x200x64xf32, #tpu.memory_space<vmem>> -> memref<1x200x64xf32, #tpu.memory_space<vmem>>
      %dma_wait3A_1903 = tpu.memref_squeeze %dma_wait3A_1902 : memref<1x200x64xf32, #tpu.memory_space<vmem>> -> memref<200x64xf32, #tpu.memory_space<vmem>>
      %dma_wait3A_1904 = tpu.memref_slice %arg10[%mul3A_1898] : memref<6400xi32, #tpu.memory_space<vmem>> -> memref<200xi32, #tpu.memory_space<vmem>>
      %dma_wait3A_1905 = arith.constant 0 : i32
      %dma_wait3A_1906 = arith.constant 0 : i32
      %dma_wait3A_1907 = tpu.memref_slice %arg6[%dma_wait3A_1905, %dma_wait3A_1906] : memref<100000x64xf32, #tpu.memory_space<hbm>> -> memref<100000x64xf32, #tpu.memory_space<hbm>>
      tpu.wait_indirect_dma semaphore(%arg24 : memref<!tpu.dma_semaphore, #tpu.memory_space<semaphore_mem>>) src(%dma_wait3A_1907 : memref<100000x64xf32, #tpu.memory_space<hbm>>) dst(%dma_wait3A_1903 : memref<200x64xf32, #tpu.memory_space<vmem>>)
      %dma_wait3A_1908 = arith.constant 3 : i32
      %dma_wait3A_1909 = arith.constant 0 : i32
      %dma_wait3A_1910 = arith.constant 0 : i32
      %dma_wait3A_1911 = tpu.memref_slice %arg12[%dma_wait3A_1908, %dma_wait3A_1909, %dma_wait3A_1910] : memref<8x200x64xf32, #tpu.memory_space<vmem>> -> memref<1x200x64xf32, #tpu.memory_space<vmem>>
      %dma_wait3A_1912 = tpu.memref_squeeze %dma_wait3A_1911 : memref<1x200x64xf32, #tpu.memory_space<vmem>> -> memref<200x64xf32, #tpu.memory_space<vmem>>
      %dma_wait3A_1913 = tpu.memref_slice %arg11[%mul3A_1898] : memref<6400xi32, #tpu.memory_space<vmem>> -> memref<200xi32, #tpu.memory_space<vmem>>
      %dma_wait3A_1914 = arith.constant 0 : i32
      %dma_wait3A_1915 = arith.constant 0 : i32
      %dma_wait3A_1916 = tpu.memref_slice %arg7[%dma_wait3A_1914, %dma_wait3A_1915] : memref<100000x64xf32, #tpu.memory_space<hbm>> -> memref<100000x64xf32, #tpu.memory_space<hbm>>
      tpu.wait_indirect_dma semaphore(%arg24 : memref<!tpu.dma_semaphore, #tpu.memory_space<semaphore_mem>>) src(%dma_wait3A_1916 : memref<100000x64xf32, #tpu.memory_space<hbm>>) dst(%dma_wait3A_1912 : memref<200x64xf32, #tpu.memory_space<vmem>>)
      %mul3A_1917 = arith.constant 128 : i32
      %mul3A_1918 = arith.muli %add3A, %mul3A_1917 : i32
      %mul3A_1919 = arith.constant 4 : i32
      %mul3A_1920 = arith.muli %sub3A_1896, %mul3A_1919 : i32
      %add3A_1921 = arith.addi %mul3A_1918, %mul3A_1920 : i32
      %add3A_1922 = arith.constant 0 : i32
      %add3A_1923 = arith.addi %add3A_1921, %add3A_1922 : i32
      %dma_start3A_1924 = arith.constant 3 : i32
      %dma_start3A_1925 = arith.constant 0 : i32
      %dma_start3A_1926 = arith.constant 0 : i32
      %dma_start3A_1927 = tpu.memref_slice %arg12[%dma_start3A_1924, %dma_start3A_1925, %dma_start3A_1926] : memref<8x200x64xf32, #tpu.memory_space<vmem>> -> memref<1x50x64xf32, #tpu.memory_space<vmem>>
      %dma_start3A_1928 = tpu.memref_squeeze %dma_start3A_1927 : memref<1x50x64xf32, #tpu.memory_space<vmem>> -> memref<50x64xf32, #tpu.memory_space<vmem>>
      %dma_start3A_1929 = arith.constant 0 : i32
      %dma_start3A_1930 = arith.constant 0 : i32
      %dma_start3A_1931 = tpu.memref_slice %arg8[%add3A_1923, %dma_start3A_1929, %dma_start3A_1930] : memref<4096x56x128xf32, #tpu.memory_space<hbm>> -> memref<1x50x64xf32, #tpu.memory_space<hbm>>
      %dma_start3A_1932 = tpu.memref_squeeze %dma_start3A_1931 : memref<1x50x64xf32, #tpu.memory_space<hbm>> -> memref<50x64xf32, #tpu.memory_space<hbm>>
      %dma_start3A_1933 = arith.constant 0 : i32
      %dma_start3A_1934 = arith.constant 0 : i32
      %dma_start3A_1935 = tpu.memref_slice %arg8[%add3A_1923, %dma_start3A_1933, %dma_start3A_1934] : memref<4096x56x128xf32, #tpu.memory_space<hbm>> -> memref<1x50x64xf32, #tpu.memory_space<hbm>>
      %dma_start3A_1936 = tpu.memref_squeeze %dma_start3A_1935 : memref<1x50x64xf32, #tpu.memory_space<hbm>> -> memref<50x64xf32, #tpu.memory_space<hbm>>
      %dma_start3A_1937 = arith.constant 0 : i32
      %dma_start3A_1938 = arith.constant 0 : i32
      %dma_start3A_1939 = tpu.memref_slice %arg12[%dma_start3A_1924, %dma_start3A_1937, %dma_start3A_1938] : memref<8x200x64xf32, #tpu.memory_space<vmem>> -> memref<1x50x64xf32, #tpu.memory_space<vmem>>
      %dma_start3A_1940 = tpu.memref_squeeze %dma_start3A_1939 : memref<1x50x64xf32, #tpu.memory_space<vmem>> -> memref<50x64xf32, #tpu.memory_space<vmem>>
      tpu.enqueue_dma source(%dma_start3A_1940 : memref<50x64xf32, #tpu.memory_space<vmem>>) target(%dma_start3A_1936 : memref<50x64xf32, #tpu.memory_space<hbm>>) target_semaphore(%arg32 : memref<!tpu.dma_semaphore, #tpu.memory_space<semaphore_mem>>)
      %add3A_1941 = arith.constant 1 : i32
      %add3A_1942 = arith.addi %add3A_1921, %add3A_1941 : i32
      %dma_start3A_1943 = arith.constant 3 : i32
      %dma_start3A_1944 = arith.constant 50 : i32
      %dma_start3A_1945 = arith.constant 0 : i32
      %dma_start3A_1946 = tpu.memref_slice %arg12[%dma_start3A_1943, %dma_start3A_1944, %dma_start3A_1945] : memref<8x200x64xf32, #tpu.memory_space<vmem>> -> memref<1x50x64xf32, #tpu.memory_space<vmem>>
      %dma_start3A_1947 = tpu.memref_squeeze %dma_start3A_1946 : memref<1x50x64xf32, #tpu.memory_space<vmem>> -> memref<50x64xf32, #tpu.memory_space<vmem>>
      %dma_start3A_1948 = arith.constant 0 : i32
      %dma_start3A_1949 = arith.constant 0 : i32
      %dma_start3A_1950 = tpu.memref_slice %arg8[%add3A_1942, %dma_start3A_1948, %dma_start3A_1949] : memref<4096x56x128xf32, #tpu.memory_space<hbm>> -> memref<1x50x64xf32, #tpu.memory_space<hbm>>
      %dma_start3A_1951 = tpu.memref_squeeze %dma_start3A_1950 : memref<1x50x64xf32, #tpu.memory_space<hbm>> -> memref<50x64xf32, #tpu.memory_space<hbm>>
      %dma_start3A_1952 = arith.constant 0 : i32
      %dma_start3A_1953 = arith.constant 0 : i32
      %dma_start3A_1954 = tpu.memref_slice %arg8[%add3A_1942, %dma_start3A_1952, %dma_start3A_1953] : memref<4096x56x128xf32, #tpu.memory_space<hbm>> -> memref<1x50x64xf32, #tpu.memory_space<hbm>>
      %dma_start3A_1955 = tpu.memref_squeeze %dma_start3A_1954 : memref<1x50x64xf32, #tpu.memory_space<hbm>> -> memref<50x64xf32, #tpu.memory_space<hbm>>
      %dma_start3A_1956 = arith.constant 50 : i32
      %dma_start3A_1957 = arith.constant 0 : i32
      %dma_start3A_1958 = tpu.memref_slice %arg12[%dma_start3A_1943, %dma_start3A_1956, %dma_start3A_1957] : memref<8x200x64xf32, #tpu.memory_space<vmem>> -> memref<1x50x64xf32, #tpu.memory_space<vmem>>
      %dma_start3A_1959 = tpu.memref_squeeze %dma_start3A_1958 : memref<1x50x64xf32, #tpu.memory_space<vmem>> -> memref<50x64xf32, #tpu.memory_space<vmem>>
      tpu.enqueue_dma source(%dma_start3A_1959 : memref<50x64xf32, #tpu.memory_space<vmem>>) target(%dma_start3A_1955 : memref<50x64xf32, #tpu.memory_space<hbm>>) target_semaphore(%arg32 : memref<!tpu.dma_semaphore, #tpu.memory_space<semaphore_mem>>)
      %add3A_1960 = arith.constant 2 : i32
      %add3A_1961 = arith.addi %add3A_1921, %add3A_1960 : i32
      %dma_start3A_1962 = arith.constant 3 : i32
      %dma_start3A_1963 = arith.constant 100 : i32
      %dma_start3A_1964 = arith.constant 0 : i32
      %dma_start3A_1965 = tpu.memref_slice %arg12[%dma_start3A_1962, %dma_start3A_1963, %dma_start3A_1964] : memref<8x200x64xf32, #tpu.memory_space<vmem>> -> memref<1x50x64xf32, #tpu.memory_space<vmem>>
      %dma_start3A_1966 = tpu.memref_squeeze %dma_start3A_1965 : memref<1x50x64xf32, #tpu.memory_space<vmem>> -> memref<50x64xf32, #tpu.memory_space<vmem>>
      %dma_start3A_1967 = arith.constant 0 : i32
      %dma_start3A_1968 = arith.constant 0 : i32
      %dma_start3A_1969 = tpu.memref_slice %arg8[%add3A_1961, %dma_start3A_1967, %dma_start3A_1968] : memref<4096x56x128xf32, #tpu.memory_space<hbm>> -> memref<1x50x64xf32, #tpu.memory_space<hbm>>
      %dma_start3A_1970 = tpu.memref_squeeze %dma_start3A_1969 : memref<1x50x64xf32, #tpu.memory_space<hbm>> -> memref<50x64xf32, #tpu.memory_space<hbm>>
      %dma_start3A_1971 = arith.constant 0 : i32
      %dma_start3A_1972 = arith.constant 0 : i32
      %dma_start3A_1973 = tpu.memref_slice %arg8[%add3A_1961, %dma_start3A_1971, %dma_start3A_1972] : memref<4096x56x128xf32, #tpu.memory_space<hbm>> -> memref<1x50x64xf32, #tpu.memory_space<hbm>>
      %dma_start3A_1974 = tpu.memref_squeeze %dma_start3A_1973 : memref<1x50x64xf32, #tpu.memory_space<hbm>> -> memref<50x64xf32, #tpu.memory_space<hbm>>
      %dma_start3A_1975 = arith.constant 100 : i32
      %dma_start3A_1976 = arith.constant 0 : i32
      %dma_start3A_1977 = tpu.memref_slice %arg12[%dma_start3A_1962, %dma_start3A_1975, %dma_start3A_1976] : memref<8x200x64xf32, #tpu.memory_space<vmem>> -> memref<1x50x64xf32, #tpu.memory_space<vmem>>
      %dma_start3A_1978 = tpu.memref_squeeze %dma_start3A_1977 : memref<1x50x64xf32, #tpu.memory_space<vmem>> -> memref<50x64xf32, #tpu.memory_space<vmem>>
      tpu.enqueue_dma source(%dma_start3A_1978 : memref<50x64xf32, #tpu.memory_space<vmem>>) target(%dma_start3A_1974 : memref<50x64xf32, #tpu.memory_space<hbm>>) target_semaphore(%arg32 : memref<!tpu.dma_semaphore, #tpu.memory_space<semaphore_mem>>)
      %add3A_1979 = arith.constant 3 : i32
      %add3A_1980 = arith.addi %add3A_1921, %add3A_1979 : i32
      %dma_start3A_1981 = arith.constant 3 : i32
      %dma_start3A_1982 = arith.constant 150 : i32
      %dma_start3A_1983 = arith.constant 0 : i32
      %dma_start3A_1984 = tpu.memref_slice %arg12[%dma_start3A_1981, %dma_start3A_1982, %dma_start3A_1983] : memref<8x200x64xf32, #tpu.memory_space<vmem>> -> memref<1x50x64xf32, #tpu.memory_space<vmem>>
      %dma_start3A_1985 = tpu.memref_squeeze %dma_start3A_1984 : memref<1x50x64xf32, #tpu.memory_space<vmem>> -> memref<50x64xf32, #tpu.memory_space<vmem>>
      %dma_start3A_1986 = arith.constant 0 : i32
      %dma_start3A_1987 = arith.constant 0 : i32
      %dma_start3A_1988 = tpu.memref_slice %arg8[%add3A_1980, %dma_start3A_1986, %dma_start3A_1987] : memref<4096x56x128xf32, #tpu.memory_space<hbm>> -> memref<1x50x64xf32, #tpu.memory_space<hbm>>
      %dma_start3A_1989 = tpu.memref_squeeze %dma_start3A_1988 : memref<1x50x64xf32, #tpu.memory_space<hbm>> -> memref<50x64xf32, #tpu.memory_space<hbm>>
      %dma_start3A_1990 = arith.constant 0 : i32
      %dma_start3A_1991 = arith.constant 0 : i32
      %dma_start3A_1992 = tpu.memref_slice %arg8[%add3A_1980, %dma_start3A_1990, %dma_start3A_1991] : memref<4096x56x128xf32, #tpu.memory_space<hbm>> -> memref<1x50x64xf32, #tpu.memory_space<hbm>>
      %dma_start3A_1993 = tpu.memref_squeeze %dma_start3A_1992 : memref<1x50x64xf32, #tpu.memory_space<hbm>> -> memref<50x64xf32, #tpu.memory_space<hbm>>
      %dma_start3A_1994 = arith.constant 150 : i32
      %dma_start3A_1995 = arith.constant 0 : i32
      %dma_start3A_1996 = tpu.memref_slice %arg12[%dma_start3A_1981, %dma_start3A_1994, %dma_start3A_1995] : memref<8x200x64xf32, #tpu.memory_space<vmem>> -> memref<1x50x64xf32, #tpu.memory_space<vmem>>
      %dma_start3A_1997 = tpu.memref_squeeze %dma_start3A_1996 : memref<1x50x64xf32, #tpu.memory_space<vmem>> -> memref<50x64xf32, #tpu.memory_space<vmem>>
      tpu.enqueue_dma source(%dma_start3A_1997 : memref<50x64xf32, #tpu.memory_space<vmem>>) target(%dma_start3A_1993 : memref<50x64xf32, #tpu.memory_space<hbm>>) target_semaphore(%arg32 : memref<!tpu.dma_semaphore, #tpu.memory_space<semaphore_mem>>)
      %add3A_1998 = arith.constant 1 : i32
      %add3A_1999 = arith.addi %mul3A_1768, %add3A_1998 : i32
      %sub3A_2000 = arith.constant 7 : i32
      %sub3A_2001 = arith.subi %add3A_1999, %sub3A_2000 : i32
      %mul3A_2002 = arith.constant 128 : i32
      %mul3A_2003 = arith.muli %add3A, %mul3A_2002 : i32
      %mul3A_2004 = arith.constant 4 : i32
      %mul3A_2005 = arith.muli %sub3A_2001, %mul3A_2004 : i32
      %add3A_2006 = arith.addi %mul3A_2003, %mul3A_2005 : i32
      %add3A_2007 = arith.constant 0 : i32
      %add3A_2008 = arith.addi %add3A_2006, %add3A_2007 : i32
      %dma_wait3A_2009 = arith.constant 2 : i32
      %dma_wait3A_2010 = arith.constant 0 : i32
      %dma_wait3A_2011 = arith.constant 0 : i32
      %dma_wait3A_2012 = tpu.memref_slice %arg12[%dma_wait3A_2009, %dma_wait3A_2010, %dma_wait3A_2011] : memref<8x200x64xf32, #tpu.memory_space<vmem>> -> memref<1x50x64xf32, #tpu.memory_space<vmem>>
      %dma_wait3A_2013 = tpu.memref_squeeze %dma_wait3A_2012 : memref<1x50x64xf32, #tpu.memory_space<vmem>> -> memref<50x64xf32, #tpu.memory_space<vmem>>
      %dma_wait3A_2014 = arith.constant 0 : i32
      %dma_wait3A_2015 = arith.constant 0 : i32
      %dma_wait3A_2016 = tpu.memref_slice %arg8[%add3A_2008, %dma_wait3A_2014, %dma_wait3A_2015] : memref<4096x56x128xf32, #tpu.memory_space<hbm>> -> memref<1x50x64xf32, #tpu.memory_space<hbm>>
      %dma_wait3A_2017 = tpu.memref_squeeze %dma_wait3A_2016 : memref<1x50x64xf32, #tpu.memory_space<hbm>> -> memref<50x64xf32, #tpu.memory_space<hbm>>
      %dma_wait3A_2018 = arith.constant 0 : i32
      %dma_wait3A_2019 = arith.constant 0 : i32
      %dma_wait3A_2020 = tpu.memref_slice %arg8[%add3A_2008, %dma_wait3A_2018, %dma_wait3A_2019] : memref<4096x56x128xf32, #tpu.memory_space<hbm>> -> memref<1x50x64xf32, #tpu.memory_space<hbm>>
      %dma_wait3A_2021 = tpu.memref_squeeze %dma_wait3A_2020 : memref<1x50x64xf32, #tpu.memory_space<hbm>> -> memref<50x64xf32, #tpu.memory_space<hbm>>
      %dma_wait3A_2022 = arith.constant 0 : i32
      %dma_wait3A_2023 = arith.constant 0 : i32
      %dma_wait3A_2024 = tpu.memref_slice %arg12[%dma_wait3A_2009, %dma_wait3A_2022, %dma_wait3A_2023] : memref<8x200x64xf32, #tpu.memory_space<vmem>> -> memref<1x50x64xf32, #tpu.memory_space<vmem>>
      %dma_wait3A_2025 = tpu.memref_squeeze %dma_wait3A_2024 : memref<1x50x64xf32, #tpu.memory_space<vmem>> -> memref<50x64xf32, #tpu.memory_space<vmem>>
      tpu.wait_dma2 semaphore(%arg31 : memref<!tpu.dma_semaphore, #tpu.memory_space<semaphore_mem>>) src(%dma_wait3A_2025 : memref<50x64xf32, #tpu.memory_space<vmem>>) dst(%dma_wait3A_2021 : memref<50x64xf32, #tpu.memory_space<hbm>>)
      %add3A_2026 = arith.constant 1 : i32
      %add3A_2027 = arith.addi %add3A_2006, %add3A_2026 : i32
      %dma_wait3A_2028 = arith.constant 2 : i32
      %dma_wait3A_2029 = arith.constant 50 : i32
      %dma_wait3A_2030 = arith.constant 0 : i32
      %dma_wait3A_2031 = tpu.memref_slice %arg12[%dma_wait3A_2028, %dma_wait3A_2029, %dma_wait3A_2030] : memref<8x200x64xf32, #tpu.memory_space<vmem>> -> memref<1x50x64xf32, #tpu.memory_space<vmem>>
      %dma_wait3A_2032 = tpu.memref_squeeze %dma_wait3A_2031 : memref<1x50x64xf32, #tpu.memory_space<vmem>> -> memref<50x64xf32, #tpu.memory_space<vmem>>
      %dma_wait3A_2033 = arith.constant 0 : i32
      %dma_wait3A_2034 = arith.constant 0 : i32
      %dma_wait3A_2035 = tpu.memref_slice %arg8[%add3A_2027, %dma_wait3A_2033, %dma_wait3A_2034] : memref<4096x56x128xf32, #tpu.memory_space<hbm>> -> memref<1x50x64xf32, #tpu.memory_space<hbm>>
      %dma_wait3A_2036 = tpu.memref_squeeze %dma_wait3A_2035 : memref<1x50x64xf32, #tpu.memory_space<hbm>> -> memref<50x64xf32, #tpu.memory_space<hbm>>
      %dma_wait3A_2037 = arith.constant 0 : i32
      %dma_wait3A_2038 = arith.constant 0 : i32
      %dma_wait3A_2039 = tpu.memref_slice %arg8[%add3A_2027, %dma_wait3A_2037, %dma_wait3A_2038] : memref<4096x56x128xf32, #tpu.memory_space<hbm>> -> memref<1x50x64xf32, #tpu.memory_space<hbm>>
      %dma_wait3A_2040 = tpu.memref_squeeze %dma_wait3A_2039 : memref<1x50x64xf32, #tpu.memory_space<hbm>> -> memref<50x64xf32, #tpu.memory_space<hbm>>
      %dma_wait3A_2041 = arith.constant 50 : i32
      %dma_wait3A_2042 = arith.constant 0 : i32
      %dma_wait3A_2043 = tpu.memref_slice %arg12[%dma_wait3A_2028, %dma_wait3A_2041, %dma_wait3A_2042] : memref<8x200x64xf32, #tpu.memory_space<vmem>> -> memref<1x50x64xf32, #tpu.memory_space<vmem>>
      %dma_wait3A_2044 = tpu.memref_squeeze %dma_wait3A_2043 : memref<1x50x64xf32, #tpu.memory_space<vmem>> -> memref<50x64xf32, #tpu.memory_space<vmem>>
      tpu.wait_dma2 semaphore(%arg31 : memref<!tpu.dma_semaphore, #tpu.memory_space<semaphore_mem>>) src(%dma_wait3A_2044 : memref<50x64xf32, #tpu.memory_space<vmem>>) dst(%dma_wait3A_2040 : memref<50x64xf32, #tpu.memory_space<hbm>>)
      %add3A_2045 = arith.constant 2 : i32
      %add3A_2046 = arith.addi %add3A_2006, %add3A_2045 : i32
      %dma_wait3A_2047 = arith.constant 2 : i32
      %dma_wait3A_2048 = arith.constant 100 : i32
      %dma_wait3A_2049 = arith.constant 0 : i32
      %dma_wait3A_2050 = tpu.memref_slice %arg12[%dma_wait3A_2047, %dma_wait3A_2048, %dma_wait3A_2049] : memref<8x200x64xf32, #tpu.memory_space<vmem>> -> memref<1x50x64xf32, #tpu.memory_space<vmem>>
      %dma_wait3A_2051 = tpu.memref_squeeze %dma_wait3A_2050 : memref<1x50x64xf32, #tpu.memory_space<vmem>> -> memref<50x64xf32, #tpu.memory_space<vmem>>
      %dma_wait3A_2052 = arith.constant 0 : i32
      %dma_wait3A_2053 = arith.constant 0 : i32
      %dma_wait3A_2054 = tpu.memref_slice %arg8[%add3A_2046, %dma_wait3A_2052, %dma_wait3A_2053] : memref<4096x56x128xf32, #tpu.memory_space<hbm>> -> memref<1x50x64xf32, #tpu.memory_space<hbm>>
      %dma_wait3A_2055 = tpu.memref_squeeze %dma_wait3A_2054 : memref<1x50x64xf32, #tpu.memory_space<hbm>> -> memref<50x64xf32, #tpu.memory_space<hbm>>
      %dma_wait3A_2056 = arith.constant 0 : i32
      %dma_wait3A_2057 = arith.constant 0 : i32
      %dma_wait3A_2058 = tpu.memref_slice %arg8[%add3A_2046, %dma_wait3A_2056, %dma_wait3A_2057] : memref<4096x56x128xf32, #tpu.memory_space<hbm>> -> memref<1x50x64xf32, #tpu.memory_space<hbm>>
      %dma_wait3A_2059 = tpu.memref_squeeze %dma_wait3A_2058 : memref<1x50x64xf32, #tpu.memory_space<hbm>> -> memref<50x64xf32, #tpu.memory_space<hbm>>
      %dma_wait3A_2060 = arith.constant 100 : i32
      %dma_wait3A_2061 = arith.constant 0 : i32
      %dma_wait3A_2062 = tpu.memref_slice %arg12[%dma_wait3A_2047, %dma_wait3A_2060, %dma_wait3A_2061] : memref<8x200x64xf32, #tpu.memory_space<vmem>> -> memref<1x50x64xf32, #tpu.memory_space<vmem>>
      %dma_wait3A_2063 = tpu.memref_squeeze %dma_wait3A_2062 : memref<1x50x64xf32, #tpu.memory_space<vmem>> -> memref<50x64xf32, #tpu.memory_space<vmem>>
      tpu.wait_dma2 semaphore(%arg31 : memref<!tpu.dma_semaphore, #tpu.memory_space<semaphore_mem>>) src(%dma_wait3A_2063 : memref<50x64xf32, #tpu.memory_space<vmem>>) dst(%dma_wait3A_2059 : memref<50x64xf32, #tpu.memory_space<hbm>>)
      %add3A_2064 = arith.constant 3 : i32
      %add3A_2065 = arith.addi %add3A_2006, %add3A_2064 : i32
      %dma_wait3A_2066 = arith.constant 2 : i32
      %dma_wait3A_2067 = arith.constant 150 : i32
      %dma_wait3A_2068 = arith.constant 0 : i32
      %dma_wait3A_2069 = tpu.memref_slice %arg12[%dma_wait3A_2066, %dma_wait3A_2067, %dma_wait3A_2068] : memref<8x200x64xf32, #tpu.memory_space<vmem>> -> memref<1x50x64xf32, #tpu.memory_space<vmem>>
      %dma_wait3A_2070 = tpu.memref_squeeze %dma_wait3A_2069 : memref<1x50x64xf32, #tpu.memory_space<vmem>> -> memref<50x64xf32, #tpu.memory_space<vmem>>
      %dma_wait3A_2071 = arith.constant 0 : i32
      %dma_wait3A_2072 = arith.constant 0 : i32
      %dma_wait3A_2073 = tpu.memref_slice %arg8[%add3A_2065, %dma_wait3A_2071, %dma_wait3A_2072] : memref<4096x56x128xf32, #tpu.memory_space<hbm>> -> memref<1x50x64xf32, #tpu.memory_space<hbm>>
      %dma_wait3A_2074 = tpu.memref_squeeze %dma_wait3A_2073 : memref<1x50x64xf32, #tpu.memory_space<hbm>> -> memref<50x64xf32, #tpu.memory_space<hbm>>
      %dma_wait3A_2075 = arith.constant 0 : i32
      %dma_wait3A_2076 = arith.constant 0 : i32
      %dma_wait3A_2077 = tpu.memref_slice %arg8[%add3A_2065, %dma_wait3A_2075, %dma_wait3A_2076] : memref<4096x56x128xf32, #tpu.memory_space<hbm>> -> memref<1x50x64xf32, #tpu.memory_space<hbm>>
      %dma_wait3A_2078 = tpu.memref_squeeze %dma_wait3A_2077 : memref<1x50x64xf32, #tpu.memory_space<hbm>> -> memref<50x64xf32, #tpu.memory_space<hbm>>
      %dma_wait3A_2079 = arith.constant 150 : i32
      %dma_wait3A_2080 = arith.constant 0 : i32
      %dma_wait3A_2081 = tpu.memref_slice %arg12[%dma_wait3A_2066, %dma_wait3A_2079, %dma_wait3A_2080] : memref<8x200x64xf32, #tpu.memory_space<vmem>> -> memref<1x50x64xf32, #tpu.memory_space<vmem>>
      %dma_wait3A_2082 = tpu.memref_squeeze %dma_wait3A_2081 : memref<1x50x64xf32, #tpu.memory_space<vmem>> -> memref<50x64xf32, #tpu.memory_space<vmem>>
      tpu.wait_dma2 semaphore(%arg31 : memref<!tpu.dma_semaphore, #tpu.memory_space<semaphore_mem>>) src(%dma_wait3A_2082 : memref<50x64xf32, #tpu.memory_space<vmem>>) dst(%dma_wait3A_2078 : memref<50x64xf32, #tpu.memory_space<hbm>>)
      %mul3A_2083 = arith.constant 200 : i32
      %mul3A_2084 = arith.muli %add3A_1999, %mul3A_2083 : i32
      %dma_start3A_2085 = arith.constant 1 : i32
      %dma_start3A_2086 = arith.constant 0 : i32
      %dma_start3A_2087 = arith.constant 0 : i32
      %dma_start3A_2088 = tpu.memref_slice %arg12[%dma_start3A_2085, %dma_start3A_2086, %dma_start3A_2087] : memref<8x200x64xf32, #tpu.memory_space<vmem>> -> memref<1x200x64xf32, #tpu.memory_space<vmem>>
      %dma_start3A_2089 = tpu.memref_squeeze %dma_start3A_2088 : memref<1x200x64xf32, #tpu.memory_space<vmem>> -> memref<200x64xf32, #tpu.memory_space<vmem>>
      %dma_start3A_2090 = tpu.memref_slice %arg9[%mul3A_2084] : memref<6400xi32, #tpu.memory_space<vmem>> -> memref<200xi32, #tpu.memory_space<vmem>>
      %dma_start3A_2091 = arith.constant 0 : i32
      %dma_start3A_2092 = arith.constant 0 : i32
      %dma_start3A_2093 = tpu.memref_slice %arg5[%dma_start3A_2091, %dma_start3A_2092] : memref<100000x64xf32, #tpu.memory_space<hbm>> -> memref<100000x64xf32, #tpu.memory_space<hbm>>
      tpu.enqueue_indirect_dma source(%dma_start3A_2093 : memref<100000x64xf32, #tpu.memory_space<hbm>>) target(%dma_start3A_2089 : memref<200x64xf32, #tpu.memory_space<vmem>>) offsets(%dma_start3A_2090 : memref<200xi32, #tpu.memory_space<vmem>>) semaphore(%arg14 : memref<!tpu.dma_semaphore, #tpu.memory_space<semaphore_mem>>)
      %sub3A_2094 = arith.constant 3 : i32
      %sub3A_2095 = arith.subi %add3A_1999, %sub3A_2094 : i32
      %mul3A_2096 = arith.constant 200 : i32
      %mul3A_2097 = arith.muli %sub3A_2095, %mul3A_2096 : i32
      %dma_wait3A_2098 = arith.constant 6 : i32
      %dma_wait3A_2099 = arith.constant 0 : i32
      %dma_wait3A_2100 = arith.constant 0 : i32
      %dma_wait3A_2101 = tpu.memref_slice %arg12[%dma_wait3A_2098, %dma_wait3A_2099, %dma_wait3A_2100] : memref<8x200x64xf32, #tpu.memory_space<vmem>> -> memref<1x200x64xf32, #tpu.memory_space<vmem>>
      %dma_wait3A_2102 = tpu.memref_squeeze %dma_wait3A_2101 : memref<1x200x64xf32, #tpu.memory_space<vmem>> -> memref<200x64xf32, #tpu.memory_space<vmem>>
      %dma_wait3A_2103 = tpu.memref_slice %arg9[%mul3A_2097] : memref<6400xi32, #tpu.memory_space<vmem>> -> memref<200xi32, #tpu.memory_space<vmem>>
      %dma_wait3A_2104 = arith.constant 0 : i32
      %dma_wait3A_2105 = arith.constant 0 : i32
      %dma_wait3A_2106 = tpu.memref_slice %arg5[%dma_wait3A_2104, %dma_wait3A_2105] : memref<100000x64xf32, #tpu.memory_space<hbm>> -> memref<100000x64xf32, #tpu.memory_space<hbm>>
      tpu.wait_indirect_dma semaphore(%arg19 : memref<!tpu.dma_semaphore, #tpu.memory_space<semaphore_mem>>) src(%dma_wait3A_2106 : memref<100000x64xf32, #tpu.memory_space<hbm>>) dst(%dma_wait3A_2102 : memref<200x64xf32, #tpu.memory_space<vmem>>)
      %dma_start3A_2107 = arith.constant 6 : i32
      %dma_start3A_2108 = arith.constant 0 : i32
      %dma_start3A_2109 = arith.constant 0 : i32
      %dma_start3A_2110 = tpu.memref_slice %arg12[%dma_start3A_2107, %dma_start3A_2108, %dma_start3A_2109] : memref<8x200x64xf32, #tpu.memory_space<vmem>> -> memref<1x200x64xf32, #tpu.memory_space<vmem>>
      %dma_start3A_2111 = tpu.memref_squeeze %dma_start3A_2110 : memref<1x200x64xf32, #tpu.memory_space<vmem>> -> memref<200x64xf32, #tpu.memory_space<vmem>>
      %dma_start3A_2112 = tpu.memref_slice %arg10[%mul3A_2097] : memref<6400xi32, #tpu.memory_space<vmem>> -> memref<200xi32, #tpu.memory_space<vmem>>
      %dma_start3A_2113 = arith.constant 0 : i32
      %dma_start3A_2114 = arith.constant 0 : i32
      %dma_start3A_2115 = tpu.memref_slice %arg6[%dma_start3A_2113, %dma_start3A_2114] : memref<100000x64xf32, #tpu.memory_space<hbm>> -> memref<100000x64xf32, #tpu.memory_space<hbm>>
      tpu.enqueue_indirect_dma source(%dma_start3A_2115 : memref<100000x64xf32, #tpu.memory_space<hbm>>) target(%dma_start3A_2111 : memref<200x64xf32, #tpu.memory_space<vmem>>) offsets(%dma_start3A_2112 : memref<200xi32, #tpu.memory_space<vmem>>) semaphore(%arg27 : memref<!tpu.dma_semaphore, #tpu.memory_space<semaphore_mem>>) {add = true}
      %dma_start3A_2116 = arith.constant 6 : i32
      %dma_start3A_2117 = arith.constant 0 : i32
      %dma_start3A_2118 = arith.constant 0 : i32
      %dma_start3A_2119 = tpu.memref_slice %arg12[%dma_start3A_2116, %dma_start3A_2117, %dma_start3A_2118] : memref<8x200x64xf32, #tpu.memory_space<vmem>> -> memref<1x200x64xf32, #tpu.memory_space<vmem>>
      %dma_start3A_2120 = tpu.memref_squeeze %dma_start3A_2119 : memref<1x200x64xf32, #tpu.memory_space<vmem>> -> memref<200x64xf32, #tpu.memory_space<vmem>>
      %dma_start3A_2121 = tpu.memref_slice %arg11[%mul3A_2097] : memref<6400xi32, #tpu.memory_space<vmem>> -> memref<200xi32, #tpu.memory_space<vmem>>
      %dma_start3A_2122 = arith.constant 0 : i32
      %dma_start3A_2123 = arith.constant 0 : i32
      %dma_start3A_2124 = tpu.memref_slice %arg7[%dma_start3A_2122, %dma_start3A_2123] : memref<100000x64xf32, #tpu.memory_space<hbm>> -> memref<100000x64xf32, #tpu.memory_space<hbm>>
      tpu.enqueue_indirect_dma source(%dma_start3A_2124 : memref<100000x64xf32, #tpu.memory_space<hbm>>) target(%dma_start3A_2120 : memref<200x64xf32, #tpu.memory_space<vmem>>) offsets(%dma_start3A_2121 : memref<200xi32, #tpu.memory_space<vmem>>) semaphore(%arg27 : memref<!tpu.dma_semaphore, #tpu.memory_space<semaphore_mem>>) {add = true}
      %sub3A_2125 = arith.constant 5 : i32
      %sub3A_2126 = arith.subi %add3A_1999, %sub3A_2125 : i32
      %mul3A_2127 = arith.constant 200 : i32
      %mul3A_2128 = arith.muli %sub3A_2126, %mul3A_2127 : i32
      %dma_wait3A_2129 = arith.constant 4 : i32
      %dma_wait3A_2130 = arith.constant 0 : i32
      %dma_wait3A_2131 = arith.constant 0 : i32
      %dma_wait3A_2132 = tpu.memref_slice %arg12[%dma_wait3A_2129, %dma_wait3A_2130, %dma_wait3A_2131] : memref<8x200x64xf32, #tpu.memory_space<vmem>> -> memref<1x200x64xf32, #tpu.memory_space<vmem>>
      %dma_wait3A_2133 = tpu.memref_squeeze %dma_wait3A_2132 : memref<1x200x64xf32, #tpu.memory_space<vmem>> -> memref<200x64xf32, #tpu.memory_space<vmem>>
      %dma_wait3A_2134 = tpu.memref_slice %arg10[%mul3A_2128] : memref<6400xi32, #tpu.memory_space<vmem>> -> memref<200xi32, #tpu.memory_space<vmem>>
      %dma_wait3A_2135 = arith.constant 0 : i32
      %dma_wait3A_2136 = arith.constant 0 : i32
      %dma_wait3A_2137 = tpu.memref_slice %arg6[%dma_wait3A_2135, %dma_wait3A_2136] : memref<100000x64xf32, #tpu.memory_space<hbm>> -> memref<100000x64xf32, #tpu.memory_space<hbm>>
      tpu.wait_indirect_dma semaphore(%arg25 : memref<!tpu.dma_semaphore, #tpu.memory_space<semaphore_mem>>) src(%dma_wait3A_2137 : memref<100000x64xf32, #tpu.memory_space<hbm>>) dst(%dma_wait3A_2133 : memref<200x64xf32, #tpu.memory_space<vmem>>)
      %dma_wait3A_2138 = arith.constant 4 : i32
      %dma_wait3A_2139 = arith.constant 0 : i32
      %dma_wait3A_2140 = arith.constant 0 : i32
      %dma_wait3A_2141 = tpu.memref_slice %arg12[%dma_wait3A_2138, %dma_wait3A_2139, %dma_wait3A_2140] : memref<8x200x64xf32, #tpu.memory_space<vmem>> -> memref<1x200x64xf32, #tpu.memory_space<vmem>>
      %dma_wait3A_2142 = tpu.memref_squeeze %dma_wait3A_2141 : memref<1x200x64xf32, #tpu.memory_space<vmem>> -> memref<200x64xf32, #tpu.memory_space<vmem>>
      %dma_wait3A_2143 = tpu.memref_slice %arg11[%mul3A_2128] : memref<6400xi32, #tpu.memory_space<vmem>> -> memref<200xi32, #tpu.memory_space<vmem>>
      %dma_wait3A_2144 = arith.constant 0 : i32
      %dma_wait3A_2145 = arith.constant 0 : i32
      %dma_wait3A_2146 = tpu.memref_slice %arg7[%dma_wait3A_2144, %dma_wait3A_2145] : memref<100000x64xf32, #tpu.memory_space<hbm>> -> memref<100000x64xf32, #tpu.memory_space<hbm>>
      tpu.wait_indirect_dma semaphore(%arg25 : memref<!tpu.dma_semaphore, #tpu.memory_space<semaphore_mem>>) src(%dma_wait3A_2146 : memref<100000x64xf32, #tpu.memory_space<hbm>>) dst(%dma_wait3A_2142 : memref<200x64xf32, #tpu.memory_space<vmem>>)
      %mul3A_2147 = arith.constant 128 : i32
      %mul3A_2148 = arith.muli %add3A, %mul3A_2147 : i32
      %mul3A_2149 = arith.constant 4 : i32
      %mul3A_2150 = arith.muli %sub3A_2126, %mul3A_2149 : i32
      %add3A_2151 = arith.addi %mul3A_2148, %mul3A_2150 : i32
      %add3A_2152 = arith.constant 0 : i32
      %add3A_2153 = arith.addi %add3A_2151, %add3A_2152 : i32
      %dma_start3A_2154 = arith.constant 4 : i32
      %dma_start3A_2155 = arith.constant 0 : i32
      %dma_start3A_2156 = arith.constant 0 : i32
      %dma_start3A_2157 = tpu.memref_slice %arg12[%dma_start3A_2154, %dma_start3A_2155, %dma_start3A_2156] : memref<8x200x64xf32, #tpu.memory_space<vmem>> -> memref<1x50x64xf32, #tpu.memory_space<vmem>>
      %dma_start3A_2158 = tpu.memref_squeeze %dma_start3A_2157 : memref<1x50x64xf32, #tpu.memory_space<vmem>> -> memref<50x64xf32, #tpu.memory_space<vmem>>
      %dma_start3A_2159 = arith.constant 0 : i32
      %dma_start3A_2160 = arith.constant 0 : i32
      %dma_start3A_2161 = tpu.memref_slice %arg8[%add3A_2153, %dma_start3A_2159, %dma_start3A_2160] : memref<4096x56x128xf32, #tpu.memory_space<hbm>> -> memref<1x50x64xf32, #tpu.memory_space<hbm>>
      %dma_start3A_2162 = tpu.memref_squeeze %dma_start3A_2161 : memref<1x50x64xf32, #tpu.memory_space<hbm>> -> memref<50x64xf32, #tpu.memory_space<hbm>>
      %dma_start3A_2163 = arith.constant 0 : i32
      %dma_start3A_2164 = arith.constant 0 : i32
      %dma_start3A_2165 = tpu.memref_slice %arg8[%add3A_2153, %dma_start3A_2163, %dma_start3A_2164] : memref<4096x56x128xf32, #tpu.memory_space<hbm>> -> memref<1x50x64xf32, #tpu.memory_space<hbm>>
      %dma_start3A_2166 = tpu.memref_squeeze %dma_start3A_2165 : memref<1x50x64xf32, #tpu.memory_space<hbm>> -> memref<50x64xf32, #tpu.memory_space<hbm>>
      %dma_start3A_2167 = arith.constant 0 : i32
      %dma_start3A_2168 = arith.constant 0 : i32
      %dma_start3A_2169 = tpu.memref_slice %arg12[%dma_start3A_2154, %dma_start3A_2167, %dma_start3A_2168] : memref<8x200x64xf32, #tpu.memory_space<vmem>> -> memref<1x50x64xf32, #tpu.memory_space<vmem>>
      %dma_start3A_2170 = tpu.memref_squeeze %dma_start3A_2169 : memref<1x50x64xf32, #tpu.memory_space<vmem>> -> memref<50x64xf32, #tpu.memory_space<vmem>>
      tpu.enqueue_dma source(%dma_start3A_2170 : memref<50x64xf32, #tpu.memory_space<vmem>>) target(%dma_start3A_2166 : memref<50x64xf32, #tpu.memory_space<hbm>>) target_semaphore(%arg33 : memref<!tpu.dma_semaphore, #tpu.memory_space<semaphore_mem>>)
      %add3A_2171 = arith.constant 1 : i32
      %add3A_2172 = arith.addi %add3A_2151, %add3A_2171 : i32
      %dma_start3A_2173 = arith.constant 4 : i32
      %dma_start3A_2174 = arith.constant 50 : i32
      %dma_start3A_2175 = arith.constant 0 : i32
      %dma_start3A_2176 = tpu.memref_slice %arg12[%dma_start3A_2173, %dma_start3A_2174, %dma_start3A_2175] : memref<8x200x64xf32, #tpu.memory_space<vmem>> -> memref<1x50x64xf32, #tpu.memory_space<vmem>>
      %dma_start3A_2177 = tpu.memref_squeeze %dma_start3A_2176 : memref<1x50x64xf32, #tpu.memory_space<vmem>> -> memref<50x64xf32, #tpu.memory_space<vmem>>
      %dma_start3A_2178 = arith.constant 0 : i32
      %dma_start3A_2179 = arith.constant 0 : i32
      %dma_start3A_2180 = tpu.memref_slice %arg8[%add3A_2172, %dma_start3A_2178, %dma_start3A_2179] : memref<4096x56x128xf32, #tpu.memory_space<hbm>> -> memref<1x50x64xf32, #tpu.memory_space<hbm>>
      %dma_start3A_2181 = tpu.memref_squeeze %dma_start3A_2180 : memref<1x50x64xf32, #tpu.memory_space<hbm>> -> memref<50x64xf32, #tpu.memory_space<hbm>>
      %dma_start3A_2182 = arith.constant 0 : i32
      %dma_start3A_2183 = arith.constant 0 : i32
      %dma_start3A_2184 = tpu.memref_slice %arg8[%add3A_2172, %dma_start3A_2182, %dma_start3A_2183] : memref<4096x56x128xf32, #tpu.memory_space<hbm>> -> memref<1x50x64xf32, #tpu.memory_space<hbm>>
      %dma_start3A_2185 = tpu.memref_squeeze %dma_start3A_2184 : memref<1x50x64xf32, #tpu.memory_space<hbm>> -> memref<50x64xf32, #tpu.memory_space<hbm>>
      %dma_start3A_2186 = arith.constant 50 : i32
      %dma_start3A_2187 = arith.constant 0 : i32
      %dma_start3A_2188 = tpu.memref_slice %arg12[%dma_start3A_2173, %dma_start3A_2186, %dma_start3A_2187] : memref<8x200x64xf32, #tpu.memory_space<vmem>> -> memref<1x50x64xf32, #tpu.memory_space<vmem>>
      %dma_start3A_2189 = tpu.memref_squeeze %dma_start3A_2188 : memref<1x50x64xf32, #tpu.memory_space<vmem>> -> memref<50x64xf32, #tpu.memory_space<vmem>>
      tpu.enqueue_dma source(%dma_start3A_2189 : memref<50x64xf32, #tpu.memory_space<vmem>>) target(%dma_start3A_2185 : memref<50x64xf32, #tpu.memory_space<hbm>>) target_semaphore(%arg33 : memref<!tpu.dma_semaphore, #tpu.memory_space<semaphore_mem>>)
      %add3A_2190 = arith.constant 2 : i32
      %add3A_2191 = arith.addi %add3A_2151, %add3A_2190 : i32
      %dma_start3A_2192 = arith.constant 4 : i32
      %dma_start3A_2193 = arith.constant 100 : i32
      %dma_start3A_2194 = arith.constant 0 : i32
      %dma_start3A_2195 = tpu.memref_slice %arg12[%dma_start3A_2192, %dma_start3A_2193, %dma_start3A_2194] : memref<8x200x64xf32, #tpu.memory_space<vmem>> -> memref<1x50x64xf32, #tpu.memory_space<vmem>>
      %dma_start3A_2196 = tpu.memref_squeeze %dma_start3A_2195 : memref<1x50x64xf32, #tpu.memory_space<vmem>> -> memref<50x64xf32, #tpu.memory_space<vmem>>
      %dma_start3A_2197 = arith.constant 0 : i32
      %dma_start3A_2198 = arith.constant 0 : i32
      %dma_start3A_2199 = tpu.memref_slice %arg8[%add3A_2191, %dma_start3A_2197, %dma_start3A_2198] : memref<4096x56x128xf32, #tpu.memory_space<hbm>> -> memref<1x50x64xf32, #tpu.memory_space<hbm>>
      %dma_start3A_2200 = tpu.memref_squeeze %dma_start3A_2199 : memref<1x50x64xf32, #tpu.memory_space<hbm>> -> memref<50x64xf32, #tpu.memory_space<hbm>>
      %dma_start3A_2201 = arith.constant 0 : i32
      %dma_start3A_2202 = arith.constant 0 : i32
      %dma_start3A_2203 = tpu.memref_slice %arg8[%add3A_2191, %dma_start3A_2201, %dma_start3A_2202] : memref<4096x56x128xf32, #tpu.memory_space<hbm>> -> memref<1x50x64xf32, #tpu.memory_space<hbm>>
      %dma_start3A_2204 = tpu.memref_squeeze %dma_start3A_2203 : memref<1x50x64xf32, #tpu.memory_space<hbm>> -> memref<50x64xf32, #tpu.memory_space<hbm>>
      %dma_start3A_2205 = arith.constant 100 : i32
      %dma_start3A_2206 = arith.constant 0 : i32
      %dma_start3A_2207 = tpu.memref_slice %arg12[%dma_start3A_2192, %dma_start3A_2205, %dma_start3A_2206] : memref<8x200x64xf32, #tpu.memory_space<vmem>> -> memref<1x50x64xf32, #tpu.memory_space<vmem>>
      %dma_start3A_2208 = tpu.memref_squeeze %dma_start3A_2207 : memref<1x50x64xf32, #tpu.memory_space<vmem>> -> memref<50x64xf32, #tpu.memory_space<vmem>>
      tpu.enqueue_dma source(%dma_start3A_2208 : memref<50x64xf32, #tpu.memory_space<vmem>>) target(%dma_start3A_2204 : memref<50x64xf32, #tpu.memory_space<hbm>>) target_semaphore(%arg33 : memref<!tpu.dma_semaphore, #tpu.memory_space<semaphore_mem>>)
      %add3A_2209 = arith.constant 3 : i32
      %add3A_2210 = arith.addi %add3A_2151, %add3A_2209 : i32
      %dma_start3A_2211 = arith.constant 4 : i32
      %dma_start3A_2212 = arith.constant 150 : i32
      %dma_start3A_2213 = arith.constant 0 : i32
      %dma_start3A_2214 = tpu.memref_slice %arg12[%dma_start3A_2211, %dma_start3A_2212, %dma_start3A_2213] : memref<8x200x64xf32, #tpu.memory_space<vmem>> -> memref<1x50x64xf32, #tpu.memory_space<vmem>>
      %dma_start3A_2215 = tpu.memref_squeeze %dma_start3A_2214 : memref<1x50x64xf32, #tpu.memory_space<vmem>> -> memref<50x64xf32, #tpu.memory_space<vmem>>
      %dma_start3A_2216 = arith.constant 0 : i32
      %dma_start3A_2217 = arith.constant 0 : i32
      %dma_start3A_2218 = tpu.memref_slice %arg8[%add3A_2210, %dma_start3A_2216, %dma_start3A_2217] : memref<4096x56x128xf32, #tpu.memory_space<hbm>> -> memref<1x50x64xf32, #tpu.memory_space<hbm>>
      %dma_start3A_2219 = tpu.memref_squeeze %dma_start3A_2218 : memref<1x50x64xf32, #tpu.memory_space<hbm>> -> memref<50x64xf32, #tpu.memory_space<hbm>>
      %dma_start3A_2220 = arith.constant 0 : i32
      %dma_start3A_2221 = arith.constant 0 : i32
      %dma_start3A_2222 = tpu.memref_slice %arg8[%add3A_2210, %dma_start3A_2220, %dma_start3A_2221] : memref<4096x56x128xf32, #tpu.memory_space<hbm>> -> memref<1x50x64xf32, #tpu.memory_space<hbm>>
      %dma_start3A_2223 = tpu.memref_squeeze %dma_start3A_2222 : memref<1x50x64xf32, #tpu.memory_space<hbm>> -> memref<50x64xf32, #tpu.memory_space<hbm>>
      %dma_start3A_2224 = arith.constant 150 : i32
      %dma_start3A_2225 = arith.constant 0 : i32
      %dma_start3A_2226 = tpu.memref_slice %arg12[%dma_start3A_2211, %dma_start3A_2224, %dma_start3A_2225] : memref<8x200x64xf32, #tpu.memory_space<vmem>> -> memref<1x50x64xf32, #tpu.memory_space<vmem>>
      %dma_start3A_2227 = tpu.memref_squeeze %dma_start3A_2226 : memref<1x50x64xf32, #tpu.memory_space<vmem>> -> memref<50x64xf32, #tpu.memory_space<vmem>>
      tpu.enqueue_dma source(%dma_start3A_2227 : memref<50x64xf32, #tpu.memory_space<vmem>>) target(%dma_start3A_2223 : memref<50x64xf32, #tpu.memory_space<hbm>>) target_semaphore(%arg33 : memref<!tpu.dma_semaphore, #tpu.memory_space<semaphore_mem>>)
      %add3A_2228 = arith.constant 2 : i32
      %add3A_2229 = arith.addi %mul3A_1768, %add3A_2228 : i32
      %sub3A_2230 = arith.constant 7 : i32
      %sub3A_2231 = arith.subi %add3A_2229, %sub3A_2230 : i32
      %mul3A_2232 = arith.constant 128 : i32
      %mul3A_2233 = arith.muli %add3A, %mul3A_2232 : i32
      %mul3A_2234 = arith.constant 4 : i32
      %mul3A_2235 = arith.muli %sub3A_2231, %mul3A_2234 : i32
      %add3A_2236 = arith.addi %mul3A_2233, %mul3A_2235 : i32
      %add3A_2237 = arith.constant 0 : i32
      %add3A_2238 = arith.addi %add3A_2236, %add3A_2237 : i32
      %dma_wait3A_2239 = arith.constant 3 : i32
      %dma_wait3A_2240 = arith.constant 0 : i32
      %dma_wait3A_2241 = arith.constant 0 : i32
      %dma_wait3A_2242 = tpu.memref_slice %arg12[%dma_wait3A_2239, %dma_wait3A_2240, %dma_wait3A_2241] : memref<8x200x64xf32, #tpu.memory_space<vmem>> -> memref<1x50x64xf32, #tpu.memory_space<vmem>>
      %dma_wait3A_2243 = tpu.memref_squeeze %dma_wait3A_2242 : memref<1x50x64xf32, #tpu.memory_space<vmem>> -> memref<50x64xf32, #tpu.memory_space<vmem>>
      %dma_wait3A_2244 = arith.constant 0 : i32
      %dma_wait3A_2245 = arith.constant 0 : i32
      %dma_wait3A_2246 = tpu.memref_slice %arg8[%add3A_2238, %dma_wait3A_2244, %dma_wait3A_2245] : memref<4096x56x128xf32, #tpu.memory_space<hbm>> -> memref<1x50x64xf32, #tpu.memory_space<hbm>>
      %dma_wait3A_2247 = tpu.memref_squeeze %dma_wait3A_2246 : memref<1x50x64xf32, #tpu.memory_space<hbm>> -> memref<50x64xf32, #tpu.memory_space<hbm>>
      %dma_wait3A_2248 = arith.constant 0 : i32
      %dma_wait3A_2249 = arith.constant 0 : i32
      %dma_wait3A_2250 = tpu.memref_slice %arg8[%add3A_2238, %dma_wait3A_2248, %dma_wait3A_2249] : memref<4096x56x128xf32, #tpu.memory_space<hbm>> -> memref<1x50x64xf32, #tpu.memory_space<hbm>>
      %dma_wait3A_2251 = tpu.memref_squeeze %dma_wait3A_2250 : memref<1x50x64xf32, #tpu.memory_space<hbm>> -> memref<50x64xf32, #tpu.memory_space<hbm>>
      %dma_wait3A_2252 = arith.constant 0 : i32
      %dma_wait3A_2253 = arith.constant 0 : i32
      %dma_wait3A_2254 = tpu.memref_slice %arg12[%dma_wait3A_2239, %dma_wait3A_2252, %dma_wait3A_2253] : memref<8x200x64xf32, #tpu.memory_space<vmem>> -> memref<1x50x64xf32, #tpu.memory_space<vmem>>
      %dma_wait3A_2255 = tpu.memref_squeeze %dma_wait3A_2254 : memref<1x50x64xf32, #tpu.memory_space<vmem>> -> memref<50x64xf32, #tpu.memory_space<vmem>>
      tpu.wait_dma2 semaphore(%arg32 : memref<!tpu.dma_semaphore, #tpu.memory_space<semaphore_mem>>) src(%dma_wait3A_2255 : memref<50x64xf32, #tpu.memory_space<vmem>>) dst(%dma_wait3A_2251 : memref<50x64xf32, #tpu.memory_space<hbm>>)
      %add3A_2256 = arith.constant 1 : i32
      %add3A_2257 = arith.addi %add3A_2236, %add3A_2256 : i32
      %dma_wait3A_2258 = arith.constant 3 : i32
      %dma_wait3A_2259 = arith.constant 50 : i32
      %dma_wait3A_2260 = arith.constant 0 : i32
      %dma_wait3A_2261 = tpu.memref_slice %arg12[%dma_wait3A_2258, %dma_wait3A_2259, %dma_wait3A_2260] : memref<8x200x64xf32, #tpu.memory_space<vmem>> -> memref<1x50x64xf32, #tpu.memory_space<vmem>>
      %dma_wait3A_2262 = tpu.memref_squeeze %dma_wait3A_2261 : memref<1x50x64xf32, #tpu.memory_space<vmem>> -> memref<50x64xf32, #tpu.memory_space<vmem>>
      %dma_wait3A_2263 = arith.constant 0 : i32
      %dma_wait3A_2264 = arith.constant 0 : i32
      %dma_wait3A_2265 = tpu.memref_slice %arg8[%add3A_2257, %dma_wait3A_2263, %dma_wait3A_2264] : memref<4096x56x128xf32, #tpu.memory_space<hbm>> -> memref<1x50x64xf32, #tpu.memory_space<hbm>>
      %dma_wait3A_2266 = tpu.memref_squeeze %dma_wait3A_2265 : memref<1x50x64xf32, #tpu.memory_space<hbm>> -> memref<50x64xf32, #tpu.memory_space<hbm>>
      %dma_wait3A_2267 = arith.constant 0 : i32
      %dma_wait3A_2268 = arith.constant 0 : i32
      %dma_wait3A_2269 = tpu.memref_slice %arg8[%add3A_2257, %dma_wait3A_2267, %dma_wait3A_2268] : memref<4096x56x128xf32, #tpu.memory_space<hbm>> -> memref<1x50x64xf32, #tpu.memory_space<hbm>>
      %dma_wait3A_2270 = tpu.memref_squeeze %dma_wait3A_2269 : memref<1x50x64xf32, #tpu.memory_space<hbm>> -> memref<50x64xf32, #tpu.memory_space<hbm>>
      %dma_wait3A_2271 = arith.constant 50 : i32
      %dma_wait3A_2272 = arith.constant 0 : i32
      %dma_wait3A_2273 = tpu.memref_slice %arg12[%dma_wait3A_2258, %dma_wait3A_2271, %dma_wait3A_2272] : memref<8x200x64xf32, #tpu.memory_space<vmem>> -> memref<1x50x64xf32, #tpu.memory_space<vmem>>
      %dma_wait3A_2274 = tpu.memref_squeeze %dma_wait3A_2273 : memref<1x50x64xf32, #tpu.memory_space<vmem>> -> memref<50x64xf32, #tpu.memory_space<vmem>>
      tpu.wait_dma2 semaphore(%arg32 : memref<!tpu.dma_semaphore, #tpu.memory_space<semaphore_mem>>) src(%dma_wait3A_2274 : memref<50x64xf32, #tpu.memory_space<vmem>>) dst(%dma_wait3A_2270 : memref<50x64xf32, #tpu.memory_space<hbm>>)
      %add3A_2275 = arith.constant 2 : i32
      %add3A_2276 = arith.addi %add3A_2236, %add3A_2275 : i32
      %dma_wait3A_2277 = arith.constant 3 : i32
      %dma_wait3A_2278 = arith.constant 100 : i32
      %dma_wait3A_2279 = arith.constant 0 : i32
      %dma_wait3A_2280 = tpu.memref_slice %arg12[%dma_wait3A_2277, %dma_wait3A_2278, %dma_wait3A_2279] : memref<8x200x64xf32, #tpu.memory_space<vmem>> -> memref<1x50x64xf32, #tpu.memory_space<vmem>>
      %dma_wait3A_2281 = tpu.memref_squeeze %dma_wait3A_2280 : memref<1x50x64xf32, #tpu.memory_space<vmem>> -> memref<50x64xf32, #tpu.memory_space<vmem>>
      %dma_wait3A_2282 = arith.constant 0 : i32
      %dma_wait3A_2283 = arith.constant 0 : i32
      %dma_wait3A_2284 = tpu.memref_slice %arg8[%add3A_2276, %dma_wait3A_2282, %dma_wait3A_2283] : memref<4096x56x128xf32, #tpu.memory_space<hbm>> -> memref<1x50x64xf32, #tpu.memory_space<hbm>>
      %dma_wait3A_2285 = tpu.memref_squeeze %dma_wait3A_2284 : memref<1x50x64xf32, #tpu.memory_space<hbm>> -> memref<50x64xf32, #tpu.memory_space<hbm>>
      %dma_wait3A_2286 = arith.constant 0 : i32
      %dma_wait3A_2287 = arith.constant 0 : i32
      %dma_wait3A_2288 = tpu.memref_slice %arg8[%add3A_2276, %dma_wait3A_2286, %dma_wait3A_2287] : memref<4096x56x128xf32, #tpu.memory_space<hbm>> -> memref<1x50x64xf32, #tpu.memory_space<hbm>>
      %dma_wait3A_2289 = tpu.memref_squeeze %dma_wait3A_2288 : memref<1x50x64xf32, #tpu.memory_space<hbm>> -> memref<50x64xf32, #tpu.memory_space<hbm>>
      %dma_wait3A_2290 = arith.constant 100 : i32
      %dma_wait3A_2291 = arith.constant 0 : i32
      %dma_wait3A_2292 = tpu.memref_slice %arg12[%dma_wait3A_2277, %dma_wait3A_2290, %dma_wait3A_2291] : memref<8x200x64xf32, #tpu.memory_space<vmem>> -> memref<1x50x64xf32, #tpu.memory_space<vmem>>
      %dma_wait3A_2293 = tpu.memref_squeeze %dma_wait3A_2292 : memref<1x50x64xf32, #tpu.memory_space<vmem>> -> memref<50x64xf32, #tpu.memory_space<vmem>>
      tpu.wait_dma2 semaphore(%arg32 : memref<!tpu.dma_semaphore, #tpu.memory_space<semaphore_mem>>) src(%dma_wait3A_2293 : memref<50x64xf32, #tpu.memory_space<vmem>>) dst(%dma_wait3A_2289 : memref<50x64xf32, #tpu.memory_space<hbm>>)
      %add3A_2294 = arith.constant 3 : i32
      %add3A_2295 = arith.addi %add3A_2236, %add3A_2294 : i32
      %dma_wait3A_2296 = arith.constant 3 : i32
      %dma_wait3A_2297 = arith.constant 150 : i32
      %dma_wait3A_2298 = arith.constant 0 : i32
      %dma_wait3A_2299 = tpu.memref_slice %arg12[%dma_wait3A_2296, %dma_wait3A_2297, %dma_wait3A_2298] : memref<8x200x64xf32, #tpu.memory_space<vmem>> -> memref<1x50x64xf32, #tpu.memory_space<vmem>>
      %dma_wait3A_2300 = tpu.memref_squeeze %dma_wait3A_2299 : memref<1x50x64xf32, #tpu.memory_space<vmem>> -> memref<50x64xf32, #tpu.memory_space<vmem>>
      %dma_wait3A_2301 = arith.constant 0 : i32
      %dma_wait3A_2302 = arith.constant 0 : i32
      %dma_wait3A_2303 = tpu.memref_slice %arg8[%add3A_2295, %dma_wait3A_2301, %dma_wait3A_2302] : memref<4096x56x128xf32, #tpu.memory_space<hbm>> -> memref<1x50x64xf32, #tpu.memory_space<hbm>>
      %dma_wait3A_2304 = tpu.memref_squeeze %dma_wait3A_2303 : memref<1x50x64xf32, #tpu.memory_space<hbm>> -> memref<50x64xf32, #tpu.memory_space<hbm>>
      %dma_wait3A_2305 = arith.constant 0 : i32
      %dma_wait3A_2306 = arith.constant 0 : i32
      %dma_wait3A_2307 = tpu.memref_slice %arg8[%add3A_2295, %dma_wait3A_2305, %dma_wait3A_2306] : memref<4096x56x128xf32, #tpu.memory_space<hbm>> -> memref<1x50x64xf32, #tpu.memory_space<hbm>>
      %dma_wait3A_2308 = tpu.memref_squeeze %dma_wait3A_2307 : memref<1x50x64xf32, #tpu.memory_space<hbm>> -> memref<50x64xf32, #tpu.memory_space<hbm>>
      %dma_wait3A_2309 = arith.constant 150 : i32
      %dma_wait3A_2310 = arith.constant 0 : i32
      %dma_wait3A_2311 = tpu.memref_slice %arg12[%dma_wait3A_2296, %dma_wait3A_2309, %dma_wait3A_2310] : memref<8x200x64xf32, #tpu.memory_space<vmem>> -> memref<1x50x64xf32, #tpu.memory_space<vmem>>
      %dma_wait3A_2312 = tpu.memref_squeeze %dma_wait3A_2311 : memref<1x50x64xf32, #tpu.memory_space<vmem>> -> memref<50x64xf32, #tpu.memory_space<vmem>>
      tpu.wait_dma2 semaphore(%arg32 : memref<!tpu.dma_semaphore, #tpu.memory_space<semaphore_mem>>) src(%dma_wait3A_2312 : memref<50x64xf32, #tpu.memory_space<vmem>>) dst(%dma_wait3A_2308 : memref<50x64xf32, #tpu.memory_space<hbm>>)
      %mul3A_2313 = arith.constant 200 : i32
      %mul3A_2314 = arith.muli %add3A_2229, %mul3A_2313 : i32
      %dma_start3A_2315 = arith.constant 2 : i32
      %dma_start3A_2316 = arith.constant 0 : i32
      %dma_start3A_2317 = arith.constant 0 : i32
      %dma_start3A_2318 = tpu.memref_slice %arg12[%dma_start3A_2315, %dma_start3A_2316, %dma_start3A_2317] : memref<8x200x64xf32, #tpu.memory_space<vmem>> -> memref<1x200x64xf32, #tpu.memory_space<vmem>>
      %dma_start3A_2319 = tpu.memref_squeeze %dma_start3A_2318 : memref<1x200x64xf32, #tpu.memory_space<vmem>> -> memref<200x64xf32, #tpu.memory_space<vmem>>
      %dma_start3A_2320 = tpu.memref_slice %arg9[%mul3A_2314] : memref<6400xi32, #tpu.memory_space<vmem>> -> memref<200xi32, #tpu.memory_space<vmem>>
      %dma_start3A_2321 = arith.constant 0 : i32
      %dma_start3A_2322 = arith.constant 0 : i32
      %dma_start3A_2323 = tpu.memref_slice %arg5[%dma_start3A_2321, %dma_start3A_2322] : memref<100000x64xf32, #tpu.memory_space<hbm>> -> memref<100000x64xf32, #tpu.memory_space<hbm>>
      tpu.enqueue_indirect_dma source(%dma_start3A_2323 : memref<100000x64xf32, #tpu.memory_space<hbm>>) target(%dma_start3A_2319 : memref<200x64xf32, #tpu.memory_space<vmem>>) offsets(%dma_start3A_2320 : memref<200xi32, #tpu.memory_space<vmem>>) semaphore(%arg15 : memref<!tpu.dma_semaphore, #tpu.memory_space<semaphore_mem>>)
      %sub3A_2324 = arith.constant 3 : i32
      %sub3A_2325 = arith.subi %add3A_2229, %sub3A_2324 : i32
      %mul3A_2326 = arith.constant 200 : i32
      %mul3A_2327 = arith.muli %sub3A_2325, %mul3A_2326 : i32
      %dma_wait3A_2328 = arith.constant 7 : i32
      %dma_wait3A_2329 = arith.constant 0 : i32
      %dma_wait3A_2330 = arith.constant 0 : i32
      %dma_wait3A_2331 = tpu.memref_slice %arg12[%dma_wait3A_2328, %dma_wait3A_2329, %dma_wait3A_2330] : memref<8x200x64xf32, #tpu.memory_space<vmem>> -> memref<1x200x64xf32, #tpu.memory_space<vmem>>
      %dma_wait3A_2332 = tpu.memref_squeeze %dma_wait3A_2331 : memref<1x200x64xf32, #tpu.memory_space<vmem>> -> memref<200x64xf32, #tpu.memory_space<vmem>>
      %dma_wait3A_2333 = tpu.memref_slice %arg9[%mul3A_2327] : memref<6400xi32, #tpu.memory_space<vmem>> -> memref<200xi32, #tpu.memory_space<vmem>>
      %dma_wait3A_2334 = arith.constant 0 : i32
      %dma_wait3A_2335 = arith.constant 0 : i32
      %dma_wait3A_2336 = tpu.memref_slice %arg5[%dma_wait3A_2334, %dma_wait3A_2335] : memref<100000x64xf32, #tpu.memory_space<hbm>> -> memref<100000x64xf32, #tpu.memory_space<hbm>>
      tpu.wait_indirect_dma semaphore(%arg20 : memref<!tpu.dma_semaphore, #tpu.memory_space<semaphore_mem>>) src(%dma_wait3A_2336 : memref<100000x64xf32, #tpu.memory_space<hbm>>) dst(%dma_wait3A_2332 : memref<200x64xf32, #tpu.memory_space<vmem>>)
      %dma_start3A_2337 = arith.constant 7 : i32
      %dma_start3A_2338 = arith.constant 0 : i32
      %dma_start3A_2339 = arith.constant 0 : i32
      %dma_start3A_2340 = tpu.memref_slice %arg12[%dma_start3A_2337, %dma_start3A_2338, %dma_start3A_2339] : memref<8x200x64xf32, #tpu.memory_space<vmem>> -> memref<1x200x64xf32, #tpu.memory_space<vmem>>
      %dma_start3A_2341 = tpu.memref_squeeze %dma_start3A_2340 : memref<1x200x64xf32, #tpu.memory_space<vmem>> -> memref<200x64xf32, #tpu.memory_space<vmem>>
      %dma_start3A_2342 = tpu.memref_slice %arg10[%mul3A_2327] : memref<6400xi32, #tpu.memory_space<vmem>> -> memref<200xi32, #tpu.memory_space<vmem>>
      %dma_start3A_2343 = arith.constant 0 : i32
      %dma_start3A_2344 = arith.constant 0 : i32
      %dma_start3A_2345 = tpu.memref_slice %arg6[%dma_start3A_2343, %dma_start3A_2344] : memref<100000x64xf32, #tpu.memory_space<hbm>> -> memref<100000x64xf32, #tpu.memory_space<hbm>>
      tpu.enqueue_indirect_dma source(%dma_start3A_2345 : memref<100000x64xf32, #tpu.memory_space<hbm>>) target(%dma_start3A_2341 : memref<200x64xf32, #tpu.memory_space<vmem>>) offsets(%dma_start3A_2342 : memref<200xi32, #tpu.memory_space<vmem>>) semaphore(%arg28 : memref<!tpu.dma_semaphore, #tpu.memory_space<semaphore_mem>>) {add = true}
      %dma_start3A_2346 = arith.constant 7 : i32
      %dma_start3A_2347 = arith.constant 0 : i32
      %dma_start3A_2348 = arith.constant 0 : i32
      %dma_start3A_2349 = tpu.memref_slice %arg12[%dma_start3A_2346, %dma_start3A_2347, %dma_start3A_2348] : memref<8x200x64xf32, #tpu.memory_space<vmem>> -> memref<1x200x64xf32, #tpu.memory_space<vmem>>
      %dma_start3A_2350 = tpu.memref_squeeze %dma_start3A_2349 : memref<1x200x64xf32, #tpu.memory_space<vmem>> -> memref<200x64xf32, #tpu.memory_space<vmem>>
      %dma_start3A_2351 = tpu.memref_slice %arg11[%mul3A_2327] : memref<6400xi32, #tpu.memory_space<vmem>> -> memref<200xi32, #tpu.memory_space<vmem>>
      %dma_start3A_2352 = arith.constant 0 : i32
      %dma_start3A_2353 = arith.constant 0 : i32
      %dma_start3A_2354 = tpu.memref_slice %arg7[%dma_start3A_2352, %dma_start3A_2353] : memref<100000x64xf32, #tpu.memory_space<hbm>> -> memref<100000x64xf32, #tpu.memory_space<hbm>>
      tpu.enqueue_indirect_dma source(%dma_start3A_2354 : memref<100000x64xf32, #tpu.memory_space<hbm>>) target(%dma_start3A_2350 : memref<200x64xf32, #tpu.memory_space<vmem>>) offsets(%dma_start3A_2351 : memref<200xi32, #tpu.memory_space<vmem>>) semaphore(%arg28 : memref<!tpu.dma_semaphore, #tpu.memory_space<semaphore_mem>>) {add = true}
      %sub3A_2355 = arith.constant 5 : i32
      %sub3A_2356 = arith.subi %add3A_2229, %sub3A_2355 : i32
      %mul3A_2357 = arith.constant 200 : i32
      %mul3A_2358 = arith.muli %sub3A_2356, %mul3A_2357 : i32
      %dma_wait3A_2359 = arith.constant 5 : i32
      %dma_wait3A_2360 = arith.constant 0 : i32
      %dma_wait3A_2361 = arith.constant 0 : i32
      %dma_wait3A_2362 = tpu.memref_slice %arg12[%dma_wait3A_2359, %dma_wait3A_2360, %dma_wait3A_2361] : memref<8x200x64xf32, #tpu.memory_space<vmem>> -> memref<1x200x64xf32, #tpu.memory_space<vmem>>
      %dma_wait3A_2363 = tpu.memref_squeeze %dma_wait3A_2362 : memref<1x200x64xf32, #tpu.memory_space<vmem>> -> memref<200x64xf32, #tpu.memory_space<vmem>>
      %dma_wait3A_2364 = tpu.memref_slice %arg10[%mul3A_2358] : memref<6400xi32, #tpu.memory_space<vmem>> -> memref<200xi32, #tpu.memory_space<vmem>>
      %dma_wait3A_2365 = arith.constant 0 : i32
      %dma_wait3A_2366 = arith.constant 0 : i32
      %dma_wait3A_2367 = tpu.memref_slice %arg6[%dma_wait3A_2365, %dma_wait3A_2366] : memref<100000x64xf32, #tpu.memory_space<hbm>> -> memref<100000x64xf32, #tpu.memory_space<hbm>>
      tpu.wait_indirect_dma semaphore(%arg26 : memref<!tpu.dma_semaphore, #tpu.memory_space<semaphore_mem>>) src(%dma_wait3A_2367 : memref<100000x64xf32, #tpu.memory_space<hbm>>) dst(%dma_wait3A_2363 : memref<200x64xf32, #tpu.memory_space<vmem>>)
      %dma_wait3A_2368 = arith.constant 5 : i32
      %dma_wait3A_2369 = arith.constant 0 : i32
      %dma_wait3A_2370 = arith.constant 0 : i32
      %dma_wait3A_2371 = tpu.memref_slice %arg12[%dma_wait3A_2368, %dma_wait3A_2369, %dma_wait3A_2370] : memref<8x200x64xf32, #tpu.memory_space<vmem>> -> memref<1x200x64xf32, #tpu.memory_space<vmem>>
      %dma_wait3A_2372 = tpu.memref_squeeze %dma_wait3A_2371 : memref<1x200x64xf32, #tpu.memory_space<vmem>> -> memref<200x64xf32, #tpu.memory_space<vmem>>
      %dma_wait3A_2373 = tpu.memref_slice %arg11[%mul3A_2358] : memref<6400xi32, #tpu.memory_space<vmem>> -> memref<200xi32, #tpu.memory_space<vmem>>
      %dma_wait3A_2374 = arith.constant 0 : i32
      %dma_wait3A_2375 = arith.constant 0 : i32
      %dma_wait3A_2376 = tpu.memref_slice %arg7[%dma_wait3A_2374, %dma_wait3A_2375] : memref<100000x64xf32, #tpu.memory_space<hbm>> -> memref<100000x64xf32, #tpu.memory_space<hbm>>
      tpu.wait_indirect_dma semaphore(%arg26 : memref<!tpu.dma_semaphore, #tpu.memory_space<semaphore_mem>>) src(%dma_wait3A_2376 : memref<100000x64xf32, #tpu.memory_space<hbm>>) dst(%dma_wait3A_2372 : memref<200x64xf32, #tpu.memory_space<vmem>>)
      %mul3A_2377 = arith.constant 128 : i32
      %mul3A_2378 = arith.muli %add3A, %mul3A_2377 : i32
      %mul3A_2379 = arith.constant 4 : i32
      %mul3A_2380 = arith.muli %sub3A_2356, %mul3A_2379 : i32
      %add3A_2381 = arith.addi %mul3A_2378, %mul3A_2380 : i32
      %add3A_2382 = arith.constant 0 : i32
      %add3A_2383 = arith.addi %add3A_2381, %add3A_2382 : i32
      %dma_start3A_2384 = arith.constant 5 : i32
      %dma_start3A_2385 = arith.constant 0 : i32
      %dma_start3A_2386 = arith.constant 0 : i32
      %dma_start3A_2387 = tpu.memref_slice %arg12[%dma_start3A_2384, %dma_start3A_2385, %dma_start3A_2386] : memref<8x200x64xf32, #tpu.memory_space<vmem>> -> memref<1x50x64xf32, #tpu.memory_space<vmem>>
      %dma_start3A_2388 = tpu.memref_squeeze %dma_start3A_2387 : memref<1x50x64xf32, #tpu.memory_space<vmem>> -> memref<50x64xf32, #tpu.memory_space<vmem>>
      %dma_start3A_2389 = arith.constant 0 : i32
      %dma_start3A_2390 = arith.constant 0 : i32
      %dma_start3A_2391 = tpu.memref_slice %arg8[%add3A_2383, %dma_start3A_2389, %dma_start3A_2390] : memref<4096x56x128xf32, #tpu.memory_space<hbm>> -> memref<1x50x64xf32, #tpu.memory_space<hbm>>
      %dma_start3A_2392 = tpu.memref_squeeze %dma_start3A_2391 : memref<1x50x64xf32, #tpu.memory_space<hbm>> -> memref<50x64xf32, #tpu.memory_space<hbm>>
      %dma_start3A_2393 = arith.constant 0 : i32
      %dma_start3A_2394 = arith.constant 0 : i32
      %dma_start3A_2395 = tpu.memref_slice %arg8[%add3A_2383, %dma_start3A_2393, %dma_start3A_2394] : memref<4096x56x128xf32, #tpu.memory_space<hbm>> -> memref<1x50x64xf32, #tpu.memory_space<hbm>>
      %dma_start3A_2396 = tpu.memref_squeeze %dma_start3A_2395 : memref<1x50x64xf32, #tpu.memory_space<hbm>> -> memref<50x64xf32, #tpu.memory_space<hbm>>
      %dma_start3A_2397 = arith.constant 0 : i32
      %dma_start3A_2398 = arith.constant 0 : i32
      %dma_start3A_2399 = tpu.memref_slice %arg12[%dma_start3A_2384, %dma_start3A_2397, %dma_start3A_2398] : memref<8x200x64xf32, #tpu.memory_space<vmem>> -> memref<1x50x64xf32, #tpu.memory_space<vmem>>
      %dma_start3A_2400 = tpu.memref_squeeze %dma_start3A_2399 : memref<1x50x64xf32, #tpu.memory_space<vmem>> -> memref<50x64xf32, #tpu.memory_space<vmem>>
      tpu.enqueue_dma source(%dma_start3A_2400 : memref<50x64xf32, #tpu.memory_space<vmem>>) target(%dma_start3A_2396 : memref<50x64xf32, #tpu.memory_space<hbm>>) target_semaphore(%arg34 : memref<!tpu.dma_semaphore, #tpu.memory_space<semaphore_mem>>)
      %add3A_2401 = arith.constant 1 : i32
      %add3A_2402 = arith.addi %add3A_2381, %add3A_2401 : i32
      %dma_start3A_2403 = arith.constant 5 : i32
      %dma_start3A_2404 = arith.constant 50 : i32
      %dma_start3A_2405 = arith.constant 0 : i32
      %dma_start3A_2406 = tpu.memref_slice %arg12[%dma_start3A_2403, %dma_start3A_2404, %dma_start3A_2405] : memref<8x200x64xf32, #tpu.memory_space<vmem>> -> memref<1x50x64xf32, #tpu.memory_space<vmem>>
      %dma_start3A_2407 = tpu.memref_squeeze %dma_start3A_2406 : memref<1x50x64xf32, #tpu.memory_space<vmem>> -> memref<50x64xf32, #tpu.memory_space<vmem>>
      %dma_start3A_2408 = arith.constant 0 : i32
      %dma_start3A_2409 = arith.constant 0 : i32
      %dma_start3A_2410 = tpu.memref_slice %arg8[%add3A_2402, %dma_start3A_2408, %dma_start3A_2409] : memref<4096x56x128xf32, #tpu.memory_space<hbm>> -> memref<1x50x64xf32, #tpu.memory_space<hbm>>
      %dma_start3A_2411 = tpu.memref_squeeze %dma_start3A_2410 : memref<1x50x64xf32, #tpu.memory_space<hbm>> -> memref<50x64xf32, #tpu.memory_space<hbm>>
      %dma_start3A_2412 = arith.constant 0 : i32
      %dma_start3A_2413 = arith.constant 0 : i32
      %dma_start3A_2414 = tpu.memref_slice %arg8[%add3A_2402, %dma_start3A_2412, %dma_start3A_2413] : memref<4096x56x128xf32, #tpu.memory_space<hbm>> -> memref<1x50x64xf32, #tpu.memory_space<hbm>>
      %dma_start3A_2415 = tpu.memref_squeeze %dma_start3A_2414 : memref<1x50x64xf32, #tpu.memory_space<hbm>> -> memref<50x64xf32, #tpu.memory_space<hbm>>
      %dma_start3A_2416 = arith.constant 50 : i32
      %dma_start3A_2417 = arith.constant 0 : i32
      %dma_start3A_2418 = tpu.memref_slice %arg12[%dma_start3A_2403, %dma_start3A_2416, %dma_start3A_2417] : memref<8x200x64xf32, #tpu.memory_space<vmem>> -> memref<1x50x64xf32, #tpu.memory_space<vmem>>
      %dma_start3A_2419 = tpu.memref_squeeze %dma_start3A_2418 : memref<1x50x64xf32, #tpu.memory_space<vmem>> -> memref<50x64xf32, #tpu.memory_space<vmem>>
      tpu.enqueue_dma source(%dma_start3A_2419 : memref<50x64xf32, #tpu.memory_space<vmem>>) target(%dma_start3A_2415 : memref<50x64xf32, #tpu.memory_space<hbm>>) target_semaphore(%arg34 : memref<!tpu.dma_semaphore, #tpu.memory_space<semaphore_mem>>)
      %add3A_2420 = arith.constant 2 : i32
      %add3A_2421 = arith.addi %add3A_2381, %add3A_2420 : i32
      %dma_start3A_2422 = arith.constant 5 : i32
      %dma_start3A_2423 = arith.constant 100 : i32
      %dma_start3A_2424 = arith.constant 0 : i32
      %dma_start3A_2425 = tpu.memref_slice %arg12[%dma_start3A_2422, %dma_start3A_2423, %dma_start3A_2424] : memref<8x200x64xf32, #tpu.memory_space<vmem>> -> memref<1x50x64xf32, #tpu.memory_space<vmem>>
      %dma_start3A_2426 = tpu.memref_squeeze %dma_start3A_2425 : memref<1x50x64xf32, #tpu.memory_space<vmem>> -> memref<50x64xf32, #tpu.memory_space<vmem>>
      %dma_start3A_2427 = arith.constant 0 : i32
      %dma_start3A_2428 = arith.constant 0 : i32
      %dma_start3A_2429 = tpu.memref_slice %arg8[%add3A_2421, %dma_start3A_2427, %dma_start3A_2428] : memref<4096x56x128xf32, #tpu.memory_space<hbm>> -> memref<1x50x64xf32, #tpu.memory_space<hbm>>
      %dma_start3A_2430 = tpu.memref_squeeze %dma_start3A_2429 : memref<1x50x64xf32, #tpu.memory_space<hbm>> -> memref<50x64xf32, #tpu.memory_space<hbm>>
      %dma_start3A_2431 = arith.constant 0 : i32
      %dma_start3A_2432 = arith.constant 0 : i32
      %dma_start3A_2433 = tpu.memref_slice %arg8[%add3A_2421, %dma_start3A_2431, %dma_start3A_2432] : memref<4096x56x128xf32, #tpu.memory_space<hbm>> -> memref<1x50x64xf32, #tpu.memory_space<hbm>>
      %dma_start3A_2434 = tpu.memref_squeeze %dma_start3A_2433 : memref<1x50x64xf32, #tpu.memory_space<hbm>> -> memref<50x64xf32, #tpu.memory_space<hbm>>
      %dma_start3A_2435 = arith.constant 100 : i32
      %dma_start3A_2436 = arith.constant 0 : i32
      %dma_start3A_2437 = tpu.memref_slice %arg12[%dma_start3A_2422, %dma_start3A_2435, %dma_start3A_2436] : memref<8x200x64xf32, #tpu.memory_space<vmem>> -> memref<1x50x64xf32, #tpu.memory_space<vmem>>
      %dma_start3A_2438 = tpu.memref_squeeze %dma_start3A_2437 : memref<1x50x64xf32, #tpu.memory_space<vmem>> -> memref<50x64xf32, #tpu.memory_space<vmem>>
      tpu.enqueue_dma source(%dma_start3A_2438 : memref<50x64xf32, #tpu.memory_space<vmem>>) target(%dma_start3A_2434 : memref<50x64xf32, #tpu.memory_space<hbm>>) target_semaphore(%arg34 : memref<!tpu.dma_semaphore, #tpu.memory_space<semaphore_mem>>)
      %add3A_2439 = arith.constant 3 : i32
      %add3A_2440 = arith.addi %add3A_2381, %add3A_2439 : i32
      %dma_start3A_2441 = arith.constant 5 : i32
      %dma_start3A_2442 = arith.constant 150 : i32
      %dma_start3A_2443 = arith.constant 0 : i32
      %dma_start3A_2444 = tpu.memref_slice %arg12[%dma_start3A_2441, %dma_start3A_2442, %dma_start3A_2443] : memref<8x200x64xf32, #tpu.memory_space<vmem>> -> memref<1x50x64xf32, #tpu.memory_space<vmem>>
      %dma_start3A_2445 = tpu.memref_squeeze %dma_start3A_2444 : memref<1x50x64xf32, #tpu.memory_space<vmem>> -> memref<50x64xf32, #tpu.memory_space<vmem>>
      %dma_start3A_2446 = arith.constant 0 : i32
      %dma_start3A_2447 = arith.constant 0 : i32
      %dma_start3A_2448 = tpu.memref_slice %arg8[%add3A_2440, %dma_start3A_2446, %dma_start3A_2447] : memref<4096x56x128xf32, #tpu.memory_space<hbm>> -> memref<1x50x64xf32, #tpu.memory_space<hbm>>
      %dma_start3A_2449 = tpu.memref_squeeze %dma_start3A_2448 : memref<1x50x64xf32, #tpu.memory_space<hbm>> -> memref<50x64xf32, #tpu.memory_space<hbm>>
      %dma_start3A_2450 = arith.constant 0 : i32
      %dma_start3A_2451 = arith.constant 0 : i32
      %dma_start3A_2452 = tpu.memref_slice %arg8[%add3A_2440, %dma_start3A_2450, %dma_start3A_2451] : memref<4096x56x128xf32, #tpu.memory_space<hbm>> -> memref<1x50x64xf32, #tpu.memory_space<hbm>>
      %dma_start3A_2453 = tpu.memref_squeeze %dma_start3A_2452 : memref<1x50x64xf32, #tpu.memory_space<hbm>> -> memref<50x64xf32, #tpu.memory_space<hbm>>
      %dma_start3A_2454 = arith.constant 150 : i32
      %dma_start3A_2455 = arith.constant 0 : i32
      %dma_start3A_2456 = tpu.memref_slice %arg12[%dma_start3A_2441, %dma_start3A_2454, %dma_start3A_2455] : memref<8x200x64xf32, #tpu.memory_space<vmem>> -> memref<1x50x64xf32, #tpu.memory_space<vmem>>
      %dma_start3A_2457 = tpu.memref_squeeze %dma_start3A_2456 : memref<1x50x64xf32, #tpu.memory_space<vmem>> -> memref<50x64xf32, #tpu.memory_space<vmem>>
      tpu.enqueue_dma source(%dma_start3A_2457 : memref<50x64xf32, #tpu.memory_space<vmem>>) target(%dma_start3A_2453 : memref<50x64xf32, #tpu.memory_space<hbm>>) target_semaphore(%arg34 : memref<!tpu.dma_semaphore, #tpu.memory_space<semaphore_mem>>)
      %add3A_2458 = arith.constant 3 : i32
      %add3A_2459 = arith.addi %mul3A_1768, %add3A_2458 : i32
      %sub3A_2460 = arith.constant 7 : i32
      %sub3A_2461 = arith.subi %add3A_2459, %sub3A_2460 : i32
      %mul3A_2462 = arith.constant 128 : i32
      %mul3A_2463 = arith.muli %add3A, %mul3A_2462 : i32
      %mul3A_2464 = arith.constant 4 : i32
      %mul3A_2465 = arith.muli %sub3A_2461, %mul3A_2464 : i32
      %add3A_2466 = arith.addi %mul3A_2463, %mul3A_2465 : i32
      %add3A_2467 = arith.constant 0 : i32
      %add3A_2468 = arith.addi %add3A_2466, %add3A_2467 : i32
      %dma_wait3A_2469 = arith.constant 4 : i32
      %dma_wait3A_2470 = arith.constant 0 : i32
      %dma_wait3A_2471 = arith.constant 0 : i32
      %dma_wait3A_2472 = tpu.memref_slice %arg12[%dma_wait3A_2469, %dma_wait3A_2470, %dma_wait3A_2471] : memref<8x200x64xf32, #tpu.memory_space<vmem>> -> memref<1x50x64xf32, #tpu.memory_space<vmem>>
      %dma_wait3A_2473 = tpu.memref_squeeze %dma_wait3A_2472 : memref<1x50x64xf32, #tpu.memory_space<vmem>> -> memref<50x64xf32, #tpu.memory_space<vmem>>
      %dma_wait3A_2474 = arith.constant 0 : i32
      %dma_wait3A_2475 = arith.constant 0 : i32
      %dma_wait3A_2476 = tpu.memref_slice %arg8[%add3A_2468, %dma_wait3A_2474, %dma_wait3A_2475] : memref<4096x56x128xf32, #tpu.memory_space<hbm>> -> memref<1x50x64xf32, #tpu.memory_space<hbm>>
      %dma_wait3A_2477 = tpu.memref_squeeze %dma_wait3A_2476 : memref<1x50x64xf32, #tpu.memory_space<hbm>> -> memref<50x64xf32, #tpu.memory_space<hbm>>
      %dma_wait3A_2478 = arith.constant 0 : i32
      %dma_wait3A_2479 = arith.constant 0 : i32
      %dma_wait3A_2480 = tpu.memref_slice %arg8[%add3A_2468, %dma_wait3A_2478, %dma_wait3A_2479] : memref<4096x56x128xf32, #tpu.memory_space<hbm>> -> memref<1x50x64xf32, #tpu.memory_space<hbm>>
      %dma_wait3A_2481 = tpu.memref_squeeze %dma_wait3A_2480 : memref<1x50x64xf32, #tpu.memory_space<hbm>> -> memref<50x64xf32, #tpu.memory_space<hbm>>
      %dma_wait3A_2482 = arith.constant 0 : i32
      %dma_wait3A_2483 = arith.constant 0 : i32
      %dma_wait3A_2484 = tpu.memref_slice %arg12[%dma_wait3A_2469, %dma_wait3A_2482, %dma_wait3A_2483] : memref<8x200x64xf32, #tpu.memory_space<vmem>> -> memref<1x50x64xf32, #tpu.memory_space<vmem>>
      %dma_wait3A_2485 = tpu.memref_squeeze %dma_wait3A_2484 : memref<1x50x64xf32, #tpu.memory_space<vmem>> -> memref<50x64xf32, #tpu.memory_space<vmem>>
      tpu.wait_dma2 semaphore(%arg33 : memref<!tpu.dma_semaphore, #tpu.memory_space<semaphore_mem>>) src(%dma_wait3A_2485 : memref<50x64xf32, #tpu.memory_space<vmem>>) dst(%dma_wait3A_2481 : memref<50x64xf32, #tpu.memory_space<hbm>>)
      %add3A_2486 = arith.constant 1 : i32
      %add3A_2487 = arith.addi %add3A_2466, %add3A_2486 : i32
      %dma_wait3A_2488 = arith.constant 4 : i32
      %dma_wait3A_2489 = arith.constant 50 : i32
      %dma_wait3A_2490 = arith.constant 0 : i32
      %dma_wait3A_2491 = tpu.memref_slice %arg12[%dma_wait3A_2488, %dma_wait3A_2489, %dma_wait3A_2490] : memref<8x200x64xf32, #tpu.memory_space<vmem>> -> memref<1x50x64xf32, #tpu.memory_space<vmem>>
      %dma_wait3A_2492 = tpu.memref_squeeze %dma_wait3A_2491 : memref<1x50x64xf32, #tpu.memory_space<vmem>> -> memref<50x64xf32, #tpu.memory_space<vmem>>
      %dma_wait3A_2493 = arith.constant 0 : i32
      %dma_wait3A_2494 = arith.constant 0 : i32
      %dma_wait3A_2495 = tpu.memref_slice %arg8[%add3A_2487, %dma_wait3A_2493, %dma_wait3A_2494] : memref<4096x56x128xf32, #tpu.memory_space<hbm>> -> memref<1x50x64xf32, #tpu.memory_space<hbm>>
      %dma_wait3A_2496 = tpu.memref_squeeze %dma_wait3A_2495 : memref<1x50x64xf32, #tpu.memory_space<hbm>> -> memref<50x64xf32, #tpu.memory_space<hbm>>
      %dma_wait3A_2497 = arith.constant 0 : i32
      %dma_wait3A_2498 = arith.constant 0 : i32
      %dma_wait3A_2499 = tpu.memref_slice %arg8[%add3A_2487, %dma_wait3A_2497, %dma_wait3A_2498] : memref<4096x56x128xf32, #tpu.memory_space<hbm>> -> memref<1x50x64xf32, #tpu.memory_space<hbm>>
      %dma_wait3A_2500 = tpu.memref_squeeze %dma_wait3A_2499 : memref<1x50x64xf32, #tpu.memory_space<hbm>> -> memref<50x64xf32, #tpu.memory_space<hbm>>
      %dma_wait3A_2501 = arith.constant 50 : i32
      %dma_wait3A_2502 = arith.constant 0 : i32
      %dma_wait3A_2503 = tpu.memref_slice %arg12[%dma_wait3A_2488, %dma_wait3A_2501, %dma_wait3A_2502] : memref<8x200x64xf32, #tpu.memory_space<vmem>> -> memref<1x50x64xf32, #tpu.memory_space<vmem>>
      %dma_wait3A_2504 = tpu.memref_squeeze %dma_wait3A_2503 : memref<1x50x64xf32, #tpu.memory_space<vmem>> -> memref<50x64xf32, #tpu.memory_space<vmem>>
      tpu.wait_dma2 semaphore(%arg33 : memref<!tpu.dma_semaphore, #tpu.memory_space<semaphore_mem>>) src(%dma_wait3A_2504 : memref<50x64xf32, #tpu.memory_space<vmem>>) dst(%dma_wait3A_2500 : memref<50x64xf32, #tpu.memory_space<hbm>>)
      %add3A_2505 = arith.constant 2 : i32
      %add3A_2506 = arith.addi %add3A_2466, %add3A_2505 : i32
      %dma_wait3A_2507 = arith.constant 4 : i32
      %dma_wait3A_2508 = arith.constant 100 : i32
      %dma_wait3A_2509 = arith.constant 0 : i32
      %dma_wait3A_2510 = tpu.memref_slice %arg12[%dma_wait3A_2507, %dma_wait3A_2508, %dma_wait3A_2509] : memref<8x200x64xf32, #tpu.memory_space<vmem>> -> memref<1x50x64xf32, #tpu.memory_space<vmem>>
      %dma_wait3A_2511 = tpu.memref_squeeze %dma_wait3A_2510 : memref<1x50x64xf32, #tpu.memory_space<vmem>> -> memref<50x64xf32, #tpu.memory_space<vmem>>
      %dma_wait3A_2512 = arith.constant 0 : i32
      %dma_wait3A_2513 = arith.constant 0 : i32
      %dma_wait3A_2514 = tpu.memref_slice %arg8[%add3A_2506, %dma_wait3A_2512, %dma_wait3A_2513] : memref<4096x56x128xf32, #tpu.memory_space<hbm>> -> memref<1x50x64xf32, #tpu.memory_space<hbm>>
      %dma_wait3A_2515 = tpu.memref_squeeze %dma_wait3A_2514 : memref<1x50x64xf32, #tpu.memory_space<hbm>> -> memref<50x64xf32, #tpu.memory_space<hbm>>
      %dma_wait3A_2516 = arith.constant 0 : i32
      %dma_wait3A_2517 = arith.constant 0 : i32
      %dma_wait3A_2518 = tpu.memref_slice %arg8[%add3A_2506, %dma_wait3A_2516, %dma_wait3A_2517] : memref<4096x56x128xf32, #tpu.memory_space<hbm>> -> memref<1x50x64xf32, #tpu.memory_space<hbm>>
      %dma_wait3A_2519 = tpu.memref_squeeze %dma_wait3A_2518 : memref<1x50x64xf32, #tpu.memory_space<hbm>> -> memref<50x64xf32, #tpu.memory_space<hbm>>
      %dma_wait3A_2520 = arith.constant 100 : i32
      %dma_wait3A_2521 = arith.constant 0 : i32
      %dma_wait3A_2522 = tpu.memref_slice %arg12[%dma_wait3A_2507, %dma_wait3A_2520, %dma_wait3A_2521] : memref<8x200x64xf32, #tpu.memory_space<vmem>> -> memref<1x50x64xf32, #tpu.memory_space<vmem>>
      %dma_wait3A_2523 = tpu.memref_squeeze %dma_wait3A_2522 : memref<1x50x64xf32, #tpu.memory_space<vmem>> -> memref<50x64xf32, #tpu.memory_space<vmem>>
      tpu.wait_dma2 semaphore(%arg33 : memref<!tpu.dma_semaphore, #tpu.memory_space<semaphore_mem>>) src(%dma_wait3A_2523 : memref<50x64xf32, #tpu.memory_space<vmem>>) dst(%dma_wait3A_2519 : memref<50x64xf32, #tpu.memory_space<hbm>>)
      %add3A_2524 = arith.constant 3 : i32
      %add3A_2525 = arith.addi %add3A_2466, %add3A_2524 : i32
      %dma_wait3A_2526 = arith.constant 4 : i32
      %dma_wait3A_2527 = arith.constant 150 : i32
      %dma_wait3A_2528 = arith.constant 0 : i32
      %dma_wait3A_2529 = tpu.memref_slice %arg12[%dma_wait3A_2526, %dma_wait3A_2527, %dma_wait3A_2528] : memref<8x200x64xf32, #tpu.memory_space<vmem>> -> memref<1x50x64xf32, #tpu.memory_space<vmem>>
      %dma_wait3A_2530 = tpu.memref_squeeze %dma_wait3A_2529 : memref<1x50x64xf32, #tpu.memory_space<vmem>> -> memref<50x64xf32, #tpu.memory_space<vmem>>
      %dma_wait3A_2531 = arith.constant 0 : i32
      %dma_wait3A_2532 = arith.constant 0 : i32
      %dma_wait3A_2533 = tpu.memref_slice %arg8[%add3A_2525, %dma_wait3A_2531, %dma_wait3A_2532] : memref<4096x56x128xf32, #tpu.memory_space<hbm>> -> memref<1x50x64xf32, #tpu.memory_space<hbm>>
      %dma_wait3A_2534 = tpu.memref_squeeze %dma_wait3A_2533 : memref<1x50x64xf32, #tpu.memory_space<hbm>> -> memref<50x64xf32, #tpu.memory_space<hbm>>
      %dma_wait3A_2535 = arith.constant 0 : i32
      %dma_wait3A_2536 = arith.constant 0 : i32
      %dma_wait3A_2537 = tpu.memref_slice %arg8[%add3A_2525, %dma_wait3A_2535, %dma_wait3A_2536] : memref<4096x56x128xf32, #tpu.memory_space<hbm>> -> memref<1x50x64xf32, #tpu.memory_space<hbm>>
      %dma_wait3A_2538 = tpu.memref_squeeze %dma_wait3A_2537 : memref<1x50x64xf32, #tpu.memory_space<hbm>> -> memref<50x64xf32, #tpu.memory_space<hbm>>
      %dma_wait3A_2539 = arith.constant 150 : i32
      %dma_wait3A_2540 = arith.constant 0 : i32
      %dma_wait3A_2541 = tpu.memref_slice %arg12[%dma_wait3A_2526, %dma_wait3A_2539, %dma_wait3A_2540] : memref<8x200x64xf32, #tpu.memory_space<vmem>> -> memref<1x50x64xf32, #tpu.memory_space<vmem>>
      %dma_wait3A_2542 = tpu.memref_squeeze %dma_wait3A_2541 : memref<1x50x64xf32, #tpu.memory_space<vmem>> -> memref<50x64xf32, #tpu.memory_space<vmem>>
      tpu.wait_dma2 semaphore(%arg33 : memref<!tpu.dma_semaphore, #tpu.memory_space<semaphore_mem>>) src(%dma_wait3A_2542 : memref<50x64xf32, #tpu.memory_space<vmem>>) dst(%dma_wait3A_2538 : memref<50x64xf32, #tpu.memory_space<hbm>>)
      %mul3A_2543 = arith.constant 200 : i32
      %mul3A_2544 = arith.muli %add3A_2459, %mul3A_2543 : i32
      %dma_start3A_2545 = arith.constant 3 : i32
      %dma_start3A_2546 = arith.constant 0 : i32
      %dma_start3A_2547 = arith.constant 0 : i32
      %dma_start3A_2548 = tpu.memref_slice %arg12[%dma_start3A_2545, %dma_start3A_2546, %dma_start3A_2547] : memref<8x200x64xf32, #tpu.memory_space<vmem>> -> memref<1x200x64xf32, #tpu.memory_space<vmem>>
      %dma_start3A_2549 = tpu.memref_squeeze %dma_start3A_2548 : memref<1x200x64xf32, #tpu.memory_space<vmem>> -> memref<200x64xf32, #tpu.memory_space<vmem>>
      %dma_start3A_2550 = tpu.memref_slice %arg9[%mul3A_2544] : memref<6400xi32, #tpu.memory_space<vmem>> -> memref<200xi32, #tpu.memory_space<vmem>>
      %dma_start3A_2551 = arith.constant 0 : i32
      %dma_start3A_2552 = arith.constant 0 : i32
      %dma_start3A_2553 = tpu.memref_slice %arg5[%dma_start3A_2551, %dma_start3A_2552] : memref<100000x64xf32, #tpu.memory_space<hbm>> -> memref<100000x64xf32, #tpu.memory_space<hbm>>
      tpu.enqueue_indirect_dma source(%dma_start3A_2553 : memref<100000x64xf32, #tpu.memory_space<hbm>>) target(%dma_start3A_2549 : memref<200x64xf32, #tpu.memory_space<vmem>>) offsets(%dma_start3A_2550 : memref<200xi32, #tpu.memory_space<vmem>>) semaphore(%arg16 : memref<!tpu.dma_semaphore, #tpu.memory_space<semaphore_mem>>)
      %sub3A_2554 = arith.constant 3 : i32
      %sub3A_2555 = arith.subi %add3A_2459, %sub3A_2554 : i32
      %mul3A_2556 = arith.constant 200 : i32
      %mul3A_2557 = arith.muli %sub3A_2555, %mul3A_2556 : i32
      %dma_wait3A_2558 = arith.constant 0 : i32
      %dma_wait3A_2559 = arith.constant 0 : i32
      %dma_wait3A_2560 = arith.constant 0 : i32
      %dma_wait3A_2561 = tpu.memref_slice %arg12[%dma_wait3A_2558, %dma_wait3A_2559, %dma_wait3A_2560] : memref<8x200x64xf32, #tpu.memory_space<vmem>> -> memref<1x200x64xf32, #tpu.memory_space<vmem>>
      %dma_wait3A_2562 = tpu.memref_squeeze %dma_wait3A_2561 : memref<1x200x64xf32, #tpu.memory_space<vmem>> -> memref<200x64xf32, #tpu.memory_space<vmem>>
      %dma_wait3A_2563 = tpu.memref_slice %arg9[%mul3A_2557] : memref<6400xi32, #tpu.memory_space<vmem>> -> memref<200xi32, #tpu.memory_space<vmem>>
      %dma_wait3A_2564 = arith.constant 0 : i32
      %dma_wait3A_2565 = arith.constant 0 : i32
      %dma_wait3A_2566 = tpu.memref_slice %arg5[%dma_wait3A_2564, %dma_wait3A_2565] : memref<100000x64xf32, #tpu.memory_space<hbm>> -> memref<100000x64xf32, #tpu.memory_space<hbm>>
      tpu.wait_indirect_dma semaphore(%arg13 : memref<!tpu.dma_semaphore, #tpu.memory_space<semaphore_mem>>) src(%dma_wait3A_2566 : memref<100000x64xf32, #tpu.memory_space<hbm>>) dst(%dma_wait3A_2562 : memref<200x64xf32, #tpu.memory_space<vmem>>)
      %dma_start3A_2567 = arith.constant 0 : i32
      %dma_start3A_2568 = arith.constant 0 : i32
      %dma_start3A_2569 = arith.constant 0 : i32
      %dma_start3A_2570 = tpu.memref_slice %arg12[%dma_start3A_2567, %dma_start3A_2568, %dma_start3A_2569] : memref<8x200x64xf32, #tpu.memory_space<vmem>> -> memref<1x200x64xf32, #tpu.memory_space<vmem>>
      %dma_start3A_2571 = tpu.memref_squeeze %dma_start3A_2570 : memref<1x200x64xf32, #tpu.memory_space<vmem>> -> memref<200x64xf32, #tpu.memory_space<vmem>>
      %dma_start3A_2572 = tpu.memref_slice %arg10[%mul3A_2557] : memref<6400xi32, #tpu.memory_space<vmem>> -> memref<200xi32, #tpu.memory_space<vmem>>
      %dma_start3A_2573 = arith.constant 0 : i32
      %dma_start3A_2574 = arith.constant 0 : i32
      %dma_start3A_2575 = tpu.memref_slice %arg6[%dma_start3A_2573, %dma_start3A_2574] : memref<100000x64xf32, #tpu.memory_space<hbm>> -> memref<100000x64xf32, #tpu.memory_space<hbm>>
      tpu.enqueue_indirect_dma source(%dma_start3A_2575 : memref<100000x64xf32, #tpu.memory_space<hbm>>) target(%dma_start3A_2571 : memref<200x64xf32, #tpu.memory_space<vmem>>) offsets(%dma_start3A_2572 : memref<200xi32, #tpu.memory_space<vmem>>) semaphore(%arg21 : memref<!tpu.dma_semaphore, #tpu.memory_space<semaphore_mem>>) {add = true}
      %dma_start3A_2576 = arith.constant 0 : i32
      %dma_start3A_2577 = arith.constant 0 : i32
      %dma_start3A_2578 = arith.constant 0 : i32
      %dma_start3A_2579 = tpu.memref_slice %arg12[%dma_start3A_2576, %dma_start3A_2577, %dma_start3A_2578] : memref<8x200x64xf32, #tpu.memory_space<vmem>> -> memref<1x200x64xf32, #tpu.memory_space<vmem>>
      %dma_start3A_2580 = tpu.memref_squeeze %dma_start3A_2579 : memref<1x200x64xf32, #tpu.memory_space<vmem>> -> memref<200x64xf32, #tpu.memory_space<vmem>>
      %dma_start3A_2581 = tpu.memref_slice %arg11[%mul3A_2557] : memref<6400xi32, #tpu.memory_space<vmem>> -> memref<200xi32, #tpu.memory_space<vmem>>
      %dma_start3A_2582 = arith.constant 0 : i32
      %dma_start3A_2583 = arith.constant 0 : i32
      %dma_start3A_2584 = tpu.memref_slice %arg7[%dma_start3A_2582, %dma_start3A_2583] : memref<100000x64xf32, #tpu.memory_space<hbm>> -> memref<100000x64xf32, #tpu.memory_space<hbm>>
      tpu.enqueue_indirect_dma source(%dma_start3A_2584 : memref<100000x64xf32, #tpu.memory_space<hbm>>) target(%dma_start3A_2580 : memref<200x64xf32, #tpu.memory_space<vmem>>) offsets(%dma_start3A_2581 : memref<200xi32, #tpu.memory_space<vmem>>) semaphore(%arg21 : memref<!tpu.dma_semaphore, #tpu.memory_space<semaphore_mem>>) {add = true}
      %sub3A_2585 = arith.constant 5 : i32
      %sub3A_2586 = arith.subi %add3A_2459, %sub3A_2585 : i32
      %mul3A_2587 = arith.constant 200 : i32
      %mul3A_2588 = arith.muli %sub3A_2586, %mul3A_2587 : i32
      %dma_wait3A_2589 = arith.constant 6 : i32
      %dma_wait3A_2590 = arith.constant 0 : i32
      %dma_wait3A_2591 = arith.constant 0 : i32
      %dma_wait3A_2592 = tpu.memref_slice %arg12[%dma_wait3A_2589, %dma_wait3A_2590, %dma_wait3A_2591] : memref<8x200x64xf32, #tpu.memory_space<vmem>> -> memref<1x200x64xf32, #tpu.memory_space<vmem>>
      %dma_wait3A_2593 = tpu.memref_squeeze %dma_wait3A_2592 : memref<1x200x64xf32, #tpu.memory_space<vmem>> -> memref<200x64xf32, #tpu.memory_space<vmem>>
      %dma_wait3A_2594 = tpu.memref_slice %arg10[%mul3A_2588] : memref<6400xi32, #tpu.memory_space<vmem>> -> memref<200xi32, #tpu.memory_space<vmem>>
      %dma_wait3A_2595 = arith.constant 0 : i32
      %dma_wait3A_2596 = arith.constant 0 : i32
      %dma_wait3A_2597 = tpu.memref_slice %arg6[%dma_wait3A_2595, %dma_wait3A_2596] : memref<100000x64xf32, #tpu.memory_space<hbm>> -> memref<100000x64xf32, #tpu.memory_space<hbm>>
      tpu.wait_indirect_dma semaphore(%arg27 : memref<!tpu.dma_semaphore, #tpu.memory_space<semaphore_mem>>) src(%dma_wait3A_2597 : memref<100000x64xf32, #tpu.memory_space<hbm>>) dst(%dma_wait3A_2593 : memref<200x64xf32, #tpu.memory_space<vmem>>)
      %dma_wait3A_2598 = arith.constant 6 : i32
      %dma_wait3A_2599 = arith.constant 0 : i32
      %dma_wait3A_2600 = arith.constant 0 : i32
      %dma_wait3A_2601 = tpu.memref_slice %arg12[%dma_wait3A_2598, %dma_wait3A_2599, %dma_wait3A_2600] : memref<8x200x64xf32, #tpu.memory_space<vmem>> -> memref<1x200x64xf32, #tpu.memory_space<vmem>>
      %dma_wait3A_2602 = tpu.memref_squeeze %dma_wait3A_2601 : memref<1x200x64xf32, #tpu.memory_space<vmem>> -> memref<200x64xf32, #tpu.memory_space<vmem>>
      %dma_wait3A_2603 = tpu.memref_slice %arg11[%mul3A_2588] : memref<6400xi32, #tpu.memory_space<vmem>> -> memref<200xi32, #tpu.memory_space<vmem>>
      %dma_wait3A_2604 = arith.constant 0 : i32
      %dma_wait3A_2605 = arith.constant 0 : i32
      %dma_wait3A_2606 = tpu.memref_slice %arg7[%dma_wait3A_2604, %dma_wait3A_2605] : memref<100000x64xf32, #tpu.memory_space<hbm>> -> memref<100000x64xf32, #tpu.memory_space<hbm>>
      tpu.wait_indirect_dma semaphore(%arg27 : memref<!tpu.dma_semaphore, #tpu.memory_space<semaphore_mem>>) src(%dma_wait3A_2606 : memref<100000x64xf32, #tpu.memory_space<hbm>>) dst(%dma_wait3A_2602 : memref<200x64xf32, #tpu.memory_space<vmem>>)
      %mul3A_2607 = arith.constant 128 : i32
      %mul3A_2608 = arith.muli %add3A, %mul3A_2607 : i32
      %mul3A_2609 = arith.constant 4 : i32
      %mul3A_2610 = arith.muli %sub3A_2586, %mul3A_2609 : i32
      %add3A_2611 = arith.addi %mul3A_2608, %mul3A_2610 : i32
      %add3A_2612 = arith.constant 0 : i32
      %add3A_2613 = arith.addi %add3A_2611, %add3A_2612 : i32
      %dma_start3A_2614 = arith.constant 6 : i32
      %dma_start3A_2615 = arith.constant 0 : i32
      %dma_start3A_2616 = arith.constant 0 : i32
      %dma_start3A_2617 = tpu.memref_slice %arg12[%dma_start3A_2614, %dma_start3A_2615, %dma_start3A_2616] : memref<8x200x64xf32, #tpu.memory_space<vmem>> -> memref<1x50x64xf32, #tpu.memory_space<vmem>>
      %dma_start3A_2618 = tpu.memref_squeeze %dma_start3A_2617 : memref<1x50x64xf32, #tpu.memory_space<vmem>> -> memref<50x64xf32, #tpu.memory_space<vmem>>
      %dma_start3A_2619 = arith.constant 0 : i32
      %dma_start3A_2620 = arith.constant 0 : i32
      %dma_start3A_2621 = tpu.memref_slice %arg8[%add3A_2613, %dma_start3A_2619, %dma_start3A_2620] : memref<4096x56x128xf32, #tpu.memory_space<hbm>> -> memref<1x50x64xf32, #tpu.memory_space<hbm>>
      %dma_start3A_2622 = tpu.memref_squeeze %dma_start3A_2621 : memref<1x50x64xf32, #tpu.memory_space<hbm>> -> memref<50x64xf32, #tpu.memory_space<hbm>>
      %dma_start3A_2623 = arith.constant 0 : i32
      %dma_start3A_2624 = arith.constant 0 : i32
      %dma_start3A_2625 = tpu.memref_slice %arg8[%add3A_2613, %dma_start3A_2623, %dma_start3A_2624] : memref<4096x56x128xf32, #tpu.memory_space<hbm>> -> memref<1x50x64xf32, #tpu.memory_space<hbm>>
      %dma_start3A_2626 = tpu.memref_squeeze %dma_start3A_2625 : memref<1x50x64xf32, #tpu.memory_space<hbm>> -> memref<50x64xf32, #tpu.memory_space<hbm>>
      %dma_start3A_2627 = arith.constant 0 : i32
      %dma_start3A_2628 = arith.constant 0 : i32
      %dma_start3A_2629 = tpu.memref_slice %arg12[%dma_start3A_2614, %dma_start3A_2627, %dma_start3A_2628] : memref<8x200x64xf32, #tpu.memory_space<vmem>> -> memref<1x50x64xf32, #tpu.memory_space<vmem>>
      %dma_start3A_2630 = tpu.memref_squeeze %dma_start3A_2629 : memref<1x50x64xf32, #tpu.memory_space<vmem>> -> memref<50x64xf32, #tpu.memory_space<vmem>>
      tpu.enqueue_dma source(%dma_start3A_2630 : memref<50x64xf32, #tpu.memory_space<vmem>>) target(%dma_start3A_2626 : memref<50x64xf32, #tpu.memory_space<hbm>>) target_semaphore(%arg35 : memref<!tpu.dma_semaphore, #tpu.memory_space<semaphore_mem>>)
      %add3A_2631 = arith.constant 1 : i32
      %add3A_2632 = arith.addi %add3A_2611, %add3A_2631 : i32
      %dma_start3A_2633 = arith.constant 6 : i32
      %dma_start3A_2634 = arith.constant 50 : i32
      %dma_start3A_2635 = arith.constant 0 : i32
      %dma_start3A_2636 = tpu.memref_slice %arg12[%dma_start3A_2633, %dma_start3A_2634, %dma_start3A_2635] : memref<8x200x64xf32, #tpu.memory_space<vmem>> -> memref<1x50x64xf32, #tpu.memory_space<vmem>>
      %dma_start3A_2637 = tpu.memref_squeeze %dma_start3A_2636 : memref<1x50x64xf32, #tpu.memory_space<vmem>> -> memref<50x64xf32, #tpu.memory_space<vmem>>
      %dma_start3A_2638 = arith.constant 0 : i32
      %dma_start3A_2639 = arith.constant 0 : i32
      %dma_start3A_2640 = tpu.memref_slice %arg8[%add3A_2632, %dma_start3A_2638, %dma_start3A_2639] : memref<4096x56x128xf32, #tpu.memory_space<hbm>> -> memref<1x50x64xf32, #tpu.memory_space<hbm>>
      %dma_start3A_2641 = tpu.memref_squeeze %dma_start3A_2640 : memref<1x50x64xf32, #tpu.memory_space<hbm>> -> memref<50x64xf32, #tpu.memory_space<hbm>>
      %dma_start3A_2642 = arith.constant 0 : i32
      %dma_start3A_2643 = arith.constant 0 : i32
      %dma_start3A_2644 = tpu.memref_slice %arg8[%add3A_2632, %dma_start3A_2642, %dma_start3A_2643] : memref<4096x56x128xf32, #tpu.memory_space<hbm>> -> memref<1x50x64xf32, #tpu.memory_space<hbm>>
      %dma_start3A_2645 = tpu.memref_squeeze %dma_start3A_2644 : memref<1x50x64xf32, #tpu.memory_space<hbm>> -> memref<50x64xf32, #tpu.memory_space<hbm>>
      %dma_start3A_2646 = arith.constant 50 : i32
      %dma_start3A_2647 = arith.constant 0 : i32
      %dma_start3A_2648 = tpu.memref_slice %arg12[%dma_start3A_2633, %dma_start3A_2646, %dma_start3A_2647] : memref<8x200x64xf32, #tpu.memory_space<vmem>> -> memref<1x50x64xf32, #tpu.memory_space<vmem>>
      %dma_start3A_2649 = tpu.memref_squeeze %dma_start3A_2648 : memref<1x50x64xf32, #tpu.memory_space<vmem>> -> memref<50x64xf32, #tpu.memory_space<vmem>>
      tpu.enqueue_dma source(%dma_start3A_2649 : memref<50x64xf32, #tpu.memory_space<vmem>>) target(%dma_start3A_2645 : memref<50x64xf32, #tpu.memory_space<hbm>>) target_semaphore(%arg35 : memref<!tpu.dma_semaphore, #tpu.memory_space<semaphore_mem>>)
      %add3A_2650 = arith.constant 2 : i32
      %add3A_2651 = arith.addi %add3A_2611, %add3A_2650 : i32
      %dma_start3A_2652 = arith.constant 6 : i32
      %dma_start3A_2653 = arith.constant 100 : i32
      %dma_start3A_2654 = arith.constant 0 : i32
      %dma_start3A_2655 = tpu.memref_slice %arg12[%dma_start3A_2652, %dma_start3A_2653, %dma_start3A_2654] : memref<8x200x64xf32, #tpu.memory_space<vmem>> -> memref<1x50x64xf32, #tpu.memory_space<vmem>>
      %dma_start3A_2656 = tpu.memref_squeeze %dma_start3A_2655 : memref<1x50x64xf32, #tpu.memory_space<vmem>> -> memref<50x64xf32, #tpu.memory_space<vmem>>
      %dma_start3A_2657 = arith.constant 0 : i32
      %dma_start3A_2658 = arith.constant 0 : i32
      %dma_start3A_2659 = tpu.memref_slice %arg8[%add3A_2651, %dma_start3A_2657, %dma_start3A_2658] : memref<4096x56x128xf32, #tpu.memory_space<hbm>> -> memref<1x50x64xf32, #tpu.memory_space<hbm>>
      %dma_start3A_2660 = tpu.memref_squeeze %dma_start3A_2659 : memref<1x50x64xf32, #tpu.memory_space<hbm>> -> memref<50x64xf32, #tpu.memory_space<hbm>>
      %dma_start3A_2661 = arith.constant 0 : i32
      %dma_start3A_2662 = arith.constant 0 : i32
      %dma_start3A_2663 = tpu.memref_slice %arg8[%add3A_2651, %dma_start3A_2661, %dma_start3A_2662] : memref<4096x56x128xf32, #tpu.memory_space<hbm>> -> memref<1x50x64xf32, #tpu.memory_space<hbm>>
      %dma_start3A_2664 = tpu.memref_squeeze %dma_start3A_2663 : memref<1x50x64xf32, #tpu.memory_space<hbm>> -> memref<50x64xf32, #tpu.memory_space<hbm>>
      %dma_start3A_2665 = arith.constant 100 : i32
      %dma_start3A_2666 = arith.constant 0 : i32
      %dma_start3A_2667 = tpu.memref_slice %arg12[%dma_start3A_2652, %dma_start3A_2665, %dma_start3A_2666] : memref<8x200x64xf32, #tpu.memory_space<vmem>> -> memref<1x50x64xf32, #tpu.memory_space<vmem>>
      %dma_start3A_2668 = tpu.memref_squeeze %dma_start3A_2667 : memref<1x50x64xf32, #tpu.memory_space<vmem>> -> memref<50x64xf32, #tpu.memory_space<vmem>>
      tpu.enqueue_dma source(%dma_start3A_2668 : memref<50x64xf32, #tpu.memory_space<vmem>>) target(%dma_start3A_2664 : memref<50x64xf32, #tpu.memory_space<hbm>>) target_semaphore(%arg35 : memref<!tpu.dma_semaphore, #tpu.memory_space<semaphore_mem>>)
      %add3A_2669 = arith.constant 3 : i32
      %add3A_2670 = arith.addi %add3A_2611, %add3A_2669 : i32
      %dma_start3A_2671 = arith.constant 6 : i32
      %dma_start3A_2672 = arith.constant 150 : i32
      %dma_start3A_2673 = arith.constant 0 : i32
      %dma_start3A_2674 = tpu.memref_slice %arg12[%dma_start3A_2671, %dma_start3A_2672, %dma_start3A_2673] : memref<8x200x64xf32, #tpu.memory_space<vmem>> -> memref<1x50x64xf32, #tpu.memory_space<vmem>>
      %dma_start3A_2675 = tpu.memref_squeeze %dma_start3A_2674 : memref<1x50x64xf32, #tpu.memory_space<vmem>> -> memref<50x64xf32, #tpu.memory_space<vmem>>
      %dma_start3A_2676 = arith.constant 0 : i32
      %dma_start3A_2677 = arith.constant 0 : i32
      %dma_start3A_2678 = tpu.memref_slice %arg8[%add3A_2670, %dma_start3A_2676, %dma_start3A_2677] : memref<4096x56x128xf32, #tpu.memory_space<hbm>> -> memref<1x50x64xf32, #tpu.memory_space<hbm>>
      %dma_start3A_2679 = tpu.memref_squeeze %dma_start3A_2678 : memref<1x50x64xf32, #tpu.memory_space<hbm>> -> memref<50x64xf32, #tpu.memory_space<hbm>>
      %dma_start3A_2680 = arith.constant 0 : i32
      %dma_start3A_2681 = arith.constant 0 : i32
      %dma_start3A_2682 = tpu.memref_slice %arg8[%add3A_2670, %dma_start3A_2680, %dma_start3A_2681] : memref<4096x56x128xf32, #tpu.memory_space<hbm>> -> memref<1x50x64xf32, #tpu.memory_space<hbm>>
      %dma_start3A_2683 = tpu.memref_squeeze %dma_start3A_2682 : memref<1x50x64xf32, #tpu.memory_space<hbm>> -> memref<50x64xf32, #tpu.memory_space<hbm>>
      %dma_start3A_2684 = arith.constant 150 : i32
      %dma_start3A_2685 = arith.constant 0 : i32
      %dma_start3A_2686 = tpu.memref_slice %arg12[%dma_start3A_2671, %dma_start3A_2684, %dma_start3A_2685] : memref<8x200x64xf32, #tpu.memory_space<vmem>> -> memref<1x50x64xf32, #tpu.memory_space<vmem>>
      %dma_start3A_2687 = tpu.memref_squeeze %dma_start3A_2686 : memref<1x50x64xf32, #tpu.memory_space<vmem>> -> memref<50x64xf32, #tpu.memory_space<vmem>>
      tpu.enqueue_dma source(%dma_start3A_2687 : memref<50x64xf32, #tpu.memory_space<vmem>>) target(%dma_start3A_2683 : memref<50x64xf32, #tpu.memory_space<hbm>>) target_semaphore(%arg35 : memref<!tpu.dma_semaphore, #tpu.memory_space<semaphore_mem>>)
      %add3A_2688 = arith.constant 4 : i32
      %add3A_2689 = arith.addi %mul3A_1768, %add3A_2688 : i32
      %sub3A_2690 = arith.constant 7 : i32
      %sub3A_2691 = arith.subi %add3A_2689, %sub3A_2690 : i32
      %mul3A_2692 = arith.constant 128 : i32
      %mul3A_2693 = arith.muli %add3A, %mul3A_2692 : i32
      %mul3A_2694 = arith.constant 4 : i32
      %mul3A_2695 = arith.muli %sub3A_2691, %mul3A_2694 : i32
      %add3A_2696 = arith.addi %mul3A_2693, %mul3A_2695 : i32
      %add3A_2697 = arith.constant 0 : i32
      %add3A_2698 = arith.addi %add3A_2696, %add3A_2697 : i32
      %dma_wait3A_2699 = arith.constant 5 : i32
      %dma_wait3A_2700 = arith.constant 0 : i32
      %dma_wait3A_2701 = arith.constant 0 : i32
      %dma_wait3A_2702 = tpu.memref_slice %arg12[%dma_wait3A_2699, %dma_wait3A_2700, %dma_wait3A_2701] : memref<8x200x64xf32, #tpu.memory_space<vmem>> -> memref<1x50x64xf32, #tpu.memory_space<vmem>>
      %dma_wait3A_2703 = tpu.memref_squeeze %dma_wait3A_2702 : memref<1x50x64xf32, #tpu.memory_space<vmem>> -> memref<50x64xf32, #tpu.memory_space<vmem>>
      %dma_wait3A_2704 = arith.constant 0 : i32
      %dma_wait3A_2705 = arith.constant 0 : i32
      %dma_wait3A_2706 = tpu.memref_slice %arg8[%add3A_2698, %dma_wait3A_2704, %dma_wait3A_2705] : memref<4096x56x128xf32, #tpu.memory_space<hbm>> -> memref<1x50x64xf32, #tpu.memory_space<hbm>>
      %dma_wait3A_2707 = tpu.memref_squeeze %dma_wait3A_2706 : memref<1x50x64xf32, #tpu.memory_space<hbm>> -> memref<50x64xf32, #tpu.memory_space<hbm>>
      %dma_wait3A_2708 = arith.constant 0 : i32
      %dma_wait3A_2709 = arith.constant 0 : i32
      %dma_wait3A_2710 = tpu.memref_slice %arg8[%add3A_2698, %dma_wait3A_2708, %dma_wait3A_2709] : memref<4096x56x128xf32, #tpu.memory_space<hbm>> -> memref<1x50x64xf32, #tpu.memory_space<hbm>>
      %dma_wait3A_2711 = tpu.memref_squeeze %dma_wait3A_2710 : memref<1x50x64xf32, #tpu.memory_space<hbm>> -> memref<50x64xf32, #tpu.memory_space<hbm>>
      %dma_wait3A_2712 = arith.constant 0 : i32
      %dma_wait3A_2713 = arith.constant 0 : i32
      %dma_wait3A_2714 = tpu.memref_slice %arg12[%dma_wait3A_2699, %dma_wait3A_2712, %dma_wait3A_2713] : memref<8x200x64xf32, #tpu.memory_space<vmem>> -> memref<1x50x64xf32, #tpu.memory_space<vmem>>
      %dma_wait3A_2715 = tpu.memref_squeeze %dma_wait3A_2714 : memref<1x50x64xf32, #tpu.memory_space<vmem>> -> memref<50x64xf32, #tpu.memory_space<vmem>>
      tpu.wait_dma2 semaphore(%arg34 : memref<!tpu.dma_semaphore, #tpu.memory_space<semaphore_mem>>) src(%dma_wait3A_2715 : memref<50x64xf32, #tpu.memory_space<vmem>>) dst(%dma_wait3A_2711 : memref<50x64xf32, #tpu.memory_space<hbm>>)
      %add3A_2716 = arith.constant 1 : i32
      %add3A_2717 = arith.addi %add3A_2696, %add3A_2716 : i32
      %dma_wait3A_2718 = arith.constant 5 : i32
      %dma_wait3A_2719 = arith.constant 50 : i32
      %dma_wait3A_2720 = arith.constant 0 : i32
      %dma_wait3A_2721 = tpu.memref_slice %arg12[%dma_wait3A_2718, %dma_wait3A_2719, %dma_wait3A_2720] : memref<8x200x64xf32, #tpu.memory_space<vmem>> -> memref<1x50x64xf32, #tpu.memory_space<vmem>>
      %dma_wait3A_2722 = tpu.memref_squeeze %dma_wait3A_2721 : memref<1x50x64xf32, #tpu.memory_space<vmem>> -> memref<50x64xf32, #tpu.memory_space<vmem>>
      %dma_wait3A_2723 = arith.constant 0 : i32
      %dma_wait3A_2724 = arith.constant 0 : i32
      %dma_wait3A_2725 = tpu.memref_slice %arg8[%add3A_2717, %dma_wait3A_2723, %dma_wait3A_2724] : memref<4096x56x128xf32, #tpu.memory_space<hbm>> -> memref<1x50x64xf32, #tpu.memory_space<hbm>>
      %dma_wait3A_2726 = tpu.memref_squeeze %dma_wait3A_2725 : memref<1x50x64xf32, #tpu.memory_space<hbm>> -> memref<50x64xf32, #tpu.memory_space<hbm>>
      %dma_wait3A_2727 = arith.constant 0 : i32
      %dma_wait3A_2728 = arith.constant 0 : i32
      %dma_wait3A_2729 = tpu.memref_slice %arg8[%add3A_2717, %dma_wait3A_2727, %dma_wait3A_2728] : memref<4096x56x128xf32, #tpu.memory_space<hbm>> -> memref<1x50x64xf32, #tpu.memory_space<hbm>>
      %dma_wait3A_2730 = tpu.memref_squeeze %dma_wait3A_2729 : memref<1x50x64xf32, #tpu.memory_space<hbm>> -> memref<50x64xf32, #tpu.memory_space<hbm>>
      %dma_wait3A_2731 = arith.constant 50 : i32
      %dma_wait3A_2732 = arith.constant 0 : i32
      %dma_wait3A_2733 = tpu.memref_slice %arg12[%dma_wait3A_2718, %dma_wait3A_2731, %dma_wait3A_2732] : memref<8x200x64xf32, #tpu.memory_space<vmem>> -> memref<1x50x64xf32, #tpu.memory_space<vmem>>
      %dma_wait3A_2734 = tpu.memref_squeeze %dma_wait3A_2733 : memref<1x50x64xf32, #tpu.memory_space<vmem>> -> memref<50x64xf32, #tpu.memory_space<vmem>>
      tpu.wait_dma2 semaphore(%arg34 : memref<!tpu.dma_semaphore, #tpu.memory_space<semaphore_mem>>) src(%dma_wait3A_2734 : memref<50x64xf32, #tpu.memory_space<vmem>>) dst(%dma_wait3A_2730 : memref<50x64xf32, #tpu.memory_space<hbm>>)
      %add3A_2735 = arith.constant 2 : i32
      %add3A_2736 = arith.addi %add3A_2696, %add3A_2735 : i32
      %dma_wait3A_2737 = arith.constant 5 : i32
      %dma_wait3A_2738 = arith.constant 100 : i32
      %dma_wait3A_2739 = arith.constant 0 : i32
      %dma_wait3A_2740 = tpu.memref_slice %arg12[%dma_wait3A_2737, %dma_wait3A_2738, %dma_wait3A_2739] : memref<8x200x64xf32, #tpu.memory_space<vmem>> -> memref<1x50x64xf32, #tpu.memory_space<vmem>>
      %dma_wait3A_2741 = tpu.memref_squeeze %dma_wait3A_2740 : memref<1x50x64xf32, #tpu.memory_space<vmem>> -> memref<50x64xf32, #tpu.memory_space<vmem>>
      %dma_wait3A_2742 = arith.constant 0 : i32
      %dma_wait3A_2743 = arith.constant 0 : i32
      %dma_wait3A_2744 = tpu.memref_slice %arg8[%add3A_2736, %dma_wait3A_2742, %dma_wait3A_2743] : memref<4096x56x128xf32, #tpu.memory_space<hbm>> -> memref<1x50x64xf32, #tpu.memory_space<hbm>>
      %dma_wait3A_2745 = tpu.memref_squeeze %dma_wait3A_2744 : memref<1x50x64xf32, #tpu.memory_space<hbm>> -> memref<50x64xf32, #tpu.memory_space<hbm>>
      %dma_wait3A_2746 = arith.constant 0 : i32
      %dma_wait3A_2747 = arith.constant 0 : i32
      %dma_wait3A_2748 = tpu.memref_slice %arg8[%add3A_2736, %dma_wait3A_2746, %dma_wait3A_2747] : memref<4096x56x128xf32, #tpu.memory_space<hbm>> -> memref<1x50x64xf32, #tpu.memory_space<hbm>>
      %dma_wait3A_2749 = tpu.memref_squeeze %dma_wait3A_2748 : memref<1x50x64xf32, #tpu.memory_space<hbm>> -> memref<50x64xf32, #tpu.memory_space<hbm>>
      %dma_wait3A_2750 = arith.constant 100 : i32
      %dma_wait3A_2751 = arith.constant 0 : i32
      %dma_wait3A_2752 = tpu.memref_slice %arg12[%dma_wait3A_2737, %dma_wait3A_2750, %dma_wait3A_2751] : memref<8x200x64xf32, #tpu.memory_space<vmem>> -> memref<1x50x64xf32, #tpu.memory_space<vmem>>
      %dma_wait3A_2753 = tpu.memref_squeeze %dma_wait3A_2752 : memref<1x50x64xf32, #tpu.memory_space<vmem>> -> memref<50x64xf32, #tpu.memory_space<vmem>>
      tpu.wait_dma2 semaphore(%arg34 : memref<!tpu.dma_semaphore, #tpu.memory_space<semaphore_mem>>) src(%dma_wait3A_2753 : memref<50x64xf32, #tpu.memory_space<vmem>>) dst(%dma_wait3A_2749 : memref<50x64xf32, #tpu.memory_space<hbm>>)
      %add3A_2754 = arith.constant 3 : i32
      %add3A_2755 = arith.addi %add3A_2696, %add3A_2754 : i32
      %dma_wait3A_2756 = arith.constant 5 : i32
      %dma_wait3A_2757 = arith.constant 150 : i32
      %dma_wait3A_2758 = arith.constant 0 : i32
      %dma_wait3A_2759 = tpu.memref_slice %arg12[%dma_wait3A_2756, %dma_wait3A_2757, %dma_wait3A_2758] : memref<8x200x64xf32, #tpu.memory_space<vmem>> -> memref<1x50x64xf32, #tpu.memory_space<vmem>>
      %dma_wait3A_2760 = tpu.memref_squeeze %dma_wait3A_2759 : memref<1x50x64xf32, #tpu.memory_space<vmem>> -> memref<50x64xf32, #tpu.memory_space<vmem>>
      %dma_wait3A_2761 = arith.constant 0 : i32
      %dma_wait3A_2762 = arith.constant 0 : i32
      %dma_wait3A_2763 = tpu.memref_slice %arg8[%add3A_2755, %dma_wait3A_2761, %dma_wait3A_2762] : memref<4096x56x128xf32, #tpu.memory_space<hbm>> -> memref<1x50x64xf32, #tpu.memory_space<hbm>>
      %dma_wait3A_2764 = tpu.memref_squeeze %dma_wait3A_2763 : memref<1x50x64xf32, #tpu.memory_space<hbm>> -> memref<50x64xf32, #tpu.memory_space<hbm>>
      %dma_wait3A_2765 = arith.constant 0 : i32
      %dma_wait3A_2766 = arith.constant 0 : i32
      %dma_wait3A_2767 = tpu.memref_slice %arg8[%add3A_2755, %dma_wait3A_2765, %dma_wait3A_2766] : memref<4096x56x128xf32, #tpu.memory_space<hbm>> -> memref<1x50x64xf32, #tpu.memory_space<hbm>>
      %dma_wait3A_2768 = tpu.memref_squeeze %dma_wait3A_2767 : memref<1x50x64xf32, #tpu.memory_space<hbm>> -> memref<50x64xf32, #tpu.memory_space<hbm>>
      %dma_wait3A_2769 = arith.constant 150 : i32
      %dma_wait3A_2770 = arith.constant 0 : i32
      %dma_wait3A_2771 = tpu.memref_slice %arg12[%dma_wait3A_2756, %dma_wait3A_2769, %dma_wait3A_2770] : memref<8x200x64xf32, #tpu.memory_space<vmem>> -> memref<1x50x64xf32, #tpu.memory_space<vmem>>
      %dma_wait3A_2772 = tpu.memref_squeeze %dma_wait3A_2771 : memref<1x50x64xf32, #tpu.memory_space<vmem>> -> memref<50x64xf32, #tpu.memory_space<vmem>>
      tpu.wait_dma2 semaphore(%arg34 : memref<!tpu.dma_semaphore, #tpu.memory_space<semaphore_mem>>) src(%dma_wait3A_2772 : memref<50x64xf32, #tpu.memory_space<vmem>>) dst(%dma_wait3A_2768 : memref<50x64xf32, #tpu.memory_space<hbm>>)
      %mul3A_2773 = arith.constant 200 : i32
      %mul3A_2774 = arith.muli %add3A_2689, %mul3A_2773 : i32
      %dma_start3A_2775 = arith.constant 4 : i32
      %dma_start3A_2776 = arith.constant 0 : i32
      %dma_start3A_2777 = arith.constant 0 : i32
      %dma_start3A_2778 = tpu.memref_slice %arg12[%dma_start3A_2775, %dma_start3A_2776, %dma_start3A_2777] : memref<8x200x64xf32, #tpu.memory_space<vmem>> -> memref<1x200x64xf32, #tpu.memory_space<vmem>>
      %dma_start3A_2779 = tpu.memref_squeeze %dma_start3A_2778 : memref<1x200x64xf32, #tpu.memory_space<vmem>> -> memref<200x64xf32, #tpu.memory_space<vmem>>
      %dma_start3A_2780 = tpu.memref_slice %arg9[%mul3A_2774] : memref<6400xi32, #tpu.memory_space<vmem>> -> memref<200xi32, #tpu.memory_space<vmem>>
      %dma_start3A_2781 = arith.constant 0 : i32
      %dma_start3A_2782 = arith.constant 0 : i32
      %dma_start3A_2783 = tpu.memref_slice %arg5[%dma_start3A_2781, %dma_start3A_2782] : memref<100000x64xf32, #tpu.memory_space<hbm>> -> memref<100000x64xf32, #tpu.memory_space<hbm>>
      tpu.enqueue_indirect_dma source(%dma_start3A_2783 : memref<100000x64xf32, #tpu.memory_space<hbm>>) target(%dma_start3A_2779 : memref<200x64xf32, #tpu.memory_space<vmem>>) offsets(%dma_start3A_2780 : memref<200xi32, #tpu.memory_space<vmem>>) semaphore(%arg17 : memref<!tpu.dma_semaphore, #tpu.memory_space<semaphore_mem>>)
      %sub3A_2784 = arith.constant 3 : i32
      %sub3A_2785 = arith.subi %add3A_2689, %sub3A_2784 : i32
      %mul3A_2786 = arith.constant 200 : i32
      %mul3A_2787 = arith.muli %sub3A_2785, %mul3A_2786 : i32
      %dma_wait3A_2788 = arith.constant 1 : i32
      %dma_wait3A_2789 = arith.constant 0 : i32
      %dma_wait3A_2790 = arith.constant 0 : i32
      %dma_wait3A_2791 = tpu.memref_slice %arg12[%dma_wait3A_2788, %dma_wait3A_2789, %dma_wait3A_2790] : memref<8x200x64xf32, #tpu.memory_space<vmem>> -> memref<1x200x64xf32, #tpu.memory_space<vmem>>
      %dma_wait3A_2792 = tpu.memref_squeeze %dma_wait3A_2791 : memref<1x200x64xf32, #tpu.memory_space<vmem>> -> memref<200x64xf32, #tpu.memory_space<vmem>>
      %dma_wait3A_2793 = tpu.memref_slice %arg9[%mul3A_2787] : memref<6400xi32, #tpu.memory_space<vmem>> -> memref<200xi32, #tpu.memory_space<vmem>>
      %dma_wait3A_2794 = arith.constant 0 : i32
      %dma_wait3A_2795 = arith.constant 0 : i32
      %dma_wait3A_2796 = tpu.memref_slice %arg5[%dma_wait3A_2794, %dma_wait3A_2795] : memref<100000x64xf32, #tpu.memory_space<hbm>> -> memref<100000x64xf32, #tpu.memory_space<hbm>>
      tpu.wait_indirect_dma semaphore(%arg14 : memref<!tpu.dma_semaphore, #tpu.memory_space<semaphore_mem>>) src(%dma_wait3A_2796 : memref<100000x64xf32, #tpu.memory_space<hbm>>) dst(%dma_wait3A_2792 : memref<200x64xf32, #tpu.memory_space<vmem>>)
      %dma_start3A_2797 = arith.constant 1 : i32
      %dma_start3A_2798 = arith.constant 0 : i32
      %dma_start3A_2799 = arith.constant 0 : i32
      %dma_start3A_2800 = tpu.memref_slice %arg12[%dma_start3A_2797, %dma_start3A_2798, %dma_start3A_2799] : memref<8x200x64xf32, #tpu.memory_space<vmem>> -> memref<1x200x64xf32, #tpu.memory_space<vmem>>
      %dma_start3A_2801 = tpu.memref_squeeze %dma_start3A_2800 : memref<1x200x64xf32, #tpu.memory_space<vmem>> -> memref<200x64xf32, #tpu.memory_space<vmem>>
      %dma_start3A_2802 = tpu.memref_slice %arg10[%mul3A_2787] : memref<6400xi32, #tpu.memory_space<vmem>> -> memref<200xi32, #tpu.memory_space<vmem>>
      %dma_start3A_2803 = arith.constant 0 : i32
      %dma_start3A_2804 = arith.constant 0 : i32
      %dma_start3A_2805 = tpu.memref_slice %arg6[%dma_start3A_2803, %dma_start3A_2804] : memref<100000x64xf32, #tpu.memory_space<hbm>> -> memref<100000x64xf32, #tpu.memory_space<hbm>>
      tpu.enqueue_indirect_dma source(%dma_start3A_2805 : memref<100000x64xf32, #tpu.memory_space<hbm>>) target(%dma_start3A_2801 : memref<200x64xf32, #tpu.memory_space<vmem>>) offsets(%dma_start3A_2802 : memref<200xi32, #tpu.memory_space<vmem>>) semaphore(%arg22 : memref<!tpu.dma_semaphore, #tpu.memory_space<semaphore_mem>>) {add = true}
      %dma_start3A_2806 = arith.constant 1 : i32
      %dma_start3A_2807 = arith.constant 0 : i32
      %dma_start3A_2808 = arith.constant 0 : i32
      %dma_start3A_2809 = tpu.memref_slice %arg12[%dma_start3A_2806, %dma_start3A_2807, %dma_start3A_2808] : memref<8x200x64xf32, #tpu.memory_space<vmem>> -> memref<1x200x64xf32, #tpu.memory_space<vmem>>
      %dma_start3A_2810 = tpu.memref_squeeze %dma_start3A_2809 : memref<1x200x64xf32, #tpu.memory_space<vmem>> -> memref<200x64xf32, #tpu.memory_space<vmem>>
      %dma_start3A_2811 = tpu.memref_slice %arg11[%mul3A_2787] : memref<6400xi32, #tpu.memory_space<vmem>> -> memref<200xi32, #tpu.memory_space<vmem>>
      %dma_start3A_2812 = arith.constant 0 : i32
      %dma_start3A_2813 = arith.constant 0 : i32
      %dma_start3A_2814 = tpu.memref_slice %arg7[%dma_start3A_2812, %dma_start3A_2813] : memref<100000x64xf32, #tpu.memory_space<hbm>> -> memref<100000x64xf32, #tpu.memory_space<hbm>>
      tpu.enqueue_indirect_dma source(%dma_start3A_2814 : memref<100000x64xf32, #tpu.memory_space<hbm>>) target(%dma_start3A_2810 : memref<200x64xf32, #tpu.memory_space<vmem>>) offsets(%dma_start3A_2811 : memref<200xi32, #tpu.memory_space<vmem>>) semaphore(%arg22 : memref<!tpu.dma_semaphore, #tpu.memory_space<semaphore_mem>>) {add = true}
      %sub3A_2815 = arith.constant 5 : i32
      %sub3A_2816 = arith.subi %add3A_2689, %sub3A_2815 : i32
      %mul3A_2817 = arith.constant 200 : i32
      %mul3A_2818 = arith.muli %sub3A_2816, %mul3A_2817 : i32
      %dma_wait3A_2819 = arith.constant 7 : i32
      %dma_wait3A_2820 = arith.constant 0 : i32
      %dma_wait3A_2821 = arith.constant 0 : i32
      %dma_wait3A_2822 = tpu.memref_slice %arg12[%dma_wait3A_2819, %dma_wait3A_2820, %dma_wait3A_2821] : memref<8x200x64xf32, #tpu.memory_space<vmem>> -> memref<1x200x64xf32, #tpu.memory_space<vmem>>
      %dma_wait3A_2823 = tpu.memref_squeeze %dma_wait3A_2822 : memref<1x200x64xf32, #tpu.memory_space<vmem>> -> memref<200x64xf32, #tpu.memory_space<vmem>>
      %dma_wait3A_2824 = tpu.memref_slice %arg10[%mul3A_2818] : memref<6400xi32, #tpu.memory_space<vmem>> -> memref<200xi32, #tpu.memory_space<vmem>>
      %dma_wait3A_2825 = arith.constant 0 : i32
      %dma_wait3A_2826 = arith.constant 0 : i32
      %dma_wait3A_2827 = tpu.memref_slice %arg6[%dma_wait3A_2825, %dma_wait3A_2826] : memref<100000x64xf32, #tpu.memory_space<hbm>> -> memref<100000x64xf32, #tpu.memory_space<hbm>>
      tpu.wait_indirect_dma semaphore(%arg28 : memref<!tpu.dma_semaphore, #tpu.memory_space<semaphore_mem>>) src(%dma_wait3A_2827 : memref<100000x64xf32, #tpu.memory_space<hbm>>) dst(%dma_wait3A_2823 : memref<200x64xf32, #tpu.memory_space<vmem>>)
      %dma_wait3A_2828 = arith.constant 7 : i32
      %dma_wait3A_2829 = arith.constant 0 : i32
      %dma_wait3A_2830 = arith.constant 0 : i32
      %dma_wait3A_2831 = tpu.memref_slice %arg12[%dma_wait3A_2828, %dma_wait3A_2829, %dma_wait3A_2830] : memref<8x200x64xf32, #tpu.memory_space<vmem>> -> memref<1x200x64xf32, #tpu.memory_space<vmem>>
      %dma_wait3A_2832 = tpu.memref_squeeze %dma_wait3A_2831 : memref<1x200x64xf32, #tpu.memory_space<vmem>> -> memref<200x64xf32, #tpu.memory_space<vmem>>
      %dma_wait3A_2833 = tpu.memref_slice %arg11[%mul3A_2818] : memref<6400xi32, #tpu.memory_space<vmem>> -> memref<200xi32, #tpu.memory_space<vmem>>
      %dma_wait3A_2834 = arith.constant 0 : i32
      %dma_wait3A_2835 = arith.constant 0 : i32
      %dma_wait3A_2836 = tpu.memref_slice %arg7[%dma_wait3A_2834, %dma_wait3A_2835] : memref<100000x64xf32, #tpu.memory_space<hbm>> -> memref<100000x64xf32, #tpu.memory_space<hbm>>
      tpu.wait_indirect_dma semaphore(%arg28 : memref<!tpu.dma_semaphore, #tpu.memory_space<semaphore_mem>>) src(%dma_wait3A_2836 : memref<100000x64xf32, #tpu.memory_space<hbm>>) dst(%dma_wait3A_2832 : memref<200x64xf32, #tpu.memory_space<vmem>>)
      %mul3A_2837 = arith.constant 128 : i32
      %mul3A_2838 = arith.muli %add3A, %mul3A_2837 : i32
      %mul3A_2839 = arith.constant 4 : i32
      %mul3A_2840 = arith.muli %sub3A_2816, %mul3A_2839 : i32
      %add3A_2841 = arith.addi %mul3A_2838, %mul3A_2840 : i32
      %add3A_2842 = arith.constant 0 : i32
      %add3A_2843 = arith.addi %add3A_2841, %add3A_2842 : i32
      %dma_start3A_2844 = arith.constant 7 : i32
      %dma_start3A_2845 = arith.constant 0 : i32
      %dma_start3A_2846 = arith.constant 0 : i32
      %dma_start3A_2847 = tpu.memref_slice %arg12[%dma_start3A_2844, %dma_start3A_2845, %dma_start3A_2846] : memref<8x200x64xf32, #tpu.memory_space<vmem>> -> memref<1x50x64xf32, #tpu.memory_space<vmem>>
      %dma_start3A_2848 = tpu.memref_squeeze %dma_start3A_2847 : memref<1x50x64xf32, #tpu.memory_space<vmem>> -> memref<50x64xf32, #tpu.memory_space<vmem>>
      %dma_start3A_2849 = arith.constant 0 : i32
      %dma_start3A_2850 = arith.constant 0 : i32
      %dma_start3A_2851 = tpu.memref_slice %arg8[%add3A_2843, %dma_start3A_2849, %dma_start3A_2850] : memref<4096x56x128xf32, #tpu.memory_space<hbm>> -> memref<1x50x64xf32, #tpu.memory_space<hbm>>
      %dma_start3A_2852 = tpu.memref_squeeze %dma_start3A_2851 : memref<1x50x64xf32, #tpu.memory_space<hbm>> -> memref<50x64xf32, #tpu.memory_space<hbm>>
      %dma_start3A_2853 = arith.constant 0 : i32
      %dma_start3A_2854 = arith.constant 0 : i32
      %dma_start3A_2855 = tpu.memref_slice %arg8[%add3A_2843, %dma_start3A_2853, %dma_start3A_2854] : memref<4096x56x128xf32, #tpu.memory_space<hbm>> -> memref<1x50x64xf32, #tpu.memory_space<hbm>>
      %dma_start3A_2856 = tpu.memref_squeeze %dma_start3A_2855 : memref<1x50x64xf32, #tpu.memory_space<hbm>> -> memref<50x64xf32, #tpu.memory_space<hbm>>
      %dma_start3A_2857 = arith.constant 0 : i32
      %dma_start3A_2858 = arith.constant 0 : i32
      %dma_start3A_2859 = tpu.memref_slice %arg12[%dma_start3A_2844, %dma_start3A_2857, %dma_start3A_2858] : memref<8x200x64xf32, #tpu.memory_space<vmem>> -> memref<1x50x64xf32, #tpu.memory_space<vmem>>
      %dma_start3A_2860 = tpu.memref_squeeze %dma_start3A_2859 : memref<1x50x64xf32, #tpu.memory_space<vmem>> -> memref<50x64xf32, #tpu.memory_space<vmem>>
      tpu.enqueue_dma source(%dma_start3A_2860 : memref<50x64xf32, #tpu.memory_space<vmem>>) target(%dma_start3A_2856 : memref<50x64xf32, #tpu.memory_space<hbm>>) target_semaphore(%arg36 : memref<!tpu.dma_semaphore, #tpu.memory_space<semaphore_mem>>)
      %add3A_2861 = arith.constant 1 : i32
      %add3A_2862 = arith.addi %add3A_2841, %add3A_2861 : i32
      %dma_start3A_2863 = arith.constant 7 : i32
      %dma_start3A_2864 = arith.constant 50 : i32
      %dma_start3A_2865 = arith.constant 0 : i32
      %dma_start3A_2866 = tpu.memref_slice %arg12[%dma_start3A_2863, %dma_start3A_2864, %dma_start3A_2865] : memref<8x200x64xf32, #tpu.memory_space<vmem>> -> memref<1x50x64xf32, #tpu.memory_space<vmem>>
      %dma_start3A_2867 = tpu.memref_squeeze %dma_start3A_2866 : memref<1x50x64xf32, #tpu.memory_space<vmem>> -> memref<50x64xf32, #tpu.memory_space<vmem>>
      %dma_start3A_2868 = arith.constant 0 : i32
      %dma_start3A_2869 = arith.constant 0 : i32
      %dma_start3A_2870 = tpu.memref_slice %arg8[%add3A_2862, %dma_start3A_2868, %dma_start3A_2869] : memref<4096x56x128xf32, #tpu.memory_space<hbm>> -> memref<1x50x64xf32, #tpu.memory_space<hbm>>
      %dma_start3A_2871 = tpu.memref_squeeze %dma_start3A_2870 : memref<1x50x64xf32, #tpu.memory_space<hbm>> -> memref<50x64xf32, #tpu.memory_space<hbm>>
      %dma_start3A_2872 = arith.constant 0 : i32
      %dma_start3A_2873 = arith.constant 0 : i32
      %dma_start3A_2874 = tpu.memref_slice %arg8[%add3A_2862, %dma_start3A_2872, %dma_start3A_2873] : memref<4096x56x128xf32, #tpu.memory_space<hbm>> -> memref<1x50x64xf32, #tpu.memory_space<hbm>>
      %dma_start3A_2875 = tpu.memref_squeeze %dma_start3A_2874 : memref<1x50x64xf32, #tpu.memory_space<hbm>> -> memref<50x64xf32, #tpu.memory_space<hbm>>
      %dma_start3A_2876 = arith.constant 50 : i32
      %dma_start3A_2877 = arith.constant 0 : i32
      %dma_start3A_2878 = tpu.memref_slice %arg12[%dma_start3A_2863, %dma_start3A_2876, %dma_start3A_2877] : memref<8x200x64xf32, #tpu.memory_space<vmem>> -> memref<1x50x64xf32, #tpu.memory_space<vmem>>
      %dma_start3A_2879 = tpu.memref_squeeze %dma_start3A_2878 : memref<1x50x64xf32, #tpu.memory_space<vmem>> -> memref<50x64xf32, #tpu.memory_space<vmem>>
      tpu.enqueue_dma source(%dma_start3A_2879 : memref<50x64xf32, #tpu.memory_space<vmem>>) target(%dma_start3A_2875 : memref<50x64xf32, #tpu.memory_space<hbm>>) target_semaphore(%arg36 : memref<!tpu.dma_semaphore, #tpu.memory_space<semaphore_mem>>)
      %add3A_2880 = arith.constant 2 : i32
      %add3A_2881 = arith.addi %add3A_2841, %add3A_2880 : i32
      %dma_start3A_2882 = arith.constant 7 : i32
      %dma_start3A_2883 = arith.constant 100 : i32
      %dma_start3A_2884 = arith.constant 0 : i32
      %dma_start3A_2885 = tpu.memref_slice %arg12[%dma_start3A_2882, %dma_start3A_2883, %dma_start3A_2884] : memref<8x200x64xf32, #tpu.memory_space<vmem>> -> memref<1x50x64xf32, #tpu.memory_space<vmem>>
      %dma_start3A_2886 = tpu.memref_squeeze %dma_start3A_2885 : memref<1x50x64xf32, #tpu.memory_space<vmem>> -> memref<50x64xf32, #tpu.memory_space<vmem>>
      %dma_start3A_2887 = arith.constant 0 : i32
      %dma_start3A_2888 = arith.constant 0 : i32
      %dma_start3A_2889 = tpu.memref_slice %arg8[%add3A_2881, %dma_start3A_2887, %dma_start3A_2888] : memref<4096x56x128xf32, #tpu.memory_space<hbm>> -> memref<1x50x64xf32, #tpu.memory_space<hbm>>
      %dma_start3A_2890 = tpu.memref_squeeze %dma_start3A_2889 : memref<1x50x64xf32, #tpu.memory_space<hbm>> -> memref<50x64xf32, #tpu.memory_space<hbm>>
      %dma_start3A_2891 = arith.constant 0 : i32
      %dma_start3A_2892 = arith.constant 0 : i32
      %dma_start3A_2893 = tpu.memref_slice %arg8[%add3A_2881, %dma_start3A_2891, %dma_start3A_2892] : memref<4096x56x128xf32, #tpu.memory_space<hbm>> -> memref<1x50x64xf32, #tpu.memory_space<hbm>>
      %dma_start3A_2894 = tpu.memref_squeeze %dma_start3A_2893 : memref<1x50x64xf32, #tpu.memory_space<hbm>> -> memref<50x64xf32, #tpu.memory_space<hbm>>
      %dma_start3A_2895 = arith.constant 100 : i32
      %dma_start3A_2896 = arith.constant 0 : i32
      %dma_start3A_2897 = tpu.memref_slice %arg12[%dma_start3A_2882, %dma_start3A_2895, %dma_start3A_2896] : memref<8x200x64xf32, #tpu.memory_space<vmem>> -> memref<1x50x64xf32, #tpu.memory_space<vmem>>
      %dma_start3A_2898 = tpu.memref_squeeze %dma_start3A_2897 : memref<1x50x64xf32, #tpu.memory_space<vmem>> -> memref<50x64xf32, #tpu.memory_space<vmem>>
      tpu.enqueue_dma source(%dma_start3A_2898 : memref<50x64xf32, #tpu.memory_space<vmem>>) target(%dma_start3A_2894 : memref<50x64xf32, #tpu.memory_space<hbm>>) target_semaphore(%arg36 : memref<!tpu.dma_semaphore, #tpu.memory_space<semaphore_mem>>)
      %add3A_2899 = arith.constant 3 : i32
      %add3A_2900 = arith.addi %add3A_2841, %add3A_2899 : i32
      %dma_start3A_2901 = arith.constant 7 : i32
      %dma_start3A_2902 = arith.constant 150 : i32
      %dma_start3A_2903 = arith.constant 0 : i32
      %dma_start3A_2904 = tpu.memref_slice %arg12[%dma_start3A_2901, %dma_start3A_2902, %dma_start3A_2903] : memref<8x200x64xf32, #tpu.memory_space<vmem>> -> memref<1x50x64xf32, #tpu.memory_space<vmem>>
      %dma_start3A_2905 = tpu.memref_squeeze %dma_start3A_2904 : memref<1x50x64xf32, #tpu.memory_space<vmem>> -> memref<50x64xf32, #tpu.memory_space<vmem>>
      %dma_start3A_2906 = arith.constant 0 : i32
      %dma_start3A_2907 = arith.constant 0 : i32
      %dma_start3A_2908 = tpu.memref_slice %arg8[%add3A_2900, %dma_start3A_2906, %dma_start3A_2907] : memref<4096x56x128xf32, #tpu.memory_space<hbm>> -> memref<1x50x64xf32, #tpu.memory_space<hbm>>
      %dma_start3A_2909 = tpu.memref_squeeze %dma_start3A_2908 : memref<1x50x64xf32, #tpu.memory_space<hbm>> -> memref<50x64xf32, #tpu.memory_space<hbm>>
      %dma_start3A_2910 = arith.constant 0 : i32
      %dma_start3A_2911 = arith.constant 0 : i32
      %dma_start3A_2912 = tpu.memref_slice %arg8[%add3A_2900, %dma_start3A_2910, %dma_start3A_2911] : memref<4096x56x128xf32, #tpu.memory_space<hbm>> -> memref<1x50x64xf32, #tpu.memory_space<hbm>>
      %dma_start3A_2913 = tpu.memref_squeeze %dma_start3A_2912 : memref<1x50x64xf32, #tpu.memory_space<hbm>> -> memref<50x64xf32, #tpu.memory_space<hbm>>
      %dma_start3A_2914 = arith.constant 150 : i32
      %dma_start3A_2915 = arith.constant 0 : i32
      %dma_start3A_2916 = tpu.memref_slice %arg12[%dma_start3A_2901, %dma_start3A_2914, %dma_start3A_2915] : memref<8x200x64xf32, #tpu.memory_space<vmem>> -> memref<1x50x64xf32, #tpu.memory_space<vmem>>
      %dma_start3A_2917 = tpu.memref_squeeze %dma_start3A_2916 : memref<1x50x64xf32, #tpu.memory_space<vmem>> -> memref<50x64xf32, #tpu.memory_space<vmem>>
      tpu.enqueue_dma source(%dma_start3A_2917 : memref<50x64xf32, #tpu.memory_space<vmem>>) target(%dma_start3A_2913 : memref<50x64xf32, #tpu.memory_space<hbm>>) target_semaphore(%arg36 : memref<!tpu.dma_semaphore, #tpu.memory_space<semaphore_mem>>)
      %add3A_2918 = arith.constant 5 : i32
      %add3A_2919 = arith.addi %mul3A_1768, %add3A_2918 : i32
      %sub3A_2920 = arith.constant 7 : i32
      %sub3A_2921 = arith.subi %add3A_2919, %sub3A_2920 : i32
      %mul3A_2922 = arith.constant 128 : i32
      %mul3A_2923 = arith.muli %add3A, %mul3A_2922 : i32
      %mul3A_2924 = arith.constant 4 : i32
      %mul3A_2925 = arith.muli %sub3A_2921, %mul3A_2924 : i32
      %add3A_2926 = arith.addi %mul3A_2923, %mul3A_2925 : i32
      %add3A_2927 = arith.constant 0 : i32
      %add3A_2928 = arith.addi %add3A_2926, %add3A_2927 : i32
      %dma_wait3A_2929 = arith.constant 6 : i32
      %dma_wait3A_2930 = arith.constant 0 : i32
      %dma_wait3A_2931 = arith.constant 0 : i32
      %dma_wait3A_2932 = tpu.memref_slice %arg12[%dma_wait3A_2929, %dma_wait3A_2930, %dma_wait3A_2931] : memref<8x200x64xf32, #tpu.memory_space<vmem>> -> memref<1x50x64xf32, #tpu.memory_space<vmem>>
      %dma_wait3A_2933 = tpu.memref_squeeze %dma_wait3A_2932 : memref<1x50x64xf32, #tpu.memory_space<vmem>> -> memref<50x64xf32, #tpu.memory_space<vmem>>
      %dma_wait3A_2934 = arith.constant 0 : i32
      %dma_wait3A_2935 = arith.constant 0 : i32
      %dma_wait3A_2936 = tpu.memref_slice %arg8[%add3A_2928, %dma_wait3A_2934, %dma_wait3A_2935] : memref<4096x56x128xf32, #tpu.memory_space<hbm>> -> memref<1x50x64xf32, #tpu.memory_space<hbm>>
      %dma_wait3A_2937 = tpu.memref_squeeze %dma_wait3A_2936 : memref<1x50x64xf32, #tpu.memory_space<hbm>> -> memref<50x64xf32, #tpu.memory_space<hbm>>
      %dma_wait3A_2938 = arith.constant 0 : i32
      %dma_wait3A_2939 = arith.constant 0 : i32
      %dma_wait3A_2940 = tpu.memref_slice %arg8[%add3A_2928, %dma_wait3A_2938, %dma_wait3A_2939] : memref<4096x56x128xf32, #tpu.memory_space<hbm>> -> memref<1x50x64xf32, #tpu.memory_space<hbm>>
      %dma_wait3A_2941 = tpu.memref_squeeze %dma_wait3A_2940 : memref<1x50x64xf32, #tpu.memory_space<hbm>> -> memref<50x64xf32, #tpu.memory_space<hbm>>
      %dma_wait3A_2942 = arith.constant 0 : i32
      %dma_wait3A_2943 = arith.constant 0 : i32
      %dma_wait3A_2944 = tpu.memref_slice %arg12[%dma_wait3A_2929, %dma_wait3A_2942, %dma_wait3A_2943] : memref<8x200x64xf32, #tpu.memory_space<vmem>> -> memref<1x50x64xf32, #tpu.memory_space<vmem>>
      %dma_wait3A_2945 = tpu.memref_squeeze %dma_wait3A_2944 : memref<1x50x64xf32, #tpu.memory_space<vmem>> -> memref<50x64xf32, #tpu.memory_space<vmem>>
      tpu.wait_dma2 semaphore(%arg35 : memref<!tpu.dma_semaphore, #tpu.memory_space<semaphore_mem>>) src(%dma_wait3A_2945 : memref<50x64xf32, #tpu.memory_space<vmem>>) dst(%dma_wait3A_2941 : memref<50x64xf32, #tpu.memory_space<hbm>>)
      %add3A_2946 = arith.constant 1 : i32
      %add3A_2947 = arith.addi %add3A_2926, %add3A_2946 : i32
      %dma_wait3A_2948 = arith.constant 6 : i32
      %dma_wait3A_2949 = arith.constant 50 : i32
      %dma_wait3A_2950 = arith.constant 0 : i32
      %dma_wait3A_2951 = tpu.memref_slice %arg12[%dma_wait3A_2948, %dma_wait3A_2949, %dma_wait3A_2950] : memref<8x200x64xf32, #tpu.memory_space<vmem>> -> memref<1x50x64xf32, #tpu.memory_space<vmem>>
      %dma_wait3A_2952 = tpu.memref_squeeze %dma_wait3A_2951 : memref<1x50x64xf32, #tpu.memory_space<vmem>> -> memref<50x64xf32, #tpu.memory_space<vmem>>
      %dma_wait3A_2953 = arith.constant 0 : i32
      %dma_wait3A_2954 = arith.constant 0 : i32
      %dma_wait3A_2955 = tpu.memref_slice %arg8[%add3A_2947, %dma_wait3A_2953, %dma_wait3A_2954] : memref<4096x56x128xf32, #tpu.memory_space<hbm>> -> memref<1x50x64xf32, #tpu.memory_space<hbm>>
      %dma_wait3A_2956 = tpu.memref_squeeze %dma_wait3A_2955 : memref<1x50x64xf32, #tpu.memory_space<hbm>> -> memref<50x64xf32, #tpu.memory_space<hbm>>
      %dma_wait3A_2957 = arith.constant 0 : i32
      %dma_wait3A_2958 = arith.constant 0 : i32
      %dma_wait3A_2959 = tpu.memref_slice %arg8[%add3A_2947, %dma_wait3A_2957, %dma_wait3A_2958] : memref<4096x56x128xf32, #tpu.memory_space<hbm>> -> memref<1x50x64xf32, #tpu.memory_space<hbm>>
      %dma_wait3A_2960 = tpu.memref_squeeze %dma_wait3A_2959 : memref<1x50x64xf32, #tpu.memory_space<hbm>> -> memref<50x64xf32, #tpu.memory_space<hbm>>
      %dma_wait3A_2961 = arith.constant 50 : i32
      %dma_wait3A_2962 = arith.constant 0 : i32
      %dma_wait3A_2963 = tpu.memref_slice %arg12[%dma_wait3A_2948, %dma_wait3A_2961, %dma_wait3A_2962] : memref<8x200x64xf32, #tpu.memory_space<vmem>> -> memref<1x50x64xf32, #tpu.memory_space<vmem>>
      %dma_wait3A_2964 = tpu.memref_squeeze %dma_wait3A_2963 : memref<1x50x64xf32, #tpu.memory_space<vmem>> -> memref<50x64xf32, #tpu.memory_space<vmem>>
      tpu.wait_dma2 semaphore(%arg35 : memref<!tpu.dma_semaphore, #tpu.memory_space<semaphore_mem>>) src(%dma_wait3A_2964 : memref<50x64xf32, #tpu.memory_space<vmem>>) dst(%dma_wait3A_2960 : memref<50x64xf32, #tpu.memory_space<hbm>>)
      %add3A_2965 = arith.constant 2 : i32
      %add3A_2966 = arith.addi %add3A_2926, %add3A_2965 : i32
      %dma_wait3A_2967 = arith.constant 6 : i32
      %dma_wait3A_2968 = arith.constant 100 : i32
      %dma_wait3A_2969 = arith.constant 0 : i32
      %dma_wait3A_2970 = tpu.memref_slice %arg12[%dma_wait3A_2967, %dma_wait3A_2968, %dma_wait3A_2969] : memref<8x200x64xf32, #tpu.memory_space<vmem>> -> memref<1x50x64xf32, #tpu.memory_space<vmem>>
      %dma_wait3A_2971 = tpu.memref_squeeze %dma_wait3A_2970 : memref<1x50x64xf32, #tpu.memory_space<vmem>> -> memref<50x64xf32, #tpu.memory_space<vmem>>
      %dma_wait3A_2972 = arith.constant 0 : i32
      %dma_wait3A_2973 = arith.constant 0 : i32
      %dma_wait3A_2974 = tpu.memref_slice %arg8[%add3A_2966, %dma_wait3A_2972, %dma_wait3A_2973] : memref<4096x56x128xf32, #tpu.memory_space<hbm>> -> memref<1x50x64xf32, #tpu.memory_space<hbm>>
      %dma_wait3A_2975 = tpu.memref_squeeze %dma_wait3A_2974 : memref<1x50x64xf32, #tpu.memory_space<hbm>> -> memref<50x64xf32, #tpu.memory_space<hbm>>
      %dma_wait3A_2976 = arith.constant 0 : i32
      %dma_wait3A_2977 = arith.constant 0 : i32
      %dma_wait3A_2978 = tpu.memref_slice %arg8[%add3A_2966, %dma_wait3A_2976, %dma_wait3A_2977] : memref<4096x56x128xf32, #tpu.memory_space<hbm>> -> memref<1x50x64xf32, #tpu.memory_space<hbm>>
      %dma_wait3A_2979 = tpu.memref_squeeze %dma_wait3A_2978 : memref<1x50x64xf32, #tpu.memory_space<hbm>> -> memref<50x64xf32, #tpu.memory_space<hbm>>
      %dma_wait3A_2980 = arith.constant 100 : i32
      %dma_wait3A_2981 = arith.constant 0 : i32
      %dma_wait3A_2982 = tpu.memref_slice %arg12[%dma_wait3A_2967, %dma_wait3A_2980, %dma_wait3A_2981] : memref<8x200x64xf32, #tpu.memory_space<vmem>> -> memref<1x50x64xf32, #tpu.memory_space<vmem>>
      %dma_wait3A_2983 = tpu.memref_squeeze %dma_wait3A_2982 : memref<1x50x64xf32, #tpu.memory_space<vmem>> -> memref<50x64xf32, #tpu.memory_space<vmem>>
      tpu.wait_dma2 semaphore(%arg35 : memref<!tpu.dma_semaphore, #tpu.memory_space<semaphore_mem>>) src(%dma_wait3A_2983 : memref<50x64xf32, #tpu.memory_space<vmem>>) dst(%dma_wait3A_2979 : memref<50x64xf32, #tpu.memory_space<hbm>>)
      %add3A_2984 = arith.constant 3 : i32
      %add3A_2985 = arith.addi %add3A_2926, %add3A_2984 : i32
      %dma_wait3A_2986 = arith.constant 6 : i32
      %dma_wait3A_2987 = arith.constant 150 : i32
      %dma_wait3A_2988 = arith.constant 0 : i32
      %dma_wait3A_2989 = tpu.memref_slice %arg12[%dma_wait3A_2986, %dma_wait3A_2987, %dma_wait3A_2988] : memref<8x200x64xf32, #tpu.memory_space<vmem>> -> memref<1x50x64xf32, #tpu.memory_space<vmem>>
      %dma_wait3A_2990 = tpu.memref_squeeze %dma_wait3A_2989 : memref<1x50x64xf32, #tpu.memory_space<vmem>> -> memref<50x64xf32, #tpu.memory_space<vmem>>
      %dma_wait3A_2991 = arith.constant 0 : i32
      %dma_wait3A_2992 = arith.constant 0 : i32
      %dma_wait3A_2993 = tpu.memref_slice %arg8[%add3A_2985, %dma_wait3A_2991, %dma_wait3A_2992] : memref<4096x56x128xf32, #tpu.memory_space<hbm>> -> memref<1x50x64xf32, #tpu.memory_space<hbm>>
      %dma_wait3A_2994 = tpu.memref_squeeze %dma_wait3A_2993 : memref<1x50x64xf32, #tpu.memory_space<hbm>> -> memref<50x64xf32, #tpu.memory_space<hbm>>
      %dma_wait3A_2995 = arith.constant 0 : i32
      %dma_wait3A_2996 = arith.constant 0 : i32
      %dma_wait3A_2997 = tpu.memref_slice %arg8[%add3A_2985, %dma_wait3A_2995, %dma_wait3A_2996] : memref<4096x56x128xf32, #tpu.memory_space<hbm>> -> memref<1x50x64xf32, #tpu.memory_space<hbm>>
      %dma_wait3A_2998 = tpu.memref_squeeze %dma_wait3A_2997 : memref<1x50x64xf32, #tpu.memory_space<hbm>> -> memref<50x64xf32, #tpu.memory_space<hbm>>
      %dma_wait3A_2999 = arith.constant 150 : i32
      %dma_wait3A_3000 = arith.constant 0 : i32
      %dma_wait3A_3001 = tpu.memref_slice %arg12[%dma_wait3A_2986, %dma_wait3A_2999, %dma_wait3A_3000] : memref<8x200x64xf32, #tpu.memory_space<vmem>> -> memref<1x50x64xf32, #tpu.memory_space<vmem>>
      %dma_wait3A_3002 = tpu.memref_squeeze %dma_wait3A_3001 : memref<1x50x64xf32, #tpu.memory_space<vmem>> -> memref<50x64xf32, #tpu.memory_space<vmem>>
      tpu.wait_dma2 semaphore(%arg35 : memref<!tpu.dma_semaphore, #tpu.memory_space<semaphore_mem>>) src(%dma_wait3A_3002 : memref<50x64xf32, #tpu.memory_space<vmem>>) dst(%dma_wait3A_2998 : memref<50x64xf32, #tpu.memory_space<hbm>>)
      %mul3A_3003 = arith.constant 200 : i32
      %mul3A_3004 = arith.muli %add3A_2919, %mul3A_3003 : i32
      %dma_start3A_3005 = arith.constant 5 : i32
      %dma_start3A_3006 = arith.constant 0 : i32
      %dma_start3A_3007 = arith.constant 0 : i32
      %dma_start3A_3008 = tpu.memref_slice %arg12[%dma_start3A_3005, %dma_start3A_3006, %dma_start3A_3007] : memref<8x200x64xf32, #tpu.memory_space<vmem>> -> memref<1x200x64xf32, #tpu.memory_space<vmem>>
      %dma_start3A_3009 = tpu.memref_squeeze %dma_start3A_3008 : memref<1x200x64xf32, #tpu.memory_space<vmem>> -> memref<200x64xf32, #tpu.memory_space<vmem>>
      %dma_start3A_3010 = tpu.memref_slice %arg9[%mul3A_3004] : memref<6400xi32, #tpu.memory_space<vmem>> -> memref<200xi32, #tpu.memory_space<vmem>>
      %dma_start3A_3011 = arith.constant 0 : i32
      %dma_start3A_3012 = arith.constant 0 : i32
      %dma_start3A_3013 = tpu.memref_slice %arg5[%dma_start3A_3011, %dma_start3A_3012] : memref<100000x64xf32, #tpu.memory_space<hbm>> -> memref<100000x64xf32, #tpu.memory_space<hbm>>
      tpu.enqueue_indirect_dma source(%dma_start3A_3013 : memref<100000x64xf32, #tpu.memory_space<hbm>>) target(%dma_start3A_3009 : memref<200x64xf32, #tpu.memory_space<vmem>>) offsets(%dma_start3A_3010 : memref<200xi32, #tpu.memory_space<vmem>>) semaphore(%arg18 : memref<!tpu.dma_semaphore, #tpu.memory_space<semaphore_mem>>)
      %sub3A_3014 = arith.constant 3 : i32
      %sub3A_3015 = arith.subi %add3A_2919, %sub3A_3014 : i32
      %mul3A_3016 = arith.constant 200 : i32
      %mul3A_3017 = arith.muli %sub3A_3015, %mul3A_3016 : i32
      %dma_wait3A_3018 = arith.constant 2 : i32
      %dma_wait3A_3019 = arith.constant 0 : i32
      %dma_wait3A_3020 = arith.constant 0 : i32
      %dma_wait3A_3021 = tpu.memref_slice %arg12[%dma_wait3A_3018, %dma_wait3A_3019, %dma_wait3A_3020] : memref<8x200x64xf32, #tpu.memory_space<vmem>> -> memref<1x200x64xf32, #tpu.memory_space<vmem>>
      %dma_wait3A_3022 = tpu.memref_squeeze %dma_wait3A_3021 : memref<1x200x64xf32, #tpu.memory_space<vmem>> -> memref<200x64xf32, #tpu.memory_space<vmem>>
      %dma_wait3A_3023 = tpu.memref_slice %arg9[%mul3A_3017] : memref<6400xi32, #tpu.memory_space<vmem>> -> memref<200xi32, #tpu.memory_space<vmem>>
      %dma_wait3A_3024 = arith.constant 0 : i32
      %dma_wait3A_3025 = arith.constant 0 : i32
      %dma_wait3A_3026 = tpu.memref_slice %arg5[%dma_wait3A_3024, %dma_wait3A_3025] : memref<100000x64xf32, #tpu.memory_space<hbm>> -> memref<100000x64xf32, #tpu.memory_space<hbm>>
      tpu.wait_indirect_dma semaphore(%arg15 : memref<!tpu.dma_semaphore, #tpu.memory_space<semaphore_mem>>) src(%dma_wait3A_3026 : memref<100000x64xf32, #tpu.memory_space<hbm>>) dst(%dma_wait3A_3022 : memref<200x64xf32, #tpu.memory_space<vmem>>)
      %dma_start3A_3027 = arith.constant 2 : i32
      %dma_start3A_3028 = arith.constant 0 : i32
      %dma_start3A_3029 = arith.constant 0 : i32
      %dma_start3A_3030 = tpu.memref_slice %arg12[%dma_start3A_3027, %dma_start3A_3028, %dma_start3A_3029] : memref<8x200x64xf32, #tpu.memory_space<vmem>> -> memref<1x200x64xf32, #tpu.memory_space<vmem>>
      %dma_start3A_3031 = tpu.memref_squeeze %dma_start3A_3030 : memref<1x200x64xf32, #tpu.memory_space<vmem>> -> memref<200x64xf32, #tpu.memory_space<vmem>>
      %dma_start3A_3032 = tpu.memref_slice %arg10[%mul3A_3017] : memref<6400xi32, #tpu.memory_space<vmem>> -> memref<200xi32, #tpu.memory_space<vmem>>
      %dma_start3A_3033 = arith.constant 0 : i32
      %dma_start3A_3034 = arith.constant 0 : i32
      %dma_start3A_3035 = tpu.memref_slice %arg6[%dma_start3A_3033, %dma_start3A_3034] : memref<100000x64xf32, #tpu.memory_space<hbm>> -> memref<100000x64xf32, #tpu.memory_space<hbm>>
      tpu.enqueue_indirect_dma source(%dma_start3A_3035 : memref<100000x64xf32, #tpu.memory_space<hbm>>) target(%dma_start3A_3031 : memref<200x64xf32, #tpu.memory_space<vmem>>) offsets(%dma_start3A_3032 : memref<200xi32, #tpu.memory_space<vmem>>) semaphore(%arg23 : memref<!tpu.dma_semaphore, #tpu.memory_space<semaphore_mem>>) {add = true}
      %dma_start3A_3036 = arith.constant 2 : i32
      %dma_start3A_3037 = arith.constant 0 : i32
      %dma_start3A_3038 = arith.constant 0 : i32
      %dma_start3A_3039 = tpu.memref_slice %arg12[%dma_start3A_3036, %dma_start3A_3037, %dma_start3A_3038] : memref<8x200x64xf32, #tpu.memory_space<vmem>> -> memref<1x200x64xf32, #tpu.memory_space<vmem>>
      %dma_start3A_3040 = tpu.memref_squeeze %dma_start3A_3039 : memref<1x200x64xf32, #tpu.memory_space<vmem>> -> memref<200x64xf32, #tpu.memory_space<vmem>>
      %dma_start3A_3041 = tpu.memref_slice %arg11[%mul3A_3017] : memref<6400xi32, #tpu.memory_space<vmem>> -> memref<200xi32, #tpu.memory_space<vmem>>
      %dma_start3A_3042 = arith.constant 0 : i32
      %dma_start3A_3043 = arith.constant 0 : i32
      %dma_start3A_3044 = tpu.memref_slice %arg7[%dma_start3A_3042, %dma_start3A_3043] : memref<100000x64xf32, #tpu.memory_space<hbm>> -> memref<100000x64xf32, #tpu.memory_space<hbm>>
      tpu.enqueue_indirect_dma source(%dma_start3A_3044 : memref<100000x64xf32, #tpu.memory_space<hbm>>) target(%dma_start3A_3040 : memref<200x64xf32, #tpu.memory_space<vmem>>) offsets(%dma_start3A_3041 : memref<200xi32, #tpu.memory_space<vmem>>) semaphore(%arg23 : memref<!tpu.dma_semaphore, #tpu.memory_space<semaphore_mem>>) {add = true}
      %sub3A_3045 = arith.constant 5 : i32
      %sub3A_3046 = arith.subi %add3A_2919, %sub3A_3045 : i32
      %mul3A_3047 = arith.constant 200 : i32
      %mul3A_3048 = arith.muli %sub3A_3046, %mul3A_3047 : i32
      %dma_wait3A_3049 = arith.constant 0 : i32
      %dma_wait3A_3050 = arith.constant 0 : i32
      %dma_wait3A_3051 = arith.constant 0 : i32
      %dma_wait3A_3052 = tpu.memref_slice %arg12[%dma_wait3A_3049, %dma_wait3A_3050, %dma_wait3A_3051] : memref<8x200x64xf32, #tpu.memory_space<vmem>> -> memref<1x200x64xf32, #tpu.memory_space<vmem>>
      %dma_wait3A_3053 = tpu.memref_squeeze %dma_wait3A_3052 : memref<1x200x64xf32, #tpu.memory_space<vmem>> -> memref<200x64xf32, #tpu.memory_space<vmem>>
      %dma_wait3A_3054 = tpu.memref_slice %arg10[%mul3A_3048] : memref<6400xi32, #tpu.memory_space<vmem>> -> memref<200xi32, #tpu.memory_space<vmem>>
      %dma_wait3A_3055 = arith.constant 0 : i32
      %dma_wait3A_3056 = arith.constant 0 : i32
      %dma_wait3A_3057 = tpu.memref_slice %arg6[%dma_wait3A_3055, %dma_wait3A_3056] : memref<100000x64xf32, #tpu.memory_space<hbm>> -> memref<100000x64xf32, #tpu.memory_space<hbm>>
      tpu.wait_indirect_dma semaphore(%arg21 : memref<!tpu.dma_semaphore, #tpu.memory_space<semaphore_mem>>) src(%dma_wait3A_3057 : memref<100000x64xf32, #tpu.memory_space<hbm>>) dst(%dma_wait3A_3053 : memref<200x64xf32, #tpu.memory_space<vmem>>)
      %dma_wait3A_3058 = arith.constant 0 : i32
      %dma_wait3A_3059 = arith.constant 0 : i32
      %dma_wait3A_3060 = arith.constant 0 : i32
      %dma_wait3A_3061 = tpu.memref_slice %arg12[%dma_wait3A_3058, %dma_wait3A_3059, %dma_wait3A_3060] : memref<8x200x64xf32, #tpu.memory_space<vmem>> -> memref<1x200x64xf32, #tpu.memory_space<vmem>>
      %dma_wait3A_3062 = tpu.memref_squeeze %dma_wait3A_3061 : memref<1x200x64xf32, #tpu.memory_space<vmem>> -> memref<200x64xf32, #tpu.memory_space<vmem>>
      %dma_wait3A_3063 = tpu.memref_slice %arg11[%mul3A_3048] : memref<6400xi32, #tpu.memory_space<vmem>> -> memref<200xi32, #tpu.memory_space<vmem>>
      %dma_wait3A_3064 = arith.constant 0 : i32
      %dma_wait3A_3065 = arith.constant 0 : i32
      %dma_wait3A_3066 = tpu.memref_slice %arg7[%dma_wait3A_3064, %dma_wait3A_3065] : memref<100000x64xf32, #tpu.memory_space<hbm>> -> memref<100000x64xf32, #tpu.memory_space<hbm>>
      tpu.wait_indirect_dma semaphore(%arg21 : memref<!tpu.dma_semaphore, #tpu.memory_space<semaphore_mem>>) src(%dma_wait3A_3066 : memref<100000x64xf32, #tpu.memory_space<hbm>>) dst(%dma_wait3A_3062 : memref<200x64xf32, #tpu.memory_space<vmem>>)
      %mul3A_3067 = arith.constant 128 : i32
      %mul3A_3068 = arith.muli %add3A, %mul3A_3067 : i32
      %mul3A_3069 = arith.constant 4 : i32
      %mul3A_3070 = arith.muli %sub3A_3046, %mul3A_3069 : i32
      %add3A_3071 = arith.addi %mul3A_3068, %mul3A_3070 : i32
      %add3A_3072 = arith.constant 0 : i32
      %add3A_3073 = arith.addi %add3A_3071, %add3A_3072 : i32
      %dma_start3A_3074 = arith.constant 0 : i32
      %dma_start3A_3075 = arith.constant 0 : i32
      %dma_start3A_3076 = arith.constant 0 : i32
      %dma_start3A_3077 = tpu.memref_slice %arg12[%dma_start3A_3074, %dma_start3A_3075, %dma_start3A_3076] : memref<8x200x64xf32, #tpu.memory_space<vmem>> -> memref<1x50x64xf32, #tpu.memory_space<vmem>>
      %dma_start3A_3078 = tpu.memref_squeeze %dma_start3A_3077 : memref<1x50x64xf32, #tpu.memory_space<vmem>> -> memref<50x64xf32, #tpu.memory_space<vmem>>
      %dma_start3A_3079 = arith.constant 0 : i32
      %dma_start3A_3080 = arith.constant 0 : i32
      %dma_start3A_3081 = tpu.memref_slice %arg8[%add3A_3073, %dma_start3A_3079, %dma_start3A_3080] : memref<4096x56x128xf32, #tpu.memory_space<hbm>> -> memref<1x50x64xf32, #tpu.memory_space<hbm>>
      %dma_start3A_3082 = tpu.memref_squeeze %dma_start3A_3081 : memref<1x50x64xf32, #tpu.memory_space<hbm>> -> memref<50x64xf32, #tpu.memory_space<hbm>>
      %dma_start3A_3083 = arith.constant 0 : i32
      %dma_start3A_3084 = arith.constant 0 : i32
      %dma_start3A_3085 = tpu.memref_slice %arg8[%add3A_3073, %dma_start3A_3083, %dma_start3A_3084] : memref<4096x56x128xf32, #tpu.memory_space<hbm>> -> memref<1x50x64xf32, #tpu.memory_space<hbm>>
      %dma_start3A_3086 = tpu.memref_squeeze %dma_start3A_3085 : memref<1x50x64xf32, #tpu.memory_space<hbm>> -> memref<50x64xf32, #tpu.memory_space<hbm>>
      %dma_start3A_3087 = arith.constant 0 : i32
      %dma_start3A_3088 = arith.constant 0 : i32
      %dma_start3A_3089 = tpu.memref_slice %arg12[%dma_start3A_3074, %dma_start3A_3087, %dma_start3A_3088] : memref<8x200x64xf32, #tpu.memory_space<vmem>> -> memref<1x50x64xf32, #tpu.memory_space<vmem>>
      %dma_start3A_3090 = tpu.memref_squeeze %dma_start3A_3089 : memref<1x50x64xf32, #tpu.memory_space<vmem>> -> memref<50x64xf32, #tpu.memory_space<vmem>>
      tpu.enqueue_dma source(%dma_start3A_3090 : memref<50x64xf32, #tpu.memory_space<vmem>>) target(%dma_start3A_3086 : memref<50x64xf32, #tpu.memory_space<hbm>>) target_semaphore(%arg29 : memref<!tpu.dma_semaphore, #tpu.memory_space<semaphore_mem>>)
      %add3A_3091 = arith.constant 1 : i32
      %add3A_3092 = arith.addi %add3A_3071, %add3A_3091 : i32
      %dma_start3A_3093 = arith.constant 0 : i32
      %dma_start3A_3094 = arith.constant 50 : i32
      %dma_start3A_3095 = arith.constant 0 : i32
      %dma_start3A_3096 = tpu.memref_slice %arg12[%dma_start3A_3093, %dma_start3A_3094, %dma_start3A_3095] : memref<8x200x64xf32, #tpu.memory_space<vmem>> -> memref<1x50x64xf32, #tpu.memory_space<vmem>>
      %dma_start3A_3097 = tpu.memref_squeeze %dma_start3A_3096 : memref<1x50x64xf32, #tpu.memory_space<vmem>> -> memref<50x64xf32, #tpu.memory_space<vmem>>
      %dma_start3A_3098 = arith.constant 0 : i32
      %dma_start3A_3099 = arith.constant 0 : i32
      %dma_start3A_3100 = tpu.memref_slice %arg8[%add3A_3092, %dma_start3A_3098, %dma_start3A_3099] : memref<4096x56x128xf32, #tpu.memory_space<hbm>> -> memref<1x50x64xf32, #tpu.memory_space<hbm>>
      %dma_start3A_3101 = tpu.memref_squeeze %dma_start3A_3100 : memref<1x50x64xf32, #tpu.memory_space<hbm>> -> memref<50x64xf32, #tpu.memory_space<hbm>>
      %dma_start3A_3102 = arith.constant 0 : i32
      %dma_start3A_3103 = arith.constant 0 : i32
      %dma_start3A_3104 = tpu.memref_slice %arg8[%add3A_3092, %dma_start3A_3102, %dma_start3A_3103] : memref<4096x56x128xf32, #tpu.memory_space<hbm>> -> memref<1x50x64xf32, #tpu.memory_space<hbm>>
      %dma_start3A_3105 = tpu.memref_squeeze %dma_start3A_3104 : memref<1x50x64xf32, #tpu.memory_space<hbm>> -> memref<50x64xf32, #tpu.memory_space<hbm>>
      %dma_start3A_3106 = arith.constant 50 : i32
      %dma_start3A_3107 = arith.constant 0 : i32
      %dma_start3A_3108 = tpu.memref_slice %arg12[%dma_start3A_3093, %dma_start3A_3106, %dma_start3A_3107] : memref<8x200x64xf32, #tpu.memory_space<vmem>> -> memref<1x50x64xf32, #tpu.memory_space<vmem>>
      %dma_start3A_3109 = tpu.memref_squeeze %dma_start3A_3108 : memref<1x50x64xf32, #tpu.memory_space<vmem>> -> memref<50x64xf32, #tpu.memory_space<vmem>>
      tpu.enqueue_dma source(%dma_start3A_3109 : memref<50x64xf32, #tpu.memory_space<vmem>>) target(%dma_start3A_3105 : memref<50x64xf32, #tpu.memory_space<hbm>>) target_semaphore(%arg29 : memref<!tpu.dma_semaphore, #tpu.memory_space<semaphore_mem>>)
      %add3A_3110 = arith.constant 2 : i32
      %add3A_3111 = arith.addi %add3A_3071, %add3A_3110 : i32
      %dma_start3A_3112 = arith.constant 0 : i32
      %dma_start3A_3113 = arith.constant 100 : i32
      %dma_start3A_3114 = arith.constant 0 : i32
      %dma_start3A_3115 = tpu.memref_slice %arg12[%dma_start3A_3112, %dma_start3A_3113, %dma_start3A_3114] : memref<8x200x64xf32, #tpu.memory_space<vmem>> -> memref<1x50x64xf32, #tpu.memory_space<vmem>>
      %dma_start3A_3116 = tpu.memref_squeeze %dma_start3A_3115 : memref<1x50x64xf32, #tpu.memory_space<vmem>> -> memref<50x64xf32, #tpu.memory_space<vmem>>
      %dma_start3A_3117 = arith.constant 0 : i32
      %dma_start3A_3118 = arith.constant 0 : i32
      %dma_start3A_3119 = tpu.memref_slice %arg8[%add3A_3111, %dma_start3A_3117, %dma_start3A_3118] : memref<4096x56x128xf32, #tpu.memory_space<hbm>> -> memref<1x50x64xf32, #tpu.memory_space<hbm>>
      %dma_start3A_3120 = tpu.memref_squeeze %dma_start3A_3119 : memref<1x50x64xf32, #tpu.memory_space<hbm>> -> memref<50x64xf32, #tpu.memory_space<hbm>>
      %dma_start3A_3121 = arith.constant 0 : i32
      %dma_start3A_3122 = arith.constant 0 : i32
      %dma_start3A_3123 = tpu.memref_slice %arg8[%add3A_3111, %dma_start3A_3121, %dma_start3A_3122] : memref<4096x56x128xf32, #tpu.memory_space<hbm>> -> memref<1x50x64xf32, #tpu.memory_space<hbm>>
      %dma_start3A_3124 = tpu.memref_squeeze %dma_start3A_3123 : memref<1x50x64xf32, #tpu.memory_space<hbm>> -> memref<50x64xf32, #tpu.memory_space<hbm>>
      %dma_start3A_3125 = arith.constant 100 : i32
      %dma_start3A_3126 = arith.constant 0 : i32
      %dma_start3A_3127 = tpu.memref_slice %arg12[%dma_start3A_3112, %dma_start3A_3125, %dma_start3A_3126] : memref<8x200x64xf32, #tpu.memory_space<vmem>> -> memref<1x50x64xf32, #tpu.memory_space<vmem>>
      %dma_start3A_3128 = tpu.memref_squeeze %dma_start3A_3127 : memref<1x50x64xf32, #tpu.memory_space<vmem>> -> memref<50x64xf32, #tpu.memory_space<vmem>>
      tpu.enqueue_dma source(%dma_start3A_3128 : memref<50x64xf32, #tpu.memory_space<vmem>>) target(%dma_start3A_3124 : memref<50x64xf32, #tpu.memory_space<hbm>>) target_semaphore(%arg29 : memref<!tpu.dma_semaphore, #tpu.memory_space<semaphore_mem>>)
      %add3A_3129 = arith.constant 3 : i32
      %add3A_3130 = arith.addi %add3A_3071, %add3A_3129 : i32
      %dma_start3A_3131 = arith.constant 0 : i32
      %dma_start3A_3132 = arith.constant 150 : i32
      %dma_start3A_3133 = arith.constant 0 : i32
      %dma_start3A_3134 = tpu.memref_slice %arg12[%dma_start3A_3131, %dma_start3A_3132, %dma_start3A_3133] : memref<8x200x64xf32, #tpu.memory_space<vmem>> -> memref<1x50x64xf32, #tpu.memory_space<vmem>>
      %dma_start3A_3135 = tpu.memref_squeeze %dma_start3A_3134 : memref<1x50x64xf32, #tpu.memory_space<vmem>> -> memref<50x64xf32, #tpu.memory_space<vmem>>
      %dma_start3A_3136 = arith.constant 0 : i32
      %dma_start3A_3137 = arith.constant 0 : i32
      %dma_start3A_3138 = tpu.memref_slice %arg8[%add3A_3130, %dma_start3A_3136, %dma_start3A_3137] : memref<4096x56x128xf32, #tpu.memory_space<hbm>> -> memref<1x50x64xf32, #tpu.memory_space<hbm>>
      %dma_start3A_3139 = tpu.memref_squeeze %dma_start3A_3138 : memref<1x50x64xf32, #tpu.memory_space<hbm>> -> memref<50x64xf32, #tpu.memory_space<hbm>>
      %dma_start3A_3140 = arith.constant 0 : i32
      %dma_start3A_3141 = arith.constant 0 : i32
      %dma_start3A_3142 = tpu.memref_slice %arg8[%add3A_3130, %dma_start3A_3140, %dma_start3A_3141] : memref<4096x56x128xf32, #tpu.memory_space<hbm>> -> memref<1x50x64xf32, #tpu.memory_space<hbm>>
      %dma_start3A_3143 = tpu.memref_squeeze %dma_start3A_3142 : memref<1x50x64xf32, #tpu.memory_space<hbm>> -> memref<50x64xf32, #tpu.memory_space<hbm>>
      %dma_start3A_3144 = arith.constant 150 : i32
      %dma_start3A_3145 = arith.constant 0 : i32
      %dma_start3A_3146 = tpu.memref_slice %arg12[%dma_start3A_3131, %dma_start3A_3144, %dma_start3A_3145] : memref<8x200x64xf32, #tpu.memory_space<vmem>> -> memref<1x50x64xf32, #tpu.memory_space<vmem>>
      %dma_start3A_3147 = tpu.memref_squeeze %dma_start3A_3146 : memref<1x50x64xf32, #tpu.memory_space<vmem>> -> memref<50x64xf32, #tpu.memory_space<vmem>>
      tpu.enqueue_dma source(%dma_start3A_3147 : memref<50x64xf32, #tpu.memory_space<vmem>>) target(%dma_start3A_3143 : memref<50x64xf32, #tpu.memory_space<hbm>>) target_semaphore(%arg29 : memref<!tpu.dma_semaphore, #tpu.memory_space<semaphore_mem>>)
      %add3A_3148 = arith.constant 6 : i32
      %add3A_3149 = arith.addi %mul3A_1768, %add3A_3148 : i32
      %sub3A_3150 = arith.constant 7 : i32
      %sub3A_3151 = arith.subi %add3A_3149, %sub3A_3150 : i32
      %mul3A_3152 = arith.constant 128 : i32
      %mul3A_3153 = arith.muli %add3A, %mul3A_3152 : i32
      %mul3A_3154 = arith.constant 4 : i32
      %mul3A_3155 = arith.muli %sub3A_3151, %mul3A_3154 : i32
      %add3A_3156 = arith.addi %mul3A_3153, %mul3A_3155 : i32
      %add3A_3157 = arith.constant 0 : i32
      %add3A_3158 = arith.addi %add3A_3156, %add3A_3157 : i32
      %dma_wait3A_3159 = arith.constant 7 : i32
      %dma_wait3A_3160 = arith.constant 0 : i32
      %dma_wait3A_3161 = arith.constant 0 : i32
      %dma_wait3A_3162 = tpu.memref_slice %arg12[%dma_wait3A_3159, %dma_wait3A_3160, %dma_wait3A_3161] : memref<8x200x64xf32, #tpu.memory_space<vmem>> -> memref<1x50x64xf32, #tpu.memory_space<vmem>>
      %dma_wait3A_3163 = tpu.memref_squeeze %dma_wait3A_3162 : memref<1x50x64xf32, #tpu.memory_space<vmem>> -> memref<50x64xf32, #tpu.memory_space<vmem>>
      %dma_wait3A_3164 = arith.constant 0 : i32
      %dma_wait3A_3165 = arith.constant 0 : i32
      %dma_wait3A_3166 = tpu.memref_slice %arg8[%add3A_3158, %dma_wait3A_3164, %dma_wait3A_3165] : memref<4096x56x128xf32, #tpu.memory_space<hbm>> -> memref<1x50x64xf32, #tpu.memory_space<hbm>>
      %dma_wait3A_3167 = tpu.memref_squeeze %dma_wait3A_3166 : memref<1x50x64xf32, #tpu.memory_space<hbm>> -> memref<50x64xf32, #tpu.memory_space<hbm>>
      %dma_wait3A_3168 = arith.constant 0 : i32
      %dma_wait3A_3169 = arith.constant 0 : i32
      %dma_wait3A_3170 = tpu.memref_slice %arg8[%add3A_3158, %dma_wait3A_3168, %dma_wait3A_3169] : memref<4096x56x128xf32, #tpu.memory_space<hbm>> -> memref<1x50x64xf32, #tpu.memory_space<hbm>>
      %dma_wait3A_3171 = tpu.memref_squeeze %dma_wait3A_3170 : memref<1x50x64xf32, #tpu.memory_space<hbm>> -> memref<50x64xf32, #tpu.memory_space<hbm>>
      %dma_wait3A_3172 = arith.constant 0 : i32
      %dma_wait3A_3173 = arith.constant 0 : i32
      %dma_wait3A_3174 = tpu.memref_slice %arg12[%dma_wait3A_3159, %dma_wait3A_3172, %dma_wait3A_3173] : memref<8x200x64xf32, #tpu.memory_space<vmem>> -> memref<1x50x64xf32, #tpu.memory_space<vmem>>
      %dma_wait3A_3175 = tpu.memref_squeeze %dma_wait3A_3174 : memref<1x50x64xf32, #tpu.memory_space<vmem>> -> memref<50x64xf32, #tpu.memory_space<vmem>>
      tpu.wait_dma2 semaphore(%arg36 : memref<!tpu.dma_semaphore, #tpu.memory_space<semaphore_mem>>) src(%dma_wait3A_3175 : memref<50x64xf32, #tpu.memory_space<vmem>>) dst(%dma_wait3A_3171 : memref<50x64xf32, #tpu.memory_space<hbm>>)
      %add3A_3176 = arith.constant 1 : i32
      %add3A_3177 = arith.addi %add3A_3156, %add3A_3176 : i32
      %dma_wait3A_3178 = arith.constant 7 : i32
      %dma_wait3A_3179 = arith.constant 50 : i32
      %dma_wait3A_3180 = arith.constant 0 : i32
      %dma_wait3A_3181 = tpu.memref_slice %arg12[%dma_wait3A_3178, %dma_wait3A_3179, %dma_wait3A_3180] : memref<8x200x64xf32, #tpu.memory_space<vmem>> -> memref<1x50x64xf32, #tpu.memory_space<vmem>>
      %dma_wait3A_3182 = tpu.memref_squeeze %dma_wait3A_3181 : memref<1x50x64xf32, #tpu.memory_space<vmem>> -> memref<50x64xf32, #tpu.memory_space<vmem>>
      %dma_wait3A_3183 = arith.constant 0 : i32
      %dma_wait3A_3184 = arith.constant 0 : i32
      %dma_wait3A_3185 = tpu.memref_slice %arg8[%add3A_3177, %dma_wait3A_3183, %dma_wait3A_3184] : memref<4096x56x128xf32, #tpu.memory_space<hbm>> -> memref<1x50x64xf32, #tpu.memory_space<hbm>>
      %dma_wait3A_3186 = tpu.memref_squeeze %dma_wait3A_3185 : memref<1x50x64xf32, #tpu.memory_space<hbm>> -> memref<50x64xf32, #tpu.memory_space<hbm>>
      %dma_wait3A_3187 = arith.constant 0 : i32
      %dma_wait3A_3188 = arith.constant 0 : i32
      %dma_wait3A_3189 = tpu.memref_slice %arg8[%add3A_3177, %dma_wait3A_3187, %dma_wait3A_3188] : memref<4096x56x128xf32, #tpu.memory_space<hbm>> -> memref<1x50x64xf32, #tpu.memory_space<hbm>>
      %dma_wait3A_3190 = tpu.memref_squeeze %dma_wait3A_3189 : memref<1x50x64xf32, #tpu.memory_space<hbm>> -> memref<50x64xf32, #tpu.memory_space<hbm>>
      %dma_wait3A_3191 = arith.constant 50 : i32
      %dma_wait3A_3192 = arith.constant 0 : i32
      %dma_wait3A_3193 = tpu.memref_slice %arg12[%dma_wait3A_3178, %dma_wait3A_3191, %dma_wait3A_3192] : memref<8x200x64xf32, #tpu.memory_space<vmem>> -> memref<1x50x64xf32, #tpu.memory_space<vmem>>
      %dma_wait3A_3194 = tpu.memref_squeeze %dma_wait3A_3193 : memref<1x50x64xf32, #tpu.memory_space<vmem>> -> memref<50x64xf32, #tpu.memory_space<vmem>>
      tpu.wait_dma2 semaphore(%arg36 : memref<!tpu.dma_semaphore, #tpu.memory_space<semaphore_mem>>) src(%dma_wait3A_3194 : memref<50x64xf32, #tpu.memory_space<vmem>>) dst(%dma_wait3A_3190 : memref<50x64xf32, #tpu.memory_space<hbm>>)
      %add3A_3195 = arith.constant 2 : i32
      %add3A_3196 = arith.addi %add3A_3156, %add3A_3195 : i32
      %dma_wait3A_3197 = arith.constant 7 : i32
      %dma_wait3A_3198 = arith.constant 100 : i32
      %dma_wait3A_3199 = arith.constant 0 : i32
      %dma_wait3A_3200 = tpu.memref_slice %arg12[%dma_wait3A_3197, %dma_wait3A_3198, %dma_wait3A_3199] : memref<8x200x64xf32, #tpu.memory_space<vmem>> -> memref<1x50x64xf32, #tpu.memory_space<vmem>>
      %dma_wait3A_3201 = tpu.memref_squeeze %dma_wait3A_3200 : memref<1x50x64xf32, #tpu.memory_space<vmem>> -> memref<50x64xf32, #tpu.memory_space<vmem>>
      %dma_wait3A_3202 = arith.constant 0 : i32
      %dma_wait3A_3203 = arith.constant 0 : i32
      %dma_wait3A_3204 = tpu.memref_slice %arg8[%add3A_3196, %dma_wait3A_3202, %dma_wait3A_3203] : memref<4096x56x128xf32, #tpu.memory_space<hbm>> -> memref<1x50x64xf32, #tpu.memory_space<hbm>>
      %dma_wait3A_3205 = tpu.memref_squeeze %dma_wait3A_3204 : memref<1x50x64xf32, #tpu.memory_space<hbm>> -> memref<50x64xf32, #tpu.memory_space<hbm>>
      %dma_wait3A_3206 = arith.constant 0 : i32
      %dma_wait3A_3207 = arith.constant 0 : i32
      %dma_wait3A_3208 = tpu.memref_slice %arg8[%add3A_3196, %dma_wait3A_3206, %dma_wait3A_3207] : memref<4096x56x128xf32, #tpu.memory_space<hbm>> -> memref<1x50x64xf32, #tpu.memory_space<hbm>>
      %dma_wait3A_3209 = tpu.memref_squeeze %dma_wait3A_3208 : memref<1x50x64xf32, #tpu.memory_space<hbm>> -> memref<50x64xf32, #tpu.memory_space<hbm>>
      %dma_wait3A_3210 = arith.constant 100 : i32
      %dma_wait3A_3211 = arith.constant 0 : i32
      %dma_wait3A_3212 = tpu.memref_slice %arg12[%dma_wait3A_3197, %dma_wait3A_3210, %dma_wait3A_3211] : memref<8x200x64xf32, #tpu.memory_space<vmem>> -> memref<1x50x64xf32, #tpu.memory_space<vmem>>
      %dma_wait3A_3213 = tpu.memref_squeeze %dma_wait3A_3212 : memref<1x50x64xf32, #tpu.memory_space<vmem>> -> memref<50x64xf32, #tpu.memory_space<vmem>>
      tpu.wait_dma2 semaphore(%arg36 : memref<!tpu.dma_semaphore, #tpu.memory_space<semaphore_mem>>) src(%dma_wait3A_3213 : memref<50x64xf32, #tpu.memory_space<vmem>>) dst(%dma_wait3A_3209 : memref<50x64xf32, #tpu.memory_space<hbm>>)
      %add3A_3214 = arith.constant 3 : i32
      %add3A_3215 = arith.addi %add3A_3156, %add3A_3214 : i32
      %dma_wait3A_3216 = arith.constant 7 : i32
      %dma_wait3A_3217 = arith.constant 150 : i32
      %dma_wait3A_3218 = arith.constant 0 : i32
      %dma_wait3A_3219 = tpu.memref_slice %arg12[%dma_wait3A_3216, %dma_wait3A_3217, %dma_wait3A_3218] : memref<8x200x64xf32, #tpu.memory_space<vmem>> -> memref<1x50x64xf32, #tpu.memory_space<vmem>>
      %dma_wait3A_3220 = tpu.memref_squeeze %dma_wait3A_3219 : memref<1x50x64xf32, #tpu.memory_space<vmem>> -> memref<50x64xf32, #tpu.memory_space<vmem>>
      %dma_wait3A_3221 = arith.constant 0 : i32
      %dma_wait3A_3222 = arith.constant 0 : i32
      %dma_wait3A_3223 = tpu.memref_slice %arg8[%add3A_3215, %dma_wait3A_3221, %dma_wait3A_3222] : memref<4096x56x128xf32, #tpu.memory_space<hbm>> -> memref<1x50x64xf32, #tpu.memory_space<hbm>>
      %dma_wait3A_3224 = tpu.memref_squeeze %dma_wait3A_3223 : memref<1x50x64xf32, #tpu.memory_space<hbm>> -> memref<50x64xf32, #tpu.memory_space<hbm>>
      %dma_wait3A_3225 = arith.constant 0 : i32
      %dma_wait3A_3226 = arith.constant 0 : i32
      %dma_wait3A_3227 = tpu.memref_slice %arg8[%add3A_3215, %dma_wait3A_3225, %dma_wait3A_3226] : memref<4096x56x128xf32, #tpu.memory_space<hbm>> -> memref<1x50x64xf32, #tpu.memory_space<hbm>>
      %dma_wait3A_3228 = tpu.memref_squeeze %dma_wait3A_3227 : memref<1x50x64xf32, #tpu.memory_space<hbm>> -> memref<50x64xf32, #tpu.memory_space<hbm>>
      %dma_wait3A_3229 = arith.constant 150 : i32
      %dma_wait3A_3230 = arith.constant 0 : i32
      %dma_wait3A_3231 = tpu.memref_slice %arg12[%dma_wait3A_3216, %dma_wait3A_3229, %dma_wait3A_3230] : memref<8x200x64xf32, #tpu.memory_space<vmem>> -> memref<1x50x64xf32, #tpu.memory_space<vmem>>
      %dma_wait3A_3232 = tpu.memref_squeeze %dma_wait3A_3231 : memref<1x50x64xf32, #tpu.memory_space<vmem>> -> memref<50x64xf32, #tpu.memory_space<vmem>>
      tpu.wait_dma2 semaphore(%arg36 : memref<!tpu.dma_semaphore, #tpu.memory_space<semaphore_mem>>) src(%dma_wait3A_3232 : memref<50x64xf32, #tpu.memory_space<vmem>>) dst(%dma_wait3A_3228 : memref<50x64xf32, #tpu.memory_space<hbm>>)
      %mul3A_3233 = arith.constant 200 : i32
      %mul3A_3234 = arith.muli %add3A_3149, %mul3A_3233 : i32
      %dma_start3A_3235 = arith.constant 6 : i32
      %dma_start3A_3236 = arith.constant 0 : i32
      %dma_start3A_3237 = arith.constant 0 : i32
      %dma_start3A_3238 = tpu.memref_slice %arg12[%dma_start3A_3235, %dma_start3A_3236, %dma_start3A_3237] : memref<8x200x64xf32, #tpu.memory_space<vmem>> -> memref<1x200x64xf32, #tpu.memory_space<vmem>>
      %dma_start3A_3239 = tpu.memref_squeeze %dma_start3A_3238 : memref<1x200x64xf32, #tpu.memory_space<vmem>> -> memref<200x64xf32, #tpu.memory_space<vmem>>
      %dma_start3A_3240 = tpu.memref_slice %arg9[%mul3A_3234] : memref<6400xi32, #tpu.memory_space<vmem>> -> memref<200xi32, #tpu.memory_space<vmem>>
      %dma_start3A_3241 = arith.constant 0 : i32
      %dma_start3A_3242 = arith.constant 0 : i32
      %dma_start3A_3243 = tpu.memref_slice %arg5[%dma_start3A_3241, %dma_start3A_3242] : memref<100000x64xf32, #tpu.memory_space<hbm>> -> memref<100000x64xf32, #tpu.memory_space<hbm>>
      tpu.enqueue_indirect_dma source(%dma_start3A_3243 : memref<100000x64xf32, #tpu.memory_space<hbm>>) target(%dma_start3A_3239 : memref<200x64xf32, #tpu.memory_space<vmem>>) offsets(%dma_start3A_3240 : memref<200xi32, #tpu.memory_space<vmem>>) semaphore(%arg19 : memref<!tpu.dma_semaphore, #tpu.memory_space<semaphore_mem>>)
      %sub3A_3244 = arith.constant 3 : i32
      %sub3A_3245 = arith.subi %add3A_3149, %sub3A_3244 : i32
      %mul3A_3246 = arith.constant 200 : i32
      %mul3A_3247 = arith.muli %sub3A_3245, %mul3A_3246 : i32
      %dma_wait3A_3248 = arith.constant 3 : i32
      %dma_wait3A_3249 = arith.constant 0 : i32
      %dma_wait3A_3250 = arith.constant 0 : i32
      %dma_wait3A_3251 = tpu.memref_slice %arg12[%dma_wait3A_3248, %dma_wait3A_3249, %dma_wait3A_3250] : memref<8x200x64xf32, #tpu.memory_space<vmem>> -> memref<1x200x64xf32, #tpu.memory_space<vmem>>
      %dma_wait3A_3252 = tpu.memref_squeeze %dma_wait3A_3251 : memref<1x200x64xf32, #tpu.memory_space<vmem>> -> memref<200x64xf32, #tpu.memory_space<vmem>>
      %dma_wait3A_3253 = tpu.memref_slice %arg9[%mul3A_3247] : memref<6400xi32, #tpu.memory_space<vmem>> -> memref<200xi32, #tpu.memory_space<vmem>>
      %dma_wait3A_3254 = arith.constant 0 : i32
      %dma_wait3A_3255 = arith.constant 0 : i32
      %dma_wait3A_3256 = tpu.memref_slice %arg5[%dma_wait3A_3254, %dma_wait3A_3255] : memref<100000x64xf32, #tpu.memory_space<hbm>> -> memref<100000x64xf32, #tpu.memory_space<hbm>>
      tpu.wait_indirect_dma semaphore(%arg16 : memref<!tpu.dma_semaphore, #tpu.memory_space<semaphore_mem>>) src(%dma_wait3A_3256 : memref<100000x64xf32, #tpu.memory_space<hbm>>) dst(%dma_wait3A_3252 : memref<200x64xf32, #tpu.memory_space<vmem>>)
      %dma_start3A_3257 = arith.constant 3 : i32
      %dma_start3A_3258 = arith.constant 0 : i32
      %dma_start3A_3259 = arith.constant 0 : i32
      %dma_start3A_3260 = tpu.memref_slice %arg12[%dma_start3A_3257, %dma_start3A_3258, %dma_start3A_3259] : memref<8x200x64xf32, #tpu.memory_space<vmem>> -> memref<1x200x64xf32, #tpu.memory_space<vmem>>
      %dma_start3A_3261 = tpu.memref_squeeze %dma_start3A_3260 : memref<1x200x64xf32, #tpu.memory_space<vmem>> -> memref<200x64xf32, #tpu.memory_space<vmem>>
      %dma_start3A_3262 = tpu.memref_slice %arg10[%mul3A_3247] : memref<6400xi32, #tpu.memory_space<vmem>> -> memref<200xi32, #tpu.memory_space<vmem>>
      %dma_start3A_3263 = arith.constant 0 : i32
      %dma_start3A_3264 = arith.constant 0 : i32
      %dma_start3A_3265 = tpu.memref_slice %arg6[%dma_start3A_3263, %dma_start3A_3264] : memref<100000x64xf32, #tpu.memory_space<hbm>> -> memref<100000x64xf32, #tpu.memory_space<hbm>>
      tpu.enqueue_indirect_dma source(%dma_start3A_3265 : memref<100000x64xf32, #tpu.memory_space<hbm>>) target(%dma_start3A_3261 : memref<200x64xf32, #tpu.memory_space<vmem>>) offsets(%dma_start3A_3262 : memref<200xi32, #tpu.memory_space<vmem>>) semaphore(%arg24 : memref<!tpu.dma_semaphore, #tpu.memory_space<semaphore_mem>>) {add = true}
      %dma_start3A_3266 = arith.constant 3 : i32
      %dma_start3A_3267 = arith.constant 0 : i32
      %dma_start3A_3268 = arith.constant 0 : i32
      %dma_start3A_3269 = tpu.memref_slice %arg12[%dma_start3A_3266, %dma_start3A_3267, %dma_start3A_3268] : memref<8x200x64xf32, #tpu.memory_space<vmem>> -> memref<1x200x64xf32, #tpu.memory_space<vmem>>
      %dma_start3A_3270 = tpu.memref_squeeze %dma_start3A_3269 : memref<1x200x64xf32, #tpu.memory_space<vmem>> -> memref<200x64xf32, #tpu.memory_space<vmem>>
      %dma_start3A_3271 = tpu.memref_slice %arg11[%mul3A_3247] : memref<6400xi32, #tpu.memory_space<vmem>> -> memref<200xi32, #tpu.memory_space<vmem>>
      %dma_start3A_3272 = arith.constant 0 : i32
      %dma_start3A_3273 = arith.constant 0 : i32
      %dma_start3A_3274 = tpu.memref_slice %arg7[%dma_start3A_3272, %dma_start3A_3273] : memref<100000x64xf32, #tpu.memory_space<hbm>> -> memref<100000x64xf32, #tpu.memory_space<hbm>>
      tpu.enqueue_indirect_dma source(%dma_start3A_3274 : memref<100000x64xf32, #tpu.memory_space<hbm>>) target(%dma_start3A_3270 : memref<200x64xf32, #tpu.memory_space<vmem>>) offsets(%dma_start3A_3271 : memref<200xi32, #tpu.memory_space<vmem>>) semaphore(%arg24 : memref<!tpu.dma_semaphore, #tpu.memory_space<semaphore_mem>>) {add = true}
      %sub3A_3275 = arith.constant 5 : i32
      %sub3A_3276 = arith.subi %add3A_3149, %sub3A_3275 : i32
      %mul3A_3277 = arith.constant 200 : i32
      %mul3A_3278 = arith.muli %sub3A_3276, %mul3A_3277 : i32
      %dma_wait3A_3279 = arith.constant 1 : i32
      %dma_wait3A_3280 = arith.constant 0 : i32
      %dma_wait3A_3281 = arith.constant 0 : i32
      %dma_wait3A_3282 = tpu.memref_slice %arg12[%dma_wait3A_3279, %dma_wait3A_3280, %dma_wait3A_3281] : memref<8x200x64xf32, #tpu.memory_space<vmem>> -> memref<1x200x64xf32, #tpu.memory_space<vmem>>
      %dma_wait3A_3283 = tpu.memref_squeeze %dma_wait3A_3282 : memref<1x200x64xf32, #tpu.memory_space<vmem>> -> memref<200x64xf32, #tpu.memory_space<vmem>>
      %dma_wait3A_3284 = tpu.memref_slice %arg10[%mul3A_3278] : memref<6400xi32, #tpu.memory_space<vmem>> -> memref<200xi32, #tpu.memory_space<vmem>>
      %dma_wait3A_3285 = arith.constant 0 : i32
      %dma_wait3A_3286 = arith.constant 0 : i32
      %dma_wait3A_3287 = tpu.memref_slice %arg6[%dma_wait3A_3285, %dma_wait3A_3286] : memref<100000x64xf32, #tpu.memory_space<hbm>> -> memref<100000x64xf32, #tpu.memory_space<hbm>>
      tpu.wait_indirect_dma semaphore(%arg22 : memref<!tpu.dma_semaphore, #tpu.memory_space<semaphore_mem>>) src(%dma_wait3A_3287 : memref<100000x64xf32, #tpu.memory_space<hbm>>) dst(%dma_wait3A_3283 : memref<200x64xf32, #tpu.memory_space<vmem>>)
      %dma_wait3A_3288 = arith.constant 1 : i32
      %dma_wait3A_3289 = arith.constant 0 : i32
      %dma_wait3A_3290 = arith.constant 0 : i32
      %dma_wait3A_3291 = tpu.memref_slice %arg12[%dma_wait3A_3288, %dma_wait3A_3289, %dma_wait3A_3290] : memref<8x200x64xf32, #tpu.memory_space<vmem>> -> memref<1x200x64xf32, #tpu.memory_space<vmem>>
      %dma_wait3A_3292 = tpu.memref_squeeze %dma_wait3A_3291 : memref<1x200x64xf32, #tpu.memory_space<vmem>> -> memref<200x64xf32, #tpu.memory_space<vmem>>
      %dma_wait3A_3293 = tpu.memref_slice %arg11[%mul3A_3278] : memref<6400xi32, #tpu.memory_space<vmem>> -> memref<200xi32, #tpu.memory_space<vmem>>
      %dma_wait3A_3294 = arith.constant 0 : i32
      %dma_wait3A_3295 = arith.constant 0 : i32
      %dma_wait3A_3296 = tpu.memref_slice %arg7[%dma_wait3A_3294, %dma_wait3A_3295] : memref<100000x64xf32, #tpu.memory_space<hbm>> -> memref<100000x64xf32, #tpu.memory_space<hbm>>
      tpu.wait_indirect_dma semaphore(%arg22 : memref<!tpu.dma_semaphore, #tpu.memory_space<semaphore_mem>>) src(%dma_wait3A_3296 : memref<100000x64xf32, #tpu.memory_space<hbm>>) dst(%dma_wait3A_3292 : memref<200x64xf32, #tpu.memory_space<vmem>>)
      %mul3A_3297 = arith.constant 128 : i32
      %mul3A_3298 = arith.muli %add3A, %mul3A_3297 : i32
      %mul3A_3299 = arith.constant 4 : i32
      %mul3A_3300 = arith.muli %sub3A_3276, %mul3A_3299 : i32
      %add3A_3301 = arith.addi %mul3A_3298, %mul3A_3300 : i32
      %add3A_3302 = arith.constant 0 : i32
      %add3A_3303 = arith.addi %add3A_3301, %add3A_3302 : i32
      %dma_start3A_3304 = arith.constant 1 : i32
      %dma_start3A_3305 = arith.constant 0 : i32
      %dma_start3A_3306 = arith.constant 0 : i32
      %dma_start3A_3307 = tpu.memref_slice %arg12[%dma_start3A_3304, %dma_start3A_3305, %dma_start3A_3306] : memref<8x200x64xf32, #tpu.memory_space<vmem>> -> memref<1x50x64xf32, #tpu.memory_space<vmem>>
      %dma_start3A_3308 = tpu.memref_squeeze %dma_start3A_3307 : memref<1x50x64xf32, #tpu.memory_space<vmem>> -> memref<50x64xf32, #tpu.memory_space<vmem>>
      %dma_start3A_3309 = arith.constant 0 : i32
      %dma_start3A_3310 = arith.constant 0 : i32
      %dma_start3A_3311 = tpu.memref_slice %arg8[%add3A_3303, %dma_start3A_3309, %dma_start3A_3310] : memref<4096x56x128xf32, #tpu.memory_space<hbm>> -> memref<1x50x64xf32, #tpu.memory_space<hbm>>
      %dma_start3A_3312 = tpu.memref_squeeze %dma_start3A_3311 : memref<1x50x64xf32, #tpu.memory_space<hbm>> -> memref<50x64xf32, #tpu.memory_space<hbm>>
      %dma_start3A_3313 = arith.constant 0 : i32
      %dma_start3A_3314 = arith.constant 0 : i32
      %dma_start3A_3315 = tpu.memref_slice %arg8[%add3A_3303, %dma_start3A_3313, %dma_start3A_3314] : memref<4096x56x128xf32, #tpu.memory_space<hbm>> -> memref<1x50x64xf32, #tpu.memory_space<hbm>>
      %dma_start3A_3316 = tpu.memref_squeeze %dma_start3A_3315 : memref<1x50x64xf32, #tpu.memory_space<hbm>> -> memref<50x64xf32, #tpu.memory_space<hbm>>
      %dma_start3A_3317 = arith.constant 0 : i32
      %dma_start3A_3318 = arith.constant 0 : i32
      %dma_start3A_3319 = tpu.memref_slice %arg12[%dma_start3A_3304, %dma_start3A_3317, %dma_start3A_3318] : memref<8x200x64xf32, #tpu.memory_space<vmem>> -> memref<1x50x64xf32, #tpu.memory_space<vmem>>
      %dma_start3A_3320 = tpu.memref_squeeze %dma_start3A_3319 : memref<1x50x64xf32, #tpu.memory_space<vmem>> -> memref<50x64xf32, #tpu.memory_space<vmem>>
      tpu.enqueue_dma source(%dma_start3A_3320 : memref<50x64xf32, #tpu.memory_space<vmem>>) target(%dma_start3A_3316 : memref<50x64xf32, #tpu.memory_space<hbm>>) target_semaphore(%arg30 : memref<!tpu.dma_semaphore, #tpu.memory_space<semaphore_mem>>)
      %add3A_3321 = arith.constant 1 : i32
      %add3A_3322 = arith.addi %add3A_3301, %add3A_3321 : i32
      %dma_start3A_3323 = arith.constant 1 : i32
      %dma_start3A_3324 = arith.constant 50 : i32
      %dma_start3A_3325 = arith.constant 0 : i32
      %dma_start3A_3326 = tpu.memref_slice %arg12[%dma_start3A_3323, %dma_start3A_3324, %dma_start3A_3325] : memref<8x200x64xf32, #tpu.memory_space<vmem>> -> memref<1x50x64xf32, #tpu.memory_space<vmem>>
      %dma_start3A_3327 = tpu.memref_squeeze %dma_start3A_3326 : memref<1x50x64xf32, #tpu.memory_space<vmem>> -> memref<50x64xf32, #tpu.memory_space<vmem>>
      %dma_start3A_3328 = arith.constant 0 : i32
      %dma_start3A_3329 = arith.constant 0 : i32
      %dma_start3A_3330 = tpu.memref_slice %arg8[%add3A_3322, %dma_start3A_3328, %dma_start3A_3329] : memref<4096x56x128xf32, #tpu.memory_space<hbm>> -> memref<1x50x64xf32, #tpu.memory_space<hbm>>
      %dma_start3A_3331 = tpu.memref_squeeze %dma_start3A_3330 : memref<1x50x64xf32, #tpu.memory_space<hbm>> -> memref<50x64xf32, #tpu.memory_space<hbm>>
      %dma_start3A_3332 = arith.constant 0 : i32
      %dma_start3A_3333 = arith.constant 0 : i32
      %dma_start3A_3334 = tpu.memref_slice %arg8[%add3A_3322, %dma_start3A_3332, %dma_start3A_3333] : memref<4096x56x128xf32, #tpu.memory_space<hbm>> -> memref<1x50x64xf32, #tpu.memory_space<hbm>>
      %dma_start3A_3335 = tpu.memref_squeeze %dma_start3A_3334 : memref<1x50x64xf32, #tpu.memory_space<hbm>> -> memref<50x64xf32, #tpu.memory_space<hbm>>
      %dma_start3A_3336 = arith.constant 50 : i32
      %dma_start3A_3337 = arith.constant 0 : i32
      %dma_start3A_3338 = tpu.memref_slice %arg12[%dma_start3A_3323, %dma_start3A_3336, %dma_start3A_3337] : memref<8x200x64xf32, #tpu.memory_space<vmem>> -> memref<1x50x64xf32, #tpu.memory_space<vmem>>
      %dma_start3A_3339 = tpu.memref_squeeze %dma_start3A_3338 : memref<1x50x64xf32, #tpu.memory_space<vmem>> -> memref<50x64xf32, #tpu.memory_space<vmem>>
      tpu.enqueue_dma source(%dma_start3A_3339 : memref<50x64xf32, #tpu.memory_space<vmem>>) target(%dma_start3A_3335 : memref<50x64xf32, #tpu.memory_space<hbm>>) target_semaphore(%arg30 : memref<!tpu.dma_semaphore, #tpu.memory_space<semaphore_mem>>)
      %add3A_3340 = arith.constant 2 : i32
      %add3A_3341 = arith.addi %add3A_3301, %add3A_3340 : i32
      %dma_start3A_3342 = arith.constant 1 : i32
      %dma_start3A_3343 = arith.constant 100 : i32
      %dma_start3A_3344 = arith.constant 0 : i32
      %dma_start3A_3345 = tpu.memref_slice %arg12[%dma_start3A_3342, %dma_start3A_3343, %dma_start3A_3344] : memref<8x200x64xf32, #tpu.memory_space<vmem>> -> memref<1x50x64xf32, #tpu.memory_space<vmem>>
      %dma_start3A_3346 = tpu.memref_squeeze %dma_start3A_3345 : memref<1x50x64xf32, #tpu.memory_space<vmem>> -> memref<50x64xf32, #tpu.memory_space<vmem>>
      %dma_start3A_3347 = arith.constant 0 : i32
      %dma_start3A_3348 = arith.constant 0 : i32
      %dma_start3A_3349 = tpu.memref_slice %arg8[%add3A_3341, %dma_start3A_3347, %dma_start3A_3348] : memref<4096x56x128xf32, #tpu.memory_space<hbm>> -> memref<1x50x64xf32, #tpu.memory_space<hbm>>
      %dma_start3A_3350 = tpu.memref_squeeze %dma_start3A_3349 : memref<1x50x64xf32, #tpu.memory_space<hbm>> -> memref<50x64xf32, #tpu.memory_space<hbm>>
      %dma_start3A_3351 = arith.constant 0 : i32
      %dma_start3A_3352 = arith.constant 0 : i32
      %dma_start3A_3353 = tpu.memref_slice %arg8[%add3A_3341, %dma_start3A_3351, %dma_start3A_3352] : memref<4096x56x128xf32, #tpu.memory_space<hbm>> -> memref<1x50x64xf32, #tpu.memory_space<hbm>>
      %dma_start3A_3354 = tpu.memref_squeeze %dma_start3A_3353 : memref<1x50x64xf32, #tpu.memory_space<hbm>> -> memref<50x64xf32, #tpu.memory_space<hbm>>
      %dma_start3A_3355 = arith.constant 100 : i32
      %dma_start3A_3356 = arith.constant 0 : i32
      %dma_start3A_3357 = tpu.memref_slice %arg12[%dma_start3A_3342, %dma_start3A_3355, %dma_start3A_3356] : memref<8x200x64xf32, #tpu.memory_space<vmem>> -> memref<1x50x64xf32, #tpu.memory_space<vmem>>
      %dma_start3A_3358 = tpu.memref_squeeze %dma_start3A_3357 : memref<1x50x64xf32, #tpu.memory_space<vmem>> -> memref<50x64xf32, #tpu.memory_space<vmem>>
      tpu.enqueue_dma source(%dma_start3A_3358 : memref<50x64xf32, #tpu.memory_space<vmem>>) target(%dma_start3A_3354 : memref<50x64xf32, #tpu.memory_space<hbm>>) target_semaphore(%arg30 : memref<!tpu.dma_semaphore, #tpu.memory_space<semaphore_mem>>)
      %add3A_3359 = arith.constant 3 : i32
      %add3A_3360 = arith.addi %add3A_3301, %add3A_3359 : i32
      %dma_start3A_3361 = arith.constant 1 : i32
      %dma_start3A_3362 = arith.constant 150 : i32
      %dma_start3A_3363 = arith.constant 0 : i32
      %dma_start3A_3364 = tpu.memref_slice %arg12[%dma_start3A_3361, %dma_start3A_3362, %dma_start3A_3363] : memref<8x200x64xf32, #tpu.memory_space<vmem>> -> memref<1x50x64xf32, #tpu.memory_space<vmem>>
      %dma_start3A_3365 = tpu.memref_squeeze %dma_start3A_3364 : memref<1x50x64xf32, #tpu.memory_space<vmem>> -> memref<50x64xf32, #tpu.memory_space<vmem>>
      %dma_start3A_3366 = arith.constant 0 : i32
      %dma_start3A_3367 = arith.constant 0 : i32
      %dma_start3A_3368 = tpu.memref_slice %arg8[%add3A_3360, %dma_start3A_3366, %dma_start3A_3367] : memref<4096x56x128xf32, #tpu.memory_space<hbm>> -> memref<1x50x64xf32, #tpu.memory_space<hbm>>
      %dma_start3A_3369 = tpu.memref_squeeze %dma_start3A_3368 : memref<1x50x64xf32, #tpu.memory_space<hbm>> -> memref<50x64xf32, #tpu.memory_space<hbm>>
      %dma_start3A_3370 = arith.constant 0 : i32
      %dma_start3A_3371 = arith.constant 0 : i32
      %dma_start3A_3372 = tpu.memref_slice %arg8[%add3A_3360, %dma_start3A_3370, %dma_start3A_3371] : memref<4096x56x128xf32, #tpu.memory_space<hbm>> -> memref<1x50x64xf32, #tpu.memory_space<hbm>>
      %dma_start3A_3373 = tpu.memref_squeeze %dma_start3A_3372 : memref<1x50x64xf32, #tpu.memory_space<hbm>> -> memref<50x64xf32, #tpu.memory_space<hbm>>
      %dma_start3A_3374 = arith.constant 150 : i32
      %dma_start3A_3375 = arith.constant 0 : i32
      %dma_start3A_3376 = tpu.memref_slice %arg12[%dma_start3A_3361, %dma_start3A_3374, %dma_start3A_3375] : memref<8x200x64xf32, #tpu.memory_space<vmem>> -> memref<1x50x64xf32, #tpu.memory_space<vmem>>
      %dma_start3A_3377 = tpu.memref_squeeze %dma_start3A_3376 : memref<1x50x64xf32, #tpu.memory_space<vmem>> -> memref<50x64xf32, #tpu.memory_space<vmem>>
      tpu.enqueue_dma source(%dma_start3A_3377 : memref<50x64xf32, #tpu.memory_space<vmem>>) target(%dma_start3A_3373 : memref<50x64xf32, #tpu.memory_space<hbm>>) target_semaphore(%arg30 : memref<!tpu.dma_semaphore, #tpu.memory_space<semaphore_mem>>)
      %add3A_3378 = arith.constant 7 : i32
      %add3A_3379 = arith.addi %mul3A_1768, %add3A_3378 : i32
      %sub3A_3380 = arith.constant 7 : i32
      %sub3A_3381 = arith.subi %add3A_3379, %sub3A_3380 : i32
      %mul3A_3382 = arith.constant 128 : i32
      %mul3A_3383 = arith.muli %add3A, %mul3A_3382 : i32
      %mul3A_3384 = arith.constant 4 : i32
      %mul3A_3385 = arith.muli %sub3A_3381, %mul3A_3384 : i32
      %add3A_3386 = arith.addi %mul3A_3383, %mul3A_3385 : i32
      %add3A_3387 = arith.constant 0 : i32
      %add3A_3388 = arith.addi %add3A_3386, %add3A_3387 : i32
      %dma_wait3A_3389 = arith.constant 0 : i32
      %dma_wait3A_3390 = arith.constant 0 : i32
      %dma_wait3A_3391 = arith.constant 0 : i32
      %dma_wait3A_3392 = tpu.memref_slice %arg12[%dma_wait3A_3389, %dma_wait3A_3390, %dma_wait3A_3391] : memref<8x200x64xf32, #tpu.memory_space<vmem>> -> memref<1x50x64xf32, #tpu.memory_space<vmem>>
      %dma_wait3A_3393 = tpu.memref_squeeze %dma_wait3A_3392 : memref<1x50x64xf32, #tpu.memory_space<vmem>> -> memref<50x64xf32, #tpu.memory_space<vmem>>
      %dma_wait3A_3394 = arith.constant 0 : i32
      %dma_wait3A_3395 = arith.constant 0 : i32
      %dma_wait3A_3396 = tpu.memref_slice %arg8[%add3A_3388, %dma_wait3A_3394, %dma_wait3A_3395] : memref<4096x56x128xf32, #tpu.memory_space<hbm>> -> memref<1x50x64xf32, #tpu.memory_space<hbm>>
      %dma_wait3A_3397 = tpu.memref_squeeze %dma_wait3A_3396 : memref<1x50x64xf32, #tpu.memory_space<hbm>> -> memref<50x64xf32, #tpu.memory_space<hbm>>
      %dma_wait3A_3398 = arith.constant 0 : i32
      %dma_wait3A_3399 = arith.constant 0 : i32
      %dma_wait3A_3400 = tpu.memref_slice %arg8[%add3A_3388, %dma_wait3A_3398, %dma_wait3A_3399] : memref<4096x56x128xf32, #tpu.memory_space<hbm>> -> memref<1x50x64xf32, #tpu.memory_space<hbm>>
      %dma_wait3A_3401 = tpu.memref_squeeze %dma_wait3A_3400 : memref<1x50x64xf32, #tpu.memory_space<hbm>> -> memref<50x64xf32, #tpu.memory_space<hbm>>
      %dma_wait3A_3402 = arith.constant 0 : i32
      %dma_wait3A_3403 = arith.constant 0 : i32
      %dma_wait3A_3404 = tpu.memref_slice %arg12[%dma_wait3A_3389, %dma_wait3A_3402, %dma_wait3A_3403] : memref<8x200x64xf32, #tpu.memory_space<vmem>> -> memref<1x50x64xf32, #tpu.memory_space<vmem>>
      %dma_wait3A_3405 = tpu.memref_squeeze %dma_wait3A_3404 : memref<1x50x64xf32, #tpu.memory_space<vmem>> -> memref<50x64xf32, #tpu.memory_space<vmem>>
      tpu.wait_dma2 semaphore(%arg29 : memref<!tpu.dma_semaphore, #tpu.memory_space<semaphore_mem>>) src(%dma_wait3A_3405 : memref<50x64xf32, #tpu.memory_space<vmem>>) dst(%dma_wait3A_3401 : memref<50x64xf32, #tpu.memory_space<hbm>>)
      %add3A_3406 = arith.constant 1 : i32
      %add3A_3407 = arith.addi %add3A_3386, %add3A_3406 : i32
      %dma_wait3A_3408 = arith.constant 0 : i32
      %dma_wait3A_3409 = arith.constant 50 : i32
      %dma_wait3A_3410 = arith.constant 0 : i32
      %dma_wait3A_3411 = tpu.memref_slice %arg12[%dma_wait3A_3408, %dma_wait3A_3409, %dma_wait3A_3410] : memref<8x200x64xf32, #tpu.memory_space<vmem>> -> memref<1x50x64xf32, #tpu.memory_space<vmem>>
      %dma_wait3A_3412 = tpu.memref_squeeze %dma_wait3A_3411 : memref<1x50x64xf32, #tpu.memory_space<vmem>> -> memref<50x64xf32, #tpu.memory_space<vmem>>
      %dma_wait3A_3413 = arith.constant 0 : i32
      %dma_wait3A_3414 = arith.constant 0 : i32
      %dma_wait3A_3415 = tpu.memref_slice %arg8[%add3A_3407, %dma_wait3A_3413, %dma_wait3A_3414] : memref<4096x56x128xf32, #tpu.memory_space<hbm>> -> memref<1x50x64xf32, #tpu.memory_space<hbm>>
      %dma_wait3A_3416 = tpu.memref_squeeze %dma_wait3A_3415 : memref<1x50x64xf32, #tpu.memory_space<hbm>> -> memref<50x64xf32, #tpu.memory_space<hbm>>
      %dma_wait3A_3417 = arith.constant 0 : i32
      %dma_wait3A_3418 = arith.constant 0 : i32
      %dma_wait3A_3419 = tpu.memref_slice %arg8[%add3A_3407, %dma_wait3A_3417, %dma_wait3A_3418] : memref<4096x56x128xf32, #tpu.memory_space<hbm>> -> memref<1x50x64xf32, #tpu.memory_space<hbm>>
      %dma_wait3A_3420 = tpu.memref_squeeze %dma_wait3A_3419 : memref<1x50x64xf32, #tpu.memory_space<hbm>> -> memref<50x64xf32, #tpu.memory_space<hbm>>
      %dma_wait3A_3421 = arith.constant 50 : i32
      %dma_wait3A_3422 = arith.constant 0 : i32
      %dma_wait3A_3423 = tpu.memref_slice %arg12[%dma_wait3A_3408, %dma_wait3A_3421, %dma_wait3A_3422] : memref<8x200x64xf32, #tpu.memory_space<vmem>> -> memref<1x50x64xf32, #tpu.memory_space<vmem>>
      %dma_wait3A_3424 = tpu.memref_squeeze %dma_wait3A_3423 : memref<1x50x64xf32, #tpu.memory_space<vmem>> -> memref<50x64xf32, #tpu.memory_space<vmem>>
      tpu.wait_dma2 semaphore(%arg29 : memref<!tpu.dma_semaphore, #tpu.memory_space<semaphore_mem>>) src(%dma_wait3A_3424 : memref<50x64xf32, #tpu.memory_space<vmem>>) dst(%dma_wait3A_3420 : memref<50x64xf32, #tpu.memory_space<hbm>>)
      %add3A_3425 = arith.constant 2 : i32
      %add3A_3426 = arith.addi %add3A_3386, %add3A_3425 : i32
      %dma_wait3A_3427 = arith.constant 0 : i32
      %dma_wait3A_3428 = arith.constant 100 : i32
      %dma_wait3A_3429 = arith.constant 0 : i32
      %dma_wait3A_3430 = tpu.memref_slice %arg12[%dma_wait3A_3427, %dma_wait3A_3428, %dma_wait3A_3429] : memref<8x200x64xf32, #tpu.memory_space<vmem>> -> memref<1x50x64xf32, #tpu.memory_space<vmem>>
      %dma_wait3A_3431 = tpu.memref_squeeze %dma_wait3A_3430 : memref<1x50x64xf32, #tpu.memory_space<vmem>> -> memref<50x64xf32, #tpu.memory_space<vmem>>
      %dma_wait3A_3432 = arith.constant 0 : i32
      %dma_wait3A_3433 = arith.constant 0 : i32
      %dma_wait3A_3434 = tpu.memref_slice %arg8[%add3A_3426, %dma_wait3A_3432, %dma_wait3A_3433] : memref<4096x56x128xf32, #tpu.memory_space<hbm>> -> memref<1x50x64xf32, #tpu.memory_space<hbm>>
      %dma_wait3A_3435 = tpu.memref_squeeze %dma_wait3A_3434 : memref<1x50x64xf32, #tpu.memory_space<hbm>> -> memref<50x64xf32, #tpu.memory_space<hbm>>
      %dma_wait3A_3436 = arith.constant 0 : i32
      %dma_wait3A_3437 = arith.constant 0 : i32
      %dma_wait3A_3438 = tpu.memref_slice %arg8[%add3A_3426, %dma_wait3A_3436, %dma_wait3A_3437] : memref<4096x56x128xf32, #tpu.memory_space<hbm>> -> memref<1x50x64xf32, #tpu.memory_space<hbm>>
      %dma_wait3A_3439 = tpu.memref_squeeze %dma_wait3A_3438 : memref<1x50x64xf32, #tpu.memory_space<hbm>> -> memref<50x64xf32, #tpu.memory_space<hbm>>
      %dma_wait3A_3440 = arith.constant 100 : i32
      %dma_wait3A_3441 = arith.constant 0 : i32
      %dma_wait3A_3442 = tpu.memref_slice %arg12[%dma_wait3A_3427, %dma_wait3A_3440, %dma_wait3A_3441] : memref<8x200x64xf32, #tpu.memory_space<vmem>> -> memref<1x50x64xf32, #tpu.memory_space<vmem>>
      %dma_wait3A_3443 = tpu.memref_squeeze %dma_wait3A_3442 : memref<1x50x64xf32, #tpu.memory_space<vmem>> -> memref<50x64xf32, #tpu.memory_space<vmem>>
      tpu.wait_dma2 semaphore(%arg29 : memref<!tpu.dma_semaphore, #tpu.memory_space<semaphore_mem>>) src(%dma_wait3A_3443 : memref<50x64xf32, #tpu.memory_space<vmem>>) dst(%dma_wait3A_3439 : memref<50x64xf32, #tpu.memory_space<hbm>>)
      %add3A_3444 = arith.constant 3 : i32
      %add3A_3445 = arith.addi %add3A_3386, %add3A_3444 : i32
      %dma_wait3A_3446 = arith.constant 0 : i32
      %dma_wait3A_3447 = arith.constant 150 : i32
      %dma_wait3A_3448 = arith.constant 0 : i32
      %dma_wait3A_3449 = tpu.memref_slice %arg12[%dma_wait3A_3446, %dma_wait3A_3447, %dma_wait3A_3448] : memref<8x200x64xf32, #tpu.memory_space<vmem>> -> memref<1x50x64xf32, #tpu.memory_space<vmem>>
      %dma_wait3A_3450 = tpu.memref_squeeze %dma_wait3A_3449 : memref<1x50x64xf32, #tpu.memory_space<vmem>> -> memref<50x64xf32, #tpu.memory_space<vmem>>
      %dma_wait3A_3451 = arith.constant 0 : i32
      %dma_wait3A_3452 = arith.constant 0 : i32
      %dma_wait3A_3453 = tpu.memref_slice %arg8[%add3A_3445, %dma_wait3A_3451, %dma_wait3A_3452] : memref<4096x56x128xf32, #tpu.memory_space<hbm>> -> memref<1x50x64xf32, #tpu.memory_space<hbm>>
      %dma_wait3A_3454 = tpu.memref_squeeze %dma_wait3A_3453 : memref<1x50x64xf32, #tpu.memory_space<hbm>> -> memref<50x64xf32, #tpu.memory_space<hbm>>
      %dma_wait3A_3455 = arith.constant 0 : i32
      %dma_wait3A_3456 = arith.constant 0 : i32
      %dma_wait3A_3457 = tpu.memref_slice %arg8[%add3A_3445, %dma_wait3A_3455, %dma_wait3A_3456] : memref<4096x56x128xf32, #tpu.memory_space<hbm>> -> memref<1x50x64xf32, #tpu.memory_space<hbm>>
      %dma_wait3A_3458 = tpu.memref_squeeze %dma_wait3A_3457 : memref<1x50x64xf32, #tpu.memory_space<hbm>> -> memref<50x64xf32, #tpu.memory_space<hbm>>
      %dma_wait3A_3459 = arith.constant 150 : i32
      %dma_wait3A_3460 = arith.constant 0 : i32
      %dma_wait3A_3461 = tpu.memref_slice %arg12[%dma_wait3A_3446, %dma_wait3A_3459, %dma_wait3A_3460] : memref<8x200x64xf32, #tpu.memory_space<vmem>> -> memref<1x50x64xf32, #tpu.memory_space<vmem>>
      %dma_wait3A_3462 = tpu.memref_squeeze %dma_wait3A_3461 : memref<1x50x64xf32, #tpu.memory_space<vmem>> -> memref<50x64xf32, #tpu.memory_space<vmem>>
      tpu.wait_dma2 semaphore(%arg29 : memref<!tpu.dma_semaphore, #tpu.memory_space<semaphore_mem>>) src(%dma_wait3A_3462 : memref<50x64xf32, #tpu.memory_space<vmem>>) dst(%dma_wait3A_3458 : memref<50x64xf32, #tpu.memory_space<hbm>>)
      %mul3A_3463 = arith.constant 200 : i32
      %mul3A_3464 = arith.muli %add3A_3379, %mul3A_3463 : i32
      %dma_start3A_3465 = arith.constant 7 : i32
      %dma_start3A_3466 = arith.constant 0 : i32
      %dma_start3A_3467 = arith.constant 0 : i32
      %dma_start3A_3468 = tpu.memref_slice %arg12[%dma_start3A_3465, %dma_start3A_3466, %dma_start3A_3467] : memref<8x200x64xf32, #tpu.memory_space<vmem>> -> memref<1x200x64xf32, #tpu.memory_space<vmem>>
      %dma_start3A_3469 = tpu.memref_squeeze %dma_start3A_3468 : memref<1x200x64xf32, #tpu.memory_space<vmem>> -> memref<200x64xf32, #tpu.memory_space<vmem>>
      %dma_start3A_3470 = tpu.memref_slice %arg9[%mul3A_3464] : memref<6400xi32, #tpu.memory_space<vmem>> -> memref<200xi32, #tpu.memory_space<vmem>>
      %dma_start3A_3471 = arith.constant 0 : i32
      %dma_start3A_3472 = arith.constant 0 : i32
      %dma_start3A_3473 = tpu.memref_slice %arg5[%dma_start3A_3471, %dma_start3A_3472] : memref<100000x64xf32, #tpu.memory_space<hbm>> -> memref<100000x64xf32, #tpu.memory_space<hbm>>
      tpu.enqueue_indirect_dma source(%dma_start3A_3473 : memref<100000x64xf32, #tpu.memory_space<hbm>>) target(%dma_start3A_3469 : memref<200x64xf32, #tpu.memory_space<vmem>>) offsets(%dma_start3A_3470 : memref<200xi32, #tpu.memory_space<vmem>>) semaphore(%arg20 : memref<!tpu.dma_semaphore, #tpu.memory_space<semaphore_mem>>)
      %sub3A_3474 = arith.constant 3 : i32
      %sub3A_3475 = arith.subi %add3A_3379, %sub3A_3474 : i32
      %mul3A_3476 = arith.constant 200 : i32
      %mul3A_3477 = arith.muli %sub3A_3475, %mul3A_3476 : i32
      %dma_wait3A_3478 = arith.constant 4 : i32
      %dma_wait3A_3479 = arith.constant 0 : i32
      %dma_wait3A_3480 = arith.constant 0 : i32
      %dma_wait3A_3481 = tpu.memref_slice %arg12[%dma_wait3A_3478, %dma_wait3A_3479, %dma_wait3A_3480] : memref<8x200x64xf32, #tpu.memory_space<vmem>> -> memref<1x200x64xf32, #tpu.memory_space<vmem>>
      %dma_wait3A_3482 = tpu.memref_squeeze %dma_wait3A_3481 : memref<1x200x64xf32, #tpu.memory_space<vmem>> -> memref<200x64xf32, #tpu.memory_space<vmem>>
      %dma_wait3A_3483 = tpu.memref_slice %arg9[%mul3A_3477] : memref<6400xi32, #tpu.memory_space<vmem>> -> memref<200xi32, #tpu.memory_space<vmem>>
      %dma_wait3A_3484 = arith.constant 0 : i32
      %dma_wait3A_3485 = arith.constant 0 : i32
      %dma_wait3A_3486 = tpu.memref_slice %arg5[%dma_wait3A_3484, %dma_wait3A_3485] : memref<100000x64xf32, #tpu.memory_space<hbm>> -> memref<100000x64xf32, #tpu.memory_space<hbm>>
      tpu.wait_indirect_dma semaphore(%arg17 : memref<!tpu.dma_semaphore, #tpu.memory_space<semaphore_mem>>) src(%dma_wait3A_3486 : memref<100000x64xf32, #tpu.memory_space<hbm>>) dst(%dma_wait3A_3482 : memref<200x64xf32, #tpu.memory_space<vmem>>)
      %dma_start3A_3487 = arith.constant 4 : i32
      %dma_start3A_3488 = arith.constant 0 : i32
      %dma_start3A_3489 = arith.constant 0 : i32
      %dma_start3A_3490 = tpu.memref_slice %arg12[%dma_start3A_3487, %dma_start3A_3488, %dma_start3A_3489] : memref<8x200x64xf32, #tpu.memory_space<vmem>> -> memref<1x200x64xf32, #tpu.memory_space<vmem>>
      %dma_start3A_3491 = tpu.memref_squeeze %dma_start3A_3490 : memref<1x200x64xf32, #tpu.memory_space<vmem>> -> memref<200x64xf32, #tpu.memory_space<vmem>>
      %dma_start3A_3492 = tpu.memref_slice %arg10[%mul3A_3477] : memref<6400xi32, #tpu.memory_space<vmem>> -> memref<200xi32, #tpu.memory_space<vmem>>
      %dma_start3A_3493 = arith.constant 0 : i32
      %dma_start3A_3494 = arith.constant 0 : i32
      %dma_start3A_3495 = tpu.memref_slice %arg6[%dma_start3A_3493, %dma_start3A_3494] : memref<100000x64xf32, #tpu.memory_space<hbm>> -> memref<100000x64xf32, #tpu.memory_space<hbm>>
      tpu.enqueue_indirect_dma source(%dma_start3A_3495 : memref<100000x64xf32, #tpu.memory_space<hbm>>) target(%dma_start3A_3491 : memref<200x64xf32, #tpu.memory_space<vmem>>) offsets(%dma_start3A_3492 : memref<200xi32, #tpu.memory_space<vmem>>) semaphore(%arg25 : memref<!tpu.dma_semaphore, #tpu.memory_space<semaphore_mem>>) {add = true}
      %dma_start3A_3496 = arith.constant 4 : i32
      %dma_start3A_3497 = arith.constant 0 : i32
      %dma_start3A_3498 = arith.constant 0 : i32
      %dma_start3A_3499 = tpu.memref_slice %arg12[%dma_start3A_3496, %dma_start3A_3497, %dma_start3A_3498] : memref<8x200x64xf32, #tpu.memory_space<vmem>> -> memref<1x200x64xf32, #tpu.memory_space<vmem>>
      %dma_start3A_3500 = tpu.memref_squeeze %dma_start3A_3499 : memref<1x200x64xf32, #tpu.memory_space<vmem>> -> memref<200x64xf32, #tpu.memory_space<vmem>>
      %dma_start3A_3501 = tpu.memref_slice %arg11[%mul3A_3477] : memref<6400xi32, #tpu.memory_space<vmem>> -> memref<200xi32, #tpu.memory_space<vmem>>
      %dma_start3A_3502 = arith.constant 0 : i32
      %dma_start3A_3503 = arith.constant 0 : i32
      %dma_start3A_3504 = tpu.memref_slice %arg7[%dma_start3A_3502, %dma_start3A_3503] : memref<100000x64xf32, #tpu.memory_space<hbm>> -> memref<100000x64xf32, #tpu.memory_space<hbm>>
      tpu.enqueue_indirect_dma source(%dma_start3A_3504 : memref<100000x64xf32, #tpu.memory_space<hbm>>) target(%dma_start3A_3500 : memref<200x64xf32, #tpu.memory_space<vmem>>) offsets(%dma_start3A_3501 : memref<200xi32, #tpu.memory_space<vmem>>) semaphore(%arg25 : memref<!tpu.dma_semaphore, #tpu.memory_space<semaphore_mem>>) {add = true}
      %sub3A_3505 = arith.constant 5 : i32
      %sub3A_3506 = arith.subi %add3A_3379, %sub3A_3505 : i32
      %mul3A_3507 = arith.constant 200 : i32
      %mul3A_3508 = arith.muli %sub3A_3506, %mul3A_3507 : i32
      %dma_wait3A_3509 = arith.constant 2 : i32
      %dma_wait3A_3510 = arith.constant 0 : i32
      %dma_wait3A_3511 = arith.constant 0 : i32
      %dma_wait3A_3512 = tpu.memref_slice %arg12[%dma_wait3A_3509, %dma_wait3A_3510, %dma_wait3A_3511] : memref<8x200x64xf32, #tpu.memory_space<vmem>> -> memref<1x200x64xf32, #tpu.memory_space<vmem>>
      %dma_wait3A_3513 = tpu.memref_squeeze %dma_wait3A_3512 : memref<1x200x64xf32, #tpu.memory_space<vmem>> -> memref<200x64xf32, #tpu.memory_space<vmem>>
      %dma_wait3A_3514 = tpu.memref_slice %arg10[%mul3A_3508] : memref<6400xi32, #tpu.memory_space<vmem>> -> memref<200xi32, #tpu.memory_space<vmem>>
      %dma_wait3A_3515 = arith.constant 0 : i32
      %dma_wait3A_3516 = arith.constant 0 : i32
      %dma_wait3A_3517 = tpu.memref_slice %arg6[%dma_wait3A_3515, %dma_wait3A_3516] : memref<100000x64xf32, #tpu.memory_space<hbm>> -> memref<100000x64xf32, #tpu.memory_space<hbm>>
      tpu.wait_indirect_dma semaphore(%arg23 : memref<!tpu.dma_semaphore, #tpu.memory_space<semaphore_mem>>) src(%dma_wait3A_3517 : memref<100000x64xf32, #tpu.memory_space<hbm>>) dst(%dma_wait3A_3513 : memref<200x64xf32, #tpu.memory_space<vmem>>)
      %dma_wait3A_3518 = arith.constant 2 : i32
      %dma_wait3A_3519 = arith.constant 0 : i32
      %dma_wait3A_3520 = arith.constant 0 : i32
      %dma_wait3A_3521 = tpu.memref_slice %arg12[%dma_wait3A_3518, %dma_wait3A_3519, %dma_wait3A_3520] : memref<8x200x64xf32, #tpu.memory_space<vmem>> -> memref<1x200x64xf32, #tpu.memory_space<vmem>>
      %dma_wait3A_3522 = tpu.memref_squeeze %dma_wait3A_3521 : memref<1x200x64xf32, #tpu.memory_space<vmem>> -> memref<200x64xf32, #tpu.memory_space<vmem>>
      %dma_wait3A_3523 = tpu.memref_slice %arg11[%mul3A_3508] : memref<6400xi32, #tpu.memory_space<vmem>> -> memref<200xi32, #tpu.memory_space<vmem>>
      %dma_wait3A_3524 = arith.constant 0 : i32
      %dma_wait3A_3525 = arith.constant 0 : i32
      %dma_wait3A_3526 = tpu.memref_slice %arg7[%dma_wait3A_3524, %dma_wait3A_3525] : memref<100000x64xf32, #tpu.memory_space<hbm>> -> memref<100000x64xf32, #tpu.memory_space<hbm>>
      tpu.wait_indirect_dma semaphore(%arg23 : memref<!tpu.dma_semaphore, #tpu.memory_space<semaphore_mem>>) src(%dma_wait3A_3526 : memref<100000x64xf32, #tpu.memory_space<hbm>>) dst(%dma_wait3A_3522 : memref<200x64xf32, #tpu.memory_space<vmem>>)
      %mul3A_3527 = arith.constant 128 : i32
      %mul3A_3528 = arith.muli %add3A, %mul3A_3527 : i32
      %mul3A_3529 = arith.constant 4 : i32
      %mul3A_3530 = arith.muli %sub3A_3506, %mul3A_3529 : i32
      %add3A_3531 = arith.addi %mul3A_3528, %mul3A_3530 : i32
      %add3A_3532 = arith.constant 0 : i32
      %add3A_3533 = arith.addi %add3A_3531, %add3A_3532 : i32
      %dma_start3A_3534 = arith.constant 2 : i32
      %dma_start3A_3535 = arith.constant 0 : i32
      %dma_start3A_3536 = arith.constant 0 : i32
      %dma_start3A_3537 = tpu.memref_slice %arg12[%dma_start3A_3534, %dma_start3A_3535, %dma_start3A_3536] : memref<8x200x64xf32, #tpu.memory_space<vmem>> -> memref<1x50x64xf32, #tpu.memory_space<vmem>>
      %dma_start3A_3538 = tpu.memref_squeeze %dma_start3A_3537 : memref<1x50x64xf32, #tpu.memory_space<vmem>> -> memref<50x64xf32, #tpu.memory_space<vmem>>
      %dma_start3A_3539 = arith.constant 0 : i32
      %dma_start3A_3540 = arith.constant 0 : i32
      %dma_start3A_3541 = tpu.memref_slice %arg8[%add3A_3533, %dma_start3A_3539, %dma_start3A_3540] : memref<4096x56x128xf32, #tpu.memory_space<hbm>> -> memref<1x50x64xf32, #tpu.memory_space<hbm>>
      %dma_start3A_3542 = tpu.memref_squeeze %dma_start3A_3541 : memref<1x50x64xf32, #tpu.memory_space<hbm>> -> memref<50x64xf32, #tpu.memory_space<hbm>>
      %dma_start3A_3543 = arith.constant 0 : i32
      %dma_start3A_3544 = arith.constant 0 : i32
      %dma_start3A_3545 = tpu.memref_slice %arg8[%add3A_3533, %dma_start3A_3543, %dma_start3A_3544] : memref<4096x56x128xf32, #tpu.memory_space<hbm>> -> memref<1x50x64xf32, #tpu.memory_space<hbm>>
      %dma_start3A_3546 = tpu.memref_squeeze %dma_start3A_3545 : memref<1x50x64xf32, #tpu.memory_space<hbm>> -> memref<50x64xf32, #tpu.memory_space<hbm>>
      %dma_start3A_3547 = arith.constant 0 : i32
      %dma_start3A_3548 = arith.constant 0 : i32
      %dma_start3A_3549 = tpu.memref_slice %arg12[%dma_start3A_3534, %dma_start3A_3547, %dma_start3A_3548] : memref<8x200x64xf32, #tpu.memory_space<vmem>> -> memref<1x50x64xf32, #tpu.memory_space<vmem>>
      %dma_start3A_3550 = tpu.memref_squeeze %dma_start3A_3549 : memref<1x50x64xf32, #tpu.memory_space<vmem>> -> memref<50x64xf32, #tpu.memory_space<vmem>>
      tpu.enqueue_dma source(%dma_start3A_3550 : memref<50x64xf32, #tpu.memory_space<vmem>>) target(%dma_start3A_3546 : memref<50x64xf32, #tpu.memory_space<hbm>>) target_semaphore(%arg31 : memref<!tpu.dma_semaphore, #tpu.memory_space<semaphore_mem>>)
      %add3A_3551 = arith.constant 1 : i32
      %add3A_3552 = arith.addi %add3A_3531, %add3A_3551 : i32
      %dma_start3A_3553 = arith.constant 2 : i32
      %dma_start3A_3554 = arith.constant 50 : i32
      %dma_start3A_3555 = arith.constant 0 : i32
      %dma_start3A_3556 = tpu.memref_slice %arg12[%dma_start3A_3553, %dma_start3A_3554, %dma_start3A_3555] : memref<8x200x64xf32, #tpu.memory_space<vmem>> -> memref<1x50x64xf32, #tpu.memory_space<vmem>>
      %dma_start3A_3557 = tpu.memref_squeeze %dma_start3A_3556 : memref<1x50x64xf32, #tpu.memory_space<vmem>> -> memref<50x64xf32, #tpu.memory_space<vmem>>
      %dma_start3A_3558 = arith.constant 0 : i32
      %dma_start3A_3559 = arith.constant 0 : i32
      %dma_start3A_3560 = tpu.memref_slice %arg8[%add3A_3552, %dma_start3A_3558, %dma_start3A_3559] : memref<4096x56x128xf32, #tpu.memory_space<hbm>> -> memref<1x50x64xf32, #tpu.memory_space<hbm>>
      %dma_start3A_3561 = tpu.memref_squeeze %dma_start3A_3560 : memref<1x50x64xf32, #tpu.memory_space<hbm>> -> memref<50x64xf32, #tpu.memory_space<hbm>>
      %dma_start3A_3562 = arith.constant 0 : i32
      %dma_start3A_3563 = arith.constant 0 : i32
      %dma_start3A_3564 = tpu.memref_slice %arg8[%add3A_3552, %dma_start3A_3562, %dma_start3A_3563] : memref<4096x56x128xf32, #tpu.memory_space<hbm>> -> memref<1x50x64xf32, #tpu.memory_space<hbm>>
      %dma_start3A_3565 = tpu.memref_squeeze %dma_start3A_3564 : memref<1x50x64xf32, #tpu.memory_space<hbm>> -> memref<50x64xf32, #tpu.memory_space<hbm>>
      %dma_start3A_3566 = arith.constant 50 : i32
      %dma_start3A_3567 = arith.constant 0 : i32
      %dma_start3A_3568 = tpu.memref_slice %arg12[%dma_start3A_3553, %dma_start3A_3566, %dma_start3A_3567] : memref<8x200x64xf32, #tpu.memory_space<vmem>> -> memref<1x50x64xf32, #tpu.memory_space<vmem>>
      %dma_start3A_3569 = tpu.memref_squeeze %dma_start3A_3568 : memref<1x50x64xf32, #tpu.memory_space<vmem>> -> memref<50x64xf32, #tpu.memory_space<vmem>>
      tpu.enqueue_dma source(%dma_start3A_3569 : memref<50x64xf32, #tpu.memory_space<vmem>>) target(%dma_start3A_3565 : memref<50x64xf32, #tpu.memory_space<hbm>>) target_semaphore(%arg31 : memref<!tpu.dma_semaphore, #tpu.memory_space<semaphore_mem>>)
      %add3A_3570 = arith.constant 2 : i32
      %add3A_3571 = arith.addi %add3A_3531, %add3A_3570 : i32
      %dma_start3A_3572 = arith.constant 2 : i32
      %dma_start3A_3573 = arith.constant 100 : i32
      %dma_start3A_3574 = arith.constant 0 : i32
      %dma_start3A_3575 = tpu.memref_slice %arg12[%dma_start3A_3572, %dma_start3A_3573, %dma_start3A_3574] : memref<8x200x64xf32, #tpu.memory_space<vmem>> -> memref<1x50x64xf32, #tpu.memory_space<vmem>>
      %dma_start3A_3576 = tpu.memref_squeeze %dma_start3A_3575 : memref<1x50x64xf32, #tpu.memory_space<vmem>> -> memref<50x64xf32, #tpu.memory_space<vmem>>
      %dma_start3A_3577 = arith.constant 0 : i32
      %dma_start3A_3578 = arith.constant 0 : i32
      %dma_start3A_3579 = tpu.memref_slice %arg8[%add3A_3571, %dma_start3A_3577, %dma_start3A_3578] : memref<4096x56x128xf32, #tpu.memory_space<hbm>> -> memref<1x50x64xf32, #tpu.memory_space<hbm>>
      %dma_start3A_3580 = tpu.memref_squeeze %dma_start3A_3579 : memref<1x50x64xf32, #tpu.memory_space<hbm>> -> memref<50x64xf32, #tpu.memory_space<hbm>>
      %dma_start3A_3581 = arith.constant 0 : i32
      %dma_start3A_3582 = arith.constant 0 : i32
      %dma_start3A_3583 = tpu.memref_slice %arg8[%add3A_3571, %dma_start3A_3581, %dma_start3A_3582] : memref<4096x56x128xf32, #tpu.memory_space<hbm>> -> memref<1x50x64xf32, #tpu.memory_space<hbm>>
      %dma_start3A_3584 = tpu.memref_squeeze %dma_start3A_3583 : memref<1x50x64xf32, #tpu.memory_space<hbm>> -> memref<50x64xf32, #tpu.memory_space<hbm>>
      %dma_start3A_3585 = arith.constant 100 : i32
      %dma_start3A_3586 = arith.constant 0 : i32
      %dma_start3A_3587 = tpu.memref_slice %arg12[%dma_start3A_3572, %dma_start3A_3585, %dma_start3A_3586] : memref<8x200x64xf32, #tpu.memory_space<vmem>> -> memref<1x50x64xf32, #tpu.memory_space<vmem>>
      %dma_start3A_3588 = tpu.memref_squeeze %dma_start3A_3587 : memref<1x50x64xf32, #tpu.memory_space<vmem>> -> memref<50x64xf32, #tpu.memory_space<vmem>>
      tpu.enqueue_dma source(%dma_start3A_3588 : memref<50x64xf32, #tpu.memory_space<vmem>>) target(%dma_start3A_3584 : memref<50x64xf32, #tpu.memory_space<hbm>>) target_semaphore(%arg31 : memref<!tpu.dma_semaphore, #tpu.memory_space<semaphore_mem>>)
      %add3A_3589 = arith.constant 3 : i32
      %add3A_3590 = arith.addi %add3A_3531, %add3A_3589 : i32
      %dma_start3A_3591 = arith.constant 2 : i32
      %dma_start3A_3592 = arith.constant 150 : i32
      %dma_start3A_3593 = arith.constant 0 : i32
      %dma_start3A_3594 = tpu.memref_slice %arg12[%dma_start3A_3591, %dma_start3A_3592, %dma_start3A_3593] : memref<8x200x64xf32, #tpu.memory_space<vmem>> -> memref<1x50x64xf32, #tpu.memory_space<vmem>>
      %dma_start3A_3595 = tpu.memref_squeeze %dma_start3A_3594 : memref<1x50x64xf32, #tpu.memory_space<vmem>> -> memref<50x64xf32, #tpu.memory_space<vmem>>
      %dma_start3A_3596 = arith.constant 0 : i32
      %dma_start3A_3597 = arith.constant 0 : i32
      %dma_start3A_3598 = tpu.memref_slice %arg8[%add3A_3590, %dma_start3A_3596, %dma_start3A_3597] : memref<4096x56x128xf32, #tpu.memory_space<hbm>> -> memref<1x50x64xf32, #tpu.memory_space<hbm>>
      %dma_start3A_3599 = tpu.memref_squeeze %dma_start3A_3598 : memref<1x50x64xf32, #tpu.memory_space<hbm>> -> memref<50x64xf32, #tpu.memory_space<hbm>>
      %dma_start3A_3600 = arith.constant 0 : i32
      %dma_start3A_3601 = arith.constant 0 : i32
      %dma_start3A_3602 = tpu.memref_slice %arg8[%add3A_3590, %dma_start3A_3600, %dma_start3A_3601] : memref<4096x56x128xf32, #tpu.memory_space<hbm>> -> memref<1x50x64xf32, #tpu.memory_space<hbm>>
      %dma_start3A_3603 = tpu.memref_squeeze %dma_start3A_3602 : memref<1x50x64xf32, #tpu.memory_space<hbm>> -> memref<50x64xf32, #tpu.memory_space<hbm>>
      %dma_start3A_3604 = arith.constant 150 : i32
      %dma_start3A_3605 = arith.constant 0 : i32
      %dma_start3A_3606 = tpu.memref_slice %arg12[%dma_start3A_3591, %dma_start3A_3604, %dma_start3A_3605] : memref<8x200x64xf32, #tpu.memory_space<vmem>> -> memref<1x50x64xf32, #tpu.memory_space<vmem>>
      %dma_start3A_3607 = tpu.memref_squeeze %dma_start3A_3606 : memref<1x50x64xf32, #tpu.memory_space<vmem>> -> memref<50x64xf32, #tpu.memory_space<vmem>>
      tpu.enqueue_dma source(%dma_start3A_3607 : memref<50x64xf32, #tpu.memory_space<vmem>>) target(%dma_start3A_3603 : memref<50x64xf32, #tpu.memory_space<hbm>>) target_semaphore(%arg31 : memref<!tpu.dma_semaphore, #tpu.memory_space<semaphore_mem>>)
    }
    %scan3A_615 = arith.constant 3 : i32
    %mul3A_616 = arith.constant 128 : i32
    %mul3A_617 = arith.muli %add3A, %mul3A_616 : i32
    %add3A_618 = arith.constant 100 : i32
    %add3A_619 = arith.addi %mul3A_617, %add3A_618 : i32
    %add3A_620 = arith.constant 0 : i32
    %add3A_621 = arith.addi %add3A_619, %add3A_620 : i32
    %dma_wait3A_622 = arith.constant 1 : i32
    %dma_wait3A_623 = arith.constant 0 : i32
    %dma_wait3A_624 = arith.constant 0 : i32
    %dma_wait3A_625 = tpu.memref_slice %arg12[%dma_wait3A_622, %dma_wait3A_623, %dma_wait3A_624] : memref<8x200x64xf32, #tpu.memory_space<vmem>> -> memref<1x50x64xf32, #tpu.memory_space<vmem>>
    %dma_wait3A_626 = tpu.memref_squeeze %dma_wait3A_625 : memref<1x50x64xf32, #tpu.memory_space<vmem>> -> memref<50x64xf32, #tpu.memory_space<vmem>>
    %dma_wait3A_627 = arith.constant 0 : i32
    %dma_wait3A_628 = arith.constant 0 : i32
    %dma_wait3A_629 = tpu.memref_slice %arg8[%add3A_621, %dma_wait3A_627, %dma_wait3A_628] : memref<4096x56x128xf32, #tpu.memory_space<hbm>> -> memref<1x50x64xf32, #tpu.memory_space<hbm>>
    %dma_wait3A_630 = tpu.memref_squeeze %dma_wait3A_629 : memref<1x50x64xf32, #tpu.memory_space<hbm>> -> memref<50x64xf32, #tpu.memory_space<hbm>>
    %dma_wait3A_631 = arith.constant 0 : i32
    %dma_wait3A_632 = arith.constant 0 : i32
    %dma_wait3A_633 = tpu.memref_slice %arg8[%add3A_621, %dma_wait3A_631, %dma_wait3A_632] : memref<4096x56x128xf32, #tpu.memory_space<hbm>> -> memref<1x50x64xf32, #tpu.memory_space<hbm>>
    %dma_wait3A_634 = tpu.memref_squeeze %dma_wait3A_633 : memref<1x50x64xf32, #tpu.memory_space<hbm>> -> memref<50x64xf32, #tpu.memory_space<hbm>>
    %dma_wait3A_635 = arith.constant 0 : i32
    %dma_wait3A_636 = arith.constant 0 : i32
    %dma_wait3A_637 = tpu.memref_slice %arg12[%dma_wait3A_622, %dma_wait3A_635, %dma_wait3A_636] : memref<8x200x64xf32, #tpu.memory_space<vmem>> -> memref<1x50x64xf32, #tpu.memory_space<vmem>>
    %dma_wait3A_638 = tpu.memref_squeeze %dma_wait3A_637 : memref<1x50x64xf32, #tpu.memory_space<vmem>> -> memref<50x64xf32, #tpu.memory_space<vmem>>
    tpu.wait_dma2 semaphore(%arg30 : memref<!tpu.dma_semaphore, #tpu.memory_space<semaphore_mem>>) src(%dma_wait3A_638 : memref<50x64xf32, #tpu.memory_space<vmem>>) dst(%dma_wait3A_634 : memref<50x64xf32, #tpu.memory_space<hbm>>)
    %add3A_639 = arith.constant 1 : i32
    %add3A_640 = arith.addi %add3A_619, %add3A_639 : i32
    %dma_wait3A_641 = arith.constant 1 : i32
    %dma_wait3A_642 = arith.constant 50 : i32
    %dma_wait3A_643 = arith.constant 0 : i32
    %dma_wait3A_644 = tpu.memref_slice %arg12[%dma_wait3A_641, %dma_wait3A_642, %dma_wait3A_643] : memref<8x200x64xf32, #tpu.memory_space<vmem>> -> memref<1x50x64xf32, #tpu.memory_space<vmem>>
    %dma_wait3A_645 = tpu.memref_squeeze %dma_wait3A_644 : memref<1x50x64xf32, #tpu.memory_space<vmem>> -> memref<50x64xf32, #tpu.memory_space<vmem>>
    %dma_wait3A_646 = arith.constant 0 : i32
    %dma_wait3A_647 = arith.constant 0 : i32
    %dma_wait3A_648 = tpu.memref_slice %arg8[%add3A_640, %dma_wait3A_646, %dma_wait3A_647] : memref<4096x56x128xf32, #tpu.memory_space<hbm>> -> memref<1x50x64xf32, #tpu.memory_space<hbm>>
    %dma_wait3A_649 = tpu.memref_squeeze %dma_wait3A_648 : memref<1x50x64xf32, #tpu.memory_space<hbm>> -> memref<50x64xf32, #tpu.memory_space<hbm>>
    %dma_wait3A_650 = arith.constant 0 : i32
    %dma_wait3A_651 = arith.constant 0 : i32
    %dma_wait3A_652 = tpu.memref_slice %arg8[%add3A_640, %dma_wait3A_650, %dma_wait3A_651] : memref<4096x56x128xf32, #tpu.memory_space<hbm>> -> memref<1x50x64xf32, #tpu.memory_space<hbm>>
    %dma_wait3A_653 = tpu.memref_squeeze %dma_wait3A_652 : memref<1x50x64xf32, #tpu.memory_space<hbm>> -> memref<50x64xf32, #tpu.memory_space<hbm>>
    %dma_wait3A_654 = arith.constant 50 : i32
    %dma_wait3A_655 = arith.constant 0 : i32
    %dma_wait3A_656 = tpu.memref_slice %arg12[%dma_wait3A_641, %dma_wait3A_654, %dma_wait3A_655] : memref<8x200x64xf32, #tpu.memory_space<vmem>> -> memref<1x50x64xf32, #tpu.memory_space<vmem>>
    %dma_wait3A_657 = tpu.memref_squeeze %dma_wait3A_656 : memref<1x50x64xf32, #tpu.memory_space<vmem>> -> memref<50x64xf32, #tpu.memory_space<vmem>>
    tpu.wait_dma2 semaphore(%arg30 : memref<!tpu.dma_semaphore, #tpu.memory_space<semaphore_mem>>) src(%dma_wait3A_657 : memref<50x64xf32, #tpu.memory_space<vmem>>) dst(%dma_wait3A_653 : memref<50x64xf32, #tpu.memory_space<hbm>>)
    %add3A_658 = arith.constant 2 : i32
    %add3A_659 = arith.addi %add3A_619, %add3A_658 : i32
    %dma_wait3A_660 = arith.constant 1 : i32
    %dma_wait3A_661 = arith.constant 100 : i32
    %dma_wait3A_662 = arith.constant 0 : i32
    %dma_wait3A_663 = tpu.memref_slice %arg12[%dma_wait3A_660, %dma_wait3A_661, %dma_wait3A_662] : memref<8x200x64xf32, #tpu.memory_space<vmem>> -> memref<1x50x64xf32, #tpu.memory_space<vmem>>
    %dma_wait3A_664 = tpu.memref_squeeze %dma_wait3A_663 : memref<1x50x64xf32, #tpu.memory_space<vmem>> -> memref<50x64xf32, #tpu.memory_space<vmem>>
    %dma_wait3A_665 = arith.constant 0 : i32
    %dma_wait3A_666 = arith.constant 0 : i32
    %dma_wait3A_667 = tpu.memref_slice %arg8[%add3A_659, %dma_wait3A_665, %dma_wait3A_666] : memref<4096x56x128xf32, #tpu.memory_space<hbm>> -> memref<1x50x64xf32, #tpu.memory_space<hbm>>
    %dma_wait3A_668 = tpu.memref_squeeze %dma_wait3A_667 : memref<1x50x64xf32, #tpu.memory_space<hbm>> -> memref<50x64xf32, #tpu.memory_space<hbm>>
    %dma_wait3A_669 = arith.constant 0 : i32
    %dma_wait3A_670 = arith.constant 0 : i32
    %dma_wait3A_671 = tpu.memref_slice %arg8[%add3A_659, %dma_wait3A_669, %dma_wait3A_670] : memref<4096x56x128xf32, #tpu.memory_space<hbm>> -> memref<1x50x64xf32, #tpu.memory_space<hbm>>
    %dma_wait3A_672 = tpu.memref_squeeze %dma_wait3A_671 : memref<1x50x64xf32, #tpu.memory_space<hbm>> -> memref<50x64xf32, #tpu.memory_space<hbm>>
    %dma_wait3A_673 = arith.constant 100 : i32
    %dma_wait3A_674 = arith.constant 0 : i32
    %dma_wait3A_675 = tpu.memref_slice %arg12[%dma_wait3A_660, %dma_wait3A_673, %dma_wait3A_674] : memref<8x200x64xf32, #tpu.memory_space<vmem>> -> memref<1x50x64xf32, #tpu.memory_space<vmem>>
    %dma_wait3A_676 = tpu.memref_squeeze %dma_wait3A_675 : memref<1x50x64xf32, #tpu.memory_space<vmem>> -> memref<50x64xf32, #tpu.memory_space<vmem>>
    tpu.wait_dma2 semaphore(%arg30 : memref<!tpu.dma_semaphore, #tpu.memory_space<semaphore_mem>>) src(%dma_wait3A_676 : memref<50x64xf32, #tpu.memory_space<vmem>>) dst(%dma_wait3A_672 : memref<50x64xf32, #tpu.memory_space<hbm>>)
    %add3A_677 = arith.constant 3 : i32
    %add3A_678 = arith.addi %add3A_619, %add3A_677 : i32
    %dma_wait3A_679 = arith.constant 1 : i32
    %dma_wait3A_680 = arith.constant 150 : i32
    %dma_wait3A_681 = arith.constant 0 : i32
    %dma_wait3A_682 = tpu.memref_slice %arg12[%dma_wait3A_679, %dma_wait3A_680, %dma_wait3A_681] : memref<8x200x64xf32, #tpu.memory_space<vmem>> -> memref<1x50x64xf32, #tpu.memory_space<vmem>>
    %dma_wait3A_683 = tpu.memref_squeeze %dma_wait3A_682 : memref<1x50x64xf32, #tpu.memory_space<vmem>> -> memref<50x64xf32, #tpu.memory_space<vmem>>
    %dma_wait3A_684 = arith.constant 0 : i32
    %dma_wait3A_685 = arith.constant 0 : i32
    %dma_wait3A_686 = tpu.memref_slice %arg8[%add3A_678, %dma_wait3A_684, %dma_wait3A_685] : memref<4096x56x128xf32, #tpu.memory_space<hbm>> -> memref<1x50x64xf32, #tpu.memory_space<hbm>>
    %dma_wait3A_687 = tpu.memref_squeeze %dma_wait3A_686 : memref<1x50x64xf32, #tpu.memory_space<hbm>> -> memref<50x64xf32, #tpu.memory_space<hbm>>
    %dma_wait3A_688 = arith.constant 0 : i32
    %dma_wait3A_689 = arith.constant 0 : i32
    %dma_wait3A_690 = tpu.memref_slice %arg8[%add3A_678, %dma_wait3A_688, %dma_wait3A_689] : memref<4096x56x128xf32, #tpu.memory_space<hbm>> -> memref<1x50x64xf32, #tpu.memory_space<hbm>>
    %dma_wait3A_691 = tpu.memref_squeeze %dma_wait3A_690 : memref<1x50x64xf32, #tpu.memory_space<hbm>> -> memref<50x64xf32, #tpu.memory_space<hbm>>
    %dma_wait3A_692 = arith.constant 150 : i32
    %dma_wait3A_693 = arith.constant 0 : i32
    %dma_wait3A_694 = tpu.memref_slice %arg12[%dma_wait3A_679, %dma_wait3A_692, %dma_wait3A_693] : memref<8x200x64xf32, #tpu.memory_space<vmem>> -> memref<1x50x64xf32, #tpu.memory_space<vmem>>
    %dma_wait3A_695 = tpu.memref_squeeze %dma_wait3A_694 : memref<1x50x64xf32, #tpu.memory_space<vmem>> -> memref<50x64xf32, #tpu.memory_space<vmem>>
    tpu.wait_dma2 semaphore(%arg30 : memref<!tpu.dma_semaphore, #tpu.memory_space<semaphore_mem>>) src(%dma_wait3A_695 : memref<50x64xf32, #tpu.memory_space<vmem>>) dst(%dma_wait3A_691 : memref<50x64xf32, #tpu.memory_space<hbm>>)
    %dma_wait3A_696 = arith.constant 5 : i32
    %dma_wait3A_697 = arith.constant 0 : i32
    %dma_wait3A_698 = arith.constant 0 : i32
    %dma_wait3A_699 = tpu.memref_slice %arg12[%dma_wait3A_696, %dma_wait3A_697, %dma_wait3A_698] : memref<8x200x64xf32, #tpu.memory_space<vmem>> -> memref<1x200x64xf32, #tpu.memory_space<vmem>>
    %dma_wait3A_700 = tpu.memref_squeeze %dma_wait3A_699 : memref<1x200x64xf32, #tpu.memory_space<vmem>> -> memref<200x64xf32, #tpu.memory_space<vmem>>
    %dma_wait3A_701 = arith.constant 5800 : i32
    %dma_wait3A_702 = tpu.memref_slice %arg9[%dma_wait3A_701] : memref<6400xi32, #tpu.memory_space<vmem>> -> memref<200xi32, #tpu.memory_space<vmem>>
    %dma_wait3A_703 = arith.constant 0 : i32
    %dma_wait3A_704 = arith.constant 0 : i32
    %dma_wait3A_705 = tpu.memref_slice %arg5[%dma_wait3A_703, %dma_wait3A_704] : memref<100000x64xf32, #tpu.memory_space<hbm>> -> memref<100000x64xf32, #tpu.memory_space<hbm>>
    tpu.wait_indirect_dma semaphore(%arg18 : memref<!tpu.dma_semaphore, #tpu.memory_space<semaphore_mem>>) src(%dma_wait3A_705 : memref<100000x64xf32, #tpu.memory_space<hbm>>) dst(%dma_wait3A_700 : memref<200x64xf32, #tpu.memory_space<vmem>>)
    %dma_start3A_706 = arith.constant 5 : i32
    %dma_start3A_707 = arith.constant 0 : i32
    %dma_start3A_708 = arith.constant 0 : i32
    %dma_start3A_709 = tpu.memref_slice %arg12[%dma_start3A_706, %dma_start3A_707, %dma_start3A_708] : memref<8x200x64xf32, #tpu.memory_space<vmem>> -> memref<1x200x64xf32, #tpu.memory_space<vmem>>
    %dma_start3A_710 = tpu.memref_squeeze %dma_start3A_709 : memref<1x200x64xf32, #tpu.memory_space<vmem>> -> memref<200x64xf32, #tpu.memory_space<vmem>>
    %dma_start3A_711 = arith.constant 5800 : i32
    %dma_start3A_712 = tpu.memref_slice %arg10[%dma_start3A_711] : memref<6400xi32, #tpu.memory_space<vmem>> -> memref<200xi32, #tpu.memory_space<vmem>>
    %dma_start3A_713 = arith.constant 0 : i32
    %dma_start3A_714 = arith.constant 0 : i32
    %dma_start3A_715 = tpu.memref_slice %arg6[%dma_start3A_713, %dma_start3A_714] : memref<100000x64xf32, #tpu.memory_space<hbm>> -> memref<100000x64xf32, #tpu.memory_space<hbm>>
    tpu.enqueue_indirect_dma source(%dma_start3A_715 : memref<100000x64xf32, #tpu.memory_space<hbm>>) target(%dma_start3A_710 : memref<200x64xf32, #tpu.memory_space<vmem>>) offsets(%dma_start3A_712 : memref<200xi32, #tpu.memory_space<vmem>>) semaphore(%arg26 : memref<!tpu.dma_semaphore, #tpu.memory_space<semaphore_mem>>) {add = true}
    %dma_start3A_716 = arith.constant 5 : i32
    %dma_start3A_717 = arith.constant 0 : i32
    %dma_start3A_718 = arith.constant 0 : i32
    %dma_start3A_719 = tpu.memref_slice %arg12[%dma_start3A_716, %dma_start3A_717, %dma_start3A_718] : memref<8x200x64xf32, #tpu.memory_space<vmem>> -> memref<1x200x64xf32, #tpu.memory_space<vmem>>
    %dma_start3A_720 = tpu.memref_squeeze %dma_start3A_719 : memref<1x200x64xf32, #tpu.memory_space<vmem>> -> memref<200x64xf32, #tpu.memory_space<vmem>>
    %dma_start3A_721 = arith.constant 5800 : i32
    %dma_start3A_722 = tpu.memref_slice %arg11[%dma_start3A_721] : memref<6400xi32, #tpu.memory_space<vmem>> -> memref<200xi32, #tpu.memory_space<vmem>>
    %dma_start3A_723 = arith.constant 0 : i32
    %dma_start3A_724 = arith.constant 0 : i32
    %dma_start3A_725 = tpu.memref_slice %arg7[%dma_start3A_723, %dma_start3A_724] : memref<100000x64xf32, #tpu.memory_space<hbm>> -> memref<100000x64xf32, #tpu.memory_space<hbm>>
    tpu.enqueue_indirect_dma source(%dma_start3A_725 : memref<100000x64xf32, #tpu.memory_space<hbm>>) target(%dma_start3A_720 : memref<200x64xf32, #tpu.memory_space<vmem>>) offsets(%dma_start3A_722 : memref<200xi32, #tpu.memory_space<vmem>>) semaphore(%arg26 : memref<!tpu.dma_semaphore, #tpu.memory_space<semaphore_mem>>) {add = true}
    %dma_wait3A_726 = arith.constant 3 : i32
    %dma_wait3A_727 = arith.constant 0 : i32
    %dma_wait3A_728 = arith.constant 0 : i32
    %dma_wait3A_729 = tpu.memref_slice %arg12[%dma_wait3A_726, %dma_wait3A_727, %dma_wait3A_728] : memref<8x200x64xf32, #tpu.memory_space<vmem>> -> memref<1x200x64xf32, #tpu.memory_space<vmem>>
    %dma_wait3A_730 = tpu.memref_squeeze %dma_wait3A_729 : memref<1x200x64xf32, #tpu.memory_space<vmem>> -> memref<200x64xf32, #tpu.memory_space<vmem>>
    %dma_wait3A_731 = arith.constant 5400 : i32
    %dma_wait3A_732 = tpu.memref_slice %arg10[%dma_wait3A_731] : memref<6400xi32, #tpu.memory_space<vmem>> -> memref<200xi32, #tpu.memory_space<vmem>>
    %dma_wait3A_733 = arith.constant 0 : i32
    %dma_wait3A_734 = arith.constant 0 : i32
    %dma_wait3A_735 = tpu.memref_slice %arg6[%dma_wait3A_733, %dma_wait3A_734] : memref<100000x64xf32, #tpu.memory_space<hbm>> -> memref<100000x64xf32, #tpu.memory_space<hbm>>
    tpu.wait_indirect_dma semaphore(%arg24 : memref<!tpu.dma_semaphore, #tpu.memory_space<semaphore_mem>>) src(%dma_wait3A_735 : memref<100000x64xf32, #tpu.memory_space<hbm>>) dst(%dma_wait3A_730 : memref<200x64xf32, #tpu.memory_space<vmem>>)
    %dma_wait3A_736 = arith.constant 3 : i32
    %dma_wait3A_737 = arith.constant 0 : i32
    %dma_wait3A_738 = arith.constant 0 : i32
    %dma_wait3A_739 = tpu.memref_slice %arg12[%dma_wait3A_736, %dma_wait3A_737, %dma_wait3A_738] : memref<8x200x64xf32, #tpu.memory_space<vmem>> -> memref<1x200x64xf32, #tpu.memory_space<vmem>>
    %dma_wait3A_740 = tpu.memref_squeeze %dma_wait3A_739 : memref<1x200x64xf32, #tpu.memory_space<vmem>> -> memref<200x64xf32, #tpu.memory_space<vmem>>
    %dma_wait3A_741 = arith.constant 5400 : i32
    %dma_wait3A_742 = tpu.memref_slice %arg11[%dma_wait3A_741] : memref<6400xi32, #tpu.memory_space<vmem>> -> memref<200xi32, #tpu.memory_space<vmem>>
    %dma_wait3A_743 = arith.constant 0 : i32
    %dma_wait3A_744 = arith.constant 0 : i32
    %dma_wait3A_745 = tpu.memref_slice %arg7[%dma_wait3A_743, %dma_wait3A_744] : memref<100000x64xf32, #tpu.memory_space<hbm>> -> memref<100000x64xf32, #tpu.memory_space<hbm>>
    tpu.wait_indirect_dma semaphore(%arg24 : memref<!tpu.dma_semaphore, #tpu.memory_space<semaphore_mem>>) src(%dma_wait3A_745 : memref<100000x64xf32, #tpu.memory_space<hbm>>) dst(%dma_wait3A_740 : memref<200x64xf32, #tpu.memory_space<vmem>>)
    %mul3A_746 = arith.constant 128 : i32
    %mul3A_747 = arith.muli %add3A, %mul3A_746 : i32
    %add3A_748 = arith.constant 108 : i32
    %add3A_749 = arith.addi %mul3A_747, %add3A_748 : i32
    %add3A_750 = arith.constant 0 : i32
    %add3A_751 = arith.addi %add3A_749, %add3A_750 : i32
    %dma_start3A_752 = arith.constant 3 : i32
    %dma_start3A_753 = arith.constant 0 : i32
    %dma_start3A_754 = arith.constant 0 : i32
    %dma_start3A_755 = tpu.memref_slice %arg12[%dma_start3A_752, %dma_start3A_753, %dma_start3A_754] : memref<8x200x64xf32, #tpu.memory_space<vmem>> -> memref<1x50x64xf32, #tpu.memory_space<vmem>>
    %dma_start3A_756 = tpu.memref_squeeze %dma_start3A_755 : memref<1x50x64xf32, #tpu.memory_space<vmem>> -> memref<50x64xf32, #tpu.memory_space<vmem>>
    %dma_start3A_757 = arith.constant 0 : i32
    %dma_start3A_758 = arith.constant 0 : i32
    %dma_start3A_759 = tpu.memref_slice %arg8[%add3A_751, %dma_start3A_757, %dma_start3A_758] : memref<4096x56x128xf32, #tpu.memory_space<hbm>> -> memref<1x50x64xf32, #tpu.memory_space<hbm>>
    %dma_start3A_760 = tpu.memref_squeeze %dma_start3A_759 : memref<1x50x64xf32, #tpu.memory_space<hbm>> -> memref<50x64xf32, #tpu.memory_space<hbm>>
    %dma_start3A_761 = arith.constant 0 : i32
    %dma_start3A_762 = arith.constant 0 : i32
    %dma_start3A_763 = tpu.memref_slice %arg8[%add3A_751, %dma_start3A_761, %dma_start3A_762] : memref<4096x56x128xf32, #tpu.memory_space<hbm>> -> memref<1x50x64xf32, #tpu.memory_space<hbm>>
    %dma_start3A_764 = tpu.memref_squeeze %dma_start3A_763 : memref<1x50x64xf32, #tpu.memory_space<hbm>> -> memref<50x64xf32, #tpu.memory_space<hbm>>
    %dma_start3A_765 = arith.constant 0 : i32
    %dma_start3A_766 = arith.constant 0 : i32
    %dma_start3A_767 = tpu.memref_slice %arg12[%dma_start3A_752, %dma_start3A_765, %dma_start3A_766] : memref<8x200x64xf32, #tpu.memory_space<vmem>> -> memref<1x50x64xf32, #tpu.memory_space<vmem>>
    %dma_start3A_768 = tpu.memref_squeeze %dma_start3A_767 : memref<1x50x64xf32, #tpu.memory_space<vmem>> -> memref<50x64xf32, #tpu.memory_space<vmem>>
    tpu.enqueue_dma source(%dma_start3A_768 : memref<50x64xf32, #tpu.memory_space<vmem>>) target(%dma_start3A_764 : memref<50x64xf32, #tpu.memory_space<hbm>>) target_semaphore(%arg32 : memref<!tpu.dma_semaphore, #tpu.memory_space<semaphore_mem>>)
    %add3A_769 = arith.constant 1 : i32
    %add3A_770 = arith.addi %add3A_749, %add3A_769 : i32
    %dma_start3A_771 = arith.constant 3 : i32
    %dma_start3A_772 = arith.constant 50 : i32
    %dma_start3A_773 = arith.constant 0 : i32
    %dma_start3A_774 = tpu.memref_slice %arg12[%dma_start3A_771, %dma_start3A_772, %dma_start3A_773] : memref<8x200x64xf32, #tpu.memory_space<vmem>> -> memref<1x50x64xf32, #tpu.memory_space<vmem>>
    %dma_start3A_775 = tpu.memref_squeeze %dma_start3A_774 : memref<1x50x64xf32, #tpu.memory_space<vmem>> -> memref<50x64xf32, #tpu.memory_space<vmem>>
    %dma_start3A_776 = arith.constant 0 : i32
    %dma_start3A_777 = arith.constant 0 : i32
    %dma_start3A_778 = tpu.memref_slice %arg8[%add3A_770, %dma_start3A_776, %dma_start3A_777] : memref<4096x56x128xf32, #tpu.memory_space<hbm>> -> memref<1x50x64xf32, #tpu.memory_space<hbm>>
    %dma_start3A_779 = tpu.memref_squeeze %dma_start3A_778 : memref<1x50x64xf32, #tpu.memory_space<hbm>> -> memref<50x64xf32, #tpu.memory_space<hbm>>
    %dma_start3A_780 = arith.constant 0 : i32
    %dma_start3A_781 = arith.constant 0 : i32
    %dma_start3A_782 = tpu.memref_slice %arg8[%add3A_770, %dma_start3A_780, %dma_start3A_781] : memref<4096x56x128xf32, #tpu.memory_space<hbm>> -> memref<1x50x64xf32, #tpu.memory_space<hbm>>
    %dma_start3A_783 = tpu.memref_squeeze %dma_start3A_782 : memref<1x50x64xf32, #tpu.memory_space<hbm>> -> memref<50x64xf32, #tpu.memory_space<hbm>>
    %dma_start3A_784 = arith.constant 50 : i32
    %dma_start3A_785 = arith.constant 0 : i32
    %dma_start3A_786 = tpu.memref_slice %arg12[%dma_start3A_771, %dma_start3A_784, %dma_start3A_785] : memref<8x200x64xf32, #tpu.memory_space<vmem>> -> memref<1x50x64xf32, #tpu.memory_space<vmem>>
    %dma_start3A_787 = tpu.memref_squeeze %dma_start3A_786 : memref<1x50x64xf32, #tpu.memory_space<vmem>> -> memref<50x64xf32, #tpu.memory_space<vmem>>
    tpu.enqueue_dma source(%dma_start3A_787 : memref<50x64xf32, #tpu.memory_space<vmem>>) target(%dma_start3A_783 : memref<50x64xf32, #tpu.memory_space<hbm>>) target_semaphore(%arg32 : memref<!tpu.dma_semaphore, #tpu.memory_space<semaphore_mem>>)
    %add3A_788 = arith.constant 2 : i32
    %add3A_789 = arith.addi %add3A_749, %add3A_788 : i32
    %dma_start3A_790 = arith.constant 3 : i32
    %dma_start3A_791 = arith.constant 100 : i32
    %dma_start3A_792 = arith.constant 0 : i32
    %dma_start3A_793 = tpu.memref_slice %arg12[%dma_start3A_790, %dma_start3A_791, %dma_start3A_792] : memref<8x200x64xf32, #tpu.memory_space<vmem>> -> memref<1x50x64xf32, #tpu.memory_space<vmem>>
    %dma_start3A_794 = tpu.memref_squeeze %dma_start3A_793 : memref<1x50x64xf32, #tpu.memory_space<vmem>> -> memref<50x64xf32, #tpu.memory_space<vmem>>
    %dma_start3A_795 = arith.constant 0 : i32
    %dma_start3A_796 = arith.constant 0 : i32
    %dma_start3A_797 = tpu.memref_slice %arg8[%add3A_789, %dma_start3A_795, %dma_start3A_796] : memref<4096x56x128xf32, #tpu.memory_space<hbm>> -> memref<1x50x64xf32, #tpu.memory_space<hbm>>
    %dma_start3A_798 = tpu.memref_squeeze %dma_start3A_797 : memref<1x50x64xf32, #tpu.memory_space<hbm>> -> memref<50x64xf32, #tpu.memory_space<hbm>>
    %dma_start3A_799 = arith.constant 0 : i32
    %dma_start3A_800 = arith.constant 0 : i32
    %dma_start3A_801 = tpu.memref_slice %arg8[%add3A_789, %dma_start3A_799, %dma_start3A_800] : memref<4096x56x128xf32, #tpu.memory_space<hbm>> -> memref<1x50x64xf32, #tpu.memory_space<hbm>>
    %dma_start3A_802 = tpu.memref_squeeze %dma_start3A_801 : memref<1x50x64xf32, #tpu.memory_space<hbm>> -> memref<50x64xf32, #tpu.memory_space<hbm>>
    %dma_start3A_803 = arith.constant 100 : i32
    %dma_start3A_804 = arith.constant 0 : i32
    %dma_start3A_805 = tpu.memref_slice %arg12[%dma_start3A_790, %dma_start3A_803, %dma_start3A_804] : memref<8x200x64xf32, #tpu.memory_space<vmem>> -> memref<1x50x64xf32, #tpu.memory_space<vmem>>
    %dma_start3A_806 = tpu.memref_squeeze %dma_start3A_805 : memref<1x50x64xf32, #tpu.memory_space<vmem>> -> memref<50x64xf32, #tpu.memory_space<vmem>>
    tpu.enqueue_dma source(%dma_start3A_806 : memref<50x64xf32, #tpu.memory_space<vmem>>) target(%dma_start3A_802 : memref<50x64xf32, #tpu.memory_space<hbm>>) target_semaphore(%arg32 : memref<!tpu.dma_semaphore, #tpu.memory_space<semaphore_mem>>)
    %add3A_807 = arith.constant 3 : i32
    %add3A_808 = arith.addi %add3A_749, %add3A_807 : i32
    %dma_start3A_809 = arith.constant 3 : i32
    %dma_start3A_810 = arith.constant 150 : i32
    %dma_start3A_811 = arith.constant 0 : i32
    %dma_start3A_812 = tpu.memref_slice %arg12[%dma_start3A_809, %dma_start3A_810, %dma_start3A_811] : memref<8x200x64xf32, #tpu.memory_space<vmem>> -> memref<1x50x64xf32, #tpu.memory_space<vmem>>
    %dma_start3A_813 = tpu.memref_squeeze %dma_start3A_812 : memref<1x50x64xf32, #tpu.memory_space<vmem>> -> memref<50x64xf32, #tpu.memory_space<vmem>>
    %dma_start3A_814 = arith.constant 0 : i32
    %dma_start3A_815 = arith.constant 0 : i32
    %dma_start3A_816 = tpu.memref_slice %arg8[%add3A_808, %dma_start3A_814, %dma_start3A_815] : memref<4096x56x128xf32, #tpu.memory_space<hbm>> -> memref<1x50x64xf32, #tpu.memory_space<hbm>>
    %dma_start3A_817 = tpu.memref_squeeze %dma_start3A_816 : memref<1x50x64xf32, #tpu.memory_space<hbm>> -> memref<50x64xf32, #tpu.memory_space<hbm>>
    %dma_start3A_818 = arith.constant 0 : i32
    %dma_start3A_819 = arith.constant 0 : i32
    %dma_start3A_820 = tpu.memref_slice %arg8[%add3A_808, %dma_start3A_818, %dma_start3A_819] : memref<4096x56x128xf32, #tpu.memory_space<hbm>> -> memref<1x50x64xf32, #tpu.memory_space<hbm>>
    %dma_start3A_821 = tpu.memref_squeeze %dma_start3A_820 : memref<1x50x64xf32, #tpu.memory_space<hbm>> -> memref<50x64xf32, #tpu.memory_space<hbm>>
    %dma_start3A_822 = arith.constant 150 : i32
    %dma_start3A_823 = arith.constant 0 : i32
    %dma_start3A_824 = tpu.memref_slice %arg12[%dma_start3A_809, %dma_start3A_822, %dma_start3A_823] : memref<8x200x64xf32, #tpu.memory_space<vmem>> -> memref<1x50x64xf32, #tpu.memory_space<vmem>>
    %dma_start3A_825 = tpu.memref_squeeze %dma_start3A_824 : memref<1x50x64xf32, #tpu.memory_space<vmem>> -> memref<50x64xf32, #tpu.memory_space<vmem>>
    tpu.enqueue_dma source(%dma_start3A_825 : memref<50x64xf32, #tpu.memory_space<vmem>>) target(%dma_start3A_821 : memref<50x64xf32, #tpu.memory_space<hbm>>) target_semaphore(%arg32 : memref<!tpu.dma_semaphore, #tpu.memory_space<semaphore_mem>>)
    %mul3A_826 = arith.constant 128 : i32
    %mul3A_827 = arith.muli %add3A, %mul3A_826 : i32
    %add3A_828 = arith.constant 104 : i32
    %add3A_829 = arith.addi %mul3A_827, %add3A_828 : i32
    %add3A_830 = arith.constant 0 : i32
    %add3A_831 = arith.addi %add3A_829, %add3A_830 : i32
    %dma_wait3A_832 = arith.constant 2 : i32
    %dma_wait3A_833 = arith.constant 0 : i32
    %dma_wait3A_834 = arith.constant 0 : i32
    %dma_wait3A_835 = tpu.memref_slice %arg12[%dma_wait3A_832, %dma_wait3A_833, %dma_wait3A_834] : memref<8x200x64xf32, #tpu.memory_space<vmem>> -> memref<1x50x64xf32, #tpu.memory_space<vmem>>
    %dma_wait3A_836 = tpu.memref_squeeze %dma_wait3A_835 : memref<1x50x64xf32, #tpu.memory_space<vmem>> -> memref<50x64xf32, #tpu.memory_space<vmem>>
    %dma_wait3A_837 = arith.constant 0 : i32
    %dma_wait3A_838 = arith.constant 0 : i32
    %dma_wait3A_839 = tpu.memref_slice %arg8[%add3A_831, %dma_wait3A_837, %dma_wait3A_838] : memref<4096x56x128xf32, #tpu.memory_space<hbm>> -> memref<1x50x64xf32, #tpu.memory_space<hbm>>
    %dma_wait3A_840 = tpu.memref_squeeze %dma_wait3A_839 : memref<1x50x64xf32, #tpu.memory_space<hbm>> -> memref<50x64xf32, #tpu.memory_space<hbm>>
    %dma_wait3A_841 = arith.constant 0 : i32
    %dma_wait3A_842 = arith.constant 0 : i32
    %dma_wait3A_843 = tpu.memref_slice %arg8[%add3A_831, %dma_wait3A_841, %dma_wait3A_842] : memref<4096x56x128xf32, #tpu.memory_space<hbm>> -> memref<1x50x64xf32, #tpu.memory_space<hbm>>
    %dma_wait3A_844 = tpu.memref_squeeze %dma_wait3A_843 : memref<1x50x64xf32, #tpu.memory_space<hbm>> -> memref<50x64xf32, #tpu.memory_space<hbm>>
    %dma_wait3A_845 = arith.constant 0 : i32
    %dma_wait3A_846 = arith.constant 0 : i32
    %dma_wait3A_847 = tpu.memref_slice %arg12[%dma_wait3A_832, %dma_wait3A_845, %dma_wait3A_846] : memref<8x200x64xf32, #tpu.memory_space<vmem>> -> memref<1x50x64xf32, #tpu.memory_space<vmem>>
    %dma_wait3A_848 = tpu.memref_squeeze %dma_wait3A_847 : memref<1x50x64xf32, #tpu.memory_space<vmem>> -> memref<50x64xf32, #tpu.memory_space<vmem>>
    tpu.wait_dma2 semaphore(%arg31 : memref<!tpu.dma_semaphore, #tpu.memory_space<semaphore_mem>>) src(%dma_wait3A_848 : memref<50x64xf32, #tpu.memory_space<vmem>>) dst(%dma_wait3A_844 : memref<50x64xf32, #tpu.memory_space<hbm>>)
    %add3A_849 = arith.constant 1 : i32
    %add3A_850 = arith.addi %add3A_829, %add3A_849 : i32
    %dma_wait3A_851 = arith.constant 2 : i32
    %dma_wait3A_852 = arith.constant 50 : i32
    %dma_wait3A_853 = arith.constant 0 : i32
    %dma_wait3A_854 = tpu.memref_slice %arg12[%dma_wait3A_851, %dma_wait3A_852, %dma_wait3A_853] : memref<8x200x64xf32, #tpu.memory_space<vmem>> -> memref<1x50x64xf32, #tpu.memory_space<vmem>>
    %dma_wait3A_855 = tpu.memref_squeeze %dma_wait3A_854 : memref<1x50x64xf32, #tpu.memory_space<vmem>> -> memref<50x64xf32, #tpu.memory_space<vmem>>
    %dma_wait3A_856 = arith.constant 0 : i32
    %dma_wait3A_857 = arith.constant 0 : i32
    %dma_wait3A_858 = tpu.memref_slice %arg8[%add3A_850, %dma_wait3A_856, %dma_wait3A_857] : memref<4096x56x128xf32, #tpu.memory_space<hbm>> -> memref<1x50x64xf32, #tpu.memory_space<hbm>>
    %dma_wait3A_859 = tpu.memref_squeeze %dma_wait3A_858 : memref<1x50x64xf32, #tpu.memory_space<hbm>> -> memref<50x64xf32, #tpu.memory_space<hbm>>
    %dma_wait3A_860 = arith.constant 0 : i32
    %dma_wait3A_861 = arith.constant 0 : i32
    %dma_wait3A_862 = tpu.memref_slice %arg8[%add3A_850, %dma_wait3A_860, %dma_wait3A_861] : memref<4096x56x128xf32, #tpu.memory_space<hbm>> -> memref<1x50x64xf32, #tpu.memory_space<hbm>>
    %dma_wait3A_863 = tpu.memref_squeeze %dma_wait3A_862 : memref<1x50x64xf32, #tpu.memory_space<hbm>> -> memref<50x64xf32, #tpu.memory_space<hbm>>
    %dma_wait3A_864 = arith.constant 50 : i32
    %dma_wait3A_865 = arith.constant 0 : i32
    %dma_wait3A_866 = tpu.memref_slice %arg12[%dma_wait3A_851, %dma_wait3A_864, %dma_wait3A_865] : memref<8x200x64xf32, #tpu.memory_space<vmem>> -> memref<1x50x64xf32, #tpu.memory_space<vmem>>
    %dma_wait3A_867 = tpu.memref_squeeze %dma_wait3A_866 : memref<1x50x64xf32, #tpu.memory_space<vmem>> -> memref<50x64xf32, #tpu.memory_space<vmem>>
    tpu.wait_dma2 semaphore(%arg31 : memref<!tpu.dma_semaphore, #tpu.memory_space<semaphore_mem>>) src(%dma_wait3A_867 : memref<50x64xf32, #tpu.memory_space<vmem>>) dst(%dma_wait3A_863 : memref<50x64xf32, #tpu.memory_space<hbm>>)
    %add3A_868 = arith.constant 2 : i32
    %add3A_869 = arith.addi %add3A_829, %add3A_868 : i32
    %dma_wait3A_870 = arith.constant 2 : i32
    %dma_wait3A_871 = arith.constant 100 : i32
    %dma_wait3A_872 = arith.constant 0 : i32
    %dma_wait3A_873 = tpu.memref_slice %arg12[%dma_wait3A_870, %dma_wait3A_871, %dma_wait3A_872] : memref<8x200x64xf32, #tpu.memory_space<vmem>> -> memref<1x50x64xf32, #tpu.memory_space<vmem>>
    %dma_wait3A_874 = tpu.memref_squeeze %dma_wait3A_873 : memref<1x50x64xf32, #tpu.memory_space<vmem>> -> memref<50x64xf32, #tpu.memory_space<vmem>>
    %dma_wait3A_875 = arith.constant 0 : i32
    %dma_wait3A_876 = arith.constant 0 : i32
    %dma_wait3A_877 = tpu.memref_slice %arg8[%add3A_869, %dma_wait3A_875, %dma_wait3A_876] : memref<4096x56x128xf32, #tpu.memory_space<hbm>> -> memref<1x50x64xf32, #tpu.memory_space<hbm>>
    %dma_wait3A_878 = tpu.memref_squeeze %dma_wait3A_877 : memref<1x50x64xf32, #tpu.memory_space<hbm>> -> memref<50x64xf32, #tpu.memory_space<hbm>>
    %dma_wait3A_879 = arith.constant 0 : i32
    %dma_wait3A_880 = arith.constant 0 : i32
    %dma_wait3A_881 = tpu.memref_slice %arg8[%add3A_869, %dma_wait3A_879, %dma_wait3A_880] : memref<4096x56x128xf32, #tpu.memory_space<hbm>> -> memref<1x50x64xf32, #tpu.memory_space<hbm>>
    %dma_wait3A_882 = tpu.memref_squeeze %dma_wait3A_881 : memref<1x50x64xf32, #tpu.memory_space<hbm>> -> memref<50x64xf32, #tpu.memory_space<hbm>>
    %dma_wait3A_883 = arith.constant 100 : i32
    %dma_wait3A_884 = arith.constant 0 : i32
    %dma_wait3A_885 = tpu.memref_slice %arg12[%dma_wait3A_870, %dma_wait3A_883, %dma_wait3A_884] : memref<8x200x64xf32, #tpu.memory_space<vmem>> -> memref<1x50x64xf32, #tpu.memory_space<vmem>>
    %dma_wait3A_886 = tpu.memref_squeeze %dma_wait3A_885 : memref<1x50x64xf32, #tpu.memory_space<vmem>> -> memref<50x64xf32, #tpu.memory_space<vmem>>
    tpu.wait_dma2 semaphore(%arg31 : memref<!tpu.dma_semaphore, #tpu.memory_space<semaphore_mem>>) src(%dma_wait3A_886 : memref<50x64xf32, #tpu.memory_space<vmem>>) dst(%dma_wait3A_882 : memref<50x64xf32, #tpu.memory_space<hbm>>)
    %add3A_887 = arith.constant 3 : i32
    %add3A_888 = arith.addi %add3A_829, %add3A_887 : i32
    %dma_wait3A_889 = arith.constant 2 : i32
    %dma_wait3A_890 = arith.constant 150 : i32
    %dma_wait3A_891 = arith.constant 0 : i32
    %dma_wait3A_892 = tpu.memref_slice %arg12[%dma_wait3A_889, %dma_wait3A_890, %dma_wait3A_891] : memref<8x200x64xf32, #tpu.memory_space<vmem>> -> memref<1x50x64xf32, #tpu.memory_space<vmem>>
    %dma_wait3A_893 = tpu.memref_squeeze %dma_wait3A_892 : memref<1x50x64xf32, #tpu.memory_space<vmem>> -> memref<50x64xf32, #tpu.memory_space<vmem>>
    %dma_wait3A_894 = arith.constant 0 : i32
    %dma_wait3A_895 = arith.constant 0 : i32
    %dma_wait3A_896 = tpu.memref_slice %arg8[%add3A_888, %dma_wait3A_894, %dma_wait3A_895] : memref<4096x56x128xf32, #tpu.memory_space<hbm>> -> memref<1x50x64xf32, #tpu.memory_space<hbm>>
    %dma_wait3A_897 = tpu.memref_squeeze %dma_wait3A_896 : memref<1x50x64xf32, #tpu.memory_space<hbm>> -> memref<50x64xf32, #tpu.memory_space<hbm>>
    %dma_wait3A_898 = arith.constant 0 : i32
    %dma_wait3A_899 = arith.constant 0 : i32
    %dma_wait3A_900 = tpu.memref_slice %arg8[%add3A_888, %dma_wait3A_898, %dma_wait3A_899] : memref<4096x56x128xf32, #tpu.memory_space<hbm>> -> memref<1x50x64xf32, #tpu.memory_space<hbm>>
    %dma_wait3A_901 = tpu.memref_squeeze %dma_wait3A_900 : memref<1x50x64xf32, #tpu.memory_space<hbm>> -> memref<50x64xf32, #tpu.memory_space<hbm>>
    %dma_wait3A_902 = arith.constant 150 : i32
    %dma_wait3A_903 = arith.constant 0 : i32
    %dma_wait3A_904 = tpu.memref_slice %arg12[%dma_wait3A_889, %dma_wait3A_902, %dma_wait3A_903] : memref<8x200x64xf32, #tpu.memory_space<vmem>> -> memref<1x50x64xf32, #tpu.memory_space<vmem>>
    %dma_wait3A_905 = tpu.memref_squeeze %dma_wait3A_904 : memref<1x50x64xf32, #tpu.memory_space<vmem>> -> memref<50x64xf32, #tpu.memory_space<vmem>>
    tpu.wait_dma2 semaphore(%arg31 : memref<!tpu.dma_semaphore, #tpu.memory_space<semaphore_mem>>) src(%dma_wait3A_905 : memref<50x64xf32, #tpu.memory_space<vmem>>) dst(%dma_wait3A_901 : memref<50x64xf32, #tpu.memory_space<hbm>>)
    %dma_wait3A_906 = arith.constant 6 : i32
    %dma_wait3A_907 = arith.constant 0 : i32
    %dma_wait3A_908 = arith.constant 0 : i32
    %dma_wait3A_909 = tpu.memref_slice %arg12[%dma_wait3A_906, %dma_wait3A_907, %dma_wait3A_908] : memref<8x200x64xf32, #tpu.memory_space<vmem>> -> memref<1x200x64xf32, #tpu.memory_space<vmem>>
    %dma_wait3A_910 = tpu.memref_squeeze %dma_wait3A_909 : memref<1x200x64xf32, #tpu.memory_space<vmem>> -> memref<200x64xf32, #tpu.memory_space<vmem>>
    %dma_wait3A_911 = arith.constant 6000 : i32
    %dma_wait3A_912 = tpu.memref_slice %arg9[%dma_wait3A_911] : memref<6400xi32, #tpu.memory_space<vmem>> -> memref<200xi32, #tpu.memory_space<vmem>>
    %dma_wait3A_913 = arith.constant 0 : i32
    %dma_wait3A_914 = arith.constant 0 : i32
    %dma_wait3A_915 = tpu.memref_slice %arg5[%dma_wait3A_913, %dma_wait3A_914] : memref<100000x64xf32, #tpu.memory_space<hbm>> -> memref<100000x64xf32, #tpu.memory_space<hbm>>
    tpu.wait_indirect_dma semaphore(%arg19 : memref<!tpu.dma_semaphore, #tpu.memory_space<semaphore_mem>>) src(%dma_wait3A_915 : memref<100000x64xf32, #tpu.memory_space<hbm>>) dst(%dma_wait3A_910 : memref<200x64xf32, #tpu.memory_space<vmem>>)
    %dma_start3A_916 = arith.constant 6 : i32
    %dma_start3A_917 = arith.constant 0 : i32
    %dma_start3A_918 = arith.constant 0 : i32
    %dma_start3A_919 = tpu.memref_slice %arg12[%dma_start3A_916, %dma_start3A_917, %dma_start3A_918] : memref<8x200x64xf32, #tpu.memory_space<vmem>> -> memref<1x200x64xf32, #tpu.memory_space<vmem>>
    %dma_start3A_920 = tpu.memref_squeeze %dma_start3A_919 : memref<1x200x64xf32, #tpu.memory_space<vmem>> -> memref<200x64xf32, #tpu.memory_space<vmem>>
    %dma_start3A_921 = arith.constant 6000 : i32
    %dma_start3A_922 = tpu.memref_slice %arg10[%dma_start3A_921] : memref<6400xi32, #tpu.memory_space<vmem>> -> memref<200xi32, #tpu.memory_space<vmem>>
    %dma_start3A_923 = arith.constant 0 : i32
    %dma_start3A_924 = arith.constant 0 : i32
    %dma_start3A_925 = tpu.memref_slice %arg6[%dma_start3A_923, %dma_start3A_924] : memref<100000x64xf32, #tpu.memory_space<hbm>> -> memref<100000x64xf32, #tpu.memory_space<hbm>>
    tpu.enqueue_indirect_dma source(%dma_start3A_925 : memref<100000x64xf32, #tpu.memory_space<hbm>>) target(%dma_start3A_920 : memref<200x64xf32, #tpu.memory_space<vmem>>) offsets(%dma_start3A_922 : memref<200xi32, #tpu.memory_space<vmem>>) semaphore(%arg27 : memref<!tpu.dma_semaphore, #tpu.memory_space<semaphore_mem>>) {add = true}
    %dma_start3A_926 = arith.constant 6 : i32
    %dma_start3A_927 = arith.constant 0 : i32
    %dma_start3A_928 = arith.constant 0 : i32
    %dma_start3A_929 = tpu.memref_slice %arg12[%dma_start3A_926, %dma_start3A_927, %dma_start3A_928] : memref<8x200x64xf32, #tpu.memory_space<vmem>> -> memref<1x200x64xf32, #tpu.memory_space<vmem>>
    %dma_start3A_930 = tpu.memref_squeeze %dma_start3A_929 : memref<1x200x64xf32, #tpu.memory_space<vmem>> -> memref<200x64xf32, #tpu.memory_space<vmem>>
    %dma_start3A_931 = arith.constant 6000 : i32
    %dma_start3A_932 = tpu.memref_slice %arg11[%dma_start3A_931] : memref<6400xi32, #tpu.memory_space<vmem>> -> memref<200xi32, #tpu.memory_space<vmem>>
    %dma_start3A_933 = arith.constant 0 : i32
    %dma_start3A_934 = arith.constant 0 : i32
    %dma_start3A_935 = tpu.memref_slice %arg7[%dma_start3A_933, %dma_start3A_934] : memref<100000x64xf32, #tpu.memory_space<hbm>> -> memref<100000x64xf32, #tpu.memory_space<hbm>>
    tpu.enqueue_indirect_dma source(%dma_start3A_935 : memref<100000x64xf32, #tpu.memory_space<hbm>>) target(%dma_start3A_930 : memref<200x64xf32, #tpu.memory_space<vmem>>) offsets(%dma_start3A_932 : memref<200xi32, #tpu.memory_space<vmem>>) semaphore(%arg27 : memref<!tpu.dma_semaphore, #tpu.memory_space<semaphore_mem>>) {add = true}
    %dma_wait3A_936 = arith.constant 4 : i32
    %dma_wait3A_937 = arith.constant 0 : i32
    %dma_wait3A_938 = arith.constant 0 : i32
    %dma_wait3A_939 = tpu.memref_slice %arg12[%dma_wait3A_936, %dma_wait3A_937, %dma_wait3A_938] : memref<8x200x64xf32, #tpu.memory_space<vmem>> -> memref<1x200x64xf32, #tpu.memory_space<vmem>>
    %dma_wait3A_940 = tpu.memref_squeeze %dma_wait3A_939 : memref<1x200x64xf32, #tpu.memory_space<vmem>> -> memref<200x64xf32, #tpu.memory_space<vmem>>
    %dma_wait3A_941 = arith.constant 5600 : i32
    %dma_wait3A_942 = tpu.memref_slice %arg10[%dma_wait3A_941] : memref<6400xi32, #tpu.memory_space<vmem>> -> memref<200xi32, #tpu.memory_space<vmem>>
    %dma_wait3A_943 = arith.constant 0 : i32
    %dma_wait3A_944 = arith.constant 0 : i32
    %dma_wait3A_945 = tpu.memref_slice %arg6[%dma_wait3A_943, %dma_wait3A_944] : memref<100000x64xf32, #tpu.memory_space<hbm>> -> memref<100000x64xf32, #tpu.memory_space<hbm>>
    tpu.wait_indirect_dma semaphore(%arg25 : memref<!tpu.dma_semaphore, #tpu.memory_space<semaphore_mem>>) src(%dma_wait3A_945 : memref<100000x64xf32, #tpu.memory_space<hbm>>) dst(%dma_wait3A_940 : memref<200x64xf32, #tpu.memory_space<vmem>>)
    %dma_wait3A_946 = arith.constant 4 : i32
    %dma_wait3A_947 = arith.constant 0 : i32
    %dma_wait3A_948 = arith.constant 0 : i32
    %dma_wait3A_949 = tpu.memref_slice %arg12[%dma_wait3A_946, %dma_wait3A_947, %dma_wait3A_948] : memref<8x200x64xf32, #tpu.memory_space<vmem>> -> memref<1x200x64xf32, #tpu.memory_space<vmem>>
    %dma_wait3A_950 = tpu.memref_squeeze %dma_wait3A_949 : memref<1x200x64xf32, #tpu.memory_space<vmem>> -> memref<200x64xf32, #tpu.memory_space<vmem>>
    %dma_wait3A_951 = arith.constant 5600 : i32
    %dma_wait3A_952 = tpu.memref_slice %arg11[%dma_wait3A_951] : memref<6400xi32, #tpu.memory_space<vmem>> -> memref<200xi32, #tpu.memory_space<vmem>>
    %dma_wait3A_953 = arith.constant 0 : i32
    %dma_wait3A_954 = arith.constant 0 : i32
    %dma_wait3A_955 = tpu.memref_slice %arg7[%dma_wait3A_953, %dma_wait3A_954] : memref<100000x64xf32, #tpu.memory_space<hbm>> -> memref<100000x64xf32, #tpu.memory_space<hbm>>
    tpu.wait_indirect_dma semaphore(%arg25 : memref<!tpu.dma_semaphore, #tpu.memory_space<semaphore_mem>>) src(%dma_wait3A_955 : memref<100000x64xf32, #tpu.memory_space<hbm>>) dst(%dma_wait3A_950 : memref<200x64xf32, #tpu.memory_space<vmem>>)
    %mul3A_956 = arith.constant 128 : i32
    %mul3A_957 = arith.muli %add3A, %mul3A_956 : i32
    %add3A_958 = arith.constant 112 : i32
    %add3A_959 = arith.addi %mul3A_957, %add3A_958 : i32
    %add3A_960 = arith.constant 0 : i32
    %add3A_961 = arith.addi %add3A_959, %add3A_960 : i32
    %dma_start3A_962 = arith.constant 4 : i32
    %dma_start3A_963 = arith.constant 0 : i32
    %dma_start3A_964 = arith.constant 0 : i32
    %dma_start3A_965 = tpu.memref_slice %arg12[%dma_start3A_962, %dma_start3A_963, %dma_start3A_964] : memref<8x200x64xf32, #tpu.memory_space<vmem>> -> memref<1x50x64xf32, #tpu.memory_space<vmem>>
    %dma_start3A_966 = tpu.memref_squeeze %dma_start3A_965 : memref<1x50x64xf32, #tpu.memory_space<vmem>> -> memref<50x64xf32, #tpu.memory_space<vmem>>
    %dma_start3A_967 = arith.constant 0 : i32
    %dma_start3A_968 = arith.constant 0 : i32
    %dma_start3A_969 = tpu.memref_slice %arg8[%add3A_961, %dma_start3A_967, %dma_start3A_968] : memref<4096x56x128xf32, #tpu.memory_space<hbm>> -> memref<1x50x64xf32, #tpu.memory_space<hbm>>
    %dma_start3A_970 = tpu.memref_squeeze %dma_start3A_969 : memref<1x50x64xf32, #tpu.memory_space<hbm>> -> memref<50x64xf32, #tpu.memory_space<hbm>>
    %dma_start3A_971 = arith.constant 0 : i32
    %dma_start3A_972 = arith.constant 0 : i32
    %dma_start3A_973 = tpu.memref_slice %arg8[%add3A_961, %dma_start3A_971, %dma_start3A_972] : memref<4096x56x128xf32, #tpu.memory_space<hbm>> -> memref<1x50x64xf32, #tpu.memory_space<hbm>>
    %dma_start3A_974 = tpu.memref_squeeze %dma_start3A_973 : memref<1x50x64xf32, #tpu.memory_space<hbm>> -> memref<50x64xf32, #tpu.memory_space<hbm>>
    %dma_start3A_975 = arith.constant 0 : i32
    %dma_start3A_976 = arith.constant 0 : i32
    %dma_start3A_977 = tpu.memref_slice %arg12[%dma_start3A_962, %dma_start3A_975, %dma_start3A_976] : memref<8x200x64xf32, #tpu.memory_space<vmem>> -> memref<1x50x64xf32, #tpu.memory_space<vmem>>
    %dma_start3A_978 = tpu.memref_squeeze %dma_start3A_977 : memref<1x50x64xf32, #tpu.memory_space<vmem>> -> memref<50x64xf32, #tpu.memory_space<vmem>>
    tpu.enqueue_dma source(%dma_start3A_978 : memref<50x64xf32, #tpu.memory_space<vmem>>) target(%dma_start3A_974 : memref<50x64xf32, #tpu.memory_space<hbm>>) target_semaphore(%arg33 : memref<!tpu.dma_semaphore, #tpu.memory_space<semaphore_mem>>)
    %add3A_979 = arith.constant 1 : i32
    %add3A_980 = arith.addi %add3A_959, %add3A_979 : i32
    %dma_start3A_981 = arith.constant 4 : i32
    %dma_start3A_982 = arith.constant 50 : i32
    %dma_start3A_983 = arith.constant 0 : i32
    %dma_start3A_984 = tpu.memref_slice %arg12[%dma_start3A_981, %dma_start3A_982, %dma_start3A_983] : memref<8x200x64xf32, #tpu.memory_space<vmem>> -> memref<1x50x64xf32, #tpu.memory_space<vmem>>
    %dma_start3A_985 = tpu.memref_squeeze %dma_start3A_984 : memref<1x50x64xf32, #tpu.memory_space<vmem>> -> memref<50x64xf32, #tpu.memory_space<vmem>>
    %dma_start3A_986 = arith.constant 0 : i32
    %dma_start3A_987 = arith.constant 0 : i32
    %dma_start3A_988 = tpu.memref_slice %arg8[%add3A_980, %dma_start3A_986, %dma_start3A_987] : memref<4096x56x128xf32, #tpu.memory_space<hbm>> -> memref<1x50x64xf32, #tpu.memory_space<hbm>>
    %dma_start3A_989 = tpu.memref_squeeze %dma_start3A_988 : memref<1x50x64xf32, #tpu.memory_space<hbm>> -> memref<50x64xf32, #tpu.memory_space<hbm>>
    %dma_start3A_990 = arith.constant 0 : i32
    %dma_start3A_991 = arith.constant 0 : i32
    %dma_start3A_992 = tpu.memref_slice %arg8[%add3A_980, %dma_start3A_990, %dma_start3A_991] : memref<4096x56x128xf32, #tpu.memory_space<hbm>> -> memref<1x50x64xf32, #tpu.memory_space<hbm>>
    %dma_start3A_993 = tpu.memref_squeeze %dma_start3A_992 : memref<1x50x64xf32, #tpu.memory_space<hbm>> -> memref<50x64xf32, #tpu.memory_space<hbm>>
    %dma_start3A_994 = arith.constant 50 : i32
    %dma_start3A_995 = arith.constant 0 : i32
    %dma_start3A_996 = tpu.memref_slice %arg12[%dma_start3A_981, %dma_start3A_994, %dma_start3A_995] : memref<8x200x64xf32, #tpu.memory_space<vmem>> -> memref<1x50x64xf32, #tpu.memory_space<vmem>>
    %dma_start3A_997 = tpu.memref_squeeze %dma_start3A_996 : memref<1x50x64xf32, #tpu.memory_space<vmem>> -> memref<50x64xf32, #tpu.memory_space<vmem>>
    tpu.enqueue_dma source(%dma_start3A_997 : memref<50x64xf32, #tpu.memory_space<vmem>>) target(%dma_start3A_993 : memref<50x64xf32, #tpu.memory_space<hbm>>) target_semaphore(%arg33 : memref<!tpu.dma_semaphore, #tpu.memory_space<semaphore_mem>>)
    %add3A_998 = arith.constant 2 : i32
    %add3A_999 = arith.addi %add3A_959, %add3A_998 : i32
    %dma_start3A_1000 = arith.constant 4 : i32
    %dma_start3A_1001 = arith.constant 100 : i32
    %dma_start3A_1002 = arith.constant 0 : i32
    %dma_start3A_1003 = tpu.memref_slice %arg12[%dma_start3A_1000, %dma_start3A_1001, %dma_start3A_1002] : memref<8x200x64xf32, #tpu.memory_space<vmem>> -> memref<1x50x64xf32, #tpu.memory_space<vmem>>
    %dma_start3A_1004 = tpu.memref_squeeze %dma_start3A_1003 : memref<1x50x64xf32, #tpu.memory_space<vmem>> -> memref<50x64xf32, #tpu.memory_space<vmem>>
    %dma_start3A_1005 = arith.constant 0 : i32
    %dma_start3A_1006 = arith.constant 0 : i32
    %dma_start3A_1007 = tpu.memref_slice %arg8[%add3A_999, %dma_start3A_1005, %dma_start3A_1006] : memref<4096x56x128xf32, #tpu.memory_space<hbm>> -> memref<1x50x64xf32, #tpu.memory_space<hbm>>
    %dma_start3A_1008 = tpu.memref_squeeze %dma_start3A_1007 : memref<1x50x64xf32, #tpu.memory_space<hbm>> -> memref<50x64xf32, #tpu.memory_space<hbm>>
    %dma_start3A_1009 = arith.constant 0 : i32
    %dma_start3A_1010 = arith.constant 0 : i32
    %dma_start3A_1011 = tpu.memref_slice %arg8[%add3A_999, %dma_start3A_1009, %dma_start3A_1010] : memref<4096x56x128xf32, #tpu.memory_space<hbm>> -> memref<1x50x64xf32, #tpu.memory_space<hbm>>
    %dma_start3A_1012 = tpu.memref_squeeze %dma_start3A_1011 : memref<1x50x64xf32, #tpu.memory_space<hbm>> -> memref<50x64xf32, #tpu.memory_space<hbm>>
    %dma_start3A_1013 = arith.constant 100 : i32
    %dma_start3A_1014 = arith.constant 0 : i32
    %dma_start3A_1015 = tpu.memref_slice %arg12[%dma_start3A_1000, %dma_start3A_1013, %dma_start3A_1014] : memref<8x200x64xf32, #tpu.memory_space<vmem>> -> memref<1x50x64xf32, #tpu.memory_space<vmem>>
    %dma_start3A_1016 = tpu.memref_squeeze %dma_start3A_1015 : memref<1x50x64xf32, #tpu.memory_space<vmem>> -> memref<50x64xf32, #tpu.memory_space<vmem>>
    tpu.enqueue_dma source(%dma_start3A_1016 : memref<50x64xf32, #tpu.memory_space<vmem>>) target(%dma_start3A_1012 : memref<50x64xf32, #tpu.memory_space<hbm>>) target_semaphore(%arg33 : memref<!tpu.dma_semaphore, #tpu.memory_space<semaphore_mem>>)
    %add3A_1017 = arith.constant 3 : i32
    %add3A_1018 = arith.addi %add3A_959, %add3A_1017 : i32
    %dma_start3A_1019 = arith.constant 4 : i32
    %dma_start3A_1020 = arith.constant 150 : i32
    %dma_start3A_1021 = arith.constant 0 : i32
    %dma_start3A_1022 = tpu.memref_slice %arg12[%dma_start3A_1019, %dma_start3A_1020, %dma_start3A_1021] : memref<8x200x64xf32, #tpu.memory_space<vmem>> -> memref<1x50x64xf32, #tpu.memory_space<vmem>>
    %dma_start3A_1023 = tpu.memref_squeeze %dma_start3A_1022 : memref<1x50x64xf32, #tpu.memory_space<vmem>> -> memref<50x64xf32, #tpu.memory_space<vmem>>
    %dma_start3A_1024 = arith.constant 0 : i32
    %dma_start3A_1025 = arith.constant 0 : i32
    %dma_start3A_1026 = tpu.memref_slice %arg8[%add3A_1018, %dma_start3A_1024, %dma_start3A_1025] : memref<4096x56x128xf32, #tpu.memory_space<hbm>> -> memref<1x50x64xf32, #tpu.memory_space<hbm>>
    %dma_start3A_1027 = tpu.memref_squeeze %dma_start3A_1026 : memref<1x50x64xf32, #tpu.memory_space<hbm>> -> memref<50x64xf32, #tpu.memory_space<hbm>>
    %dma_start3A_1028 = arith.constant 0 : i32
    %dma_start3A_1029 = arith.constant 0 : i32
    %dma_start3A_1030 = tpu.memref_slice %arg8[%add3A_1018, %dma_start3A_1028, %dma_start3A_1029] : memref<4096x56x128xf32, #tpu.memory_space<hbm>> -> memref<1x50x64xf32, #tpu.memory_space<hbm>>
    %dma_start3A_1031 = tpu.memref_squeeze %dma_start3A_1030 : memref<1x50x64xf32, #tpu.memory_space<hbm>> -> memref<50x64xf32, #tpu.memory_space<hbm>>
    %dma_start3A_1032 = arith.constant 150 : i32
    %dma_start3A_1033 = arith.constant 0 : i32
    %dma_start3A_1034 = tpu.memref_slice %arg12[%dma_start3A_1019, %dma_start3A_1032, %dma_start3A_1033] : memref<8x200x64xf32, #tpu.memory_space<vmem>> -> memref<1x50x64xf32, #tpu.memory_space<vmem>>
    %dma_start3A_1035 = tpu.memref_squeeze %dma_start3A_1034 : memref<1x50x64xf32, #tpu.memory_space<vmem>> -> memref<50x64xf32, #tpu.memory_space<vmem>>
    tpu.enqueue_dma source(%dma_start3A_1035 : memref<50x64xf32, #tpu.memory_space<vmem>>) target(%dma_start3A_1031 : memref<50x64xf32, #tpu.memory_space<hbm>>) target_semaphore(%arg33 : memref<!tpu.dma_semaphore, #tpu.memory_space<semaphore_mem>>)
    %mul3A_1036 = arith.constant 128 : i32
    %mul3A_1037 = arith.muli %add3A, %mul3A_1036 : i32
    %add3A_1038 = arith.constant 108 : i32
    %add3A_1039 = arith.addi %mul3A_1037, %add3A_1038 : i32
    %add3A_1040 = arith.constant 0 : i32
    %add3A_1041 = arith.addi %add3A_1039, %add3A_1040 : i32
    %dma_wait3A_1042 = arith.constant 3 : i32
    %dma_wait3A_1043 = arith.constant 0 : i32
    %dma_wait3A_1044 = arith.constant 0 : i32
    %dma_wait3A_1045 = tpu.memref_slice %arg12[%dma_wait3A_1042, %dma_wait3A_1043, %dma_wait3A_1044] : memref<8x200x64xf32, #tpu.memory_space<vmem>> -> memref<1x50x64xf32, #tpu.memory_space<vmem>>
    %dma_wait3A_1046 = tpu.memref_squeeze %dma_wait3A_1045 : memref<1x50x64xf32, #tpu.memory_space<vmem>> -> memref<50x64xf32, #tpu.memory_space<vmem>>
    %dma_wait3A_1047 = arith.constant 0 : i32
    %dma_wait3A_1048 = arith.constant 0 : i32
    %dma_wait3A_1049 = tpu.memref_slice %arg8[%add3A_1041, %dma_wait3A_1047, %dma_wait3A_1048] : memref<4096x56x128xf32, #tpu.memory_space<hbm>> -> memref<1x50x64xf32, #tpu.memory_space<hbm>>
    %dma_wait3A_1050 = tpu.memref_squeeze %dma_wait3A_1049 : memref<1x50x64xf32, #tpu.memory_space<hbm>> -> memref<50x64xf32, #tpu.memory_space<hbm>>
    %dma_wait3A_1051 = arith.constant 0 : i32
    %dma_wait3A_1052 = arith.constant 0 : i32
    %dma_wait3A_1053 = tpu.memref_slice %arg8[%add3A_1041, %dma_wait3A_1051, %dma_wait3A_1052] : memref<4096x56x128xf32, #tpu.memory_space<hbm>> -> memref<1x50x64xf32, #tpu.memory_space<hbm>>
    %dma_wait3A_1054 = tpu.memref_squeeze %dma_wait3A_1053 : memref<1x50x64xf32, #tpu.memory_space<hbm>> -> memref<50x64xf32, #tpu.memory_space<hbm>>
    %dma_wait3A_1055 = arith.constant 0 : i32
    %dma_wait3A_1056 = arith.constant 0 : i32
    %dma_wait3A_1057 = tpu.memref_slice %arg12[%dma_wait3A_1042, %dma_wait3A_1055, %dma_wait3A_1056] : memref<8x200x64xf32, #tpu.memory_space<vmem>> -> memref<1x50x64xf32, #tpu.memory_space<vmem>>
    %dma_wait3A_1058 = tpu.memref_squeeze %dma_wait3A_1057 : memref<1x50x64xf32, #tpu.memory_space<vmem>> -> memref<50x64xf32, #tpu.memory_space<vmem>>
    tpu.wait_dma2 semaphore(%arg32 : memref<!tpu.dma_semaphore, #tpu.memory_space<semaphore_mem>>) src(%dma_wait3A_1058 : memref<50x64xf32, #tpu.memory_space<vmem>>) dst(%dma_wait3A_1054 : memref<50x64xf32, #tpu.memory_space<hbm>>)
    %add3A_1059 = arith.constant 1 : i32
    %add3A_1060 = arith.addi %add3A_1039, %add3A_1059 : i32
    %dma_wait3A_1061 = arith.constant 3 : i32
    %dma_wait3A_1062 = arith.constant 50 : i32
    %dma_wait3A_1063 = arith.constant 0 : i32
    %dma_wait3A_1064 = tpu.memref_slice %arg12[%dma_wait3A_1061, %dma_wait3A_1062, %dma_wait3A_1063] : memref<8x200x64xf32, #tpu.memory_space<vmem>> -> memref<1x50x64xf32, #tpu.memory_space<vmem>>
    %dma_wait3A_1065 = tpu.memref_squeeze %dma_wait3A_1064 : memref<1x50x64xf32, #tpu.memory_space<vmem>> -> memref<50x64xf32, #tpu.memory_space<vmem>>
    %dma_wait3A_1066 = arith.constant 0 : i32
    %dma_wait3A_1067 = arith.constant 0 : i32
    %dma_wait3A_1068 = tpu.memref_slice %arg8[%add3A_1060, %dma_wait3A_1066, %dma_wait3A_1067] : memref<4096x56x128xf32, #tpu.memory_space<hbm>> -> memref<1x50x64xf32, #tpu.memory_space<hbm>>
    %dma_wait3A_1069 = tpu.memref_squeeze %dma_wait3A_1068 : memref<1x50x64xf32, #tpu.memory_space<hbm>> -> memref<50x64xf32, #tpu.memory_space<hbm>>
    %dma_wait3A_1070 = arith.constant 0 : i32
    %dma_wait3A_1071 = arith.constant 0 : i32
    %dma_wait3A_1072 = tpu.memref_slice %arg8[%add3A_1060, %dma_wait3A_1070, %dma_wait3A_1071] : memref<4096x56x128xf32, #tpu.memory_space<hbm>> -> memref<1x50x64xf32, #tpu.memory_space<hbm>>
    %dma_wait3A_1073 = tpu.memref_squeeze %dma_wait3A_1072 : memref<1x50x64xf32, #tpu.memory_space<hbm>> -> memref<50x64xf32, #tpu.memory_space<hbm>>
    %dma_wait3A_1074 = arith.constant 50 : i32
    %dma_wait3A_1075 = arith.constant 0 : i32
    %dma_wait3A_1076 = tpu.memref_slice %arg12[%dma_wait3A_1061, %dma_wait3A_1074, %dma_wait3A_1075] : memref<8x200x64xf32, #tpu.memory_space<vmem>> -> memref<1x50x64xf32, #tpu.memory_space<vmem>>
    %dma_wait3A_1077 = tpu.memref_squeeze %dma_wait3A_1076 : memref<1x50x64xf32, #tpu.memory_space<vmem>> -> memref<50x64xf32, #tpu.memory_space<vmem>>
    tpu.wait_dma2 semaphore(%arg32 : memref<!tpu.dma_semaphore, #tpu.memory_space<semaphore_mem>>) src(%dma_wait3A_1077 : memref<50x64xf32, #tpu.memory_space<vmem>>) dst(%dma_wait3A_1073 : memref<50x64xf32, #tpu.memory_space<hbm>>)
    %add3A_1078 = arith.constant 2 : i32
    %add3A_1079 = arith.addi %add3A_1039, %add3A_1078 : i32
    %dma_wait3A_1080 = arith.constant 3 : i32
    %dma_wait3A_1081 = arith.constant 100 : i32
    %dma_wait3A_1082 = arith.constant 0 : i32
    %dma_wait3A_1083 = tpu.memref_slice %arg12[%dma_wait3A_1080, %dma_wait3A_1081, %dma_wait3A_1082] : memref<8x200x64xf32, #tpu.memory_space<vmem>> -> memref<1x50x64xf32, #tpu.memory_space<vmem>>
    %dma_wait3A_1084 = tpu.memref_squeeze %dma_wait3A_1083 : memref<1x50x64xf32, #tpu.memory_space<vmem>> -> memref<50x64xf32, #tpu.memory_space<vmem>>
    %dma_wait3A_1085 = arith.constant 0 : i32
    %dma_wait3A_1086 = arith.constant 0 : i32
    %dma_wait3A_1087 = tpu.memref_slice %arg8[%add3A_1079, %dma_wait3A_1085, %dma_wait3A_1086] : memref<4096x56x128xf32, #tpu.memory_space<hbm>> -> memref<1x50x64xf32, #tpu.memory_space<hbm>>
    %dma_wait3A_1088 = tpu.memref_squeeze %dma_wait3A_1087 : memref<1x50x64xf32, #tpu.memory_space<hbm>> -> memref<50x64xf32, #tpu.memory_space<hbm>>
    %dma_wait3A_1089 = arith.constant 0 : i32
    %dma_wait3A_1090 = arith.constant 0 : i32
    %dma_wait3A_1091 = tpu.memref_slice %arg8[%add3A_1079, %dma_wait3A_1089, %dma_wait3A_1090] : memref<4096x56x128xf32, #tpu.memory_space<hbm>> -> memref<1x50x64xf32, #tpu.memory_space<hbm>>
    %dma_wait3A_1092 = tpu.memref_squeeze %dma_wait3A_1091 : memref<1x50x64xf32, #tpu.memory_space<hbm>> -> memref<50x64xf32, #tpu.memory_space<hbm>>
    %dma_wait3A_1093 = arith.constant 100 : i32
    %dma_wait3A_1094 = arith.constant 0 : i32
    %dma_wait3A_1095 = tpu.memref_slice %arg12[%dma_wait3A_1080, %dma_wait3A_1093, %dma_wait3A_1094] : memref<8x200x64xf32, #tpu.memory_space<vmem>> -> memref<1x50x64xf32, #tpu.memory_space<vmem>>
    %dma_wait3A_1096 = tpu.memref_squeeze %dma_wait3A_1095 : memref<1x50x64xf32, #tpu.memory_space<vmem>> -> memref<50x64xf32, #tpu.memory_space<vmem>>
    tpu.wait_dma2 semaphore(%arg32 : memref<!tpu.dma_semaphore, #tpu.memory_space<semaphore_mem>>) src(%dma_wait3A_1096 : memref<50x64xf32, #tpu.memory_space<vmem>>) dst(%dma_wait3A_1092 : memref<50x64xf32, #tpu.memory_space<hbm>>)
    %add3A_1097 = arith.constant 3 : i32
    %add3A_1098 = arith.addi %add3A_1039, %add3A_1097 : i32
    %dma_wait3A_1099 = arith.constant 3 : i32
    %dma_wait3A_1100 = arith.constant 150 : i32
    %dma_wait3A_1101 = arith.constant 0 : i32
    %dma_wait3A_1102 = tpu.memref_slice %arg12[%dma_wait3A_1099, %dma_wait3A_1100, %dma_wait3A_1101] : memref<8x200x64xf32, #tpu.memory_space<vmem>> -> memref<1x50x64xf32, #tpu.memory_space<vmem>>
    %dma_wait3A_1103 = tpu.memref_squeeze %dma_wait3A_1102 : memref<1x50x64xf32, #tpu.memory_space<vmem>> -> memref<50x64xf32, #tpu.memory_space<vmem>>
    %dma_wait3A_1104 = arith.constant 0 : i32
    %dma_wait3A_1105 = arith.constant 0 : i32
    %dma_wait3A_1106 = tpu.memref_slice %arg8[%add3A_1098, %dma_wait3A_1104, %dma_wait3A_1105] : memref<4096x56x128xf32, #tpu.memory_space<hbm>> -> memref<1x50x64xf32, #tpu.memory_space<hbm>>
    %dma_wait3A_1107 = tpu.memref_squeeze %dma_wait3A_1106 : memref<1x50x64xf32, #tpu.memory_space<hbm>> -> memref<50x64xf32, #tpu.memory_space<hbm>>
    %dma_wait3A_1108 = arith.constant 0 : i32
    %dma_wait3A_1109 = arith.constant 0 : i32
    %dma_wait3A_1110 = tpu.memref_slice %arg8[%add3A_1098, %dma_wait3A_1108, %dma_wait3A_1109] : memref<4096x56x128xf32, #tpu.memory_space<hbm>> -> memref<1x50x64xf32, #tpu.memory_space<hbm>>
    %dma_wait3A_1111 = tpu.memref_squeeze %dma_wait3A_1110 : memref<1x50x64xf32, #tpu.memory_space<hbm>> -> memref<50x64xf32, #tpu.memory_space<hbm>>
    %dma_wait3A_1112 = arith.constant 150 : i32
    %dma_wait3A_1113 = arith.constant 0 : i32
    %dma_wait3A_1114 = tpu.memref_slice %arg12[%dma_wait3A_1099, %dma_wait3A_1112, %dma_wait3A_1113] : memref<8x200x64xf32, #tpu.memory_space<vmem>> -> memref<1x50x64xf32, #tpu.memory_space<vmem>>
    %dma_wait3A_1115 = tpu.memref_squeeze %dma_wait3A_1114 : memref<1x50x64xf32, #tpu.memory_space<vmem>> -> memref<50x64xf32, #tpu.memory_space<vmem>>
    tpu.wait_dma2 semaphore(%arg32 : memref<!tpu.dma_semaphore, #tpu.memory_space<semaphore_mem>>) src(%dma_wait3A_1115 : memref<50x64xf32, #tpu.memory_space<vmem>>) dst(%dma_wait3A_1111 : memref<50x64xf32, #tpu.memory_space<hbm>>)
    %dma_wait3A_1116 = arith.constant 7 : i32
    %dma_wait3A_1117 = arith.constant 0 : i32
    %dma_wait3A_1118 = arith.constant 0 : i32
    %dma_wait3A_1119 = tpu.memref_slice %arg12[%dma_wait3A_1116, %dma_wait3A_1117, %dma_wait3A_1118] : memref<8x200x64xf32, #tpu.memory_space<vmem>> -> memref<1x200x64xf32, #tpu.memory_space<vmem>>
    %dma_wait3A_1120 = tpu.memref_squeeze %dma_wait3A_1119 : memref<1x200x64xf32, #tpu.memory_space<vmem>> -> memref<200x64xf32, #tpu.memory_space<vmem>>
    %dma_wait3A_1121 = arith.constant 6200 : i32
    %dma_wait3A_1122 = tpu.memref_slice %arg9[%dma_wait3A_1121] : memref<6400xi32, #tpu.memory_space<vmem>> -> memref<200xi32, #tpu.memory_space<vmem>>
    %dma_wait3A_1123 = arith.constant 0 : i32
    %dma_wait3A_1124 = arith.constant 0 : i32
    %dma_wait3A_1125 = tpu.memref_slice %arg5[%dma_wait3A_1123, %dma_wait3A_1124] : memref<100000x64xf32, #tpu.memory_space<hbm>> -> memref<100000x64xf32, #tpu.memory_space<hbm>>
    tpu.wait_indirect_dma semaphore(%arg20 : memref<!tpu.dma_semaphore, #tpu.memory_space<semaphore_mem>>) src(%dma_wait3A_1125 : memref<100000x64xf32, #tpu.memory_space<hbm>>) dst(%dma_wait3A_1120 : memref<200x64xf32, #tpu.memory_space<vmem>>)
    %dma_start3A_1126 = arith.constant 7 : i32
    %dma_start3A_1127 = arith.constant 0 : i32
    %dma_start3A_1128 = arith.constant 0 : i32
    %dma_start3A_1129 = tpu.memref_slice %arg12[%dma_start3A_1126, %dma_start3A_1127, %dma_start3A_1128] : memref<8x200x64xf32, #tpu.memory_space<vmem>> -> memref<1x200x64xf32, #tpu.memory_space<vmem>>
    %dma_start3A_1130 = tpu.memref_squeeze %dma_start3A_1129 : memref<1x200x64xf32, #tpu.memory_space<vmem>> -> memref<200x64xf32, #tpu.memory_space<vmem>>
    %dma_start3A_1131 = arith.constant 6200 : i32
    %dma_start3A_1132 = tpu.memref_slice %arg10[%dma_start3A_1131] : memref<6400xi32, #tpu.memory_space<vmem>> -> memref<200xi32, #tpu.memory_space<vmem>>
    %dma_start3A_1133 = arith.constant 0 : i32
    %dma_start3A_1134 = arith.constant 0 : i32
    %dma_start3A_1135 = tpu.memref_slice %arg6[%dma_start3A_1133, %dma_start3A_1134] : memref<100000x64xf32, #tpu.memory_space<hbm>> -> memref<100000x64xf32, #tpu.memory_space<hbm>>
    tpu.enqueue_indirect_dma source(%dma_start3A_1135 : memref<100000x64xf32, #tpu.memory_space<hbm>>) target(%dma_start3A_1130 : memref<200x64xf32, #tpu.memory_space<vmem>>) offsets(%dma_start3A_1132 : memref<200xi32, #tpu.memory_space<vmem>>) semaphore(%arg28 : memref<!tpu.dma_semaphore, #tpu.memory_space<semaphore_mem>>) {add = true}
    %dma_start3A_1136 = arith.constant 7 : i32
    %dma_start3A_1137 = arith.constant 0 : i32
    %dma_start3A_1138 = arith.constant 0 : i32
    %dma_start3A_1139 = tpu.memref_slice %arg12[%dma_start3A_1136, %dma_start3A_1137, %dma_start3A_1138] : memref<8x200x64xf32, #tpu.memory_space<vmem>> -> memref<1x200x64xf32, #tpu.memory_space<vmem>>
    %dma_start3A_1140 = tpu.memref_squeeze %dma_start3A_1139 : memref<1x200x64xf32, #tpu.memory_space<vmem>> -> memref<200x64xf32, #tpu.memory_space<vmem>>
    %dma_start3A_1141 = arith.constant 6200 : i32
    %dma_start3A_1142 = tpu.memref_slice %arg11[%dma_start3A_1141] : memref<6400xi32, #tpu.memory_space<vmem>> -> memref<200xi32, #tpu.memory_space<vmem>>
    %dma_start3A_1143 = arith.constant 0 : i32
    %dma_start3A_1144 = arith.constant 0 : i32
    %dma_start3A_1145 = tpu.memref_slice %arg7[%dma_start3A_1143, %dma_start3A_1144] : memref<100000x64xf32, #tpu.memory_space<hbm>> -> memref<100000x64xf32, #tpu.memory_space<hbm>>
    tpu.enqueue_indirect_dma source(%dma_start3A_1145 : memref<100000x64xf32, #tpu.memory_space<hbm>>) target(%dma_start3A_1140 : memref<200x64xf32, #tpu.memory_space<vmem>>) offsets(%dma_start3A_1142 : memref<200xi32, #tpu.memory_space<vmem>>) semaphore(%arg28 : memref<!tpu.dma_semaphore, #tpu.memory_space<semaphore_mem>>) {add = true}
    %dma_wait3A_1146 = arith.constant 5 : i32
    %dma_wait3A_1147 = arith.constant 0 : i32
    %dma_wait3A_1148 = arith.constant 0 : i32
    %dma_wait3A_1149 = tpu.memref_slice %arg12[%dma_wait3A_1146, %dma_wait3A_1147, %dma_wait3A_1148] : memref<8x200x64xf32, #tpu.memory_space<vmem>> -> memref<1x200x64xf32, #tpu.memory_space<vmem>>
    %dma_wait3A_1150 = tpu.memref_squeeze %dma_wait3A_1149 : memref<1x200x64xf32, #tpu.memory_space<vmem>> -> memref<200x64xf32, #tpu.memory_space<vmem>>
    %dma_wait3A_1151 = arith.constant 5800 : i32
    %dma_wait3A_1152 = tpu.memref_slice %arg10[%dma_wait3A_1151] : memref<6400xi32, #tpu.memory_space<vmem>> -> memref<200xi32, #tpu.memory_space<vmem>>
    %dma_wait3A_1153 = arith.constant 0 : i32
    %dma_wait3A_1154 = arith.constant 0 : i32
    %dma_wait3A_1155 = tpu.memref_slice %arg6[%dma_wait3A_1153, %dma_wait3A_1154] : memref<100000x64xf32, #tpu.memory_space<hbm>> -> memref<100000x64xf32, #tpu.memory_space<hbm>>
    tpu.wait_indirect_dma semaphore(%arg26 : memref<!tpu.dma_semaphore, #tpu.memory_space<semaphore_mem>>) src(%dma_wait3A_1155 : memref<100000x64xf32, #tpu.memory_space<hbm>>) dst(%dma_wait3A_1150 : memref<200x64xf32, #tpu.memory_space<vmem>>)
    %dma_wait3A_1156 = arith.constant 5 : i32
    %dma_wait3A_1157 = arith.constant 0 : i32
    %dma_wait3A_1158 = arith.constant 0 : i32
    %dma_wait3A_1159 = tpu.memref_slice %arg12[%dma_wait3A_1156, %dma_wait3A_1157, %dma_wait3A_1158] : memref<8x200x64xf32, #tpu.memory_space<vmem>> -> memref<1x200x64xf32, #tpu.memory_space<vmem>>
    %dma_wait3A_1160 = tpu.memref_squeeze %dma_wait3A_1159 : memref<1x200x64xf32, #tpu.memory_space<vmem>> -> memref<200x64xf32, #tpu.memory_space<vmem>>
    %dma_wait3A_1161 = arith.constant 5800 : i32
    %dma_wait3A_1162 = tpu.memref_slice %arg11[%dma_wait3A_1161] : memref<6400xi32, #tpu.memory_space<vmem>> -> memref<200xi32, #tpu.memory_space<vmem>>
    %dma_wait3A_1163 = arith.constant 0 : i32
    %dma_wait3A_1164 = arith.constant 0 : i32
    %dma_wait3A_1165 = tpu.memref_slice %arg7[%dma_wait3A_1163, %dma_wait3A_1164] : memref<100000x64xf32, #tpu.memory_space<hbm>> -> memref<100000x64xf32, #tpu.memory_space<hbm>>
    tpu.wait_indirect_dma semaphore(%arg26 : memref<!tpu.dma_semaphore, #tpu.memory_space<semaphore_mem>>) src(%dma_wait3A_1165 : memref<100000x64xf32, #tpu.memory_space<hbm>>) dst(%dma_wait3A_1160 : memref<200x64xf32, #tpu.memory_space<vmem>>)
    %mul3A_1166 = arith.constant 128 : i32
    %mul3A_1167 = arith.muli %add3A, %mul3A_1166 : i32
    %add3A_1168 = arith.constant 116 : i32
    %add3A_1169 = arith.addi %mul3A_1167, %add3A_1168 : i32
    %add3A_1170 = arith.constant 0 : i32
    %add3A_1171 = arith.addi %add3A_1169, %add3A_1170 : i32
    %dma_start3A_1172 = arith.constant 5 : i32
    %dma_start3A_1173 = arith.constant 0 : i32
    %dma_start3A_1174 = arith.constant 0 : i32
    %dma_start3A_1175 = tpu.memref_slice %arg12[%dma_start3A_1172, %dma_start3A_1173, %dma_start3A_1174] : memref<8x200x64xf32, #tpu.memory_space<vmem>> -> memref<1x50x64xf32, #tpu.memory_space<vmem>>
    %dma_start3A_1176 = tpu.memref_squeeze %dma_start3A_1175 : memref<1x50x64xf32, #tpu.memory_space<vmem>> -> memref<50x64xf32, #tpu.memory_space<vmem>>
    %dma_start3A_1177 = arith.constant 0 : i32
    %dma_start3A_1178 = arith.constant 0 : i32
    %dma_start3A_1179 = tpu.memref_slice %arg8[%add3A_1171, %dma_start3A_1177, %dma_start3A_1178] : memref<4096x56x128xf32, #tpu.memory_space<hbm>> -> memref<1x50x64xf32, #tpu.memory_space<hbm>>
    %dma_start3A_1180 = tpu.memref_squeeze %dma_start3A_1179 : memref<1x50x64xf32, #tpu.memory_space<hbm>> -> memref<50x64xf32, #tpu.memory_space<hbm>>
    %dma_start3A_1181 = arith.constant 0 : i32
    %dma_start3A_1182 = arith.constant 0 : i32
    %dma_start3A_1183 = tpu.memref_slice %arg8[%add3A_1171, %dma_start3A_1181, %dma_start3A_1182] : memref<4096x56x128xf32, #tpu.memory_space<hbm>> -> memref<1x50x64xf32, #tpu.memory_space<hbm>>
    %dma_start3A_1184 = tpu.memref_squeeze %dma_start3A_1183 : memref<1x50x64xf32, #tpu.memory_space<hbm>> -> memref<50x64xf32, #tpu.memory_space<hbm>>
    %dma_start3A_1185 = arith.constant 0 : i32
    %dma_start3A_1186 = arith.constant 0 : i32
    %dma_start3A_1187 = tpu.memref_slice %arg12[%dma_start3A_1172, %dma_start3A_1185, %dma_start3A_1186] : memref<8x200x64xf32, #tpu.memory_space<vmem>> -> memref<1x50x64xf32, #tpu.memory_space<vmem>>
    %dma_start3A_1188 = tpu.memref_squeeze %dma_start3A_1187 : memref<1x50x64xf32, #tpu.memory_space<vmem>> -> memref<50x64xf32, #tpu.memory_space<vmem>>
    tpu.enqueue_dma source(%dma_start3A_1188 : memref<50x64xf32, #tpu.memory_space<vmem>>) target(%dma_start3A_1184 : memref<50x64xf32, #tpu.memory_space<hbm>>) target_semaphore(%arg34 : memref<!tpu.dma_semaphore, #tpu.memory_space<semaphore_mem>>)
    %add3A_1189 = arith.constant 1 : i32
    %add3A_1190 = arith.addi %add3A_1169, %add3A_1189 : i32
    %dma_start3A_1191 = arith.constant 5 : i32
    %dma_start3A_1192 = arith.constant 50 : i32
    %dma_start3A_1193 = arith.constant 0 : i32
    %dma_start3A_1194 = tpu.memref_slice %arg12[%dma_start3A_1191, %dma_start3A_1192, %dma_start3A_1193] : memref<8x200x64xf32, #tpu.memory_space<vmem>> -> memref<1x50x64xf32, #tpu.memory_space<vmem>>
    %dma_start3A_1195 = tpu.memref_squeeze %dma_start3A_1194 : memref<1x50x64xf32, #tpu.memory_space<vmem>> -> memref<50x64xf32, #tpu.memory_space<vmem>>
    %dma_start3A_1196 = arith.constant 0 : i32
    %dma_start3A_1197 = arith.constant 0 : i32
    %dma_start3A_1198 = tpu.memref_slice %arg8[%add3A_1190, %dma_start3A_1196, %dma_start3A_1197] : memref<4096x56x128xf32, #tpu.memory_space<hbm>> -> memref<1x50x64xf32, #tpu.memory_space<hbm>>
    %dma_start3A_1199 = tpu.memref_squeeze %dma_start3A_1198 : memref<1x50x64xf32, #tpu.memory_space<hbm>> -> memref<50x64xf32, #tpu.memory_space<hbm>>
    %dma_start3A_1200 = arith.constant 0 : i32
    %dma_start3A_1201 = arith.constant 0 : i32
    %dma_start3A_1202 = tpu.memref_slice %arg8[%add3A_1190, %dma_start3A_1200, %dma_start3A_1201] : memref<4096x56x128xf32, #tpu.memory_space<hbm>> -> memref<1x50x64xf32, #tpu.memory_space<hbm>>
    %dma_start3A_1203 = tpu.memref_squeeze %dma_start3A_1202 : memref<1x50x64xf32, #tpu.memory_space<hbm>> -> memref<50x64xf32, #tpu.memory_space<hbm>>
    %dma_start3A_1204 = arith.constant 50 : i32
    %dma_start3A_1205 = arith.constant 0 : i32
    %dma_start3A_1206 = tpu.memref_slice %arg12[%dma_start3A_1191, %dma_start3A_1204, %dma_start3A_1205] : memref<8x200x64xf32, #tpu.memory_space<vmem>> -> memref<1x50x64xf32, #tpu.memory_space<vmem>>
    %dma_start3A_1207 = tpu.memref_squeeze %dma_start3A_1206 : memref<1x50x64xf32, #tpu.memory_space<vmem>> -> memref<50x64xf32, #tpu.memory_space<vmem>>
    tpu.enqueue_dma source(%dma_start3A_1207 : memref<50x64xf32, #tpu.memory_space<vmem>>) target(%dma_start3A_1203 : memref<50x64xf32, #tpu.memory_space<hbm>>) target_semaphore(%arg34 : memref<!tpu.dma_semaphore, #tpu.memory_space<semaphore_mem>>)
    %add3A_1208 = arith.constant 2 : i32
    %add3A_1209 = arith.addi %add3A_1169, %add3A_1208 : i32
    %dma_start3A_1210 = arith.constant 5 : i32
    %dma_start3A_1211 = arith.constant 100 : i32
    %dma_start3A_1212 = arith.constant 0 : i32
    %dma_start3A_1213 = tpu.memref_slice %arg12[%dma_start3A_1210, %dma_start3A_1211, %dma_start3A_1212] : memref<8x200x64xf32, #tpu.memory_space<vmem>> -> memref<1x50x64xf32, #tpu.memory_space<vmem>>
    %dma_start3A_1214 = tpu.memref_squeeze %dma_start3A_1213 : memref<1x50x64xf32, #tpu.memory_space<vmem>> -> memref<50x64xf32, #tpu.memory_space<vmem>>
    %dma_start3A_1215 = arith.constant 0 : i32
    %dma_start3A_1216 = arith.constant 0 : i32
    %dma_start3A_1217 = tpu.memref_slice %arg8[%add3A_1209, %dma_start3A_1215, %dma_start3A_1216] : memref<4096x56x128xf32, #tpu.memory_space<hbm>> -> memref<1x50x64xf32, #tpu.memory_space<hbm>>
    %dma_start3A_1218 = tpu.memref_squeeze %dma_start3A_1217 : memref<1x50x64xf32, #tpu.memory_space<hbm>> -> memref<50x64xf32, #tpu.memory_space<hbm>>
    %dma_start3A_1219 = arith.constant 0 : i32
    %dma_start3A_1220 = arith.constant 0 : i32
    %dma_start3A_1221 = tpu.memref_slice %arg8[%add3A_1209, %dma_start3A_1219, %dma_start3A_1220] : memref<4096x56x128xf32, #tpu.memory_space<hbm>> -> memref<1x50x64xf32, #tpu.memory_space<hbm>>
    %dma_start3A_1222 = tpu.memref_squeeze %dma_start3A_1221 : memref<1x50x64xf32, #tpu.memory_space<hbm>> -> memref<50x64xf32, #tpu.memory_space<hbm>>
    %dma_start3A_1223 = arith.constant 100 : i32
    %dma_start3A_1224 = arith.constant 0 : i32
    %dma_start3A_1225 = tpu.memref_slice %arg12[%dma_start3A_1210, %dma_start3A_1223, %dma_start3A_1224] : memref<8x200x64xf32, #tpu.memory_space<vmem>> -> memref<1x50x64xf32, #tpu.memory_space<vmem>>
    %dma_start3A_1226 = tpu.memref_squeeze %dma_start3A_1225 : memref<1x50x64xf32, #tpu.memory_space<vmem>> -> memref<50x64xf32, #tpu.memory_space<vmem>>
    tpu.enqueue_dma source(%dma_start3A_1226 : memref<50x64xf32, #tpu.memory_space<vmem>>) target(%dma_start3A_1222 : memref<50x64xf32, #tpu.memory_space<hbm>>) target_semaphore(%arg34 : memref<!tpu.dma_semaphore, #tpu.memory_space<semaphore_mem>>)
    %add3A_1227 = arith.constant 3 : i32
    %add3A_1228 = arith.addi %add3A_1169, %add3A_1227 : i32
    %dma_start3A_1229 = arith.constant 5 : i32
    %dma_start3A_1230 = arith.constant 150 : i32
    %dma_start3A_1231 = arith.constant 0 : i32
    %dma_start3A_1232 = tpu.memref_slice %arg12[%dma_start3A_1229, %dma_start3A_1230, %dma_start3A_1231] : memref<8x200x64xf32, #tpu.memory_space<vmem>> -> memref<1x50x64xf32, #tpu.memory_space<vmem>>
    %dma_start3A_1233 = tpu.memref_squeeze %dma_start3A_1232 : memref<1x50x64xf32, #tpu.memory_space<vmem>> -> memref<50x64xf32, #tpu.memory_space<vmem>>
    %dma_start3A_1234 = arith.constant 0 : i32
    %dma_start3A_1235 = arith.constant 0 : i32
    %dma_start3A_1236 = tpu.memref_slice %arg8[%add3A_1228, %dma_start3A_1234, %dma_start3A_1235] : memref<4096x56x128xf32, #tpu.memory_space<hbm>> -> memref<1x50x64xf32, #tpu.memory_space<hbm>>
    %dma_start3A_1237 = tpu.memref_squeeze %dma_start3A_1236 : memref<1x50x64xf32, #tpu.memory_space<hbm>> -> memref<50x64xf32, #tpu.memory_space<hbm>>
    %dma_start3A_1238 = arith.constant 0 : i32
    %dma_start3A_1239 = arith.constant 0 : i32
    %dma_start3A_1240 = tpu.memref_slice %arg8[%add3A_1228, %dma_start3A_1238, %dma_start3A_1239] : memref<4096x56x128xf32, #tpu.memory_space<hbm>> -> memref<1x50x64xf32, #tpu.memory_space<hbm>>
    %dma_start3A_1241 = tpu.memref_squeeze %dma_start3A_1240 : memref<1x50x64xf32, #tpu.memory_space<hbm>> -> memref<50x64xf32, #tpu.memory_space<hbm>>
    %dma_start3A_1242 = arith.constant 150 : i32
    %dma_start3A_1243 = arith.constant 0 : i32
    %dma_start3A_1244 = tpu.memref_slice %arg12[%dma_start3A_1229, %dma_start3A_1242, %dma_start3A_1243] : memref<8x200x64xf32, #tpu.memory_space<vmem>> -> memref<1x50x64xf32, #tpu.memory_space<vmem>>
    %dma_start3A_1245 = tpu.memref_squeeze %dma_start3A_1244 : memref<1x50x64xf32, #tpu.memory_space<vmem>> -> memref<50x64xf32, #tpu.memory_space<vmem>>
    tpu.enqueue_dma source(%dma_start3A_1245 : memref<50x64xf32, #tpu.memory_space<vmem>>) target(%dma_start3A_1241 : memref<50x64xf32, #tpu.memory_space<hbm>>) target_semaphore(%arg34 : memref<!tpu.dma_semaphore, #tpu.memory_space<semaphore_mem>>)
    %mul3A_1246 = arith.constant 128 : i32
    %mul3A_1247 = arith.muli %add3A, %mul3A_1246 : i32
    %add3A_1248 = arith.constant 112 : i32
    %add3A_1249 = arith.addi %mul3A_1247, %add3A_1248 : i32
    %add3A_1250 = arith.constant 0 : i32
    %add3A_1251 = arith.addi %add3A_1249, %add3A_1250 : i32
    %dma_wait3A_1252 = arith.constant 4 : i32
    %dma_wait3A_1253 = arith.constant 0 : i32
    %dma_wait3A_1254 = arith.constant 0 : i32
    %dma_wait3A_1255 = tpu.memref_slice %arg12[%dma_wait3A_1252, %dma_wait3A_1253, %dma_wait3A_1254] : memref<8x200x64xf32, #tpu.memory_space<vmem>> -> memref<1x50x64xf32, #tpu.memory_space<vmem>>
    %dma_wait3A_1256 = tpu.memref_squeeze %dma_wait3A_1255 : memref<1x50x64xf32, #tpu.memory_space<vmem>> -> memref<50x64xf32, #tpu.memory_space<vmem>>
    %dma_wait3A_1257 = arith.constant 0 : i32
    %dma_wait3A_1258 = arith.constant 0 : i32
    %dma_wait3A_1259 = tpu.memref_slice %arg8[%add3A_1251, %dma_wait3A_1257, %dma_wait3A_1258] : memref<4096x56x128xf32, #tpu.memory_space<hbm>> -> memref<1x50x64xf32, #tpu.memory_space<hbm>>
    %dma_wait3A_1260 = tpu.memref_squeeze %dma_wait3A_1259 : memref<1x50x64xf32, #tpu.memory_space<hbm>> -> memref<50x64xf32, #tpu.memory_space<hbm>>
    %dma_wait3A_1261 = arith.constant 0 : i32
    %dma_wait3A_1262 = arith.constant 0 : i32
    %dma_wait3A_1263 = tpu.memref_slice %arg8[%add3A_1251, %dma_wait3A_1261, %dma_wait3A_1262] : memref<4096x56x128xf32, #tpu.memory_space<hbm>> -> memref<1x50x64xf32, #tpu.memory_space<hbm>>
    %dma_wait3A_1264 = tpu.memref_squeeze %dma_wait3A_1263 : memref<1x50x64xf32, #tpu.memory_space<hbm>> -> memref<50x64xf32, #tpu.memory_space<hbm>>
    %dma_wait3A_1265 = arith.constant 0 : i32
    %dma_wait3A_1266 = arith.constant 0 : i32
    %dma_wait3A_1267 = tpu.memref_slice %arg12[%dma_wait3A_1252, %dma_wait3A_1265, %dma_wait3A_1266] : memref<8x200x64xf32, #tpu.memory_space<vmem>> -> memref<1x50x64xf32, #tpu.memory_space<vmem>>
    %dma_wait3A_1268 = tpu.memref_squeeze %dma_wait3A_1267 : memref<1x50x64xf32, #tpu.memory_space<vmem>> -> memref<50x64xf32, #tpu.memory_space<vmem>>
    tpu.wait_dma2 semaphore(%arg33 : memref<!tpu.dma_semaphore, #tpu.memory_space<semaphore_mem>>) src(%dma_wait3A_1268 : memref<50x64xf32, #tpu.memory_space<vmem>>) dst(%dma_wait3A_1264 : memref<50x64xf32, #tpu.memory_space<hbm>>)
    %add3A_1269 = arith.constant 1 : i32
    %add3A_1270 = arith.addi %add3A_1249, %add3A_1269 : i32
    %dma_wait3A_1271 = arith.constant 4 : i32
    %dma_wait3A_1272 = arith.constant 50 : i32
    %dma_wait3A_1273 = arith.constant 0 : i32
    %dma_wait3A_1274 = tpu.memref_slice %arg12[%dma_wait3A_1271, %dma_wait3A_1272, %dma_wait3A_1273] : memref<8x200x64xf32, #tpu.memory_space<vmem>> -> memref<1x50x64xf32, #tpu.memory_space<vmem>>
    %dma_wait3A_1275 = tpu.memref_squeeze %dma_wait3A_1274 : memref<1x50x64xf32, #tpu.memory_space<vmem>> -> memref<50x64xf32, #tpu.memory_space<vmem>>
    %dma_wait3A_1276 = arith.constant 0 : i32
    %dma_wait3A_1277 = arith.constant 0 : i32
    %dma_wait3A_1278 = tpu.memref_slice %arg8[%add3A_1270, %dma_wait3A_1276, %dma_wait3A_1277] : memref<4096x56x128xf32, #tpu.memory_space<hbm>> -> memref<1x50x64xf32, #tpu.memory_space<hbm>>
    %dma_wait3A_1279 = tpu.memref_squeeze %dma_wait3A_1278 : memref<1x50x64xf32, #tpu.memory_space<hbm>> -> memref<50x64xf32, #tpu.memory_space<hbm>>
    %dma_wait3A_1280 = arith.constant 0 : i32
    %dma_wait3A_1281 = arith.constant 0 : i32
    %dma_wait3A_1282 = tpu.memref_slice %arg8[%add3A_1270, %dma_wait3A_1280, %dma_wait3A_1281] : memref<4096x56x128xf32, #tpu.memory_space<hbm>> -> memref<1x50x64xf32, #tpu.memory_space<hbm>>
    %dma_wait3A_1283 = tpu.memref_squeeze %dma_wait3A_1282 : memref<1x50x64xf32, #tpu.memory_space<hbm>> -> memref<50x64xf32, #tpu.memory_space<hbm>>
    %dma_wait3A_1284 = arith.constant 50 : i32
    %dma_wait3A_1285 = arith.constant 0 : i32
    %dma_wait3A_1286 = tpu.memref_slice %arg12[%dma_wait3A_1271, %dma_wait3A_1284, %dma_wait3A_1285] : memref<8x200x64xf32, #tpu.memory_space<vmem>> -> memref<1x50x64xf32, #tpu.memory_space<vmem>>
    %dma_wait3A_1287 = tpu.memref_squeeze %dma_wait3A_1286 : memref<1x50x64xf32, #tpu.memory_space<vmem>> -> memref<50x64xf32, #tpu.memory_space<vmem>>
    tpu.wait_dma2 semaphore(%arg33 : memref<!tpu.dma_semaphore, #tpu.memory_space<semaphore_mem>>) src(%dma_wait3A_1287 : memref<50x64xf32, #tpu.memory_space<vmem>>) dst(%dma_wait3A_1283 : memref<50x64xf32, #tpu.memory_space<hbm>>)
    %add3A_1288 = arith.constant 2 : i32
    %add3A_1289 = arith.addi %add3A_1249, %add3A_1288 : i32
    %dma_wait3A_1290 = arith.constant 4 : i32
    %dma_wait3A_1291 = arith.constant 100 : i32
    %dma_wait3A_1292 = arith.constant 0 : i32
    %dma_wait3A_1293 = tpu.memref_slice %arg12[%dma_wait3A_1290, %dma_wait3A_1291, %dma_wait3A_1292] : memref<8x200x64xf32, #tpu.memory_space<vmem>> -> memref<1x50x64xf32, #tpu.memory_space<vmem>>
    %dma_wait3A_1294 = tpu.memref_squeeze %dma_wait3A_1293 : memref<1x50x64xf32, #tpu.memory_space<vmem>> -> memref<50x64xf32, #tpu.memory_space<vmem>>
    %dma_wait3A_1295 = arith.constant 0 : i32
    %dma_wait3A_1296 = arith.constant 0 : i32
    %dma_wait3A_1297 = tpu.memref_slice %arg8[%add3A_1289, %dma_wait3A_1295, %dma_wait3A_1296] : memref<4096x56x128xf32, #tpu.memory_space<hbm>> -> memref<1x50x64xf32, #tpu.memory_space<hbm>>
    %dma_wait3A_1298 = tpu.memref_squeeze %dma_wait3A_1297 : memref<1x50x64xf32, #tpu.memory_space<hbm>> -> memref<50x64xf32, #tpu.memory_space<hbm>>
    %dma_wait3A_1299 = arith.constant 0 : i32
    %dma_wait3A_1300 = arith.constant 0 : i32
    %dma_wait3A_1301 = tpu.memref_slice %arg8[%add3A_1289, %dma_wait3A_1299, %dma_wait3A_1300] : memref<4096x56x128xf32, #tpu.memory_space<hbm>> -> memref<1x50x64xf32, #tpu.memory_space<hbm>>
    %dma_wait3A_1302 = tpu.memref_squeeze %dma_wait3A_1301 : memref<1x50x64xf32, #tpu.memory_space<hbm>> -> memref<50x64xf32, #tpu.memory_space<hbm>>
    %dma_wait3A_1303 = arith.constant 100 : i32
    %dma_wait3A_1304 = arith.constant 0 : i32
    %dma_wait3A_1305 = tpu.memref_slice %arg12[%dma_wait3A_1290, %dma_wait3A_1303, %dma_wait3A_1304] : memref<8x200x64xf32, #tpu.memory_space<vmem>> -> memref<1x50x64xf32, #tpu.memory_space<vmem>>
    %dma_wait3A_1306 = tpu.memref_squeeze %dma_wait3A_1305 : memref<1x50x64xf32, #tpu.memory_space<vmem>> -> memref<50x64xf32, #tpu.memory_space<vmem>>
    tpu.wait_dma2 semaphore(%arg33 : memref<!tpu.dma_semaphore, #tpu.memory_space<semaphore_mem>>) src(%dma_wait3A_1306 : memref<50x64xf32, #tpu.memory_space<vmem>>) dst(%dma_wait3A_1302 : memref<50x64xf32, #tpu.memory_space<hbm>>)
    %add3A_1307 = arith.constant 3 : i32
    %add3A_1308 = arith.addi %add3A_1249, %add3A_1307 : i32
    %dma_wait3A_1309 = arith.constant 4 : i32
    %dma_wait3A_1310 = arith.constant 150 : i32
    %dma_wait3A_1311 = arith.constant 0 : i32
    %dma_wait3A_1312 = tpu.memref_slice %arg12[%dma_wait3A_1309, %dma_wait3A_1310, %dma_wait3A_1311] : memref<8x200x64xf32, #tpu.memory_space<vmem>> -> memref<1x50x64xf32, #tpu.memory_space<vmem>>
    %dma_wait3A_1313 = tpu.memref_squeeze %dma_wait3A_1312 : memref<1x50x64xf32, #tpu.memory_space<vmem>> -> memref<50x64xf32, #tpu.memory_space<vmem>>
    %dma_wait3A_1314 = arith.constant 0 : i32
    %dma_wait3A_1315 = arith.constant 0 : i32
    %dma_wait3A_1316 = tpu.memref_slice %arg8[%add3A_1308, %dma_wait3A_1314, %dma_wait3A_1315] : memref<4096x56x128xf32, #tpu.memory_space<hbm>> -> memref<1x50x64xf32, #tpu.memory_space<hbm>>
    %dma_wait3A_1317 = tpu.memref_squeeze %dma_wait3A_1316 : memref<1x50x64xf32, #tpu.memory_space<hbm>> -> memref<50x64xf32, #tpu.memory_space<hbm>>
    %dma_wait3A_1318 = arith.constant 0 : i32
    %dma_wait3A_1319 = arith.constant 0 : i32
    %dma_wait3A_1320 = tpu.memref_slice %arg8[%add3A_1308, %dma_wait3A_1318, %dma_wait3A_1319] : memref<4096x56x128xf32, #tpu.memory_space<hbm>> -> memref<1x50x64xf32, #tpu.memory_space<hbm>>
    %dma_wait3A_1321 = tpu.memref_squeeze %dma_wait3A_1320 : memref<1x50x64xf32, #tpu.memory_space<hbm>> -> memref<50x64xf32, #tpu.memory_space<hbm>>
    %dma_wait3A_1322 = arith.constant 150 : i32
    %dma_wait3A_1323 = arith.constant 0 : i32
    %dma_wait3A_1324 = tpu.memref_slice %arg12[%dma_wait3A_1309, %dma_wait3A_1322, %dma_wait3A_1323] : memref<8x200x64xf32, #tpu.memory_space<vmem>> -> memref<1x50x64xf32, #tpu.memory_space<vmem>>
    %dma_wait3A_1325 = tpu.memref_squeeze %dma_wait3A_1324 : memref<1x50x64xf32, #tpu.memory_space<vmem>> -> memref<50x64xf32, #tpu.memory_space<vmem>>
    tpu.wait_dma2 semaphore(%arg33 : memref<!tpu.dma_semaphore, #tpu.memory_space<semaphore_mem>>) src(%dma_wait3A_1325 : memref<50x64xf32, #tpu.memory_space<vmem>>) dst(%dma_wait3A_1321 : memref<50x64xf32, #tpu.memory_space<hbm>>)
    %dma_wait3A_1326 = arith.constant 6 : i32
    %dma_wait3A_1327 = arith.constant 0 : i32
    %dma_wait3A_1328 = arith.constant 0 : i32
    %dma_wait3A_1329 = tpu.memref_slice %arg12[%dma_wait3A_1326, %dma_wait3A_1327, %dma_wait3A_1328] : memref<8x200x64xf32, #tpu.memory_space<vmem>> -> memref<1x200x64xf32, #tpu.memory_space<vmem>>
    %dma_wait3A_1330 = tpu.memref_squeeze %dma_wait3A_1329 : memref<1x200x64xf32, #tpu.memory_space<vmem>> -> memref<200x64xf32, #tpu.memory_space<vmem>>
    %dma_wait3A_1331 = arith.constant 6000 : i32
    %dma_wait3A_1332 = tpu.memref_slice %arg10[%dma_wait3A_1331] : memref<6400xi32, #tpu.memory_space<vmem>> -> memref<200xi32, #tpu.memory_space<vmem>>
    %dma_wait3A_1333 = arith.constant 0 : i32
    %dma_wait3A_1334 = arith.constant 0 : i32
    %dma_wait3A_1335 = tpu.memref_slice %arg6[%dma_wait3A_1333, %dma_wait3A_1334] : memref<100000x64xf32, #tpu.memory_space<hbm>> -> memref<100000x64xf32, #tpu.memory_space<hbm>>
    tpu.wait_indirect_dma semaphore(%arg27 : memref<!tpu.dma_semaphore, #tpu.memory_space<semaphore_mem>>) src(%dma_wait3A_1335 : memref<100000x64xf32, #tpu.memory_space<hbm>>) dst(%dma_wait3A_1330 : memref<200x64xf32, #tpu.memory_space<vmem>>)
    %dma_wait3A_1336 = arith.constant 6 : i32
    %dma_wait3A_1337 = arith.constant 0 : i32
    %dma_wait3A_1338 = arith.constant 0 : i32
    %dma_wait3A_1339 = tpu.memref_slice %arg12[%dma_wait3A_1336, %dma_wait3A_1337, %dma_wait3A_1338] : memref<8x200x64xf32, #tpu.memory_space<vmem>> -> memref<1x200x64xf32, #tpu.memory_space<vmem>>
    %dma_wait3A_1340 = tpu.memref_squeeze %dma_wait3A_1339 : memref<1x200x64xf32, #tpu.memory_space<vmem>> -> memref<200x64xf32, #tpu.memory_space<vmem>>
    %dma_wait3A_1341 = arith.constant 6000 : i32
    %dma_wait3A_1342 = tpu.memref_slice %arg11[%dma_wait3A_1341] : memref<6400xi32, #tpu.memory_space<vmem>> -> memref<200xi32, #tpu.memory_space<vmem>>
    %dma_wait3A_1343 = arith.constant 0 : i32
    %dma_wait3A_1344 = arith.constant 0 : i32
    %dma_wait3A_1345 = tpu.memref_slice %arg7[%dma_wait3A_1343, %dma_wait3A_1344] : memref<100000x64xf32, #tpu.memory_space<hbm>> -> memref<100000x64xf32, #tpu.memory_space<hbm>>
    tpu.wait_indirect_dma semaphore(%arg27 : memref<!tpu.dma_semaphore, #tpu.memory_space<semaphore_mem>>) src(%dma_wait3A_1345 : memref<100000x64xf32, #tpu.memory_space<hbm>>) dst(%dma_wait3A_1340 : memref<200x64xf32, #tpu.memory_space<vmem>>)
    %mul3A_1346 = arith.constant 128 : i32
    %mul3A_1347 = arith.muli %add3A, %mul3A_1346 : i32
    %add3A_1348 = arith.constant 120 : i32
    %add3A_1349 = arith.addi %mul3A_1347, %add3A_1348 : i32
    %add3A_1350 = arith.constant 0 : i32
    %add3A_1351 = arith.addi %add3A_1349, %add3A_1350 : i32
    %dma_start3A_1352 = arith.constant 6 : i32
    %dma_start3A_1353 = arith.constant 0 : i32
    %dma_start3A_1354 = arith.constant 0 : i32
    %dma_start3A_1355 = tpu.memref_slice %arg12[%dma_start3A_1352, %dma_start3A_1353, %dma_start3A_1354] : memref<8x200x64xf32, #tpu.memory_space<vmem>> -> memref<1x50x64xf32, #tpu.memory_space<vmem>>
    %dma_start3A_1356 = tpu.memref_squeeze %dma_start3A_1355 : memref<1x50x64xf32, #tpu.memory_space<vmem>> -> memref<50x64xf32, #tpu.memory_space<vmem>>
    %dma_start3A_1357 = arith.constant 0 : i32
    %dma_start3A_1358 = arith.constant 0 : i32
    %dma_start3A_1359 = tpu.memref_slice %arg8[%add3A_1351, %dma_start3A_1357, %dma_start3A_1358] : memref<4096x56x128xf32, #tpu.memory_space<hbm>> -> memref<1x50x64xf32, #tpu.memory_space<hbm>>
    %dma_start3A_1360 = tpu.memref_squeeze %dma_start3A_1359 : memref<1x50x64xf32, #tpu.memory_space<hbm>> -> memref<50x64xf32, #tpu.memory_space<hbm>>
    %dma_start3A_1361 = arith.constant 0 : i32
    %dma_start3A_1362 = arith.constant 0 : i32
    %dma_start3A_1363 = tpu.memref_slice %arg8[%add3A_1351, %dma_start3A_1361, %dma_start3A_1362] : memref<4096x56x128xf32, #tpu.memory_space<hbm>> -> memref<1x50x64xf32, #tpu.memory_space<hbm>>
    %dma_start3A_1364 = tpu.memref_squeeze %dma_start3A_1363 : memref<1x50x64xf32, #tpu.memory_space<hbm>> -> memref<50x64xf32, #tpu.memory_space<hbm>>
    %dma_start3A_1365 = arith.constant 0 : i32
    %dma_start3A_1366 = arith.constant 0 : i32
    %dma_start3A_1367 = tpu.memref_slice %arg12[%dma_start3A_1352, %dma_start3A_1365, %dma_start3A_1366] : memref<8x200x64xf32, #tpu.memory_space<vmem>> -> memref<1x50x64xf32, #tpu.memory_space<vmem>>
    %dma_start3A_1368 = tpu.memref_squeeze %dma_start3A_1367 : memref<1x50x64xf32, #tpu.memory_space<vmem>> -> memref<50x64xf32, #tpu.memory_space<vmem>>
    tpu.enqueue_dma source(%dma_start3A_1368 : memref<50x64xf32, #tpu.memory_space<vmem>>) target(%dma_start3A_1364 : memref<50x64xf32, #tpu.memory_space<hbm>>) target_semaphore(%arg35 : memref<!tpu.dma_semaphore, #tpu.memory_space<semaphore_mem>>)
    %add3A_1369 = arith.constant 1 : i32
    %add3A_1370 = arith.addi %add3A_1349, %add3A_1369 : i32
    %dma_start3A_1371 = arith.constant 6 : i32
    %dma_start3A_1372 = arith.constant 50 : i32
    %dma_start3A_1373 = arith.constant 0 : i32
    %dma_start3A_1374 = tpu.memref_slice %arg12[%dma_start3A_1371, %dma_start3A_1372, %dma_start3A_1373] : memref<8x200x64xf32, #tpu.memory_space<vmem>> -> memref<1x50x64xf32, #tpu.memory_space<vmem>>
    %dma_start3A_1375 = tpu.memref_squeeze %dma_start3A_1374 : memref<1x50x64xf32, #tpu.memory_space<vmem>> -> memref<50x64xf32, #tpu.memory_space<vmem>>
    %dma_start3A_1376 = arith.constant 0 : i32
    %dma_start3A_1377 = arith.constant 0 : i32
    %dma_start3A_1378 = tpu.memref_slice %arg8[%add3A_1370, %dma_start3A_1376, %dma_start3A_1377] : memref<4096x56x128xf32, #tpu.memory_space<hbm>> -> memref<1x50x64xf32, #tpu.memory_space<hbm>>
    %dma_start3A_1379 = tpu.memref_squeeze %dma_start3A_1378 : memref<1x50x64xf32, #tpu.memory_space<hbm>> -> memref<50x64xf32, #tpu.memory_space<hbm>>
    %dma_start3A_1380 = arith.constant 0 : i32
    %dma_start3A_1381 = arith.constant 0 : i32
    %dma_start3A_1382 = tpu.memref_slice %arg8[%add3A_1370, %dma_start3A_1380, %dma_start3A_1381] : memref<4096x56x128xf32, #tpu.memory_space<hbm>> -> memref<1x50x64xf32, #tpu.memory_space<hbm>>
    %dma_start3A_1383 = tpu.memref_squeeze %dma_start3A_1382 : memref<1x50x64xf32, #tpu.memory_space<hbm>> -> memref<50x64xf32, #tpu.memory_space<hbm>>
    %dma_start3A_1384 = arith.constant 50 : i32
    %dma_start3A_1385 = arith.constant 0 : i32
    %dma_start3A_1386 = tpu.memref_slice %arg12[%dma_start3A_1371, %dma_start3A_1384, %dma_start3A_1385] : memref<8x200x64xf32, #tpu.memory_space<vmem>> -> memref<1x50x64xf32, #tpu.memory_space<vmem>>
    %dma_start3A_1387 = tpu.memref_squeeze %dma_start3A_1386 : memref<1x50x64xf32, #tpu.memory_space<vmem>> -> memref<50x64xf32, #tpu.memory_space<vmem>>
    tpu.enqueue_dma source(%dma_start3A_1387 : memref<50x64xf32, #tpu.memory_space<vmem>>) target(%dma_start3A_1383 : memref<50x64xf32, #tpu.memory_space<hbm>>) target_semaphore(%arg35 : memref<!tpu.dma_semaphore, #tpu.memory_space<semaphore_mem>>)
    %add3A_1388 = arith.constant 2 : i32
    %add3A_1389 = arith.addi %add3A_1349, %add3A_1388 : i32
    %dma_start3A_1390 = arith.constant 6 : i32
    %dma_start3A_1391 = arith.constant 100 : i32
    %dma_start3A_1392 = arith.constant 0 : i32
    %dma_start3A_1393 = tpu.memref_slice %arg12[%dma_start3A_1390, %dma_start3A_1391, %dma_start3A_1392] : memref<8x200x64xf32, #tpu.memory_space<vmem>> -> memref<1x50x64xf32, #tpu.memory_space<vmem>>
    %dma_start3A_1394 = tpu.memref_squeeze %dma_start3A_1393 : memref<1x50x64xf32, #tpu.memory_space<vmem>> -> memref<50x64xf32, #tpu.memory_space<vmem>>
    %dma_start3A_1395 = arith.constant 0 : i32
    %dma_start3A_1396 = arith.constant 0 : i32
    %dma_start3A_1397 = tpu.memref_slice %arg8[%add3A_1389, %dma_start3A_1395, %dma_start3A_1396] : memref<4096x56x128xf32, #tpu.memory_space<hbm>> -> memref<1x50x64xf32, #tpu.memory_space<hbm>>
    %dma_start3A_1398 = tpu.memref_squeeze %dma_start3A_1397 : memref<1x50x64xf32, #tpu.memory_space<hbm>> -> memref<50x64xf32, #tpu.memory_space<hbm>>
    %dma_start3A_1399 = arith.constant 0 : i32
    %dma_start3A_1400 = arith.constant 0 : i32
    %dma_start3A_1401 = tpu.memref_slice %arg8[%add3A_1389, %dma_start3A_1399, %dma_start3A_1400] : memref<4096x56x128xf32, #tpu.memory_space<hbm>> -> memref<1x50x64xf32, #tpu.memory_space<hbm>>
    %dma_start3A_1402 = tpu.memref_squeeze %dma_start3A_1401 : memref<1x50x64xf32, #tpu.memory_space<hbm>> -> memref<50x64xf32, #tpu.memory_space<hbm>>
    %dma_start3A_1403 = arith.constant 100 : i32
    %dma_start3A_1404 = arith.constant 0 : i32
    %dma_start3A_1405 = tpu.memref_slice %arg12[%dma_start3A_1390, %dma_start3A_1403, %dma_start3A_1404] : memref<8x200x64xf32, #tpu.memory_space<vmem>> -> memref<1x50x64xf32, #tpu.memory_space<vmem>>
    %dma_start3A_1406 = tpu.memref_squeeze %dma_start3A_1405 : memref<1x50x64xf32, #tpu.memory_space<vmem>> -> memref<50x64xf32, #tpu.memory_space<vmem>>
    tpu.enqueue_dma source(%dma_start3A_1406 : memref<50x64xf32, #tpu.memory_space<vmem>>) target(%dma_start3A_1402 : memref<50x64xf32, #tpu.memory_space<hbm>>) target_semaphore(%arg35 : memref<!tpu.dma_semaphore, #tpu.memory_space<semaphore_mem>>)
    %add3A_1407 = arith.constant 3 : i32
    %add3A_1408 = arith.addi %add3A_1349, %add3A_1407 : i32
    %dma_start3A_1409 = arith.constant 6 : i32
    %dma_start3A_1410 = arith.constant 150 : i32
    %dma_start3A_1411 = arith.constant 0 : i32
    %dma_start3A_1412 = tpu.memref_slice %arg12[%dma_start3A_1409, %dma_start3A_1410, %dma_start3A_1411] : memref<8x200x64xf32, #tpu.memory_space<vmem>> -> memref<1x50x64xf32, #tpu.memory_space<vmem>>
    %dma_start3A_1413 = tpu.memref_squeeze %dma_start3A_1412 : memref<1x50x64xf32, #tpu.memory_space<vmem>> -> memref<50x64xf32, #tpu.memory_space<vmem>>
    %dma_start3A_1414 = arith.constant 0 : i32
    %dma_start3A_1415 = arith.constant 0 : i32
    %dma_start3A_1416 = tpu.memref_slice %arg8[%add3A_1408, %dma_start3A_1414, %dma_start3A_1415] : memref<4096x56x128xf32, #tpu.memory_space<hbm>> -> memref<1x50x64xf32, #tpu.memory_space<hbm>>
    %dma_start3A_1417 = tpu.memref_squeeze %dma_start3A_1416 : memref<1x50x64xf32, #tpu.memory_space<hbm>> -> memref<50x64xf32, #tpu.memory_space<hbm>>
    %dma_start3A_1418 = arith.constant 0 : i32
    %dma_start3A_1419 = arith.constant 0 : i32
    %dma_start3A_1420 = tpu.memref_slice %arg8[%add3A_1408, %dma_start3A_1418, %dma_start3A_1419] : memref<4096x56x128xf32, #tpu.memory_space<hbm>> -> memref<1x50x64xf32, #tpu.memory_space<hbm>>
    %dma_start3A_1421 = tpu.memref_squeeze %dma_start3A_1420 : memref<1x50x64xf32, #tpu.memory_space<hbm>> -> memref<50x64xf32, #tpu.memory_space<hbm>>
    %dma_start3A_1422 = arith.constant 150 : i32
    %dma_start3A_1423 = arith.constant 0 : i32
    %dma_start3A_1424 = tpu.memref_slice %arg12[%dma_start3A_1409, %dma_start3A_1422, %dma_start3A_1423] : memref<8x200x64xf32, #tpu.memory_space<vmem>> -> memref<1x50x64xf32, #tpu.memory_space<vmem>>
    %dma_start3A_1425 = tpu.memref_squeeze %dma_start3A_1424 : memref<1x50x64xf32, #tpu.memory_space<vmem>> -> memref<50x64xf32, #tpu.memory_space<vmem>>
    tpu.enqueue_dma source(%dma_start3A_1425 : memref<50x64xf32, #tpu.memory_space<vmem>>) target(%dma_start3A_1421 : memref<50x64xf32, #tpu.memory_space<hbm>>) target_semaphore(%arg35 : memref<!tpu.dma_semaphore, #tpu.memory_space<semaphore_mem>>)
    %mul3A_1426 = arith.constant 128 : i32
    %mul3A_1427 = arith.muli %add3A, %mul3A_1426 : i32
    %add3A_1428 = arith.constant 116 : i32
    %add3A_1429 = arith.addi %mul3A_1427, %add3A_1428 : i32
    %add3A_1430 = arith.constant 0 : i32
    %add3A_1431 = arith.addi %add3A_1429, %add3A_1430 : i32
    %dma_wait3A_1432 = arith.constant 5 : i32
    %dma_wait3A_1433 = arith.constant 0 : i32
    %dma_wait3A_1434 = arith.constant 0 : i32
    %dma_wait3A_1435 = tpu.memref_slice %arg12[%dma_wait3A_1432, %dma_wait3A_1433, %dma_wait3A_1434] : memref<8x200x64xf32, #tpu.memory_space<vmem>> -> memref<1x50x64xf32, #tpu.memory_space<vmem>>
    %dma_wait3A_1436 = tpu.memref_squeeze %dma_wait3A_1435 : memref<1x50x64xf32, #tpu.memory_space<vmem>> -> memref<50x64xf32, #tpu.memory_space<vmem>>
    %dma_wait3A_1437 = arith.constant 0 : i32
    %dma_wait3A_1438 = arith.constant 0 : i32
    %dma_wait3A_1439 = tpu.memref_slice %arg8[%add3A_1431, %dma_wait3A_1437, %dma_wait3A_1438] : memref<4096x56x128xf32, #tpu.memory_space<hbm>> -> memref<1x50x64xf32, #tpu.memory_space<hbm>>
    %dma_wait3A_1440 = tpu.memref_squeeze %dma_wait3A_1439 : memref<1x50x64xf32, #tpu.memory_space<hbm>> -> memref<50x64xf32, #tpu.memory_space<hbm>>
    %dma_wait3A_1441 = arith.constant 0 : i32
    %dma_wait3A_1442 = arith.constant 0 : i32
    %dma_wait3A_1443 = tpu.memref_slice %arg8[%add3A_1431, %dma_wait3A_1441, %dma_wait3A_1442] : memref<4096x56x128xf32, #tpu.memory_space<hbm>> -> memref<1x50x64xf32, #tpu.memory_space<hbm>>
    %dma_wait3A_1444 = tpu.memref_squeeze %dma_wait3A_1443 : memref<1x50x64xf32, #tpu.memory_space<hbm>> -> memref<50x64xf32, #tpu.memory_space<hbm>>
    %dma_wait3A_1445 = arith.constant 0 : i32
    %dma_wait3A_1446 = arith.constant 0 : i32
    %dma_wait3A_1447 = tpu.memref_slice %arg12[%dma_wait3A_1432, %dma_wait3A_1445, %dma_wait3A_1446] : memref<8x200x64xf32, #tpu.memory_space<vmem>> -> memref<1x50x64xf32, #tpu.memory_space<vmem>>
    %dma_wait3A_1448 = tpu.memref_squeeze %dma_wait3A_1447 : memref<1x50x64xf32, #tpu.memory_space<vmem>> -> memref<50x64xf32, #tpu.memory_space<vmem>>
    tpu.wait_dma2 semaphore(%arg34 : memref<!tpu.dma_semaphore, #tpu.memory_space<semaphore_mem>>) src(%dma_wait3A_1448 : memref<50x64xf32, #tpu.memory_space<vmem>>) dst(%dma_wait3A_1444 : memref<50x64xf32, #tpu.memory_space<hbm>>)
    %add3A_1449 = arith.constant 1 : i32
    %add3A_1450 = arith.addi %add3A_1429, %add3A_1449 : i32
    %dma_wait3A_1451 = arith.constant 5 : i32
    %dma_wait3A_1452 = arith.constant 50 : i32
    %dma_wait3A_1453 = arith.constant 0 : i32
    %dma_wait3A_1454 = tpu.memref_slice %arg12[%dma_wait3A_1451, %dma_wait3A_1452, %dma_wait3A_1453] : memref<8x200x64xf32, #tpu.memory_space<vmem>> -> memref<1x50x64xf32, #tpu.memory_space<vmem>>
    %dma_wait3A_1455 = tpu.memref_squeeze %dma_wait3A_1454 : memref<1x50x64xf32, #tpu.memory_space<vmem>> -> memref<50x64xf32, #tpu.memory_space<vmem>>
    %dma_wait3A_1456 = arith.constant 0 : i32
    %dma_wait3A_1457 = arith.constant 0 : i32
    %dma_wait3A_1458 = tpu.memref_slice %arg8[%add3A_1450, %dma_wait3A_1456, %dma_wait3A_1457] : memref<4096x56x128xf32, #tpu.memory_space<hbm>> -> memref<1x50x64xf32, #tpu.memory_space<hbm>>
    %dma_wait3A_1459 = tpu.memref_squeeze %dma_wait3A_1458 : memref<1x50x64xf32, #tpu.memory_space<hbm>> -> memref<50x64xf32, #tpu.memory_space<hbm>>
    %dma_wait3A_1460 = arith.constant 0 : i32
    %dma_wait3A_1461 = arith.constant 0 : i32
    %dma_wait3A_1462 = tpu.memref_slice %arg8[%add3A_1450, %dma_wait3A_1460, %dma_wait3A_1461] : memref<4096x56x128xf32, #tpu.memory_space<hbm>> -> memref<1x50x64xf32, #tpu.memory_space<hbm>>
    %dma_wait3A_1463 = tpu.memref_squeeze %dma_wait3A_1462 : memref<1x50x64xf32, #tpu.memory_space<hbm>> -> memref<50x64xf32, #tpu.memory_space<hbm>>
    %dma_wait3A_1464 = arith.constant 50 : i32
    %dma_wait3A_1465 = arith.constant 0 : i32
    %dma_wait3A_1466 = tpu.memref_slice %arg12[%dma_wait3A_1451, %dma_wait3A_1464, %dma_wait3A_1465] : memref<8x200x64xf32, #tpu.memory_space<vmem>> -> memref<1x50x64xf32, #tpu.memory_space<vmem>>
    %dma_wait3A_1467 = tpu.memref_squeeze %dma_wait3A_1466 : memref<1x50x64xf32, #tpu.memory_space<vmem>> -> memref<50x64xf32, #tpu.memory_space<vmem>>
    tpu.wait_dma2 semaphore(%arg34 : memref<!tpu.dma_semaphore, #tpu.memory_space<semaphore_mem>>) src(%dma_wait3A_1467 : memref<50x64xf32, #tpu.memory_space<vmem>>) dst(%dma_wait3A_1463 : memref<50x64xf32, #tpu.memory_space<hbm>>)
    %add3A_1468 = arith.constant 2 : i32
    %add3A_1469 = arith.addi %add3A_1429, %add3A_1468 : i32
    %dma_wait3A_1470 = arith.constant 5 : i32
    %dma_wait3A_1471 = arith.constant 100 : i32
    %dma_wait3A_1472 = arith.constant 0 : i32
    %dma_wait3A_1473 = tpu.memref_slice %arg12[%dma_wait3A_1470, %dma_wait3A_1471, %dma_wait3A_1472] : memref<8x200x64xf32, #tpu.memory_space<vmem>> -> memref<1x50x64xf32, #tpu.memory_space<vmem>>
    %dma_wait3A_1474 = tpu.memref_squeeze %dma_wait3A_1473 : memref<1x50x64xf32, #tpu.memory_space<vmem>> -> memref<50x64xf32, #tpu.memory_space<vmem>>
    %dma_wait3A_1475 = arith.constant 0 : i32
    %dma_wait3A_1476 = arith.constant 0 : i32
    %dma_wait3A_1477 = tpu.memref_slice %arg8[%add3A_1469, %dma_wait3A_1475, %dma_wait3A_1476] : memref<4096x56x128xf32, #tpu.memory_space<hbm>> -> memref<1x50x64xf32, #tpu.memory_space<hbm>>
    %dma_wait3A_1478 = tpu.memref_squeeze %dma_wait3A_1477 : memref<1x50x64xf32, #tpu.memory_space<hbm>> -> memref<50x64xf32, #tpu.memory_space<hbm>>
    %dma_wait3A_1479 = arith.constant 0 : i32
    %dma_wait3A_1480 = arith.constant 0 : i32
    %dma_wait3A_1481 = tpu.memref_slice %arg8[%add3A_1469, %dma_wait3A_1479, %dma_wait3A_1480] : memref<4096x56x128xf32, #tpu.memory_space<hbm>> -> memref<1x50x64xf32, #tpu.memory_space<hbm>>
    %dma_wait3A_1482 = tpu.memref_squeeze %dma_wait3A_1481 : memref<1x50x64xf32, #tpu.memory_space<hbm>> -> memref<50x64xf32, #tpu.memory_space<hbm>>
    %dma_wait3A_1483 = arith.constant 100 : i32
    %dma_wait3A_1484 = arith.constant 0 : i32
    %dma_wait3A_1485 = tpu.memref_slice %arg12[%dma_wait3A_1470, %dma_wait3A_1483, %dma_wait3A_1484] : memref<8x200x64xf32, #tpu.memory_space<vmem>> -> memref<1x50x64xf32, #tpu.memory_space<vmem>>
    %dma_wait3A_1486 = tpu.memref_squeeze %dma_wait3A_1485 : memref<1x50x64xf32, #tpu.memory_space<vmem>> -> memref<50x64xf32, #tpu.memory_space<vmem>>
    tpu.wait_dma2 semaphore(%arg34 : memref<!tpu.dma_semaphore, #tpu.memory_space<semaphore_mem>>) src(%dma_wait3A_1486 : memref<50x64xf32, #tpu.memory_space<vmem>>) dst(%dma_wait3A_1482 : memref<50x64xf32, #tpu.memory_space<hbm>>)
    %add3A_1487 = arith.constant 3 : i32
    %add3A_1488 = arith.addi %add3A_1429, %add3A_1487 : i32
    %dma_wait3A_1489 = arith.constant 5 : i32
    %dma_wait3A_1490 = arith.constant 150 : i32
    %dma_wait3A_1491 = arith.constant 0 : i32
    %dma_wait3A_1492 = tpu.memref_slice %arg12[%dma_wait3A_1489, %dma_wait3A_1490, %dma_wait3A_1491] : memref<8x200x64xf32, #tpu.memory_space<vmem>> -> memref<1x50x64xf32, #tpu.memory_space<vmem>>
    %dma_wait3A_1493 = tpu.memref_squeeze %dma_wait3A_1492 : memref<1x50x64xf32, #tpu.memory_space<vmem>> -> memref<50x64xf32, #tpu.memory_space<vmem>>
    %dma_wait3A_1494 = arith.constant 0 : i32
    %dma_wait3A_1495 = arith.constant 0 : i32
    %dma_wait3A_1496 = tpu.memref_slice %arg8[%add3A_1488, %dma_wait3A_1494, %dma_wait3A_1495] : memref<4096x56x128xf32, #tpu.memory_space<hbm>> -> memref<1x50x64xf32, #tpu.memory_space<hbm>>
    %dma_wait3A_1497 = tpu.memref_squeeze %dma_wait3A_1496 : memref<1x50x64xf32, #tpu.memory_space<hbm>> -> memref<50x64xf32, #tpu.memory_space<hbm>>
    %dma_wait3A_1498 = arith.constant 0 : i32
    %dma_wait3A_1499 = arith.constant 0 : i32
    %dma_wait3A_1500 = tpu.memref_slice %arg8[%add3A_1488, %dma_wait3A_1498, %dma_wait3A_1499] : memref<4096x56x128xf32, #tpu.memory_space<hbm>> -> memref<1x50x64xf32, #tpu.memory_space<hbm>>
    %dma_wait3A_1501 = tpu.memref_squeeze %dma_wait3A_1500 : memref<1x50x64xf32, #tpu.memory_space<hbm>> -> memref<50x64xf32, #tpu.memory_space<hbm>>
    %dma_wait3A_1502 = arith.constant 150 : i32
    %dma_wait3A_1503 = arith.constant 0 : i32
    %dma_wait3A_1504 = tpu.memref_slice %arg12[%dma_wait3A_1489, %dma_wait3A_1502, %dma_wait3A_1503] : memref<8x200x64xf32, #tpu.memory_space<vmem>> -> memref<1x50x64xf32, #tpu.memory_space<vmem>>
    %dma_wait3A_1505 = tpu.memref_squeeze %dma_wait3A_1504 : memref<1x50x64xf32, #tpu.memory_space<vmem>> -> memref<50x64xf32, #tpu.memory_space<vmem>>
    tpu.wait_dma2 semaphore(%arg34 : memref<!tpu.dma_semaphore, #tpu.memory_space<semaphore_mem>>) src(%dma_wait3A_1505 : memref<50x64xf32, #tpu.memory_space<vmem>>) dst(%dma_wait3A_1501 : memref<50x64xf32, #tpu.memory_space<hbm>>)
    %dma_wait3A_1506 = arith.constant 7 : i32
    %dma_wait3A_1507 = arith.constant 0 : i32
    %dma_wait3A_1508 = arith.constant 0 : i32
    %dma_wait3A_1509 = tpu.memref_slice %arg12[%dma_wait3A_1506, %dma_wait3A_1507, %dma_wait3A_1508] : memref<8x200x64xf32, #tpu.memory_space<vmem>> -> memref<1x200x64xf32, #tpu.memory_space<vmem>>
    %dma_wait3A_1510 = tpu.memref_squeeze %dma_wait3A_1509 : memref<1x200x64xf32, #tpu.memory_space<vmem>> -> memref<200x64xf32, #tpu.memory_space<vmem>>
    %dma_wait3A_1511 = arith.constant 6200 : i32
    %dma_wait3A_1512 = tpu.memref_slice %arg10[%dma_wait3A_1511] : memref<6400xi32, #tpu.memory_space<vmem>> -> memref<200xi32, #tpu.memory_space<vmem>>
    %dma_wait3A_1513 = arith.constant 0 : i32
    %dma_wait3A_1514 = arith.constant 0 : i32
    %dma_wait3A_1515 = tpu.memref_slice %arg6[%dma_wait3A_1513, %dma_wait3A_1514] : memref<100000x64xf32, #tpu.memory_space<hbm>> -> memref<100000x64xf32, #tpu.memory_space<hbm>>
    tpu.wait_indirect_dma semaphore(%arg28 : memref<!tpu.dma_semaphore, #tpu.memory_space<semaphore_mem>>) src(%dma_wait3A_1515 : memref<100000x64xf32, #tpu.memory_space<hbm>>) dst(%dma_wait3A_1510 : memref<200x64xf32, #tpu.memory_space<vmem>>)
    %dma_wait3A_1516 = arith.constant 7 : i32
    %dma_wait3A_1517 = arith.constant 0 : i32
    %dma_wait3A_1518 = arith.constant 0 : i32
    %dma_wait3A_1519 = tpu.memref_slice %arg12[%dma_wait3A_1516, %dma_wait3A_1517, %dma_wait3A_1518] : memref<8x200x64xf32, #tpu.memory_space<vmem>> -> memref<1x200x64xf32, #tpu.memory_space<vmem>>
    %dma_wait3A_1520 = tpu.memref_squeeze %dma_wait3A_1519 : memref<1x200x64xf32, #tpu.memory_space<vmem>> -> memref<200x64xf32, #tpu.memory_space<vmem>>
    %dma_wait3A_1521 = arith.constant 6200 : i32
    %dma_wait3A_1522 = tpu.memref_slice %arg11[%dma_wait3A_1521] : memref<6400xi32, #tpu.memory_space<vmem>> -> memref<200xi32, #tpu.memory_space<vmem>>
    %dma_wait3A_1523 = arith.constant 0 : i32
    %dma_wait3A_1524 = arith.constant 0 : i32
    %dma_wait3A_1525 = tpu.memref_slice %arg7[%dma_wait3A_1523, %dma_wait3A_1524] : memref<100000x64xf32, #tpu.memory_space<hbm>> -> memref<100000x64xf32, #tpu.memory_space<hbm>>
    tpu.wait_indirect_dma semaphore(%arg28 : memref<!tpu.dma_semaphore, #tpu.memory_space<semaphore_mem>>) src(%dma_wait3A_1525 : memref<100000x64xf32, #tpu.memory_space<hbm>>) dst(%dma_wait3A_1520 : memref<200x64xf32, #tpu.memory_space<vmem>>)
    %mul3A_1526 = arith.constant 128 : i32
    %mul3A_1527 = arith.muli %add3A, %mul3A_1526 : i32
    %add3A_1528 = arith.constant 124 : i32
    %add3A_1529 = arith.addi %mul3A_1527, %add3A_1528 : i32
    %add3A_1530 = arith.constant 0 : i32
    %add3A_1531 = arith.addi %add3A_1529, %add3A_1530 : i32
    %dma_start3A_1532 = arith.constant 7 : i32
    %dma_start3A_1533 = arith.constant 0 : i32
    %dma_start3A_1534 = arith.constant 0 : i32
    %dma_start3A_1535 = tpu.memref_slice %arg12[%dma_start3A_1532, %dma_start3A_1533, %dma_start3A_1534] : memref<8x200x64xf32, #tpu.memory_space<vmem>> -> memref<1x50x64xf32, #tpu.memory_space<vmem>>
    %dma_start3A_1536 = tpu.memref_squeeze %dma_start3A_1535 : memref<1x50x64xf32, #tpu.memory_space<vmem>> -> memref<50x64xf32, #tpu.memory_space<vmem>>
    %dma_start3A_1537 = arith.constant 0 : i32
    %dma_start3A_1538 = arith.constant 0 : i32
    %dma_start3A_1539 = tpu.memref_slice %arg8[%add3A_1531, %dma_start3A_1537, %dma_start3A_1538] : memref<4096x56x128xf32, #tpu.memory_space<hbm>> -> memref<1x50x64xf32, #tpu.memory_space<hbm>>
    %dma_start3A_1540 = tpu.memref_squeeze %dma_start3A_1539 : memref<1x50x64xf32, #tpu.memory_space<hbm>> -> memref<50x64xf32, #tpu.memory_space<hbm>>
    %dma_start3A_1541 = arith.constant 0 : i32
    %dma_start3A_1542 = arith.constant 0 : i32
    %dma_start3A_1543 = tpu.memref_slice %arg8[%add3A_1531, %dma_start3A_1541, %dma_start3A_1542] : memref<4096x56x128xf32, #tpu.memory_space<hbm>> -> memref<1x50x64xf32, #tpu.memory_space<hbm>>
    %dma_start3A_1544 = tpu.memref_squeeze %dma_start3A_1543 : memref<1x50x64xf32, #tpu.memory_space<hbm>> -> memref<50x64xf32, #tpu.memory_space<hbm>>
    %dma_start3A_1545 = arith.constant 0 : i32
    %dma_start3A_1546 = arith.constant 0 : i32
    %dma_start3A_1547 = tpu.memref_slice %arg12[%dma_start3A_1532, %dma_start3A_1545, %dma_start3A_1546] : memref<8x200x64xf32, #tpu.memory_space<vmem>> -> memref<1x50x64xf32, #tpu.memory_space<vmem>>
    %dma_start3A_1548 = tpu.memref_squeeze %dma_start3A_1547 : memref<1x50x64xf32, #tpu.memory_space<vmem>> -> memref<50x64xf32, #tpu.memory_space<vmem>>
    tpu.enqueue_dma source(%dma_start3A_1548 : memref<50x64xf32, #tpu.memory_space<vmem>>) target(%dma_start3A_1544 : memref<50x64xf32, #tpu.memory_space<hbm>>) target_semaphore(%arg36 : memref<!tpu.dma_semaphore, #tpu.memory_space<semaphore_mem>>)
    %add3A_1549 = arith.constant 1 : i32
    %add3A_1550 = arith.addi %add3A_1529, %add3A_1549 : i32
    %dma_start3A_1551 = arith.constant 7 : i32
    %dma_start3A_1552 = arith.constant 50 : i32
    %dma_start3A_1553 = arith.constant 0 : i32
    %dma_start3A_1554 = tpu.memref_slice %arg12[%dma_start3A_1551, %dma_start3A_1552, %dma_start3A_1553] : memref<8x200x64xf32, #tpu.memory_space<vmem>> -> memref<1x50x64xf32, #tpu.memory_space<vmem>>
    %dma_start3A_1555 = tpu.memref_squeeze %dma_start3A_1554 : memref<1x50x64xf32, #tpu.memory_space<vmem>> -> memref<50x64xf32, #tpu.memory_space<vmem>>
    %dma_start3A_1556 = arith.constant 0 : i32
    %dma_start3A_1557 = arith.constant 0 : i32
    %dma_start3A_1558 = tpu.memref_slice %arg8[%add3A_1550, %dma_start3A_1556, %dma_start3A_1557] : memref<4096x56x128xf32, #tpu.memory_space<hbm>> -> memref<1x50x64xf32, #tpu.memory_space<hbm>>
    %dma_start3A_1559 = tpu.memref_squeeze %dma_start3A_1558 : memref<1x50x64xf32, #tpu.memory_space<hbm>> -> memref<50x64xf32, #tpu.memory_space<hbm>>
    %dma_start3A_1560 = arith.constant 0 : i32
    %dma_start3A_1561 = arith.constant 0 : i32
    %dma_start3A_1562 = tpu.memref_slice %arg8[%add3A_1550, %dma_start3A_1560, %dma_start3A_1561] : memref<4096x56x128xf32, #tpu.memory_space<hbm>> -> memref<1x50x64xf32, #tpu.memory_space<hbm>>
    %dma_start3A_1563 = tpu.memref_squeeze %dma_start3A_1562 : memref<1x50x64xf32, #tpu.memory_space<hbm>> -> memref<50x64xf32, #tpu.memory_space<hbm>>
    %dma_start3A_1564 = arith.constant 50 : i32
    %dma_start3A_1565 = arith.constant 0 : i32
    %dma_start3A_1566 = tpu.memref_slice %arg12[%dma_start3A_1551, %dma_start3A_1564, %dma_start3A_1565] : memref<8x200x64xf32, #tpu.memory_space<vmem>> -> memref<1x50x64xf32, #tpu.memory_space<vmem>>
    %dma_start3A_1567 = tpu.memref_squeeze %dma_start3A_1566 : memref<1x50x64xf32, #tpu.memory_space<vmem>> -> memref<50x64xf32, #tpu.memory_space<vmem>>
    tpu.enqueue_dma source(%dma_start3A_1567 : memref<50x64xf32, #tpu.memory_space<vmem>>) target(%dma_start3A_1563 : memref<50x64xf32, #tpu.memory_space<hbm>>) target_semaphore(%arg36 : memref<!tpu.dma_semaphore, #tpu.memory_space<semaphore_mem>>)
    %add3A_1568 = arith.constant 2 : i32
    %add3A_1569 = arith.addi %add3A_1529, %add3A_1568 : i32
    %dma_start3A_1570 = arith.constant 7 : i32
    %dma_start3A_1571 = arith.constant 100 : i32
    %dma_start3A_1572 = arith.constant 0 : i32
    %dma_start3A_1573 = tpu.memref_slice %arg12[%dma_start3A_1570, %dma_start3A_1571, %dma_start3A_1572] : memref<8x200x64xf32, #tpu.memory_space<vmem>> -> memref<1x50x64xf32, #tpu.memory_space<vmem>>
    %dma_start3A_1574 = tpu.memref_squeeze %dma_start3A_1573 : memref<1x50x64xf32, #tpu.memory_space<vmem>> -> memref<50x64xf32, #tpu.memory_space<vmem>>
    %dma_start3A_1575 = arith.constant 0 : i32
    %dma_start3A_1576 = arith.constant 0 : i32
    %dma_start3A_1577 = tpu.memref_slice %arg8[%add3A_1569, %dma_start3A_1575, %dma_start3A_1576] : memref<4096x56x128xf32, #tpu.memory_space<hbm>> -> memref<1x50x64xf32, #tpu.memory_space<hbm>>
    %dma_start3A_1578 = tpu.memref_squeeze %dma_start3A_1577 : memref<1x50x64xf32, #tpu.memory_space<hbm>> -> memref<50x64xf32, #tpu.memory_space<hbm>>
    %dma_start3A_1579 = arith.constant 0 : i32
    %dma_start3A_1580 = arith.constant 0 : i32
    %dma_start3A_1581 = tpu.memref_slice %arg8[%add3A_1569, %dma_start3A_1579, %dma_start3A_1580] : memref<4096x56x128xf32, #tpu.memory_space<hbm>> -> memref<1x50x64xf32, #tpu.memory_space<hbm>>
    %dma_start3A_1582 = tpu.memref_squeeze %dma_start3A_1581 : memref<1x50x64xf32, #tpu.memory_space<hbm>> -> memref<50x64xf32, #tpu.memory_space<hbm>>
    %dma_start3A_1583 = arith.constant 100 : i32
    %dma_start3A_1584 = arith.constant 0 : i32
    %dma_start3A_1585 = tpu.memref_slice %arg12[%dma_start3A_1570, %dma_start3A_1583, %dma_start3A_1584] : memref<8x200x64xf32, #tpu.memory_space<vmem>> -> memref<1x50x64xf32, #tpu.memory_space<vmem>>
    %dma_start3A_1586 = tpu.memref_squeeze %dma_start3A_1585 : memref<1x50x64xf32, #tpu.memory_space<vmem>> -> memref<50x64xf32, #tpu.memory_space<vmem>>
    tpu.enqueue_dma source(%dma_start3A_1586 : memref<50x64xf32, #tpu.memory_space<vmem>>) target(%dma_start3A_1582 : memref<50x64xf32, #tpu.memory_space<hbm>>) target_semaphore(%arg36 : memref<!tpu.dma_semaphore, #tpu.memory_space<semaphore_mem>>)
    %add3A_1587 = arith.constant 3 : i32
    %add3A_1588 = arith.addi %add3A_1529, %add3A_1587 : i32
    %dma_start3A_1589 = arith.constant 7 : i32
    %dma_start3A_1590 = arith.constant 150 : i32
    %dma_start3A_1591 = arith.constant 0 : i32
    %dma_start3A_1592 = tpu.memref_slice %arg12[%dma_start3A_1589, %dma_start3A_1590, %dma_start3A_1591] : memref<8x200x64xf32, #tpu.memory_space<vmem>> -> memref<1x50x64xf32, #tpu.memory_space<vmem>>
    %dma_start3A_1593 = tpu.memref_squeeze %dma_start3A_1592 : memref<1x50x64xf32, #tpu.memory_space<vmem>> -> memref<50x64xf32, #tpu.memory_space<vmem>>
    %dma_start3A_1594 = arith.constant 0 : i32
    %dma_start3A_1595 = arith.constant 0 : i32
    %dma_start3A_1596 = tpu.memref_slice %arg8[%add3A_1588, %dma_start3A_1594, %dma_start3A_1595] : memref<4096x56x128xf32, #tpu.memory_space<hbm>> -> memref<1x50x64xf32, #tpu.memory_space<hbm>>
    %dma_start3A_1597 = tpu.memref_squeeze %dma_start3A_1596 : memref<1x50x64xf32, #tpu.memory_space<hbm>> -> memref<50x64xf32, #tpu.memory_space<hbm>>
    %dma_start3A_1598 = arith.constant 0 : i32
    %dma_start3A_1599 = arith.constant 0 : i32
    %dma_start3A_1600 = tpu.memref_slice %arg8[%add3A_1588, %dma_start3A_1598, %dma_start3A_1599] : memref<4096x56x128xf32, #tpu.memory_space<hbm>> -> memref<1x50x64xf32, #tpu.memory_space<hbm>>
    %dma_start3A_1601 = tpu.memref_squeeze %dma_start3A_1600 : memref<1x50x64xf32, #tpu.memory_space<hbm>> -> memref<50x64xf32, #tpu.memory_space<hbm>>
    %dma_start3A_1602 = arith.constant 150 : i32
    %dma_start3A_1603 = arith.constant 0 : i32
    %dma_start3A_1604 = tpu.memref_slice %arg12[%dma_start3A_1589, %dma_start3A_1602, %dma_start3A_1603] : memref<8x200x64xf32, #tpu.memory_space<vmem>> -> memref<1x50x64xf32, #tpu.memory_space<vmem>>
    %dma_start3A_1605 = tpu.memref_squeeze %dma_start3A_1604 : memref<1x50x64xf32, #tpu.memory_space<vmem>> -> memref<50x64xf32, #tpu.memory_space<vmem>>
    tpu.enqueue_dma source(%dma_start3A_1605 : memref<50x64xf32, #tpu.memory_space<vmem>>) target(%dma_start3A_1601 : memref<50x64xf32, #tpu.memory_space<hbm>>) target_semaphore(%arg36 : memref<!tpu.dma_semaphore, #tpu.memory_space<semaphore_mem>>)
    %mul3A_1606 = arith.constant 128 : i32
    %mul3A_1607 = arith.muli %add3A, %mul3A_1606 : i32
    %add3A_1608 = arith.constant 120 : i32
    %add3A_1609 = arith.addi %mul3A_1607, %add3A_1608 : i32
    %add3A_1610 = arith.constant 0 : i32
    %add3A_1611 = arith.addi %add3A_1609, %add3A_1610 : i32
    %dma_wait3A_1612 = arith.constant 6 : i32
    %dma_wait3A_1613 = arith.constant 0 : i32
    %dma_wait3A_1614 = arith.constant 0 : i32
    %dma_wait3A_1615 = tpu.memref_slice %arg12[%dma_wait3A_1612, %dma_wait3A_1613, %dma_wait3A_1614] : memref<8x200x64xf32, #tpu.memory_space<vmem>> -> memref<1x50x64xf32, #tpu.memory_space<vmem>>
    %dma_wait3A_1616 = tpu.memref_squeeze %dma_wait3A_1615 : memref<1x50x64xf32, #tpu.memory_space<vmem>> -> memref<50x64xf32, #tpu.memory_space<vmem>>
    %dma_wait3A_1617 = arith.constant 0 : i32
    %dma_wait3A_1618 = arith.constant 0 : i32
    %dma_wait3A_1619 = tpu.memref_slice %arg8[%add3A_1611, %dma_wait3A_1617, %dma_wait3A_1618] : memref<4096x56x128xf32, #tpu.memory_space<hbm>> -> memref<1x50x64xf32, #tpu.memory_space<hbm>>
    %dma_wait3A_1620 = tpu.memref_squeeze %dma_wait3A_1619 : memref<1x50x64xf32, #tpu.memory_space<hbm>> -> memref<50x64xf32, #tpu.memory_space<hbm>>
    %dma_wait3A_1621 = arith.constant 0 : i32
    %dma_wait3A_1622 = arith.constant 0 : i32
    %dma_wait3A_1623 = tpu.memref_slice %arg8[%add3A_1611, %dma_wait3A_1621, %dma_wait3A_1622] : memref<4096x56x128xf32, #tpu.memory_space<hbm>> -> memref<1x50x64xf32, #tpu.memory_space<hbm>>
    %dma_wait3A_1624 = tpu.memref_squeeze %dma_wait3A_1623 : memref<1x50x64xf32, #tpu.memory_space<hbm>> -> memref<50x64xf32, #tpu.memory_space<hbm>>
    %dma_wait3A_1625 = arith.constant 0 : i32
    %dma_wait3A_1626 = arith.constant 0 : i32
    %dma_wait3A_1627 = tpu.memref_slice %arg12[%dma_wait3A_1612, %dma_wait3A_1625, %dma_wait3A_1626] : memref<8x200x64xf32, #tpu.memory_space<vmem>> -> memref<1x50x64xf32, #tpu.memory_space<vmem>>
    %dma_wait3A_1628 = tpu.memref_squeeze %dma_wait3A_1627 : memref<1x50x64xf32, #tpu.memory_space<vmem>> -> memref<50x64xf32, #tpu.memory_space<vmem>>
    tpu.wait_dma2 semaphore(%arg35 : memref<!tpu.dma_semaphore, #tpu.memory_space<semaphore_mem>>) src(%dma_wait3A_1628 : memref<50x64xf32, #tpu.memory_space<vmem>>) dst(%dma_wait3A_1624 : memref<50x64xf32, #tpu.memory_space<hbm>>)
    %add3A_1629 = arith.constant 1 : i32
    %add3A_1630 = arith.addi %add3A_1609, %add3A_1629 : i32
    %dma_wait3A_1631 = arith.constant 6 : i32
    %dma_wait3A_1632 = arith.constant 50 : i32
    %dma_wait3A_1633 = arith.constant 0 : i32
    %dma_wait3A_1634 = tpu.memref_slice %arg12[%dma_wait3A_1631, %dma_wait3A_1632, %dma_wait3A_1633] : memref<8x200x64xf32, #tpu.memory_space<vmem>> -> memref<1x50x64xf32, #tpu.memory_space<vmem>>
    %dma_wait3A_1635 = tpu.memref_squeeze %dma_wait3A_1634 : memref<1x50x64xf32, #tpu.memory_space<vmem>> -> memref<50x64xf32, #tpu.memory_space<vmem>>
    %dma_wait3A_1636 = arith.constant 0 : i32
    %dma_wait3A_1637 = arith.constant 0 : i32
    %dma_wait3A_1638 = tpu.memref_slice %arg8[%add3A_1630, %dma_wait3A_1636, %dma_wait3A_1637] : memref<4096x56x128xf32, #tpu.memory_space<hbm>> -> memref<1x50x64xf32, #tpu.memory_space<hbm>>
    %dma_wait3A_1639 = tpu.memref_squeeze %dma_wait3A_1638 : memref<1x50x64xf32, #tpu.memory_space<hbm>> -> memref<50x64xf32, #tpu.memory_space<hbm>>
    %dma_wait3A_1640 = arith.constant 0 : i32
    %dma_wait3A_1641 = arith.constant 0 : i32
    %dma_wait3A_1642 = tpu.memref_slice %arg8[%add3A_1630, %dma_wait3A_1640, %dma_wait3A_1641] : memref<4096x56x128xf32, #tpu.memory_space<hbm>> -> memref<1x50x64xf32, #tpu.memory_space<hbm>>
    %dma_wait3A_1643 = tpu.memref_squeeze %dma_wait3A_1642 : memref<1x50x64xf32, #tpu.memory_space<hbm>> -> memref<50x64xf32, #tpu.memory_space<hbm>>
    %dma_wait3A_1644 = arith.constant 50 : i32
    %dma_wait3A_1645 = arith.constant 0 : i32
    %dma_wait3A_1646 = tpu.memref_slice %arg12[%dma_wait3A_1631, %dma_wait3A_1644, %dma_wait3A_1645] : memref<8x200x64xf32, #tpu.memory_space<vmem>> -> memref<1x50x64xf32, #tpu.memory_space<vmem>>
    %dma_wait3A_1647 = tpu.memref_squeeze %dma_wait3A_1646 : memref<1x50x64xf32, #tpu.memory_space<vmem>> -> memref<50x64xf32, #tpu.memory_space<vmem>>
    tpu.wait_dma2 semaphore(%arg35 : memref<!tpu.dma_semaphore, #tpu.memory_space<semaphore_mem>>) src(%dma_wait3A_1647 : memref<50x64xf32, #tpu.memory_space<vmem>>) dst(%dma_wait3A_1643 : memref<50x64xf32, #tpu.memory_space<hbm>>)
    %add3A_1648 = arith.constant 2 : i32
    %add3A_1649 = arith.addi %add3A_1609, %add3A_1648 : i32
    %dma_wait3A_1650 = arith.constant 6 : i32
    %dma_wait3A_1651 = arith.constant 100 : i32
    %dma_wait3A_1652 = arith.constant 0 : i32
    %dma_wait3A_1653 = tpu.memref_slice %arg12[%dma_wait3A_1650, %dma_wait3A_1651, %dma_wait3A_1652] : memref<8x200x64xf32, #tpu.memory_space<vmem>> -> memref<1x50x64xf32, #tpu.memory_space<vmem>>
    %dma_wait3A_1654 = tpu.memref_squeeze %dma_wait3A_1653 : memref<1x50x64xf32, #tpu.memory_space<vmem>> -> memref<50x64xf32, #tpu.memory_space<vmem>>
    %dma_wait3A_1655 = arith.constant 0 : i32
    %dma_wait3A_1656 = arith.constant 0 : i32
    %dma_wait3A_1657 = tpu.memref_slice %arg8[%add3A_1649, %dma_wait3A_1655, %dma_wait3A_1656] : memref<4096x56x128xf32, #tpu.memory_space<hbm>> -> memref<1x50x64xf32, #tpu.memory_space<hbm>>
    %dma_wait3A_1658 = tpu.memref_squeeze %dma_wait3A_1657 : memref<1x50x64xf32, #tpu.memory_space<hbm>> -> memref<50x64xf32, #tpu.memory_space<hbm>>
    %dma_wait3A_1659 = arith.constant 0 : i32
    %dma_wait3A_1660 = arith.constant 0 : i32
    %dma_wait3A_1661 = tpu.memref_slice %arg8[%add3A_1649, %dma_wait3A_1659, %dma_wait3A_1660] : memref<4096x56x128xf32, #tpu.memory_space<hbm>> -> memref<1x50x64xf32, #tpu.memory_space<hbm>>
    %dma_wait3A_1662 = tpu.memref_squeeze %dma_wait3A_1661 : memref<1x50x64xf32, #tpu.memory_space<hbm>> -> memref<50x64xf32, #tpu.memory_space<hbm>>
    %dma_wait3A_1663 = arith.constant 100 : i32
    %dma_wait3A_1664 = arith.constant 0 : i32
    %dma_wait3A_1665 = tpu.memref_slice %arg12[%dma_wait3A_1650, %dma_wait3A_1663, %dma_wait3A_1664] : memref<8x200x64xf32, #tpu.memory_space<vmem>> -> memref<1x50x64xf32, #tpu.memory_space<vmem>>
    %dma_wait3A_1666 = tpu.memref_squeeze %dma_wait3A_1665 : memref<1x50x64xf32, #tpu.memory_space<vmem>> -> memref<50x64xf32, #tpu.memory_space<vmem>>
    tpu.wait_dma2 semaphore(%arg35 : memref<!tpu.dma_semaphore, #tpu.memory_space<semaphore_mem>>) src(%dma_wait3A_1666 : memref<50x64xf32, #tpu.memory_space<vmem>>) dst(%dma_wait3A_1662 : memref<50x64xf32, #tpu.memory_space<hbm>>)
    %add3A_1667 = arith.constant 3 : i32
    %add3A_1668 = arith.addi %add3A_1609, %add3A_1667 : i32
    %dma_wait3A_1669 = arith.constant 6 : i32
    %dma_wait3A_1670 = arith.constant 150 : i32
    %dma_wait3A_1671 = arith.constant 0 : i32
    %dma_wait3A_1672 = tpu.memref_slice %arg12[%dma_wait3A_1669, %dma_wait3A_1670, %dma_wait3A_1671] : memref<8x200x64xf32, #tpu.memory_space<vmem>> -> memref<1x50x64xf32, #tpu.memory_space<vmem>>
    %dma_wait3A_1673 = tpu.memref_squeeze %dma_wait3A_1672 : memref<1x50x64xf32, #tpu.memory_space<vmem>> -> memref<50x64xf32, #tpu.memory_space<vmem>>
    %dma_wait3A_1674 = arith.constant 0 : i32
    %dma_wait3A_1675 = arith.constant 0 : i32
    %dma_wait3A_1676 = tpu.memref_slice %arg8[%add3A_1668, %dma_wait3A_1674, %dma_wait3A_1675] : memref<4096x56x128xf32, #tpu.memory_space<hbm>> -> memref<1x50x64xf32, #tpu.memory_space<hbm>>
    %dma_wait3A_1677 = tpu.memref_squeeze %dma_wait3A_1676 : memref<1x50x64xf32, #tpu.memory_space<hbm>> -> memref<50x64xf32, #tpu.memory_space<hbm>>
    %dma_wait3A_1678 = arith.constant 0 : i32
    %dma_wait3A_1679 = arith.constant 0 : i32
    %dma_wait3A_1680 = tpu.memref_slice %arg8[%add3A_1668, %dma_wait3A_1678, %dma_wait3A_1679] : memref<4096x56x128xf32, #tpu.memory_space<hbm>> -> memref<1x50x64xf32, #tpu.memory_space<hbm>>
    %dma_wait3A_1681 = tpu.memref_squeeze %dma_wait3A_1680 : memref<1x50x64xf32, #tpu.memory_space<hbm>> -> memref<50x64xf32, #tpu.memory_space<hbm>>
    %dma_wait3A_1682 = arith.constant 150 : i32
    %dma_wait3A_1683 = arith.constant 0 : i32
    %dma_wait3A_1684 = tpu.memref_slice %arg12[%dma_wait3A_1669, %dma_wait3A_1682, %dma_wait3A_1683] : memref<8x200x64xf32, #tpu.memory_space<vmem>> -> memref<1x50x64xf32, #tpu.memory_space<vmem>>
    %dma_wait3A_1685 = tpu.memref_squeeze %dma_wait3A_1684 : memref<1x50x64xf32, #tpu.memory_space<vmem>> -> memref<50x64xf32, #tpu.memory_space<vmem>>
    tpu.wait_dma2 semaphore(%arg35 : memref<!tpu.dma_semaphore, #tpu.memory_space<semaphore_mem>>) src(%dma_wait3A_1685 : memref<50x64xf32, #tpu.memory_space<vmem>>) dst(%dma_wait3A_1681 : memref<50x64xf32, #tpu.memory_space<hbm>>)
    %mul3A_1686 = arith.constant 128 : i32
    %mul3A_1687 = arith.muli %add3A, %mul3A_1686 : i32
    %add3A_1688 = arith.constant 124 : i32
    %add3A_1689 = arith.addi %mul3A_1687, %add3A_1688 : i32
    %add3A_1690 = arith.constant 0 : i32
    %add3A_1691 = arith.addi %add3A_1689, %add3A_1690 : i32
    %dma_wait3A_1692 = arith.constant 7 : i32
    %dma_wait3A_1693 = arith.constant 0 : i32
    %dma_wait3A_1694 = arith.constant 0 : i32
    %dma_wait3A_1695 = tpu.memref_slice %arg12[%dma_wait3A_1692, %dma_wait3A_1693, %dma_wait3A_1694] : memref<8x200x64xf32, #tpu.memory_space<vmem>> -> memref<1x50x64xf32, #tpu.memory_space<vmem>>
    %dma_wait3A_1696 = tpu.memref_squeeze %dma_wait3A_1695 : memref<1x50x64xf32, #tpu.memory_space<vmem>> -> memref<50x64xf32, #tpu.memory_space<vmem>>
    %dma_wait3A_1697 = arith.constant 0 : i32
    %dma_wait3A_1698 = arith.constant 0 : i32
    %dma_wait3A_1699 = tpu.memref_slice %arg8[%add3A_1691, %dma_wait3A_1697, %dma_wait3A_1698] : memref<4096x56x128xf32, #tpu.memory_space<hbm>> -> memref<1x50x64xf32, #tpu.memory_space<hbm>>
    %dma_wait3A_1700 = tpu.memref_squeeze %dma_wait3A_1699 : memref<1x50x64xf32, #tpu.memory_space<hbm>> -> memref<50x64xf32, #tpu.memory_space<hbm>>
    %dma_wait3A_1701 = arith.constant 0 : i32
    %dma_wait3A_1702 = arith.constant 0 : i32
    %dma_wait3A_1703 = tpu.memref_slice %arg8[%add3A_1691, %dma_wait3A_1701, %dma_wait3A_1702] : memref<4096x56x128xf32, #tpu.memory_space<hbm>> -> memref<1x50x64xf32, #tpu.memory_space<hbm>>
    %dma_wait3A_1704 = tpu.memref_squeeze %dma_wait3A_1703 : memref<1x50x64xf32, #tpu.memory_space<hbm>> -> memref<50x64xf32, #tpu.memory_space<hbm>>
    %dma_wait3A_1705 = arith.constant 0 : i32
    %dma_wait3A_1706 = arith.constant 0 : i32
    %dma_wait3A_1707 = tpu.memref_slice %arg12[%dma_wait3A_1692, %dma_wait3A_1705, %dma_wait3A_1706] : memref<8x200x64xf32, #tpu.memory_space<vmem>> -> memref<1x50x64xf32, #tpu.memory_space<vmem>>
    %dma_wait3A_1708 = tpu.memref_squeeze %dma_wait3A_1707 : memref<1x50x64xf32, #tpu.memory_space<vmem>> -> memref<50x64xf32, #tpu.memory_space<vmem>>
    tpu.wait_dma2 semaphore(%arg36 : memref<!tpu.dma_semaphore, #tpu.memory_space<semaphore_mem>>) src(%dma_wait3A_1708 : memref<50x64xf32, #tpu.memory_space<vmem>>) dst(%dma_wait3A_1704 : memref<50x64xf32, #tpu.memory_space<hbm>>)
    %add3A_1709 = arith.constant 1 : i32
    %add3A_1710 = arith.addi %add3A_1689, %add3A_1709 : i32
    %dma_wait3A_1711 = arith.constant 7 : i32
    %dma_wait3A_1712 = arith.constant 50 : i32
    %dma_wait3A_1713 = arith.constant 0 : i32
    %dma_wait3A_1714 = tpu.memref_slice %arg12[%dma_wait3A_1711, %dma_wait3A_1712, %dma_wait3A_1713] : memref<8x200x64xf32, #tpu.memory_space<vmem>> -> memref<1x50x64xf32, #tpu.memory_space<vmem>>
    %dma_wait3A_1715 = tpu.memref_squeeze %dma_wait3A_1714 : memref<1x50x64xf32, #tpu.memory_space<vmem>> -> memref<50x64xf32, #tpu.memory_space<vmem>>
    %dma_wait3A_1716 = arith.constant 0 : i32
    %dma_wait3A_1717 = arith.constant 0 : i32
    %dma_wait3A_1718 = tpu.memref_slice %arg8[%add3A_1710, %dma_wait3A_1716, %dma_wait3A_1717] : memref<4096x56x128xf32, #tpu.memory_space<hbm>> -> memref<1x50x64xf32, #tpu.memory_space<hbm>>
    %dma_wait3A_1719 = tpu.memref_squeeze %dma_wait3A_1718 : memref<1x50x64xf32, #tpu.memory_space<hbm>> -> memref<50x64xf32, #tpu.memory_space<hbm>>
    %dma_wait3A_1720 = arith.constant 0 : i32
    %dma_wait3A_1721 = arith.constant 0 : i32
    %dma_wait3A_1722 = tpu.memref_slice %arg8[%add3A_1710, %dma_wait3A_1720, %dma_wait3A_1721] : memref<4096x56x128xf32, #tpu.memory_space<hbm>> -> memref<1x50x64xf32, #tpu.memory_space<hbm>>
    %dma_wait3A_1723 = tpu.memref_squeeze %dma_wait3A_1722 : memref<1x50x64xf32, #tpu.memory_space<hbm>> -> memref<50x64xf32, #tpu.memory_space<hbm>>
    %dma_wait3A_1724 = arith.constant 50 : i32
    %dma_wait3A_1725 = arith.constant 0 : i32
    %dma_wait3A_1726 = tpu.memref_slice %arg12[%dma_wait3A_1711, %dma_wait3A_1724, %dma_wait3A_1725] : memref<8x200x64xf32, #tpu.memory_space<vmem>> -> memref<1x50x64xf32, #tpu.memory_space<vmem>>
    %dma_wait3A_1727 = tpu.memref_squeeze %dma_wait3A_1726 : memref<1x50x64xf32, #tpu.memory_space<vmem>> -> memref<50x64xf32, #tpu.memory_space<vmem>>
    tpu.wait_dma2 semaphore(%arg36 : memref<!tpu.dma_semaphore, #tpu.memory_space<semaphore_mem>>) src(%dma_wait3A_1727 : memref<50x64xf32, #tpu.memory_space<vmem>>) dst(%dma_wait3A_1723 : memref<50x64xf32, #tpu.memory_space<hbm>>)
    %add3A_1728 = arith.constant 2 : i32
    %add3A_1729 = arith.addi %add3A_1689, %add3A_1728 : i32
    %dma_wait3A_1730 = arith.constant 7 : i32
    %dma_wait3A_1731 = arith.constant 100 : i32
    %dma_wait3A_1732 = arith.constant 0 : i32
    %dma_wait3A_1733 = tpu.memref_slice %arg12[%dma_wait3A_1730, %dma_wait3A_1731, %dma_wait3A_1732] : memref<8x200x64xf32, #tpu.memory_space<vmem>> -> memref<1x50x64xf32, #tpu.memory_space<vmem>>
    %dma_wait3A_1734 = tpu.memref_squeeze %dma_wait3A_1733 : memref<1x50x64xf32, #tpu.memory_space<vmem>> -> memref<50x64xf32, #tpu.memory_space<vmem>>
    %dma_wait3A_1735 = arith.constant 0 : i32
    %dma_wait3A_1736 = arith.constant 0 : i32
    %dma_wait3A_1737 = tpu.memref_slice %arg8[%add3A_1729, %dma_wait3A_1735, %dma_wait3A_1736] : memref<4096x56x128xf32, #tpu.memory_space<hbm>> -> memref<1x50x64xf32, #tpu.memory_space<hbm>>
    %dma_wait3A_1738 = tpu.memref_squeeze %dma_wait3A_1737 : memref<1x50x64xf32, #tpu.memory_space<hbm>> -> memref<50x64xf32, #tpu.memory_space<hbm>>
    %dma_wait3A_1739 = arith.constant 0 : i32
    %dma_wait3A_1740 = arith.constant 0 : i32
    %dma_wait3A_1741 = tpu.memref_slice %arg8[%add3A_1729, %dma_wait3A_1739, %dma_wait3A_1740] : memref<4096x56x128xf32, #tpu.memory_space<hbm>> -> memref<1x50x64xf32, #tpu.memory_space<hbm>>
    %dma_wait3A_1742 = tpu.memref_squeeze %dma_wait3A_1741 : memref<1x50x64xf32, #tpu.memory_space<hbm>> -> memref<50x64xf32, #tpu.memory_space<hbm>>
    %dma_wait3A_1743 = arith.constant 100 : i32
    %dma_wait3A_1744 = arith.constant 0 : i32
    %dma_wait3A_1745 = tpu.memref_slice %arg12[%dma_wait3A_1730, %dma_wait3A_1743, %dma_wait3A_1744] : memref<8x200x64xf32, #tpu.memory_space<vmem>> -> memref<1x50x64xf32, #tpu.memory_space<vmem>>
    %dma_wait3A_1746 = tpu.memref_squeeze %dma_wait3A_1745 : memref<1x50x64xf32, #tpu.memory_space<vmem>> -> memref<50x64xf32, #tpu.memory_space<vmem>>
    tpu.wait_dma2 semaphore(%arg36 : memref<!tpu.dma_semaphore, #tpu.memory_space<semaphore_mem>>) src(%dma_wait3A_1746 : memref<50x64xf32, #tpu.memory_space<vmem>>) dst(%dma_wait3A_1742 : memref<50x64xf32, #tpu.memory_space<hbm>>)
    %add3A_1747 = arith.constant 3 : i32
    %add3A_1748 = arith.addi %add3A_1689, %add3A_1747 : i32
    %dma_wait3A_1749 = arith.constant 7 : i32
    %dma_wait3A_1750 = arith.constant 150 : i32
    %dma_wait3A_1751 = arith.constant 0 : i32
    %dma_wait3A_1752 = tpu.memref_slice %arg12[%dma_wait3A_1749, %dma_wait3A_1750, %dma_wait3A_1751] : memref<8x200x64xf32, #tpu.memory_space<vmem>> -> memref<1x50x64xf32, #tpu.memory_space<vmem>>
    %dma_wait3A_1753 = tpu.memref_squeeze %dma_wait3A_1752 : memref<1x50x64xf32, #tpu.memory_space<vmem>> -> memref<50x64xf32, #tpu.memory_space<vmem>>
    %dma_wait3A_1754 = arith.constant 0 : i32
    %dma_wait3A_1755 = arith.constant 0 : i32
    %dma_wait3A_1756 = tpu.memref_slice %arg8[%add3A_1748, %dma_wait3A_1754, %dma_wait3A_1755] : memref<4096x56x128xf32, #tpu.memory_space<hbm>> -> memref<1x50x64xf32, #tpu.memory_space<hbm>>
    %dma_wait3A_1757 = tpu.memref_squeeze %dma_wait3A_1756 : memref<1x50x64xf32, #tpu.memory_space<hbm>> -> memref<50x64xf32, #tpu.memory_space<hbm>>
    %dma_wait3A_1758 = arith.constant 0 : i32
    %dma_wait3A_1759 = arith.constant 0 : i32
    %dma_wait3A_1760 = tpu.memref_slice %arg8[%add3A_1748, %dma_wait3A_1758, %dma_wait3A_1759] : memref<4096x56x128xf32, #tpu.memory_space<hbm>> -> memref<1x50x64xf32, #tpu.memory_space<hbm>>
    %dma_wait3A_1761 = tpu.memref_squeeze %dma_wait3A_1760 : memref<1x50x64xf32, #tpu.memory_space<hbm>> -> memref<50x64xf32, #tpu.memory_space<hbm>>
    %dma_wait3A_1762 = arith.constant 150 : i32
    %dma_wait3A_1763 = arith.constant 0 : i32
    %dma_wait3A_1764 = tpu.memref_slice %arg12[%dma_wait3A_1749, %dma_wait3A_1762, %dma_wait3A_1763] : memref<8x200x64xf32, #tpu.memory_space<vmem>> -> memref<1x50x64xf32, #tpu.memory_space<vmem>>
    %dma_wait3A_1765 = tpu.memref_squeeze %dma_wait3A_1764 : memref<1x50x64xf32, #tpu.memory_space<vmem>> -> memref<50x64xf32, #tpu.memory_space<vmem>>
    tpu.wait_dma2 semaphore(%arg36 : memref<!tpu.dma_semaphore, #tpu.memory_space<semaphore_mem>>) src(%dma_wait3A_1765 : memref<50x64xf32, #tpu.memory_space<vmem>>) dst(%dma_wait3A_1761 : memref<50x64xf32, #tpu.memory_space<hbm>>)
    return
  }
}

</mosaic_0001>

<sc_bundles>
// kernel: kernel.3.cloned.1.call-start
scs
__scs_entry_jumppad:
0x0: {  	(pc) =	sbr.rel $0x88, $3  }
0x1: {  	(tag) =	ssettag $0x0;
	lr =	simm.s32 $0x1  }
0x2: {  	[smem:$0x3F9B] =	sst lr;
	_ =	strace $0xD0000000  }
0x3: {  	_ = 	snop  }
0x4: {  	_ = 	snop  }
0x5: {  	_ = 	snop  }
0x6: {  	_ = 	snop  }
0x7: {  	_ = 	snop  }
__scs_overlays_trampoline_lowered:
0x8: {  	[smem:$0x3FAA] =	sst s0  }
0x9: {  	[smem:$0x3FAB] =	sst s1  }
0xa: {  	[smem:$0x3FAC] =	sst s2  }
0xb: {  	[smem:$0x3FAD] =	sst s3  }
0xc: {  	[smem:$0x3FAE] =	sst s4  }
0xd: {  	[smem:$0x3FAF] =	sst s5  }
0xe: {  	[smem:$0x3FB0] =	sst s6  }
0xf: {  	[smem:$0x3FB1] =	sst s7  }
0x10: {  	[smem:$0x3FB2] =	sst s8  }
0x11: {  	[smem:$0x3FB3] =	sst s9;
	s0 =	simm.s32 @!p0 $0x0  }
0x12: {  	s1 =	sld [smem:$0x3F99];
	s0 =	simm.s32 @p0 $0x1  }
0x13: {  	[smem:$0x3FB4] =	sst s0;
	s0 =	simm.s32 @!p1 $0x0  }
0x14: {  	s2 =	sld [smem:$0x3F98];
	s0 =	simm.s32 @p1 $0x1  }
0x15: {  	[smem:$0x3FB5] =	sst s0;
	s0 =	simm.s32 @!p2 $0x0  }
0x16: {  	s3 =	sld [smem:$0x3FDB];
	s0 =	simm.s32 @p2 $0x1  }
0x17: {  	s4 =	simm.s32 $0x1BF5;
	[smem:$0x3FB7] =	sst s0  }
0x18: {  	s0 =	sld [smem:$0x3F9A];
	_ =	swait.ge [sflag:s4], $0x0  }
0x19: {  	s7 =	sld [smem:$0x3F9B]  }
0x1a: {  	s8 =	sadd.s32 $0xFFFFE003, lr  }
0x1b: {  	s9 =	sadd.s32 $0xFFFFFEF7, lr;
	s5 =	simm.s32 $0xFFFFFFFF;
	p2 =	slt.u32 s8, $0xFFFFF086  }
0x1c: {  	p1 =	slt.u32 s9, $0xF7A;
	s5 =	simm.s32 @!p2 $0x0  }
0x1d: {  	s5 =	simm.s32 @p1 $0x1;
	p0 =	seq.s32 s7, s2  }
0x1e: {  	s7 =	smul.u32 @!p0 $0xF7A, s2;
	p2 =	seq.s32 @!p0 s5, $0x0  }
0x1f: {  	s9 =	smul.u32 $0xF7A, s1;
	s8 =	simm.s32 @!p0 $0x1BF5;
	p2 =	por !p2, p0  }
0x20: {  	[sflag:s8] =	ssyncset.s32 @!p0 $0xFFFFF086;
	s6 =	sadd.s32 @!p0 s3, s7;
	s7 =	simm.s32 @!p0 $0x108  }
0x21: {  	s3 =	sadd.s32 s3, s9;
	s6 =	sadd.s32 @!p0 $0x88, s6;
	s7 =	simm.s32 @p2 $0x1082  }
0x22: {  	[simem:s7], [sflag:s8] =	dma.local @!p0 [hbm:s6], $0xF7A  }
0x23: {  	s9 =	sor.u32 $0xD0000000, s2;
	s6 =	simm.s32 $0x108;
	_ =	swait.ge @!p0 [sflag:s8], $0x0  }
0x24: {  	s3 =	sadd.s32 $0x88, s3;
	s6 =	simm.s32 @!p1 $0x1082;
	[sflag:s4] =	ssyncset.s32 $0xFFFFF086  }
0x25: {  	[simem:s6], [sflag:s4] =	dma.local [hbm:s3], $0xF7A  }
0x26: {  	[smem:$0x3F9B] =	sst s1;
	(tag) =	ssettag s2;
	_ =	strace s9  }
0x27: {  	s1 =	sld [smem:$0x3FAB]  }
0x28: {  	s2 =	sld [smem:$0x3FAC]  }
0x29: {  	s4 =	sld [smem:$0x3FAE]  }
0x2a: {  	p0 =	seq.s32 s5, $0x0;
	s5 =	sld [smem:$0x3FAF]  }
0x2b: {  	s6 =	sld [smem:$0x3FB0]  }
0x2c: {  	s7 =	sld [smem:$0x3FB1]  }
0x2d: {  	s3 =	simm.s32 $0x108;
	s8 =	sld [smem:$0x3FB2]  }
0x2e: {  	s3 =	simm.s32 @!p0 $0x1082;
	s9 =	sld [smem:$0x3FB3]  }
0x2f: {  	lr =	sadd.s32 s0, s3;
	s0 =	sld [smem:$0x3FAA]  }
0x30: {  	s3 =	sld [smem:$0x3FAD]  }
0x31: {  	[smem:$0x3FB6] =	sst s10  }
0x32: {  	s10 =	sld [smem:$0x3FB4];
	_ =	sdelay $0x3  }
0x33: {  	p0 =	seq.s32 s10, $0x1;
	s10 =	sld [smem:$0x3FB6];
	_ =	sdelay $0x3  }
0x34: {  	[smem:$0x3FB6] =	sst s10  }
0x35: {  	s10 =	sld [smem:$0x3FB5];
	_ =	sdelay $0x3  }
0x36: {  	p1 =	seq.s32 s10, $0x1;
	s10 =	sld [smem:$0x3FB6];
	_ =	sdelay $0x3  }
0x37: {  	[smem:$0x3FB6] =	sst s10  }
0x38: {  	s10 =	sld [smem:$0x3FB7]  }
0x39: {  	_ = 	snop;
	(pc) =	sbr.ind lr, $3  }
0x3a: {  	_ = 	snop  }
0x3b: {  	_ = 	snop  }
0x3c: {  	p2 =	seq.s32 s10, $0x1;
	s10 =	sld [smem:$0x3FB6]  }
0x3d: {  	_ =	shalt  }
0x3e: {  	_ =	shalt  }
0x3f: {  	_ =	shalt  }
0x40: {  	_ =	shalt  }
0x41: {  	_ =	shalt  }
0x42: {  	_ =	shalt  }
0x43: {  	_ =	shalt  }
0x44: {  	_ =	shalt  }
0x45: {  	_ =	shalt  }
0x46: {  	_ =	shalt  }
0x47: {  	_ =	shalt  }
0x48: {  	_ =	shalt  }
0x49: {  	_ =	shalt  }
0x4a: {  	_ =	shalt  }
0x4b: {  	_ =	shalt  }
0x4c: {  	_ =	shalt  }
0x4d: {  	_ =	shalt  }
0x4e: {  	_ =	shalt  }
0x4f: {  	_ =	shalt  }
0x50: {  	_ =	shalt  }
0x51: {  	_ =	shalt  }
0x52: {  	_ =	shalt  }
0x53: {  	_ =	shalt  }
0x54: {  	_ =	shalt  }
0x55: {  	_ =	shalt  }
0x56: {  	_ =	shalt  }
0x57: {  	_ =	shalt  }
0x58: {  	_ =	shalt  }
0x59: {  	_ =	shalt  }
0x5a: {  	_ =	shalt  }
0x5b: {  	_ =	shalt  }
0x5c: {  	_ =	shalt  }
0x5d: {  	_ =	shalt  }
0x5e: {  	_ =	shalt  }
0x5f: {  	_ =	shalt  }
0x60: {  	_ =	shalt  }
0x61: {  	_ =	shalt  }
0x62: {  	_ =	shalt  }
0x63: {  	_ =	shalt  }
0x64: {  	_ =	shalt  }
0x65: {  	_ =	shalt  }
0x66: {  	_ =	shalt  }
0x67: {  	_ =	shalt  }
0x68: {  	_ =	shalt  }
0x69: {  	_ =	shalt  }
0x6a: {  	_ =	shalt  }
0x6b: {  	_ =	shalt  }
0x6c: {  	_ =	shalt  }
0x6d: {  	_ =	shalt  }
0x6e: {  	_ =	shalt  }
0x6f: {  	_ =	shalt  }
0x70: {  	_ =	shalt  }
0x71: {  	_ =	shalt  }
0x72: {  	_ =	shalt  }
0x73: {  	_ =	shalt  }
0x74: {  	_ =	shalt  }
0x75: {  	_ =	shalt  }
0x76: {  	_ =	shalt  }
0x77: {  	_ =	shalt  }
0x78: {  	_ =	shalt  }
0x79: {  	_ =	shalt  }
0x7a: {  	_ =	shalt  }
0x7b: {  	_ =	shalt  }
0x7c: {  	_ =	shalt  }
0x7d: {  	_ =	shalt  }
0x7e: {  	_ =	shalt  }
0x7f: {  	_ =	shalt  }
0x80: {  	_ =	shalt  }
0x81: {  	_ =	shalt  }
0x82: {  	_ =	shalt  }
0x83: {  	_ =	shalt  }
0x84: {  	_ =	shalt  }
0x85: {  	_ =	shalt  }
0x86: {  	_ =	shalt  }
0x87: {  	_ =	shalt  }
.Lfunc_end0:
.L_simem_size_0:
called_computation.1_lowered:
.L_overlay_start_0:
0x88: {  	s2 =	sld [smem:$0x3FD9]  }
0x89: {  	s3 =	sld [smem:$0x3FFE];
	_ =	sdelay $0x1  }
0x8a: {  	s1 =	srdreg.scid  }
0x8b: {  	s0 =	sand.u32 $0x1, s1  }
0x8c: {  	s16 =	sshll.u32 s0, $0xA;
	s2 =	sadd.s32 s3, s2  }
0x8d: {  	s2 =	sadd.s32 s2, s16  }
0x8e: {  	[smem:$0x3FC2] =	sst s2  }
0x8f: {  	_ = 	snop  }
0x90: {  	(tm) =	ssettm $0x1  }
0x91: {  	s17 =	sld [smem:$0x3FFB];
	_ =	sdelay $0x3  }
0x92: {  	_ =	strace s17  }
0x93: {  	s2 =	sld [smem:$0x3FFC];
	_ =	sdelay $0x3  }
0x94: {  	_ =	strace s2  }
0x95: {  	s2 =	sld [smem:$0x3FFD];
	_ =	sdelay $0x3  }
0x96: {  	_ =	strace s2  }
0x97: {  	_ =	strace $0x8FFFFFFF  }
0x98: {  	s18 =	sld [smem:$0x3FDB];
	_ =	sdelay $0x1  }
0x99: {  	s19 =	simm.s32 $_scs_section_size  }
0x9a: {  	s4 =	simm.s32 $_size__tile_overlayer_lowered;
	s5 =	simm.s32 $_tile_overlayer_lowered  }
0x9b: {  	s22 =	simm.s32 $0x1BFF;
	s21 =	sshll.u32 s5, $0x1;
	s2 =	sadd.s32 s19, s18  }
0x9c: {  	s6 =	simm.s32 $0x0;
	s20 =	sshll.u32 s4, $0x1;
	s4 =	sadd.s32 s21, s2  }
0x9d: {  	[timem:s6], [sflag:s22] =	dma.local [hbm:s4], s20  }
0x9e: {  	_ =	swait.ge [sflag:s22], s20  }
0x9f: {  	s3 =	ssub.s32 $0x0, s20;
	[sflag:s22] =	ssyncset.done $0x0  }
0xa0: {  	[sflag:s22] =	ssyncadd.s32 s3;
	_ =	sdelay $0x1  }
0xa1: {  	s23 =	simm.s32 $0x1B8B  }
0xa2: {  	_ =	swait.ge [sflag:s23], $0x1  }
0xa3: {  	[sflag:s23] =	ssyncset.done $0x0  }
0xa4: {  	s25 =	simm.s32 $0x1B8E;
	s24 =	sld [smem:$0x3FFE];
	[sflag:s23] =	ssyncadd.s32 $0xFFFFFFFF  }
0xa5: {  	s26 =	simm.s32 $execute0_lowered;
	[smem:$0x3FD2] =	sst s25  }
0xa6: {  	s4 =	sshll.u32 s26, $0x1;
	_ =	strace $0x80000046;
	[dreg:$0x1] =	wrdreg $0xFFFFFFFF  }
0xa7: {  	s28 =	simm.s32 $_size_execute0_lowered;
	s2 =	sadd.s32 s2, s4;
	[dreg:$0x0] =	wrdreg $0x0  }
0xa8: {  	s4 =	sshll.u32 s28, $0x1;
	[dreg:$0x2] =	wrdreg s2  }
0xa9: {  	[dreg:$0x3] =	wrdreg s4  }
0xaa: {  	[dreg:$0x4] =	wrdreg $0xC0  }
0xab: {  	_ =	task [dreg:s6], $0x5FFFF  }
0xac: {  	[dreg:$0x1] =	wrdreg $0xFFFFFFFF  }
0xad: {  	[dreg:$0x0] =	wrdreg $0x60  }
0xae: {  	[dreg:$0x2] =	wrdreg s24  }
0xaf: {  	[dreg:$0x3] =	wrdreg $0x9  }
0xb0: {  	_ =	task.clear_ibuf [dreg:s6], $0x4FFFF;
	_ =	strace $0x90000046  }
0xb1: {  	s29 =	simm.s32 $0x9;
	_ =	strace $0x80000048  }
0xb2: {  	_ =	swait.ge [sflag:s29], $0x1  }
0xb3: {  	[sflag:s29] =	ssyncadd.s32 $0xFFFFFFFF  }
0xb4: {  	_ =	strace $0x90000048  }
0xb5: {  	_ =	sfence  }
0xb6: {  	s30 =	sld [smem:$0x0];
	_ =	sdelay $0x2  }
0xb7: {  	s31 =	sshll.u32 s1, $0xD;
	s1 =	sshrl.u32 s1, $0x2  }
0xb8: {  	s3 =	sand.u32 $0x4000, s31;
	s1 =	sadd.s32 s1, s30  }
0xb9: {  	s0 =	sor.u32 s3, s0;
	s1 =	sshll.u32 s1, $0x11  }
0xba: {  	s0 =	sor.u32 s1, s0  }
0xbb: {  	s0 =	sadd.s32 $0x8F2B, s0  }
0xbc: {  	[sflag:s0] =	ssyncadd.remote.s32 $0x1  }
0xbd: {  	_ =	sfence.sel $0xFFFF  }
0xbe: {  	[dreg:$0x0] =	wrdreg $0xFFFFFFFF;
	(pc) =	sbr.abs _section_cstart, $3  }
0xbf: {  	[dreg:$0x1] =	wrdreg $0xFFFFFFFF  }
0xc0: {  	_ =	task.clear_ibuf [dreg:s6], $0x2FFFF;
	_ =	strace $0x9FFFFFFF  }
0xc1: {  	(tm) =	ssettm $0x7FFFFFFF  }
tec
execute0_lowered:
.L_overlay_start_1:
0x0: {  	(tag) =	ssettag $0x1  }
0x1: {  	s0 =	srdreg.scid  }
0x2: {  	s10 =	stileid.u32;
	s1 =	rddreg [dreg:$0x0]  }
0x3: {  	s3 =	simm.s32 $0x0;
	s7 =	sand.u32 $0x1, s0;
	s22 =	sshll.u32 s10, $0x1  }
0x4: {  	[smem:$0x7FF] =	sst s3;
	s2 =	sor.u32 s7, s22  }
0x5: {  	s3 =	sadd.s32 $0x15000, s1;
	s4 =	sadd.s32 $0xD8600, s1;
	s0 =	smul.u32 $0x320, s2  }
0x6: {  	s5 =	sadd.s32 $0x19BC00, s1;
	_ =	strace $0x80000047  }
0x7: {  	s23 =	ssub.s32 $0x2, s7;
	s9 =	smul.u32 $0xE0000, s2;
	s6 =	sadd.s32 s0, s1  }
0x8: {  	s8 =	sshrl.u32 s23, $0x1;
	s25 =	smul.u32 $0x1C000, s2;
	s24 =	sadd.s32 $0x2400, s6  }
0x9: {  	s1 =	sadd.s32 $0x25F200, s1;
	s26 =	sadd.s32 $0x8800, s6;
	[dreg:$0x13] =	wrdreg s24  }
0xa: {  	s0 =	ssub.s32 s23, s8;
	s6 =	sadd.s32 $0xEC00, s6;
	[dreg:$0x14] =	wrdreg s26  }
0xb: {  	s11 =	sshrl.u32 s9, $0x3;
	s0 =	smax.u32 s0, $0x1;
	[dreg:$0x15] =	wrdreg s6  }
0xc: {  	s2 =	sadd.s32 s1, s11;
	s11 =	sadd.s32 s1, s25;
	[smem:$0x7F2] =	sst s0  }
0xd: {  	s28 =	simm.s32 $0x3;
	s14 =	sadd.s32 $0x17A00, s2;
	[dreg:$0x16] =	wrdreg s11  }
0xe: {  	s29 =	simm.s32 $0x40;
	s15 =	sadd.s32 $0x17D80, s2;
	[dreg:$0x17] =	wrdreg s14  }
0xf: {  	s30 =	simm.s32 $0x80;
	s16 =	sadd.s32 $0x18100, s2;
	[dreg:$0x18] =	wrdreg s15  }
0x10: {  	s12 =	smul.u32 $0x1C0000, s10;
	s17 =	sadd.s32 $0x18480, s2;
	[dreg:$0x19] =	wrdreg s16  }
0x11: {  	s13 =	smul.u32 $0xE0000, s7;
	s18 =	sadd.s32 $0x18800, s2;
	[dreg:$0x1a] =	wrdreg s17  }
0x12: {  	s22 =	smul.u32 $0x38000, s10;
	s19 =	sadd.s32 $0x18B80, s2;
	[dreg:$0x1b] =	wrdreg s18  }
0x13: {  	s7 =	smul.u32 $0x1C000, s7;
	s21 =	sadd.s32 $0x18F00, s2;
	[dreg:$0x1c] =	wrdreg s19  }
0x14: {  	s6 =	sadd.s32 s13, s12;
	s23 =	sadd.s32 $0x19280, s2;
	[dreg:$0x1d] =	wrdreg s21  }
0x15: {  	s24 =	sadd.s32 s22, s1;
	s26 =	sadd.s32 $0x19600, s2;
	[dreg:$0x1e] =	wrdreg s23  }
0x16: {  	s20 =	sadd.s32 $0x21400, s6;
	s25 =	sor.u32 $0x1A400, s6;
	[dreg:$0x1f] =	wrdreg s26  }
0x17: {  	s7 =	sadd.s32 s7, s24;
	s12 =	sor.u32 $0x18800, s6;
	s15 =	sadd.s32 $0x4B400, s6  }
0x18: {  	s19 =	sadd.s32 $0x49800, s6;
	s22 =	sadd.s32 $0x42800, s6;
	s8 =	sshrl.u32 s20, $0x3  }
0x19: {  	[dreg:$0x3] =	wrdreg s7;
	s20 =	sshrl.u32 s19, $0x3;
	s19 =	sadd.s32 $0x19980, s2  }
0x1a: {  	s9 =	sshrl.u32 s25, $0x3;
	s8 =	sadd.s32 s8, s1;
	[smem:$0x7E7] =	sst s19  }
0x1b: {  	s13 =	sshrl.u32 s12, $0x3;
	s10 =	sadd.s32 s9, s1;
	[dreg:$0x2] =	wrdreg s8  }
0x1c: {  	s17 =	sshrl.u32 s15, $0x3;
	s7 =	sadd.s32 s13, s1;
	[dreg:$0x4] =	wrdreg s10  }
0x1d: {  	s24 =	sshrl.u32 s22, $0x3;
	s18 =	sadd.s32 s17, s1;
	[dreg:$0x5] =	wrdreg s7  }
0x1e: {  	s26 =	sadd.s32 $0x40C00, s6;
	s25 =	sadd.s32 s24, s1;
	[dreg:$0x7] =	wrdreg s18  }
0x1f: {  	s9 =	sshrl.u32 s26, $0x3;
	s26 =	sadd.s32 $0x1A080, s2;
	[dreg:$0xa] =	wrdreg s25  }
0x20: {  	s14 =	sor.u32 $0x16C00, s6;
	s19 =	sadd.s32 $0xE00, s11;
	[smem:$0x7E9] =	sst s26  }
0x21: {  	s12 =	sadd.s32 $0x26800, s6;
	s7 =	sadd.s32 s20, s1;
	[smem:$0x7F6] =	sst s19  }
0x22: {  	s8 =	sshrl.u32 s14, $0x3;
	s25 =	sadd.s32 $0x19D00, s2;
	[dreg:$0x8] =	wrdreg s7  }
0x23: {  	s14 =	sshrl.u32 s12, $0x3;
	s12 =	sadd.s32 $0x1B200, s2;
	[smem:$0x7E8] =	sst s25  }
0x24: {  	s31 =	simm.s32 $0x11;
	s26 =	sadd.s32 $0x2680, s11;
	[smem:$0x7EE] =	sst s12  }
0x25: {  	s0 =	simm.s32 $0x17;
	s16 =	sadd.s32 s8, s1;
	[smem:$0x7FD] =	sst s26  }
0x26: {  	s21 =	sadd.s32 $0x44400, s6;
	s7 =	sadd.s32 s9, s1;
	[dreg:$0x6] =	wrdreg s16  }
0x27: {  	s10 =	sadd.s32 $0x28400, s6;
	s15 =	sadd.s32 s14, s1;
	[dreg:$0xb] =	wrdreg s7  }
0x28: {  	s18 =	sadd.s32 $0x2D800, s6;
	s9 =	sadd.s32 $0x1AB00, s2;
	[dreg:$0xd] =	wrdreg s15  }
0x29: {  	s19 =	simm.s32 $0xC8;
	s14 =	sadd.s32 $0x1B900, s2;
	[smem:$0x7EC] =	sst s9  }
0x2a: {  	s8 =	sshrl.u32 s21, $0x3;
	s25 =	sadd.s32 $0x2300, s11;
	[smem:$0x7F0] =	sst s14  }
0x2b: {  	s21 =	sadd.s32 $0x36400, s6;
	s23 =	sadd.s32 s8, s1;
	[smem:$0x7FC] =	sst s25  }
0x2c: {  	s8 =	sshrl.u32 s10, $0x3;
	s10 =	sadd.s32 $0x1AE80, s2;
	[dreg:$0x9] =	wrdreg s23  }
0x2d: {  	s26 =	simm.s32 $0x4;
	s15 =	sadd.s32 $0x1BC80, s2;
	[smem:$0x7ED] =	sst s10  }
0x2e: {  	s22 =	sshrl.u32 s21, $0x3;
	s21 =	sadd.s32 $0x1500, s11;
	[smem:$0x7F1] =	sst s15  }
0x2f: {  	s16 =	sadd.s32 $0x24C00, s6;
	s13 =	sadd.s32 s8, s1;
	[smem:$0x7F8] =	sst s21  }
0x30: {  	s17 =	sshrl.u32 s16, $0x3;
	s16 =	sadd.s32 $0x380, s11;
	[dreg:$0xc] =	wrdreg s13  }
0x31: {  	s8 =	sshrl.u32 s18, $0x3;
	s18 =	sadd.s32 $0xA80, s11;
	[smem:$0x7F3] =	sst s16  }
0x32: {  	s9 =	simm.s32 $0x14;
	s7 =	sadd.s32 s17, s1;
	[smem:$0x7F5] =	sst s18  }
0x33: {  	s25 =	simm.s32 $0x15;
	s20 =	sadd.s32 s8, s1;
	[dreg:$0xe] =	wrdreg s7  }
0x34: {  	s23 =	sadd.s32 $0x34800, s6;
	s13 =	sadd.s32 $0x1B580, s2;
	[dreg:$0xf] =	wrdreg s20  }
0x35: {  	s6 =	sadd.s32 $0x32C00, s6;
	s17 =	sadd.s32 $0x700, s11;
	[smem:$0x7EF] =	sst s13  }
0x36: {  	s8 =	sshrl.u32 s23, $0x3;
	s23 =	sadd.s32 $0x1C00, s11;
	[smem:$0x7F4] =	sst s17  }
0x37: {  	s10 =	simm.s32 $0x1;
	s7 =	sadd.s32 s22, s1;
	[smem:$0x7FA] =	sst s23  }
0x38: {  	s6 =	sshrl.u32 s6, $0x3;
	s24 =	sadd.s32 s8, s1;
	[dreg:$0x10] =	wrdreg s7  }
0x39: {  	s21 =	simm.s32 $0x9;
	s1 =	sadd.s32 s6, s1;
	[dreg:$0x11] =	wrdreg s24  }
0x3a: {  	s16 =	simm.s32 $0x18;
	s8 =	sadd.s32 $0x1A780, s2;
	[dreg:$0x12] =	wrdreg s1  }
0x3b: {  	s20 =	sadd.s32 $0x1180, s11;
	s22 =	sadd.s32 $0x1880, s11;
	[smem:$0x7EB] =	sst s8  }
0x3c: {  	s13 =	simm.s32 $0x4B00;
	s23 =	simm.s32 $0x2;
	[smem:$0x7F7] =	sst s20  }
0x3d: {  	s7 =	sadd.s32 $0x1A400, s2;
	[smem:$0x7F9] =	sst s22;
	s24 =	sadd.s32 $0x1F80, s11  }
0x3e: {  	s22 =	simm.s32 $0x7D00;
	s8 =	simm.s32 $0xAF00;
	s1 =	simm.s32 $0x12  }
0x3f: {  	s2 =	simm.s32 $0x13;
	s11 =	simm.s32 $0x0;
	[smem:$0x7EA] =	sst s7  }
0x40: {  	[smem:$0x7FB] =	sst s24;
	s24 =	simm.s32 $0x5780;
	s7 =	simm.s32 $0x16  }
.LBB2_1:
0x41: {  	[smem:$0x7E6] =	sst s11  }
0x42: {  	s6 =	simm.s32 $0x0;
	s12 =	rddreg [dreg:$0x13];
	s17 =	simm.s32 $0x19  }
0x43: {  	[tilespmem:s6], [sflag:$0x19] =	stream.linear.gather [hbm4b:s12+s6], $0x1900, $0x38;
	[tilespmem:$0x1DB00] =	vst v63  }
0x44: {  	_ =	swait.ge [sflag:s17], $0x1900  }
0x45: {  	[sflag:s17] =	ssyncset.done $0x0  }
0x46: {  	s18 =	simm.s32 $0x1900;
	s11 =	rddreg [dreg:$0x14];
	[sflag:s17] =	ssyncadd.s32 $0xFFFFE700  }
0x47: {  	[tilespmem:s18], [sflag:$0x19] =	stream.linear.gather [hbm4b:s11+s6], $0x1900, $0x38;
	[tilespmem:$0x1DB00] =	vst v63  }
0x48: {  	_ =	swait.ge [sflag:s17], $0x1900  }
0x49: {  	[sflag:s17] =	ssyncset.done $0x0  }
0x4a: {  	s20 =	simm.s32 $0x3200;
	s14 =	rddreg [dreg:$0x15];
	[sflag:s17] =	ssyncadd.s32 $0xFFFFE700  }
0x4b: {  	[tilespmem:s20], [sflag:$0x19] =	stream.linear.gather [hbm4b:s14+s6], $0x1900, $0x38;
	[tilespmem:$0x1DB00] =	vst v63  }
0x4c: {  	_ =	swait.ge [sflag:s17], $0x1900  }
0x4d: {  	[sflag:s17] =	ssyncset.done $0x0  }
0x4e: {  	[sflag:s17] =	ssyncadd.s32 $0xFFFFE700  }
0x4f: {  	[tilespmem:s13], [sflag:$0x1] =	stream.indirect.gather [hbm4b:s3+s19], $0x40, s6, s19, $0xb8;
	[tilespmem:$0x1DB00] =	vst v63  }
0x50: {  	_ = 	snop  }
0x51: {  	[tilespmem:s22], [sflag:$0x2] =	stream.indirect.gather [hbm4b:s3+s19], $0x40, s19, s19, $0xb8;
	[tilespmem:$0x1DB00] =	vst v63  }
0x52: {  	s15 =	simm.s32 $0x190  }
0x53: {  	[tilespmem:s8], [sflag:$0x3] =	stream.indirect.gather [hbm4b:s3+s19], $0x40, s15, s19, $0xb8;
	[tilespmem:$0x1DB00] =	vst v63  }
0x54: {  	s17 =	simm.s32 $0x258;
	s15 =	simm.s32 $0xE100  }
0x55: {  	[tilespmem:s15], [sflag:$0x4] =	stream.indirect.gather [hbm4b:s3+s19], $0x40, s17, s19, $0xb8;
	[tilespmem:$0x1DB00] =	vst v63  }
0x56: {  	_ =	swait.ge [sflag:s10], $0x3200  }
0x57: {  	[sflag:s10] =	ssyncset.done $0x0  }
0x58: {  	[sflag:s10] =	ssyncadd.s32 $0xFFFFCE00  }
0x59: {  	[tilespmem:s13], [sflag:$0x9] =	stream.indirect.gather.add.f32 [hbm:s4], $0x40, s18, s19, $0xb8;
	[tilespmem:$0x1DB00] =	vst v63  }
0x5a: {  	_ = 	snop  }
0x5b: {  	[tilespmem:s13], [sflag:$0x9] =	stream.indirect.gather.add.f32 [hbm:s5], $0x40, s20, s19, $0xb8;
	[tilespmem:$0x1DB00] =	vst v63  }
0x5c: {  	s17 =	simm.s32 $0x11300;
	s20 =	simm.s32 $0x320  }
0x5d: {  	[tilespmem:s17], [sflag:$0x5] =	stream.indirect.gather [hbm4b:s3+s19], $0x40, s20, s19, $0xb8;
	[tilespmem:$0x1DB00] =	vst v63  }
0x5e: {  	_ =	swait.ge [sflag:s23], $0x3200  }
0x5f: {  	[sflag:s23] =	ssyncset.done $0x0  }
0x60: {  	s11 =	simm.s32 $0x19C8;
	[sflag:s23] =	ssyncadd.s32 $0xFFFFCE00  }
0x61: {  	[tilespmem:s22], [sflag:$0xA] =	stream.indirect.gather.add.f32 [hbm:s4], $0x40, s11, s19, $0xb8;
	[tilespmem:$0x1DB00] =	vst v63  }
0x62: {  	s12 =	simm.s32 $0x32C8  }
0x63: {  	[tilespmem:s22], [sflag:$0xA] =	stream.indirect.gather.add.f32 [hbm:s5], $0x40, s12, s19, $0xb8;
	[tilespmem:$0x1DB00] =	vst v63  }
0x64: {  	s14 =	simm.s32 $0x3E8;
	s18 =	simm.s32 $0x14500  }
0x65: {  	[tilespmem:s18], [sflag:$0x6] =	stream.indirect.gather [hbm4b:s3+s19], $0x40, s14, s19, $0xb8;
	[tilespmem:$0x1DB00] =	vst v63  }
0x66: {  	_ =	swait.ge [sflag:s28], $0x3200  }
0x67: {  	[sflag:s28] =	ssyncset.done $0x0  }
0x68: {  	s20 =	simm.s32 $0x1A90;
	[sflag:s28] =	ssyncadd.s32 $0xFFFFCE00  }
0x69: {  	[tilespmem:s8], [sflag:$0xB] =	stream.indirect.gather.add.f32 [hbm:s4], $0x40, s20, s19, $0xb8;
	[tilespmem:$0x1DB00] =	vst v63  }
0x6a: {  	s11 =	simm.s32 $0x3390  }
0x6b: {  	[tilespmem:s8], [sflag:$0xB] =	stream.indirect.gather.add.f32 [hbm:s5], $0x40, s11, s19, $0xb8;
	[tilespmem:$0x1DB00] =	vst v63  }
0x6c: {  	_ =	swait.ge [sflag:s21], $0x3200  }
0x6d: {  	[sflag:s21] =	ssyncset.done $0x0  }
0x6e: {  	[sflag:s21] =	ssyncadd.s32 $0xFFFFCE00  }
0x6f: {  	_ =	swait.ge [sflag:s21], $0x3200  }
0x70: {  	[sflag:s21] =	ssyncset.done $0x0;
	s12 =	rddreg [dreg:$0x16]  }
0x71: {  	s14 =	sld [smem:$0x7F3];
	[sflag:s21] =	ssyncadd.s32 $0xFFFFCE00  }
0x72: {  	[hbm4b:s12+s29] =	stream.strided.scatter [tilespmem:s13], [sflag:$0x11], $0xC80, s30, s29, $0x38;
	[tilespmem:$0x1DB00] =	vst v63  }
0x73: {  	s18 =	sld [smem:$0x7F4]  }
0x74: {  	[hbm4b:s14+s29] =	stream.strided.scatter [tilespmem:s24], [sflag:$0x11], $0xC80, s30, s29, $0x38;
	[tilespmem:$0x1DB00] =	vst v63  }
0x75: {  	s20 =	simm.s32 $0x6400;
	s21 =	sld [smem:$0x7F5]  }
0x76: {  	[hbm4b:s18+s29] =	stream.strided.scatter [tilespmem:s20], [sflag:$0x11], $0xC80, s30, s29, $0x38;
	[tilespmem:$0x1DB00] =	vst v63  }
0x77: {  	s24 =	simm.s32 $0x7080  }
0x78: {  	[hbm4b:s21+s29] =	stream.strided.scatter [tilespmem:s24], [sflag:$0x11], $0xC80, s30, s29, $0x38;
	[tilespmem:$0x1DB00] =	vst v63  }
0x79: {  	s11 =	simm.s32 $0x4B0;
	s12 =	simm.s32 $0x17700  }
0x7a: {  	[tilespmem:s12], [sflag:$0x7] =	stream.indirect.gather [hbm4b:s3+s19], $0x40, s11, s19, $0xb8;
	[tilespmem:$0x1DB00] =	vst v63  }
0x7b: {  	_ =	swait.ge [sflag:s26], $0x3200  }
0x7c: {  	[sflag:s26] =	ssyncset.done $0x0  }
0x7d: {  	s14 =	simm.s32 $0x1B58;
	[sflag:s26] =	ssyncadd.s32 $0xFFFFCE00  }
0x7e: {  	[tilespmem:s15], [sflag:$0xC] =	stream.indirect.gather.add.f32 [hbm:s4], $0x40, s14, s19, $0xb8;
	[tilespmem:$0x1DB00] =	vst v63  }
0x7f: {  	s18 =	simm.s32 $0x3458;
	s11 =	simm.s32 $0xA  }
0x80: {  	[tilespmem:s15], [sflag:$0xC] =	stream.indirect.gather.add.f32 [hbm:s5], $0x40, s18, s19, $0xb8;
	[tilespmem:$0x1DB00] =	vst v63  }
0x81: {  	_ =	swait.ge [sflag:s11], $0x3200  }
0x82: {  	[sflag:s11] =	ssyncset.done $0x0  }
0x83: {  	[sflag:s11] =	ssyncadd.s32 $0xFFFFCE00  }
0x84: {  	_ =	swait.ge [sflag:s11], $0x3200  }
0x85: {  	s20 =	sld [smem:$0x7F6]  }
0x86: {  	[sflag:s11] =	ssyncset.done $0x0  }
0x87: {  	s21 =	sld [smem:$0x7F7];
	[sflag:s11] =	ssyncadd.s32 $0xFFFFCE00  }
0x88: {  	[hbm4b:s20+s29] =	stream.strided.scatter [tilespmem:s22], [sflag:$0x12], $0xC80, s30, s29, $0x38;
	[tilespmem:$0x1DB00] =	vst v63  }
0x89: {  	s24 =	simm.s32 $0x8980;
	s12 =	sld [smem:$0x7F8]  }
0x8a: {  	[hbm4b:s21+s29] =	stream.strided.scatter [tilespmem:s24], [sflag:$0x12], $0xC80, s30, s29, $0x38;
	[tilespmem:$0x1DB00] =	vst v63  }
0x8b: {  	s14 =	simm.s32 $0x9600;
	s18 =	sld [smem:$0x7F9]  }
0x8c: {  	[hbm4b:s12+s29] =	stream.strided.scatter [tilespmem:s14], [sflag:$0x12], $0xC80, s30, s29, $0x38;
	[tilespmem:$0x1DB00] =	vst v63  }
0x8d: {  	s20 =	simm.s32 $0xA280  }
0x8e: {  	[hbm4b:s18+s29] =	stream.strided.scatter [tilespmem:s20], [sflag:$0x12], $0xC80, s30, s29, $0x38;
	[tilespmem:$0x1DB00] =	vst v63  }
0x8f: {  	s21 =	simm.s32 $0x578;
	s24 =	simm.s32 $0x1A900;
	s18 =	simm.s32 $0x5  }
0x90: {  	[tilespmem:s24], [sflag:$0x8] =	stream.indirect.gather [hbm4b:s3+s19], $0x40, s21, s19, $0xb8;
	[tilespmem:$0x1DB00] =	vst v63  }
0x91: {  	_ =	swait.ge [sflag:s18], $0x3200  }
0x92: {  	[sflag:s18] =	ssyncset.done $0x0  }
0x93: {  	s12 =	simm.s32 $0x1C20;
	[sflag:s18] =	ssyncadd.s32 $0xFFFFCE00  }
0x94: {  	[tilespmem:s17], [sflag:$0xD] =	stream.indirect.gather.add.f32 [hbm:s4], $0x40, s12, s19, $0xb8;
	[tilespmem:$0x1DB00] =	vst v63  }
0x95: {  	s14 =	simm.s32 $0x3520  }
0x96: {  	[tilespmem:s17], [sflag:$0xD] =	stream.indirect.gather.add.f32 [hbm:s5], $0x40, s14, s19, $0xb8;
	[tilespmem:$0x1DB00] =	vst v63  }
0x97: {  	s14 =	simm.s32 $0xB  }
0x98: {  	_ =	swait.ge [sflag:s14], $0x3200  }
0x99: {  	[sflag:s14] =	ssyncset.done $0x0  }
0x9a: {  	[sflag:s14] =	ssyncadd.s32 $0xFFFFCE00  }
0x9b: {  	_ =	swait.ge [sflag:s14], $0x3200  }
0x9c: {  	s20 =	sld [smem:$0x7FA]  }
0x9d: {  	[sflag:s14] =	ssyncset.done $0x0  }
0x9e: {  	s21 =	sld [smem:$0x7FB];
	[sflag:s14] =	ssyncadd.s32 $0xFFFFCE00  }
0x9f: {  	[hbm4b:s20+s29] =	stream.strided.scatter [tilespmem:s8], [sflag:$0x13], $0xC80, s30, s29, $0x38;
	[tilespmem:$0x1DB00] =	vst v63  }
0xa0: {  	s24 =	simm.s32 $0xBB80;
	s12 =	sld [smem:$0x7FC]  }
0xa1: {  	[hbm4b:s21+s29] =	stream.strided.scatter [tilespmem:s24], [sflag:$0x13], $0xC80, s30, s29, $0x38;
	[tilespmem:$0x1DB00] =	vst v63  }
0xa2: {  	s20 =	simm.s32 $0xC800;
	s21 =	sld [smem:$0x7FD]  }
0xa3: {  	[hbm4b:s12+s29] =	stream.strided.scatter [tilespmem:s20], [sflag:$0x13], $0xC80, s30, s29, $0x38;
	[tilespmem:$0x1DB00] =	vst v63  }
0xa4: {  	s24 =	simm.s32 $0xD480  }
0xa5: {  	[hbm4b:s21+s29] =	stream.strided.scatter [tilespmem:s24], [sflag:$0x13], $0xC80, s30, s29, $0x38;
	[tilespmem:$0x1DB00] =	vst v63  }
0xa6: {  	_ =	swait.ge [sflag:s31], $0xC80  }
0xa7: {  	[sflag:s31] =	ssyncset.done $0x0  }
0xa8: {  	[sflag:s31] =	ssyncadd.s32 $0xFFFFF380  }
0xa9: {  	_ =	swait.ge [sflag:s31], $0xC80  }
0xaa: {  	[sflag:s31] =	ssyncset.done $0x0  }
0xab: {  	[sflag:s31] =	ssyncadd.s32 $0xFFFFF380  }
0xac: {  	_ =	swait.ge [sflag:s31], $0xC80  }
0xad: {  	[sflag:s31] =	ssyncset.done $0x0  }
0xae: {  	[sflag:s31] =	ssyncadd.s32 $0xFFFFF380  }
0xaf: {  	_ =	swait.ge [sflag:s31], $0xC80  }
0xb0: {  	[sflag:s31] =	ssyncset.done $0x0  }
0xb1: {  	[sflag:s31] =	ssyncadd.s32 $0xFFFFF380  }
0xb2: {  	_ =	swait.ge [sflag:s1], $0xC80  }
0xb3: {  	[sflag:s1] =	ssyncset.done $0x0  }
0xb4: {  	[sflag:s1] =	ssyncadd.s32 $0xFFFFF380  }
0xb5: {  	_ =	swait.ge [sflag:s1], $0xC80  }
0xb6: {  	[sflag:s1] =	ssyncset.done $0x0  }
0xb7: {  	[sflag:s1] =	ssyncadd.s32 $0xFFFFF380  }
0xb8: {  	_ =	swait.ge [sflag:s1], $0xC80  }
0xb9: {  	[sflag:s1] =	ssyncset.done $0x0  }
0xba: {  	[sflag:s1] =	ssyncadd.s32 $0xFFFFF380  }
0xbb: {  	_ =	swait.ge [sflag:s1], $0xC80  }
0xbc: {  	[sflag:s1] =	ssyncset.done $0x0  }
0xbd: {  	s6 =	simm.s32 $0x640;
	s20 =	simm.s32 $0x6;
	[sflag:s1] =	ssyncadd.s32 $0xFFFFF380  }
0xbe: {  	[tilespmem:s13], [sflag:$0x1] =	stream.indirect.gather [hbm4b:s3+s19], $0x40, s6, s19, $0xb8;
	[tilespmem:$0x1DB00] =	vst v63  }
0xbf: {  	_ =	swait.ge [sflag:s20], $0x3200  }
0xc0: {  	[sflag:s20] =	ssyncset.done $0x0  }
0xc1: {  	s21 =	simm.s32 $0x1CE8;
	s24 =	simm.s32 $0x14500;
	[sflag:s20] =	ssyncadd.s32 $0xFFFFCE00  }
0xc2: {  	[tilespmem:s24], [sflag:$0xE] =	stream.indirect.gather.add.f32 [hbm:s4], $0x40, s21, s19, $0xb8;
	[tilespmem:$0x1DB00] =	vst v63  }
0xc3: {  	s20 =	simm.s32 $0x35E8;
	s21 =	simm.s32 $0xC  }
0xc4: {  	[tilespmem:s24], [sflag:$0xE] =	stream.indirect.gather.add.f32 [hbm:s5], $0x40, s20, s19, $0xb8;
	[tilespmem:$0x1DB00] =	vst v63  }
0xc5: {  	_ =	swait.ge [sflag:s21], $0x3200  }
0xc6: {  	[sflag:s21] =	ssyncset.done $0x0  }
0xc7: {  	[sflag:s21] =	ssyncadd.s32 $0xFFFFCE00  }
0xc8: {  	_ =	swait.ge [sflag:s21], $0x3200  }
0xc9: {  	s24 =	rddreg [dreg:$0x3]  }
0xca: {  	[sflag:s21] =	ssyncset.done $0x0;
	s12 =	sadd.s32 $0x0, s24  }
0xcb: {  	s20 =	rddreg [dreg:$0x6];
	[sflag:s21] =	ssyncadd.s32 $0xFFFFCE00;
	s6 =	sadd.s32 $0x2A00, s12  }
0xcc: {  	[hbm4b:s6+s29] =	stream.strided.scatter [tilespmem:s15], [sflag:$0x14], $0xC80, s30, s29, $0x38;
	[tilespmem:$0x1DB00] =	vst v63  }
0xcd: {  	s21 =	rddreg [dreg:$0x5];
	s20 =	sadd.s32 $0x0, s20;
	s6 =	simm.s32 $0xED80  }
0xce: {  	[hbm4b:s20+s29] =	stream.strided.scatter [tilespmem:s6], [sflag:$0x14], $0xC80, s30, s29, $0x38;
	[tilespmem:$0x1DB00] =	vst v63  }
0xcf: {  	s21 =	sadd.s32 $0x0, s21;
	s20 =	rddreg [dreg:$0x4];
	s6 =	simm.s32 $0xFA00  }
0xd0: {  	[hbm4b:s21+s29] =	stream.strided.scatter [tilespmem:s6], [sflag:$0x14], $0xC80, s30, s29, $0x38;
	[tilespmem:$0x1DB00] =	vst v63  }
0xd1: {  	s20 =	sadd.s32 $0x0, s20;
	s21 =	simm.s32 $0x10680  }
0xd2: {  	[hbm4b:s20+s29] =	stream.strided.scatter [tilespmem:s21], [sflag:$0x14], $0xC80, s30, s29, $0x38;
	[tilespmem:$0x1DB00] =	vst v63  }
0xd3: {  	_ =	swait.ge [sflag:s2], $0xC80  }
0xd4: {  	[sflag:s2] =	ssyncset.done $0x0  }
0xd5: {  	[sflag:s2] =	ssyncadd.s32 $0xFFFFF380  }
0xd6: {  	_ =	swait.ge [sflag:s2], $0xC80  }
0xd7: {  	[sflag:s2] =	ssyncset.done $0x0  }
0xd8: {  	[sflag:s2] =	ssyncadd.s32 $0xFFFFF380  }
0xd9: {  	_ =	swait.ge [sflag:s2], $0xC80  }
0xda: {  	[sflag:s2] =	ssyncset.done $0x0  }
0xdb: {  	[sflag:s2] =	ssyncadd.s32 $0xFFFFF380  }
0xdc: {  	_ =	swait.ge [sflag:s2], $0xC80  }
0xdd: {  	[sflag:s2] =	ssyncset.done $0x0  }
0xde: {  	s6 =	simm.s32 $0x708;
	s20 =	simm.s32 $0x7;
	[sflag:s2] =	ssyncadd.s32 $0xFFFFF380  }
0xdf: {  	[tilespmem:s22], [sflag:$0x2] =	stream.indirect.gather [hbm4b:s3+s19], $0x40, s6, s19, $0xb8;
	[tilespmem:$0x1DB00] =	vst v63  }
0xe0: {  	_ =	swait.ge [sflag:s20], $0x3200  }
0xe1: {  	[sflag:s20] =	ssyncset.done $0x0  }
0xe2: {  	s21 =	simm.s32 $0x1DB0;
	s6 =	simm.s32 $0x17700;
	[sflag:s20] =	ssyncadd.s32 $0xFFFFCE00  }
0xe3: {  	[tilespmem:s6], [sflag:$0xF] =	stream.indirect.gather.add.f32 [hbm:s4], $0x40, s21, s19, $0xb8;
	[tilespmem:$0x1DB00] =	vst v63  }
0xe4: {  	s20 =	simm.s32 $0xD;
	s21 =	simm.s32 $0x36B0  }
0xe5: {  	[tilespmem:s6], [sflag:$0xF] =	stream.indirect.gather.add.f32 [hbm:s5], $0x40, s21, s19, $0xb8;
	[tilespmem:$0x1DB00] =	vst v63  }
0xe6: {  	_ =	swait.ge [sflag:s20], $0x3200  }
0xe7: {  	[sflag:s20] =	ssyncset.done $0x0  }
0xe8: {  	[sflag:s20] =	ssyncadd.s32 $0xFFFFCE00  }
0xe9: {  	_ =	swait.ge [sflag:s20], $0x3200  }
0xea: {  	[sflag:s20] =	ssyncset.done $0x0  }
0xeb: {  	s21 =	sadd.s32 $0x3800, s12;
	[sflag:s20] =	ssyncadd.s32 $0xFFFFCE00  }
0xec: {  	[hbm4b:s21+s29] =	stream.strided.scatter [tilespmem:s17], [sflag:$0x15], $0xC80, s30, s29, $0x38;
	[tilespmem:$0x1DB00] =	vst v63  }
0xed: {  	s6 =	simm.s32 $0x11F80;
	s20 =	sadd.s32 $0x3B80, s12  }
0xee: {  	[hbm4b:s20+s29] =	stream.strided.scatter [tilespmem:s6], [sflag:$0x15], $0xC80, s30, s29, $0x38;
	[tilespmem:$0x1DB00] =	vst v63  }
0xef: {  	s21 =	rddreg [dreg:$0x2];
	s20 =	sadd.s32 $0x3F00, s12;
	s6 =	simm.s32 $0x12C00  }
0xf0: {  	[hbm4b:s20+s29] =	stream.strided.scatter [tilespmem:s6], [sflag:$0x15], $0xC80, s30, s29, $0x38;
	[tilespmem:$0x1DB00] =	vst v63  }
0xf1: {  	s6 =	sadd.s32 $0x0, s21;
	s21 =	simm.s32 $0x13880  }
0xf2: {  	[hbm4b:s6+s29] =	stream.strided.scatter [tilespmem:s21], [sflag:$0x15], $0xC80, s30, s29, $0x38;
	[tilespmem:$0x1DB00] =	vst v63  }
0xf3: {  	_ =	swait.ge [sflag:s9], $0xC80  }
0xf4: {  	[sflag:s9] =	ssyncset.done $0x0  }
0xf5: {  	[sflag:s9] =	ssyncadd.s32 $0xFFFFF380  }
0xf6: {  	_ =	swait.ge [sflag:s9], $0xC80  }
0xf7: {  	[sflag:s9] =	ssyncset.done $0x0  }
0xf8: {  	[sflag:s9] =	ssyncadd.s32 $0xFFFFF380  }
0xf9: {  	_ =	swait.ge [sflag:s9], $0xC80  }
0xfa: {  	[sflag:s9] =	ssyncset.done $0x0  }
0xfb: {  	[sflag:s9] =	ssyncadd.s32 $0xFFFFF380  }
0xfc: {  	_ =	swait.ge [sflag:s9], $0xC80  }
0xfd: {  	[sflag:s9] =	ssyncset.done $0x0  }
0xfe: {  	s20 =	simm.s32 $0x8;
	s6 =	simm.s32 $0x7D0;
	[sflag:s9] =	ssyncadd.s32 $0xFFFFF380  }
0xff: {  	[tilespmem:s8], [sflag:$0x3] =	stream.indirect.gather [hbm4b:s3+s19], $0x40, s6, s19, $0xb8;
	[tilespmem:$0x1DB00] =	vst v63  }
0x100: {  	_ =	swait.ge [sflag:s20], $0x3200  }
0x101: {  	[sflag:s20] =	ssyncset.done $0x0  }
0x102: {  	s21 =	simm.s32 $0x1E78;
	s6 =	simm.s32 $0x1A900;
	[sflag:s20] =	ssyncadd.s32 $0xFFFFCE00  }
0x103: {  	[tilespmem:s6], [sflag:$0x10] =	stream.indirect.gather.add.f32 [hbm:s4], $0x40, s21, s19, $0xb8;
	[tilespmem:$0x1DB00] =	vst v63  }
0x104: {  	s21 =	simm.s32 $0x3778  }
0x105: {  	[tilespmem:s6], [sflag:$0x10] =	stream.indirect.gather.add.f32 [hbm:s5], $0x40, s21, s19, $0xb8;
	[tilespmem:$0x1DB00] =	vst v63  }
0x106: {  	s21 =	simm.s32 $0xE  }
0x107: {  	_ =	swait.ge [sflag:s21], $0x3200  }
0x108: {  	[sflag:s21] =	ssyncset.done $0x0  }
0x109: {  	[sflag:s21] =	ssyncadd.s32 $0xFFFFCE00  }
0x10a: {  	_ =	swait.ge [sflag:s21], $0x3200  }
0x10b: {  	s6 =	simm.s32 $0x14500;
	[sflag:s21] =	ssyncset.done $0x0  }
0x10c: {  	s20 =	rddreg [dreg:$0xe];
	[sflag:s21] =	ssyncadd.s32 $0xFFFFCE00;
	s21 =	sadd.s32 $0x4600, s12  }
0x10d: {  	[hbm4b:s21+s29] =	stream.strided.scatter [tilespmem:s6], [sflag:$0x16], $0xC80, s30, s29, $0x38;
	[tilespmem:$0x1DB00] =	vst v63  }
0x10e: {  	s20 =	sadd.s32 $0x0, s20;
	s21 =	rddreg [dreg:$0xd];
	s6 =	simm.s32 $0x15180  }
0x10f: {  	[hbm4b:s20+s29] =	stream.strided.scatter [tilespmem:s6], [sflag:$0x16], $0xC80, s30, s29, $0x38;
	[tilespmem:$0x1DB00] =	vst v63  }
0x110: {  	s21 =	sadd.s32 $0x0, s21;
	s20 =	rddreg [dreg:$0xc];
	s6 =	simm.s32 $0x15E00  }
0x111: {  	[hbm4b:s21+s29] =	stream.strided.scatter [tilespmem:s6], [sflag:$0x16], $0xC80, s30, s29, $0x38;
	[tilespmem:$0x1DB00] =	vst v63  }
0x112: {  	s20 =	sadd.s32 $0x0, s20;
	s21 =	simm.s32 $0x16A80  }
0x113: {  	[hbm4b:s20+s29] =	stream.strided.scatter [tilespmem:s21], [sflag:$0x16], $0xC80, s30, s29, $0x38;
	[tilespmem:$0x1DB00] =	vst v63  }
0x114: {  	_ =	swait.ge [sflag:s25], $0xC80  }
0x115: {  	[sflag:s25] =	ssyncset.done $0x0  }
0x116: {  	[sflag:s25] =	ssyncadd.s32 $0xFFFFF380  }
0x117: {  	_ =	swait.ge [sflag:s25], $0xC80  }
0x118: {  	[sflag:s25] =	ssyncset.done $0x0  }
0x119: {  	[sflag:s25] =	ssyncadd.s32 $0xFFFFF380  }
0x11a: {  	_ =	swait.ge [sflag:s25], $0xC80  }
0x11b: {  	[sflag:s25] =	ssyncset.done $0x0  }
0x11c: {  	[sflag:s25] =	ssyncadd.s32 $0xFFFFF380  }
0x11d: {  	_ =	swait.ge [sflag:s25], $0xC80  }
0x11e: {  	[sflag:s25] =	ssyncset.done $0x0  }
0x11f: {  	s21 =	simm.s32 $0x898;
	[sflag:s25] =	ssyncadd.s32 $0xFFFFF380  }
0x120: {  	[tilespmem:s15], [sflag:$0x4] =	stream.indirect.gather [hbm4b:s3+s19], $0x40, s21, s19, $0xb8;
	[tilespmem:$0x1DB00] =	vst v63  }
0x121: {  	_ =	swait.ge [sflag:s10], $0x3200  }
0x122: {  	[sflag:s10] =	ssyncset.done $0x0  }
0x123: {  	s6 =	simm.s32 $0x1F40;
	[sflag:s10] =	ssyncadd.s32 $0xFFFFCE00  }
0x124: {  	[tilespmem:s13], [sflag:$0x9] =	stream.indirect.gather.add.f32 [hbm:s4], $0x40, s6, s19, $0xb8;
	[tilespmem:$0x1DB00] =	vst v63  }
0x125: {  	s21 =	simm.s32 $0xF;
	s10 =	simm.s32 $0x3840  }
0x126: {  	[tilespmem:s13], [sflag:$0x9] =	stream.indirect.gather.add.f32 [hbm:s5], $0x40, s10, s19, $0xb8;
	[tilespmem:$0x1DB00] =	vst v63  }
0x127: {  	_ =	swait.ge [sflag:s21], $0x3200  }
0x128: {  	[sflag:s21] =	ssyncset.done $0x0  }
0x129: {  	[sflag:s21] =	ssyncadd.s32 $0xFFFFCE00  }
0x12a: {  	_ =	swait.ge [sflag:s21], $0x3200  }
0x12b: {  	[sflag:s21] =	ssyncset.done $0x0  }
0x12c: {  	s6 =	sadd.s32 $0x5400, s12;
	s10 =	simm.s32 $0x17700;
	[sflag:s21] =	ssyncadd.s32 $0xFFFFCE00  }
0x12d: {  	[hbm4b:s6+s29] =	stream.strided.scatter [tilespmem:s10], [sflag:$0x17], $0xC80, s30, s29, $0x38;
	[tilespmem:$0x1DB00] =	vst v63  }
0x12e: {  	s21 =	rddreg [dreg:$0xf];
	s6 =	sadd.s32 $0x5780, s12;
	s10 =	simm.s32 $0x18380  }
0x12f: {  	[hbm4b:s6+s29] =	stream.strided.scatter [tilespmem:s10], [sflag:$0x17], $0xC80, s30, s29, $0x38;
	[tilespmem:$0x1DB00] =	vst v63  }
0x130: {  	s10 =	sadd.s32 $0x0, s21;
	s21 =	simm.s32 $0x19000  }
0x131: {  	[hbm4b:s10+s29] =	stream.strided.scatter [tilespmem:s21], [sflag:$0x17], $0xC80, s30, s29, $0x38;
	[tilespmem:$0x1DB00] =	vst v63  }
0x132: {  	s6 =	sadd.s32 $0x5E80, s12;
	s10 =	simm.s32 $0x19C80  }
0x133: {  	[hbm4b:s6+s29] =	stream.strided.scatter [tilespmem:s10], [sflag:$0x17], $0xC80, s30, s29, $0x38;
	[tilespmem:$0x1DB00] =	vst v63  }
0x134: {  	_ =	swait.ge [sflag:s7], $0xC80  }
0x135: {  	[sflag:s7] =	ssyncset.done $0x0  }
0x136: {  	[sflag:s7] =	ssyncadd.s32 $0xFFFFF380  }
0x137: {  	_ =	swait.ge [sflag:s7], $0xC80  }
0x138: {  	[sflag:s7] =	ssyncset.done $0x0  }
0x139: {  	[sflag:s7] =	ssyncadd.s32 $0xFFFFF380  }
0x13a: {  	_ =	swait.ge [sflag:s7], $0xC80  }
0x13b: {  	[sflag:s7] =	ssyncset.done $0x0  }
0x13c: {  	[sflag:s7] =	ssyncadd.s32 $0xFFFFF380  }
0x13d: {  	_ =	swait.ge [sflag:s7], $0xC80  }
0x13e: {  	[sflag:s7] =	ssyncset.done $0x0  }
0x13f: {  	s21 =	simm.s32 $0x960;
	[sflag:s7] =	ssyncadd.s32 $0xFFFFF380  }
0x140: {  	[tilespmem:s17], [sflag:$0x5] =	stream.indirect.gather [hbm4b:s3+s19], $0x40, s21, s19, $0xb8;
	[tilespmem:$0x1DB00] =	vst v63  }
0x141: {  	_ =	swait.ge [sflag:s23], $0x3200  }
0x142: {  	[sflag:s23] =	ssyncset.done $0x0  }
0x143: {  	s6 =	simm.s32 $0x2008;
	[sflag:s23] =	ssyncadd.s32 $0xFFFFCE00  }
0x144: {  	[tilespmem:s22], [sflag:$0xA] =	stream.indirect.gather.add.f32 [hbm:s4], $0x40, s6, s19, $0xb8;
	[tilespmem:$0x1DB00] =	vst v63  }
0x145: {  	s10 =	simm.s32 $0x3908;
	s21 =	simm.s32 $0x10  }
0x146: {  	[tilespmem:s22], [sflag:$0xA] =	stream.indirect.gather.add.f32 [hbm:s5], $0x40, s10, s19, $0xb8;
	[tilespmem:$0x1DB00] =	vst v63  }
0x147: {  	_ =	swait.ge [sflag:s21], $0x3200  }
0x148: {  	[sflag:s21] =	ssyncset.done $0x0  }
0x149: {  	[sflag:s21] =	ssyncadd.s32 $0xFFFFCE00  }
0x14a: {  	_ =	swait.ge [sflag:s21], $0x3200  }
0x14b: {  	s6 =	sadd.s32 $0x6200, s12;
	[sflag:s21] =	ssyncset.done $0x0  }
0x14c: {  	s10 =	simm.s32 $0x1A900;
	s23 =	rddreg [dreg:$0x12];
	[sflag:s21] =	ssyncadd.s32 $0xFFFFCE00  }
0x14d: {  	[hbm4b:s6+s29] =	stream.strided.scatter [tilespmem:s10], [sflag:$0x18], $0xC80, s30, s29, $0x38;
	[tilespmem:$0x1DB00] =	vst v63  }
0x14e: {  	s21 =	rddreg [dreg:$0x11];
	s20 =	sadd.s32 $0x0, s23;
	s23 =	simm.s32 $0x1B580  }
0x14f: {  	[hbm4b:s20+s29] =	stream.strided.scatter [tilespmem:s23], [sflag:$0x18], $0xC80, s30, s29, $0x38;
	[tilespmem:$0x1DB00] =	vst v63  }
0x150: {  	s21 =	sadd.s32 $0x0, s21;
	s20 =	rddreg [dreg:$0x10];
	s23 =	simm.s32 $0x1C200  }
0x151: {  	[hbm4b:s21+s29] =	stream.strided.scatter [tilespmem:s23], [sflag:$0x18], $0xC80, s30, s29, $0x38;
	[tilespmem:$0x1DB00] =	vst v63  }
0x152: {  	s20 =	sadd.s32 $0x0, s20;
	s23 =	simm.s32 $0x1CE80  }
0x153: {  	[hbm4b:s20+s29] =	stream.strided.scatter [tilespmem:s23], [sflag:$0x18], $0xC80, s30, s29, $0x38;
	[tilespmem:$0x1DB00] =	vst v63  }
0x154: {  	_ =	swait.ge [sflag:s0], $0xC80  }
0x155: {  	[sflag:s0] =	ssyncset.done $0x0  }
0x156: {  	[sflag:s0] =	ssyncadd.s32 $0xFFFFF380  }
0x157: {  	_ =	swait.ge [sflag:s0], $0xC80  }
0x158: {  	[sflag:s0] =	ssyncset.done $0x0  }
0x159: {  	[sflag:s0] =	ssyncadd.s32 $0xFFFFF380  }
0x15a: {  	_ =	swait.ge [sflag:s0], $0xC80  }
0x15b: {  	[sflag:s0] =	ssyncset.done $0x0  }
0x15c: {  	[sflag:s0] =	ssyncadd.s32 $0xFFFFF380  }
0x15d: {  	_ =	swait.ge [sflag:s0], $0xC80  }
0x15e: {  	[sflag:s0] =	ssyncset.done $0x0  }
0x15f: {  	s6 =	simm.s32 $0xA28;
	s21 =	simm.s32 $0x14500;
	[sflag:s0] =	ssyncadd.s32 $0xFFFFF380  }
0x160: {  	[tilespmem:s21], [sflag:$0x6] =	stream.indirect.gather [hbm4b:s3+s19], $0x40, s6, s19, $0xb8;
	[tilespmem:$0x1DB00] =	vst v63  }
0x161: {  	_ =	swait.ge [sflag:s28], $0x3200  }
0x162: {  	[sflag:s28] =	ssyncset.done $0x0  }
0x163: {  	s23 =	simm.s32 $0x20D0;
	[sflag:s28] =	ssyncadd.s32 $0xFFFFCE00  }
0x164: {  	[tilespmem:s8], [sflag:$0xB] =	stream.indirect.gather.add.f32 [hbm:s4], $0x40, s23, s19, $0xb8;
	[tilespmem:$0x1DB00] =	vst v63  }
0x165: {  	s24 =	simm.s32 $0x9;
	s28 =	simm.s32 $0x39D0  }
0x166: {  	[tilespmem:s8], [sflag:$0xB] =	stream.indirect.gather.add.f32 [hbm:s5], $0x40, s28, s19, $0xb8;
	[tilespmem:$0x1DB00] =	vst v63  }
0x167: {  	_ =	swait.ge [sflag:s24], $0x3200  }
0x168: {  	[sflag:s24] =	ssyncset.done $0x0  }
0x169: {  	[sflag:s24] =	ssyncadd.s32 $0xFFFFCE00  }
0x16a: {  	_ =	swait.ge [sflag:s24], $0x3200  }
0x16b: {  	[sflag:s24] =	ssyncset.done $0x0  }
0x16c: {  	s6 =	sadd.s32 $0x7000, s12;
	[sflag:s24] =	ssyncadd.s32 $0xFFFFCE00  }
0x16d: {  	[hbm4b:s6+s29] =	stream.strided.scatter [tilespmem:s13], [sflag:$0x11], $0xC80, s30, s29, $0x38;
	[tilespmem:$0x1DB00] =	vst v63  }
0x16e: {  	s21 =	sadd.s32 $0x7380, s12;
	s23 =	simm.s32 $0x5780  }
0x16f: {  	[hbm4b:s21+s29] =	stream.strided.scatter [tilespmem:s23], [sflag:$0x11], $0xC80, s30, s29, $0x38;
	[tilespmem:$0x1DB00] =	vst v63  }
0x170: {  	s28 =	simm.s32 $0x6400;
	s24 =	sadd.s32 $0x7700, s12  }
0x171: {  	[hbm4b:s24+s29] =	stream.strided.scatter [tilespmem:s28], [sflag:$0x11], $0xC80, s30, s29, $0x38;
	[tilespmem:$0x1DB00] =	vst v63  }
0x172: {  	s13 =	sadd.s32 $0x7A80, s12;
	s21 =	simm.s32 $0x7080  }
0x173: {  	[hbm4b:s13+s29] =	stream.strided.scatter [tilespmem:s21], [sflag:$0x11], $0xC80, s30, s29, $0x38;
	[tilespmem:$0x1DB00] =	vst v63  }
0x174: {  	_ =	swait.ge [sflag:s16], $0xC80  }
0x175: {  	[sflag:s16] =	ssyncset.done $0x0  }
0x176: {  	[sflag:s16] =	ssyncadd.s32 $0xFFFFF380  }
0x177: {  	_ =	swait.ge [sflag:s16], $0xC80  }
0x178: {  	[sflag:s16] =	ssyncset.done $0x0  }
0x179: {  	[sflag:s16] =	ssyncadd.s32 $0xFFFFF380  }
0x17a: {  	_ =	swait.ge [sflag:s16], $0xC80  }
0x17b: {  	[sflag:s16] =	ssyncset.done $0x0  }
0x17c: {  	[sflag:s16] =	ssyncadd.s32 $0xFFFFF380  }
0x17d: {  	_ =	swait.ge [sflag:s16], $0xC80  }
0x17e: {  	[sflag:s16] =	ssyncset.done $0x0  }
0x17f: {  	s23 =	simm.s32 $0xAF0;
	s24 =	simm.s32 $0x17700;
	[sflag:s16] =	ssyncadd.s32 $0xFFFFF380  }
0x180: {  	[tilespmem:s24], [sflag:$0x7] =	stream.indirect.gather [hbm4b:s3+s19], $0x40, s23, s19, $0xb8;
	[tilespmem:$0x1DB00] =	vst v63  }
0x181: {  	_ =	swait.ge [sflag:s26], $0x3200  }
0x182: {  	[sflag:s26] =	ssyncset.done $0x0  }
0x183: {  	s28 =	simm.s32 $0x2198;
	[sflag:s26] =	ssyncadd.s32 $0xFFFFCE00  }
0x184: {  	[tilespmem:s15], [sflag:$0xC] =	stream.indirect.gather.add.f32 [hbm:s4], $0x40, s28, s19, $0xb8;
	[tilespmem:$0x1DB00] =	vst v63  }
0x185: {  	s6 =	simm.s32 $0x3A98  }
0x186: {  	[tilespmem:s15], [sflag:$0xC] =	stream.indirect.gather.add.f32 [hbm:s5], $0x40, s6, s19, $0xb8;
	[tilespmem:$0x1DB00] =	vst v63  }
0x187: {  	_ =	swait.ge [sflag:s11], $0x3200  }
0x188: {  	[sflag:s11] =	ssyncset.done $0x0  }
0x189: {  	[sflag:s11] =	ssyncadd.s32 $0xFFFFCE00  }
0x18a: {  	_ =	swait.ge [sflag:s11], $0x3200  }
0x18b: {  	[sflag:s11] =	ssyncset.done $0x0  }
0x18c: {  	s15 =	sadd.s32 $0x7E00, s12;
	s13 =	rddreg [dreg:$0xb];
	[sflag:s11] =	ssyncadd.s32 $0xFFFFCE00  }
0x18d: {  	[hbm4b:s15+s29] =	stream.strided.scatter [tilespmem:s22], [sflag:$0x12], $0xC80, s30, s29, $0x38;
	[tilespmem:$0x1DB00] =	vst v63  }
0x18e: {  	s23 =	simm.s32 $0x8980;
	s20 =	sadd.s32 $0x0, s13;
	s22 =	rddreg [dreg:$0xa]  }
0x18f: {  	[hbm4b:s20+s29] =	stream.strided.scatter [tilespmem:s23], [sflag:$0x12], $0xC80, s30, s29, $0x38;
	[tilespmem:$0x1DB00] =	vst v63  }
0x190: {  	s26 =	simm.s32 $0x9600;
	s24 =	rddreg [dreg:$0x9];
	s21 =	sadd.s32 $0x0, s22  }
0x191: {  	[hbm4b:s21+s29] =	stream.strided.scatter [tilespmem:s26], [sflag:$0x12], $0xC80, s30, s29, $0x38;
	[tilespmem:$0x1DB00] =	vst v63  }
0x192: {  	s28 =	simm.s32 $0xA280;
	s20 =	sadd.s32 $0x0, s24  }
0x193: {  	[hbm4b:s20+s29] =	stream.strided.scatter [tilespmem:s28], [sflag:$0x12], $0xC80, s30, s29, $0x38;
	[tilespmem:$0x1DB00] =	vst v63  }
0x194: {  	_ =	swait.ge [sflag:s31], $0xC80  }
0x195: {  	[sflag:s31] =	ssyncset.done $0x0  }
0x196: {  	[sflag:s31] =	ssyncadd.s32 $0xFFFFF380  }
0x197: {  	_ =	swait.ge [sflag:s31], $0xC80  }
0x198: {  	[sflag:s31] =	ssyncset.done $0x0  }
0x199: {  	[sflag:s31] =	ssyncadd.s32 $0xFFFFF380  }
0x19a: {  	_ =	swait.ge [sflag:s31], $0xC80  }
0x19b: {  	[sflag:s31] =	ssyncset.done $0x0  }
0x19c: {  	[sflag:s31] =	ssyncadd.s32 $0xFFFFF380  }
0x19d: {  	_ =	swait.ge [sflag:s31], $0xC80  }
0x19e: {  	[sflag:s31] =	ssyncset.done $0x0  }
0x19f: {  	s11 =	simm.s32 $0xBB8;
	[sflag:s31] =	ssyncadd.s32 $0xFFFFF380  }
0x1a0: {  	[tilespmem:s10], [sflag:$0x8] =	stream.indirect.gather [hbm4b:s3+s19], $0x40, s11, s19, $0xb8;
	[tilespmem:$0x1DB00] =	vst v63  }
0x1a1: {  	_ =	swait.ge [sflag:s18], $0x3200  }
0x1a2: {  	[sflag:s18] =	ssyncset.done $0x0  }
0x1a3: {  	s13 =	simm.s32 $0x2260;
	[sflag:s18] =	ssyncadd.s32 $0xFFFFCE00  }
0x1a4: {  	[tilespmem:s17], [sflag:$0xD] =	stream.indirect.gather.add.f32 [hbm:s4], $0x40, s13, s19, $0xb8;
	[tilespmem:$0x1DB00] =	vst v63  }
0x1a5: {  	s15 =	simm.s32 $0x3B60  }
0x1a6: {  	[tilespmem:s17], [sflag:$0xD] =	stream.indirect.gather.add.f32 [hbm:s5], $0x40, s15, s19, $0xb8;
	[tilespmem:$0x1DB00] =	vst v63  }
0x1a7: {  	_ =	swait.ge [sflag:s14], $0x3200  }
0x1a8: {  	[sflag:s14] =	ssyncset.done $0x0  }
0x1a9: {  	[sflag:s14] =	ssyncadd.s32 $0xFFFFCE00  }
0x1aa: {  	_ =	swait.ge [sflag:s14], $0x3200  }
0x1ab: {  	s22 =	sadd.s32 $0x8C00, s12;
	s12 =	sadd.s32 $0x8F80, s12;
	[sflag:s14] =	ssyncset.done $0x0  }
0x1ac: {  	s23 =	simm.s32 $0xBB80;
	s18 =	rddreg [dreg:$0x8];
	[sflag:s14] =	ssyncadd.s32 $0xFFFFCE00  }
0x1ad: {  	[hbm4b:s22+s29] =	stream.strided.scatter [tilespmem:s8], [sflag:$0x13], $0xC80, s30, s29, $0x38;
	[tilespmem:$0x1DB00] =	vst v63  }
0x1ae: {  	s28 =	simm.s32 $0xC800;
	s20 =	simm.s32 $0x1900;
	s24 =	rddreg [dreg:$0x7]  }
0x1af: {  	[hbm4b:s12+s29] =	stream.strided.scatter [tilespmem:s23], [sflag:$0x13], $0xC80, s30, s29, $0x38;
	[tilespmem:$0x1DB00] =	vst v63  }
0x1b0: {  	s26 =	sadd.s32 $0x0, s18;
	s21 =	sadd.s32 $0x0, s24;
	s12 =	simm.s32 $0x7000  }
0x1b1: {  	[hbm4b:s26+s29] =	stream.strided.scatter [tilespmem:s28], [sflag:$0x13], $0xC80, s30, s29, $0x38;
	[tilespmem:$0x1DB00] =	vst v63  }
.LBB2_2:
0x1b2: {  	s6 =	simm.s32 $0xD480  }
0x1b3: {  	[hbm4b:s21+s29] =	stream.strided.scatter [tilespmem:s6], [sflag:$0x13], $0xC80, s30, s29, $0x38;
	[tilespmem:$0x1DB00] =	vst v63  }
0x1b4: {  	_ =	swait.ge [sflag:s1], $0xC80  }
0x1b5: {  	[sflag:s1] =	ssyncset.done $0x0  }
0x1b6: {  	[sflag:s1] =	ssyncadd.s32 $0xFFFFF380  }
0x1b7: {  	_ =	swait.ge [sflag:s1], $0xC80  }
0x1b8: {  	[sflag:s1] =	ssyncset.done $0x0  }
0x1b9: {  	[sflag:s1] =	ssyncadd.s32 $0xFFFFF380  }
0x1ba: {  	_ =	swait.ge [sflag:s1], $0xC80  }
0x1bb: {  	[sflag:s1] =	ssyncset.done $0x0  }
0x1bc: {  	[sflag:s1] =	ssyncadd.s32 $0xFFFFF380  }
0x1bd: {  	_ =	swait.ge [sflag:s1], $0xC80  }
0x1be: {  	s22 =	sshra.s32 s20, $0x2;
	s28 =	simm.s32 $0x4B00;
	[sflag:s1] =	ssyncset.done $0x0  }
0x1bf: {  	s24 =	simm.s32 $0x6;
	s23 =	sadd.s32 $0x640, s22;
	[sflag:s1] =	ssyncadd.s32 $0xFFFFF380  }
0x1c0: {  	[tilespmem:s28], [sflag:$0x1] =	stream.indirect.gather [hbm4b:s3+s19], $0x40, s23, s19, $0xb8;
	[tilespmem:$0x1DB00] =	vst v63  }
0x1c1: {  	_ =	swait.ge [sflag:s24], $0x3200  }
0x1c2: {  	[sflag:s24] =	ssyncset.done $0x0  }
0x1c3: {  	s10 =	simm.s32 $0x14500;
	s26 =	sadd.s32 $0x1CE8, s22;
	[sflag:s24] =	ssyncadd.s32 $0xFFFFCE00  }
0x1c4: {  	[tilespmem:s10], [sflag:$0xE] =	stream.indirect.gather.add.f32 [hbm:s4], $0x40, s26, s19, $0xb8;
	[tilespmem:$0x1DB00] =	vst v63  }
0x1c5: {  	s8 =	simm.s32 $0xC;
	s6 =	sadd.s32 $0x35E8, s22  }
0x1c6: {  	[tilespmem:s10], [sflag:$0xE] =	stream.indirect.gather.add.f32 [hbm:s5], $0x40, s6, s19, $0xb8;
	[tilespmem:$0x1DB00] =	vst v63  }
0x1c7: {  	_ =	swait.ge [sflag:s8], $0x3200  }
0x1c8: {  	[sflag:s8] =	ssyncset.done $0x0  }
0x1c9: {  	[sflag:s8] =	ssyncadd.s32 $0xFFFFCE00  }
0x1ca: {  	_ =	swait.ge [sflag:s8], $0x3200  }
0x1cb: {  	s21 =	smov.u32 s12;
	s11 =	rddreg [dreg:$0x3]  }
0x1cc: {  	s15 =	simm.s32 $0xE100;
	[sflag:s8] =	ssyncset.done $0x0;
	s23 =	sadd.s32 s21, s11  }
0x1cd: {  	s17 =	rddreg [dreg:$0x6];
	[sflag:s8] =	ssyncadd.s32 $0xFFFFCE00;
	s18 =	sadd.s32 $0x2A00, s23  }
0x1ce: {  	[hbm4b:s18+s29] =	stream.strided.scatter [tilespmem:s15], [sflag:$0x14], $0xC80, s30, s29, $0x38;
	[tilespmem:$0x1DB00] =	vst v63  }
0x1cf: {  	s13 =	rddreg [dreg:$0x5];
	s17 =	sadd.s32 s21, s17;
	s11 =	simm.s32 $0xED80  }
0x1d0: {  	[hbm4b:s17+s29] =	stream.strided.scatter [tilespmem:s11], [sflag:$0x14], $0xC80, s30, s29, $0x38;
	[tilespmem:$0x1DB00] =	vst v63  }
0x1d1: {  	s14 =	rddreg [dreg:$0x4];
	s6 =	sadd.s32 s21, s13;
	s17 =	simm.s32 $0xFA00  }
0x1d2: {  	[hbm4b:s6+s29] =	stream.strided.scatter [tilespmem:s17], [sflag:$0x14], $0xC80, s30, s29, $0x38;
	[tilespmem:$0x1DB00] =	vst v63  }
0x1d3: {  	s24 =	simm.s32 $0x10680;
	s18 =	sadd.s32 s21, s14  }
0x1d4: {  	[hbm4b:s18+s29] =	stream.strided.scatter [tilespmem:s24], [sflag:$0x14], $0xC80, s30, s29, $0x38;
	[tilespmem:$0x1DB00] =	vst v63  }
0x1d5: {  	_ =	swait.ge [sflag:s2], $0xC80  }
0x1d6: {  	[sflag:s2] =	ssyncset.done $0x0  }
0x1d7: {  	[sflag:s2] =	ssyncadd.s32 $0xFFFFF380  }
0x1d8: {  	_ =	swait.ge [sflag:s2], $0xC80  }
0x1d9: {  	[sflag:s2] =	ssyncset.done $0x0  }
0x1da: {  	[sflag:s2] =	ssyncadd.s32 $0xFFFFF380  }
0x1db: {  	_ =	swait.ge [sflag:s2], $0xC80  }
0x1dc: {  	[sflag:s2] =	ssyncset.done $0x0  }
0x1dd: {  	[sflag:s2] =	ssyncadd.s32 $0xFFFFF380  }
0x1de: {  	_ =	swait.ge [sflag:s2], $0xC80  }
0x1df: {  	s26 =	sadd.s32 $0x708, s22;
	[sflag:s2] =	ssyncset.done $0x0  }
0x1e0: {  	s8 =	simm.s32 $0x7D00;
	s11 =	simm.s32 $0x7;
	[sflag:s2] =	ssyncadd.s32 $0xFFFFF380  }
0x1e1: {  	[tilespmem:s8], [sflag:$0x2] =	stream.indirect.gather [hbm4b:s3+s19], $0x40, s26, s19, $0xb8;
	[tilespmem:$0x1DB00] =	vst v63  }
0x1e2: {  	_ =	swait.ge [sflag:s11], $0x3200  }
0x1e3: {  	[sflag:s11] =	ssyncset.done $0x0  }
0x1e4: {  	s13 =	sadd.s32 $0x1DB0, s22;
	s26 =	simm.s32 $0x17700;
	[sflag:s11] =	ssyncadd.s32 $0xFFFFCE00  }
0x1e5: {  	[tilespmem:s26], [sflag:$0xF] =	stream.indirect.gather.add.f32 [hbm:s4], $0x40, s13, s19, $0xb8;
	[tilespmem:$0x1DB00] =	vst v63  }
0x1e6: {  	s14 =	sadd.s32 $0x36B0, s22;
	s17 =	simm.s32 $0xD  }
0x1e7: {  	[tilespmem:s26], [sflag:$0xF] =	stream.indirect.gather.add.f32 [hbm:s5], $0x40, s14, s19, $0xb8;
	[tilespmem:$0x1DB00] =	vst v63  }
0x1e8: {  	_ =	swait.ge [sflag:s17], $0x3200  }
0x1e9: {  	[sflag:s17] =	ssyncset.done $0x0  }
0x1ea: {  	[sflag:s17] =	ssyncadd.s32 $0xFFFFCE00  }
0x1eb: {  	_ =	swait.ge [sflag:s17], $0x3200  }
0x1ec: {  	[sflag:s17] =	ssyncset.done $0x0  }
0x1ed: {  	s18 =	sadd.s32 $0x3800, s23;
	s11 =	simm.s32 $0x11300;
	[sflag:s17] =	ssyncadd.s32 $0xFFFFCE00  }
0x1ee: {  	[hbm4b:s18+s29] =	stream.strided.scatter [tilespmem:s11], [sflag:$0x15], $0xC80, s30, s29, $0x38;
	[tilespmem:$0x1DB00] =	vst v63  }
0x1ef: {  	s24 =	sadd.s32 $0x3B80, s23;
	s14 =	simm.s32 $0x11F80  }
0x1f0: {  	[hbm4b:s24+s29] =	stream.strided.scatter [tilespmem:s14], [sflag:$0x15], $0xC80, s30, s29, $0x38;
	[tilespmem:$0x1DB00] =	vst v63  }
0x1f1: {  	s13 =	rddreg [dreg:$0x2];
	s18 =	simm.s32 $0x12C00;
	s14 =	sadd.s32 $0x3F00, s23  }
0x1f2: {  	[hbm4b:s14+s29] =	stream.strided.scatter [tilespmem:s18], [sflag:$0x15], $0xC80, s30, s29, $0x38;
	[tilespmem:$0x1DB00] =	vst v63  }
0x1f3: {  	s24 =	sadd.s32 s21, s13;
	s13 =	simm.s32 $0x13880  }
0x1f4: {  	[hbm4b:s24+s29] =	stream.strided.scatter [tilespmem:s13], [sflag:$0x15], $0xC80, s30, s29, $0x38;
	[tilespmem:$0x1DB00] =	vst v63  }
0x1f5: {  	_ =	swait.ge [sflag:s9], $0xC80  }
0x1f6: {  	[sflag:s9] =	ssyncset.done $0x0  }
0x1f7: {  	[sflag:s9] =	ssyncadd.s32 $0xFFFFF380  }
0x1f8: {  	_ =	swait.ge [sflag:s9], $0xC80  }
0x1f9: {  	[sflag:s9] =	ssyncset.done $0x0  }
0x1fa: {  	[sflag:s9] =	ssyncadd.s32 $0xFFFFF380  }
0x1fb: {  	_ =	swait.ge [sflag:s9], $0xC80  }
0x1fc: {  	[sflag:s9] =	ssyncset.done $0x0  }
0x1fd: {  	[sflag:s9] =	ssyncadd.s32 $0xFFFFF380  }
0x1fe: {  	_ =	swait.ge [sflag:s9], $0xC80  }
0x1ff: {  	s17 =	sadd.s32 $0x7D0, s22;
	[sflag:s9] =	ssyncset.done $0x0  }
0x200: {  	s18 =	simm.s32 $0x8;
	s24 =	simm.s32 $0xAF00;
	[sflag:s9] =	ssyncadd.s32 $0xFFFFF380  }
0x201: {  	[tilespmem:s24], [sflag:$0x3] =	stream.indirect.gather [hbm4b:s3+s19], $0x40, s17, s19, $0xb8;
	[tilespmem:$0x1DB00] =	vst v63  }
0x202: {  	_ =	swait.ge [sflag:s18], $0x3200  }
0x203: {  	[sflag:s18] =	ssyncset.done $0x0  }
0x204: {  	s14 =	simm.s32 $0x1A900;
	s13 =	sadd.s32 $0x1E78, s22;
	[sflag:s18] =	ssyncadd.s32 $0xFFFFCE00  }
0x205: {  	[tilespmem:s14], [sflag:$0x10] =	stream.indirect.gather.add.f32 [hbm:s4], $0x40, s13, s19, $0xb8;
	[tilespmem:$0x1DB00] =	vst v63  }
0x206: {  	s17 =	sadd.s32 $0x3778, s22;
	s18 =	simm.s32 $0xE  }
0x207: {  	[tilespmem:s14], [sflag:$0x10] =	stream.indirect.gather.add.f32 [hbm:s5], $0x40, s17, s19, $0xb8;
	[tilespmem:$0x1DB00] =	vst v63  }
0x208: {  	_ =	swait.ge [sflag:s18], $0x3200  }
0x209: {  	[sflag:s18] =	ssyncset.done $0x0  }
0x20a: {  	[sflag:s18] =	ssyncadd.s32 $0xFFFFCE00  }
0x20b: {  	_ =	swait.ge [sflag:s18], $0x3200  }
0x20c: {  	[sflag:s18] =	ssyncset.done $0x0  }
0x20d: {  	s13 =	sadd.s32 $0x4600, s23;
	s6 =	rddreg [dreg:$0xe];
	[sflag:s18] =	ssyncadd.s32 $0xFFFFCE00  }
0x20e: {  	[hbm4b:s13+s29] =	stream.strided.scatter [tilespmem:s10], [sflag:$0x16], $0xC80, s30, s29, $0x38;
	[tilespmem:$0x1DB00] =	vst v63  }
0x20f: {  	s18 =	rddreg [dreg:$0xd];
	s6 =	sadd.s32 s21, s6;
	s13 =	simm.s32 $0x15180  }
0x210: {  	[hbm4b:s6+s29] =	stream.strided.scatter [tilespmem:s13], [sflag:$0x16], $0xC80, s30, s29, $0x38;
	[tilespmem:$0x1DB00] =	vst v63  }
0x211: {  	s17 =	rddreg [dreg:$0xc];
	s13 =	sadd.s32 s21, s18;
	s18 =	simm.s32 $0x15E00  }
0x212: {  	[hbm4b:s13+s29] =	stream.strided.scatter [tilespmem:s18], [sflag:$0x16], $0xC80, s30, s29, $0x38;
	[tilespmem:$0x1DB00] =	vst v63  }
0x213: {  	s17 =	sadd.s32 s21, s17;
	s18 =	simm.s32 $0x16A80  }
0x214: {  	[hbm4b:s17+s29] =	stream.strided.scatter [tilespmem:s18], [sflag:$0x16], $0xC80, s30, s29, $0x38;
	[tilespmem:$0x1DB00] =	vst v63  }
0x215: {  	_ =	swait.ge [sflag:s25], $0xC80  }
0x216: {  	[sflag:s25] =	ssyncset.done $0x0  }
0x217: {  	[sflag:s25] =	ssyncadd.s32 $0xFFFFF380  }
0x218: {  	_ =	swait.ge [sflag:s25], $0xC80  }
0x219: {  	[sflag:s25] =	ssyncset.done $0x0  }
0x21a: {  	[sflag:s25] =	ssyncadd.s32 $0xFFFFF380  }
0x21b: {  	_ =	swait.ge [sflag:s25], $0xC80  }
0x21c: {  	[sflag:s25] =	ssyncset.done $0x0  }
0x21d: {  	[sflag:s25] =	ssyncadd.s32 $0xFFFFF380  }
0x21e: {  	_ =	swait.ge [sflag:s25], $0xC80  }
0x21f: {  	[sflag:s25] =	ssyncset.done $0x0  }
0x220: {  	s13 =	sadd.s32 $0x898, s22;
	s17 =	simm.s32 $0x1;
	[sflag:s25] =	ssyncadd.s32 $0xFFFFF380  }
0x221: {  	[tilespmem:s15], [sflag:$0x4] =	stream.indirect.gather [hbm4b:s3+s19], $0x40, s13, s19, $0xb8;
	[tilespmem:$0x1DB00] =	vst v63  }
0x222: {  	_ =	swait.ge [sflag:s17], $0x3200  }
0x223: {  	[sflag:s17] =	ssyncset.done $0x0  }
0x224: {  	s18 =	sadd.s32 $0x1F40, s22;
	[sflag:s17] =	ssyncadd.s32 $0xFFFFCE00  }
0x225: {  	[tilespmem:s28], [sflag:$0x9] =	stream.indirect.gather.add.f32 [hbm:s4], $0x40, s18, s19, $0xb8;
	[tilespmem:$0x1DB00] =	vst v63  }
0x226: {  	s13 =	sadd.s32 $0x3840, s22;
	s17 =	simm.s32 $0xF  }
0x227: {  	[tilespmem:s28], [sflag:$0x9] =	stream.indirect.gather.add.f32 [hbm:s5], $0x40, s13, s19, $0xb8;
	[tilespmem:$0x1DB00] =	vst v63  }
0x228: {  	_ =	swait.ge [sflag:s17], $0x3200  }
0x229: {  	[sflag:s17] =	ssyncset.done $0x0  }
0x22a: {  	[sflag:s17] =	ssyncadd.s32 $0xFFFFCE00  }
0x22b: {  	_ =	swait.ge [sflag:s17], $0x3200  }
0x22c: {  	[sflag:s17] =	ssyncset.done $0x0  }
0x22d: {  	s18 =	sadd.s32 $0x5400, s23;
	[sflag:s17] =	ssyncadd.s32 $0xFFFFCE00  }
0x22e: {  	[hbm4b:s18+s29] =	stream.strided.scatter [tilespmem:s26], [sflag:$0x17], $0xC80, s30, s29, $0x38;
	[tilespmem:$0x1DB00] =	vst v63  }
0x22f: {  	s13 =	sadd.s32 $0x5780, s23;
	s17 =	rddreg [dreg:$0xf];
	s18 =	simm.s32 $0x18380  }
0x230: {  	[hbm4b:s13+s29] =	stream.strided.scatter [tilespmem:s18], [sflag:$0x17], $0xC80, s30, s29, $0x38;
	[tilespmem:$0x1DB00] =	vst v63  }
0x231: {  	s17 =	sadd.s32 s21, s17;
	s18 =	simm.s32 $0x19000  }
0x232: {  	[hbm4b:s17+s29] =	stream.strided.scatter [tilespmem:s18], [sflag:$0x17], $0xC80, s30, s29, $0x38;
	[tilespmem:$0x1DB00] =	vst v63  }
0x233: {  	s17 =	sadd.s32 $0x5E80, s23;
	s18 =	simm.s32 $0x19C80  }
0x234: {  	[hbm4b:s17+s29] =	stream.strided.scatter [tilespmem:s18], [sflag:$0x17], $0xC80, s30, s29, $0x38;
	[tilespmem:$0x1DB00] =	vst v63  }
0x235: {  	_ =	swait.ge [sflag:s7], $0xC80  }
0x236: {  	[sflag:s7] =	ssyncset.done $0x0  }
0x237: {  	[sflag:s7] =	ssyncadd.s32 $0xFFFFF380  }
0x238: {  	_ =	swait.ge [sflag:s7], $0xC80  }
0x239: {  	[sflag:s7] =	ssyncset.done $0x0  }
0x23a: {  	[sflag:s7] =	ssyncadd.s32 $0xFFFFF380  }
0x23b: {  	_ =	swait.ge [sflag:s7], $0xC80  }
0x23c: {  	[sflag:s7] =	ssyncset.done $0x0  }
0x23d: {  	[sflag:s7] =	ssyncadd.s32 $0xFFFFF380  }
0x23e: {  	_ =	swait.ge [sflag:s7], $0xC80  }
0x23f: {  	[sflag:s7] =	ssyncset.done $0x0  }
0x240: {  	s17 =	sadd.s32 $0x960, s22;
	s18 =	simm.s32 $0x2;
	[sflag:s7] =	ssyncadd.s32 $0xFFFFF380  }
0x241: {  	[tilespmem:s11], [sflag:$0x5] =	stream.indirect.gather [hbm4b:s3+s19], $0x40, s17, s19, $0xb8;
	[tilespmem:$0x1DB00] =	vst v63  }
0x242: {  	_ =	swait.ge [sflag:s18], $0x3200  }
0x243: {  	[sflag:s18] =	ssyncset.done $0x0  }
0x244: {  	s13 =	sadd.s32 $0x2008, s22;
	[sflag:s18] =	ssyncadd.s32 $0xFFFFCE00  }
0x245: {  	[tilespmem:s8], [sflag:$0xA] =	stream.indirect.gather.add.f32 [hbm:s4], $0x40, s13, s19, $0xb8;
	[tilespmem:$0x1DB00] =	vst v63  }
0x246: {  	s17 =	sadd.s32 $0x3908, s22;
	s18 =	simm.s32 $0x10  }
0x247: {  	[tilespmem:s8], [sflag:$0xA] =	stream.indirect.gather.add.f32 [hbm:s5], $0x40, s17, s19, $0xb8;
	[tilespmem:$0x1DB00] =	vst v63  }
0x248: {  	_ =	swait.ge [sflag:s18], $0x3200  }
0x249: {  	[sflag:s18] =	ssyncset.done $0x0  }
0x24a: {  	[sflag:s18] =	ssyncadd.s32 $0xFFFFCE00  }
0x24b: {  	_ =	swait.ge [sflag:s18], $0x3200  }
0x24c: {  	[sflag:s18] =	ssyncset.done $0x0  }
0x24d: {  	s13 =	sadd.s32 $0x6200, s23;
	s6 =	rddreg [dreg:$0x12];
	[sflag:s18] =	ssyncadd.s32 $0xFFFFCE00  }
0x24e: {  	[hbm4b:s13+s29] =	stream.strided.scatter [tilespmem:s14], [sflag:$0x18], $0xC80, s30, s29, $0x38;
	[tilespmem:$0x1DB00] =	vst v63  }
0x24f: {  	s18 =	rddreg [dreg:$0x11];
	s6 =	sadd.s32 s21, s6;
	s13 =	simm.s32 $0x1B580  }
0x250: {  	[hbm4b:s6+s29] =	stream.strided.scatter [tilespmem:s13], [sflag:$0x18], $0xC80, s30, s29, $0x38;
	[tilespmem:$0x1DB00] =	vst v63  }
0x251: {  	s17 =	rddreg [dreg:$0x10];
	s13 =	sadd.s32 s21, s18;
	s18 =	simm.s32 $0x1C200  }
0x252: {  	[hbm4b:s13+s29] =	stream.strided.scatter [tilespmem:s18], [sflag:$0x18], $0xC80, s30, s29, $0x38;
	[tilespmem:$0x1DB00] =	vst v63  }
0x253: {  	s13 =	sadd.s32 s21, s17;
	s17 =	simm.s32 $0x1CE80  }
0x254: {  	[hbm4b:s13+s29] =	stream.strided.scatter [tilespmem:s17], [sflag:$0x18], $0xC80, s30, s29, $0x38;
	[tilespmem:$0x1DB00] =	vst v63  }
0x255: {  	_ =	swait.ge [sflag:s0], $0xC80  }
0x256: {  	[sflag:s0] =	ssyncset.done $0x0  }
0x257: {  	[sflag:s0] =	ssyncadd.s32 $0xFFFFF380  }
0x258: {  	_ =	swait.ge [sflag:s0], $0xC80  }
0x259: {  	[sflag:s0] =	ssyncset.done $0x0  }
0x25a: {  	[sflag:s0] =	ssyncadd.s32 $0xFFFFF380  }
0x25b: {  	_ =	swait.ge [sflag:s0], $0xC80  }
0x25c: {  	[sflag:s0] =	ssyncset.done $0x0  }
0x25d: {  	[sflag:s0] =	ssyncadd.s32 $0xFFFFF380  }
0x25e: {  	_ =	swait.ge [sflag:s0], $0xC80  }
0x25f: {  	[sflag:s0] =	ssyncset.done $0x0  }
0x260: {  	s18 =	sadd.s32 $0xA28, s22;
	[sflag:s0] =	ssyncadd.s32 $0xFFFFF380  }
0x261: {  	[tilespmem:s10], [sflag:$0x6] =	stream.indirect.gather [hbm4b:s3+s19], $0x40, s18, s19, $0xb8;
	[tilespmem:$0x1DB00] =	vst v63  }
0x262: {  	s10 =	simm.s32 $0x3  }
0x263: {  	_ =	swait.ge [sflag:s10], $0x3200  }
0x264: {  	[sflag:s10] =	ssyncset.done $0x0  }
0x265: {  	s13 =	sadd.s32 $0x20D0, s22;
	[sflag:s10] =	ssyncadd.s32 $0xFFFFCE00  }
0x266: {  	[tilespmem:s24], [sflag:$0xB] =	stream.indirect.gather.add.f32 [hbm:s4], $0x40, s13, s19, $0xb8;
	[tilespmem:$0x1DB00] =	vst v63  }
0x267: {  	s17 =	sadd.s32 $0x39D0, s22;
	s18 =	simm.s32 $0x9  }
0x268: {  	[tilespmem:s24], [sflag:$0xB] =	stream.indirect.gather.add.f32 [hbm:s5], $0x40, s17, s19, $0xb8;
	[tilespmem:$0x1DB00] =	vst v63  }
0x269: {  	_ =	swait.ge [sflag:s18], $0x3200  }
0x26a: {  	[sflag:s18] =	ssyncset.done $0x0  }
0x26b: {  	[sflag:s18] =	ssyncadd.s32 $0xFFFFCE00  }
0x26c: {  	_ =	swait.ge [sflag:s18], $0x3200  }
0x26d: {  	[sflag:s18] =	ssyncset.done $0x0  }
0x26e: {  	s10 =	sadd.s32 $0x7000, s23;
	[sflag:s18] =	ssyncadd.s32 $0xFFFFCE00  }
0x26f: {  	[hbm4b:s10+s29] =	stream.strided.scatter [tilespmem:s28], [sflag:$0x11], $0xC80, s30, s29, $0x38;
	[tilespmem:$0x1DB00] =	vst v63  }
0x270: {  	s13 =	sadd.s32 $0x7380, s23;
	s17 =	simm.s32 $0x5780  }
0x271: {  	[hbm4b:s13+s29] =	stream.strided.scatter [tilespmem:s17], [sflag:$0x11], $0xC80, s30, s29, $0x38;
	[tilespmem:$0x1DB00] =	vst v63  }
0x272: {  	s18 =	sadd.s32 $0x7700, s23;
	s28 =	simm.s32 $0x6400  }
0x273: {  	[hbm4b:s18+s29] =	stream.strided.scatter [tilespmem:s28], [sflag:$0x11], $0xC80, s30, s29, $0x38;
	[tilespmem:$0x1DB00] =	vst v63  }
0x274: {  	s10 =	sadd.s32 $0x7A80, s23;
	s13 =	simm.s32 $0x7080  }
0x275: {  	[hbm4b:s10+s29] =	stream.strided.scatter [tilespmem:s13], [sflag:$0x11], $0xC80, s30, s29, $0x38;
	[tilespmem:$0x1DB00] =	vst v63  }
0x276: {  	_ =	swait.ge [sflag:s16], $0xC80  }
0x277: {  	[sflag:s16] =	ssyncset.done $0x0  }
0x278: {  	[sflag:s16] =	ssyncadd.s32 $0xFFFFF380  }
0x279: {  	_ =	swait.ge [sflag:s16], $0xC80  }
0x27a: {  	[sflag:s16] =	ssyncset.done $0x0  }
0x27b: {  	[sflag:s16] =	ssyncadd.s32 $0xFFFFF380  }
0x27c: {  	_ =	swait.ge [sflag:s16], $0xC80  }
0x27d: {  	[sflag:s16] =	ssyncset.done $0x0  }
0x27e: {  	[sflag:s16] =	ssyncadd.s32 $0xFFFFF380  }
0x27f: {  	_ =	swait.ge [sflag:s16], $0xC80  }
0x280: {  	[sflag:s16] =	ssyncset.done $0x0  }
0x281: {  	s17 =	sadd.s32 $0xAF0, s22;
	[sflag:s16] =	ssyncadd.s32 $0xFFFFF380  }
0x282: {  	[tilespmem:s26], [sflag:$0x7] =	stream.indirect.gather [hbm4b:s3+s19], $0x40, s17, s19, $0xb8;
	[tilespmem:$0x1DB00] =	vst v63  }
0x283: {  	s26 =	simm.s32 $0x4  }
0x284: {  	_ =	swait.ge [sflag:s26], $0x3200  }
0x285: {  	[sflag:s26] =	ssyncset.done $0x0  }
0x286: {  	s18 =	sadd.s32 $0x2198, s22;
	[sflag:s26] =	ssyncadd.s32 $0xFFFFCE00  }
0x287: {  	[tilespmem:s15], [sflag:$0xC] =	stream.indirect.gather.add.f32 [hbm:s4], $0x40, s18, s19, $0xb8;
	[tilespmem:$0x1DB00] =	vst v63  }
0x288: {  	s6 =	simm.s32 $0xA;
	s28 =	sadd.s32 $0x3A98, s22  }
0x289: {  	[tilespmem:s15], [sflag:$0xC] =	stream.indirect.gather.add.f32 [hbm:s5], $0x40, s28, s19, $0xb8;
	[tilespmem:$0x1DB00] =	vst v63  }
0x28a: {  	_ =	swait.ge [sflag:s6], $0x3200  }
0x28b: {  	[sflag:s6] =	ssyncset.done $0x0  }
0x28c: {  	[sflag:s6] =	ssyncadd.s32 $0xFFFFCE00  }
0x28d: {  	_ =	swait.ge [sflag:s6], $0x3200  }
0x28e: {  	[sflag:s6] =	ssyncset.done $0x0  }
0x28f: {  	s18 =	sadd.s32 $0x7E00, s23;
	s15 =	rddreg [dreg:$0xb];
	[sflag:s6] =	ssyncadd.s32 $0xFFFFCE00  }
0x290: {  	[hbm4b:s18+s29] =	stream.strided.scatter [tilespmem:s8], [sflag:$0x12], $0xC80, s30, s29, $0x38;
	[tilespmem:$0x1DB00] =	vst v63  }
0x291: {  	s28 =	rddreg [dreg:$0xa];
	s6 =	sadd.s32 s21, s15;
	s15 =	simm.s32 $0x8980  }
0x292: {  	[hbm4b:s6+s29] =	stream.strided.scatter [tilespmem:s15], [sflag:$0x12], $0xC80, s30, s29, $0x38;
	[tilespmem:$0x1DB00] =	vst v63  }
0x293: {  	s17 =	rddreg [dreg:$0x9];
	s28 =	sadd.s32 s21, s28;
	s8 =	simm.s32 $0x9600  }
0x294: {  	[hbm4b:s28+s29] =	stream.strided.scatter [tilespmem:s8], [sflag:$0x12], $0xC80, s30, s29, $0x38;
	[tilespmem:$0x1DB00] =	vst v63  }
0x295: {  	s13 =	sadd.s32 s21, s17;
	s15 =	simm.s32 $0xA280  }
0x296: {  	[hbm4b:s13+s29] =	stream.strided.scatter [tilespmem:s15], [sflag:$0x12], $0xC80, s30, s29, $0x38;
	[tilespmem:$0x1DB00] =	vst v63  }
0x297: {  	_ =	swait.ge [sflag:s31], $0xC80  }
0x298: {  	[sflag:s31] =	ssyncset.done $0x0  }
0x299: {  	[sflag:s31] =	ssyncadd.s32 $0xFFFFF380  }
0x29a: {  	_ =	swait.ge [sflag:s31], $0xC80  }
0x29b: {  	[sflag:s31] =	ssyncset.done $0x0  }
0x29c: {  	[sflag:s31] =	ssyncadd.s32 $0xFFFFF380  }
0x29d: {  	_ =	swait.ge [sflag:s31], $0xC80  }
0x29e: {  	[sflag:s31] =	ssyncset.done $0x0  }
0x29f: {  	[sflag:s31] =	ssyncadd.s32 $0xFFFFF380  }
0x2a0: {  	_ =	swait.ge [sflag:s31], $0xC80  }
0x2a1: {  	[sflag:s31] =	ssyncset.done $0x0  }
0x2a2: {  	s17 =	sadd.s32 $0xBB8, s22;
	s18 =	simm.s32 $0x5;
	[sflag:s31] =	ssyncadd.s32 $0xFFFFF380  }
0x2a3: {  	[tilespmem:s14], [sflag:$0x8] =	stream.indirect.gather [hbm4b:s3+s19], $0x40, s17, s19, $0xb8;
	[tilespmem:$0x1DB00] =	vst v63  }
0x2a4: {  	_ =	swait.ge [sflag:s18], $0x3200  }
0x2a5: {  	[sflag:s18] =	ssyncset.done $0x0  }
0x2a6: {  	s28 =	sadd.s32 $0x2260, s22;
	[sflag:s18] =	ssyncadd.s32 $0xFFFFCE00  }
0x2a7: {  	[tilespmem:s11], [sflag:$0xD] =	stream.indirect.gather.add.f32 [hbm:s4], $0x40, s28, s19, $0xb8;
	[tilespmem:$0x1DB00] =	vst v63  }
0x2a8: {  	s8 =	sadd.s32 $0x3B60, s22;
	s13 =	simm.s32 $0xB  }
0x2a9: {  	[tilespmem:s11], [sflag:$0xD] =	stream.indirect.gather.add.f32 [hbm:s5], $0x40, s8, s19, $0xb8;
	[tilespmem:$0x1DB00] =	vst v63  }
0x2aa: {  	_ =	swait.ge [sflag:s13], $0x3200  }
0x2ab: {  	[sflag:s13] =	ssyncset.done $0x0  }
0x2ac: {  	[sflag:s13] =	ssyncadd.s32 $0xFFFFCE00  }
0x2ad: {  	p0 =	sne.s32 s12, $0xE000;
	_ =	swait.ge [sflag:s13], $0x3200  }
0x2ae: {  	s20 =	sadd.s32 $0x1900, s20;
	s12 =	sadd.s32 $0x7000, s12;
	[sflag:s13] =	ssyncset.done $0x0  }
0x2af: {  	s10 =	simm.s32 $0xE100;
	s18 =	sadd.s32 $0x8C00, s23;
	[sflag:s13] =	ssyncadd.s32 $0xFFFFCE00  }
0x2b0: {  	[hbm4b:s18+s29] =	stream.strided.scatter [tilespmem:s24], [sflag:$0x13], $0xC80, s30, s29, $0x38;
	[tilespmem:$0x1DB00] =	vst v63  }
.Ltmp0:
0x2b1: {  	s15 =	simm.s32 $0x11300;
	s14 =	rddreg [dreg:$0x8];
	(pc) =	sbr.rel @p0 .LBB2_2-.Ltmp0, $4  }
0x2b2: {  	s23 =	sadd.s32 $0x8F80, s23;
	s22 =	rddreg [dreg:$0x7];
	s24 =	simm.s32 $0xBB80  }
0x2b3: {  	[hbm4b:s23+s29] =	stream.strided.scatter [tilespmem:s24], [sflag:$0x13], $0xC80, s30, s29, $0x38;
	[tilespmem:$0x1DB00] =	vst v63  }
0x2b4: {  	s28 =	simm.s32 $0xC800;
	s6 =	sadd.s32 s21, s14;
	s21 =	sadd.s32 s21, s22  }
0x2b5: {  	[hbm4b:s6+s29] =	stream.strided.scatter [tilespmem:s28], [sflag:$0x13], $0xC80, s30, s29, $0x38;
	[tilespmem:$0x1DB00] =	vst v63  }
0x2b6: {  	s6 =	simm.s32 $0xD480  }
0x2b7: {  	[hbm4b:s21+s29] =	stream.strided.scatter [tilespmem:s6], [sflag:$0x13], $0xC80, s30, s29, $0x38;
	[tilespmem:$0x1DB00] =	vst v63  }
0x2b8: {  	_ =	swait.ge [sflag:s1], $0xC80  }
0x2b9: {  	[sflag:s1] =	ssyncset.done $0x0  }
0x2ba: {  	[sflag:s1] =	ssyncadd.s32 $0xFFFFF380  }
0x2bb: {  	_ =	swait.ge [sflag:s1], $0xC80  }
0x2bc: {  	[sflag:s1] =	ssyncset.done $0x0  }
0x2bd: {  	[sflag:s1] =	ssyncadd.s32 $0xFFFFF380  }
0x2be: {  	_ =	swait.ge [sflag:s1], $0xC80  }
0x2bf: {  	[sflag:s1] =	ssyncset.done $0x0  }
0x2c0: {  	[sflag:s1] =	ssyncadd.s32 $0xFFFFF380  }
0x2c1: {  	_ =	swait.ge [sflag:s1], $0xC80  }
0x2c2: {  	[sflag:s1] =	ssyncset.done $0x0  }
0x2c3: {  	s22 =	simm.s32 $0x6;
	[sflag:s1] =	ssyncadd.s32 $0xFFFFF380  }
0x2c4: {  	_ =	swait.ge [sflag:s22], $0x3200  }
0x2c5: {  	[sflag:s22] =	ssyncset.done $0x0  }
0x2c6: {  	s8 =	simm.s32 $0x14500;
	s23 =	simm.s32 $0x2FA8;
	[sflag:s22] =	ssyncadd.s32 $0xFFFFCE00  }
0x2c7: {  	[tilespmem:s8], [sflag:$0xE] =	stream.indirect.gather.add.f32 [hbm:s4], $0x40, s23, s19, $0xb8;
	[tilespmem:$0x1DB00] =	vst v63  }
0x2c8: {  	s24 =	simm.s32 $0x48A8;
	s11 =	simm.s32 $0xC  }
0x2c9: {  	[tilespmem:s8], [sflag:$0xE] =	stream.indirect.gather.add.f32 [hbm:s5], $0x40, s24, s19, $0xb8;
	[tilespmem:$0x1DB00] =	vst v63  }
0x2ca: {  	_ =	swait.ge [sflag:s11], $0x3200  }
0x2cb: {  	[sflag:s11] =	ssyncset.done $0x0  }
0x2cc: {  	[sflag:s11] =	ssyncadd.s32 $0xFFFFCE00  }
0x2cd: {  	_ =	swait.ge [sflag:s11], $0x3200  }
0x2ce: {  	[sflag:s11] =	ssyncset.done $0x0  }
0x2cf: {  	s12 =	rddreg [dreg:$0x17];
	[sflag:s11] =	ssyncadd.s32 $0xFFFFCE00  }
0x2d0: {  	[hbm4b:s12+s29] =	stream.strided.scatter [tilespmem:s10], [sflag:$0x14], $0xC80, s30, s29, $0x38;
	[tilespmem:$0x1DB00] =	vst v63  }
0x2d1: {  	s14 =	simm.s32 $0xED80;
	s13 =	rddreg [dreg:$0x18]  }
0x2d2: {  	[hbm4b:s13+s29] =	stream.strided.scatter [tilespmem:s14], [sflag:$0x14], $0xC80, s30, s29, $0x38;
	[tilespmem:$0x1DB00] =	vst v63  }
0x2d3: {  	s18 =	simm.s32 $0xFA00;
	s17 =	rddreg [dreg:$0x19]  }
0x2d4: {  	[hbm4b:s17+s29] =	stream.strided.scatter [tilespmem:s18], [sflag:$0x14], $0xC80, s30, s29, $0x38;
	[tilespmem:$0x1DB00] =	vst v63  }
0x2d5: {  	s21 =	simm.s32 $0x10680;
	s20 =	rddreg [dreg:$0x1a]  }
0x2d6: {  	[hbm4b:s20+s29] =	stream.strided.scatter [tilespmem:s21], [sflag:$0x14], $0xC80, s30, s29, $0x38;
	[tilespmem:$0x1DB00] =	vst v63  }
0x2d7: {  	_ =	swait.ge [sflag:s2], $0xC80  }
0x2d8: {  	[sflag:s2] =	ssyncset.done $0x0  }
0x2d9: {  	[sflag:s2] =	ssyncadd.s32 $0xFFFFF380  }
0x2da: {  	_ =	swait.ge [sflag:s2], $0xC80  }
0x2db: {  	[sflag:s2] =	ssyncset.done $0x0  }
0x2dc: {  	[sflag:s2] =	ssyncadd.s32 $0xFFFFF380  }
0x2dd: {  	_ =	swait.ge [sflag:s2], $0xC80  }
0x2de: {  	[sflag:s2] =	ssyncset.done $0x0  }
0x2df: {  	[sflag:s2] =	ssyncadd.s32 $0xFFFFF380  }
0x2e0: {  	_ =	swait.ge [sflag:s2], $0xC80  }
0x2e1: {  	[sflag:s2] =	ssyncset.done $0x0  }
0x2e2: {  	s22 =	simm.s32 $0x7;
	[sflag:s2] =	ssyncadd.s32 $0xFFFFF380  }
0x2e3: {  	_ =	swait.ge [sflag:s22], $0x3200  }
0x2e4: {  	[sflag:s22] =	ssyncset.done $0x0  }
0x2e5: {  	s23 =	simm.s32 $0x3070;
	s10 =	simm.s32 $0x17700;
	[sflag:s22] =	ssyncadd.s32 $0xFFFFCE00  }
0x2e6: {  	[tilespmem:s10], [sflag:$0xF] =	stream.indirect.gather.add.f32 [hbm:s4], $0x40, s23, s19, $0xb8;
	[tilespmem:$0x1DB00] =	vst v63  }
0x2e7: {  	s24 =	simm.s32 $0x4970;
	s11 =	simm.s32 $0xD  }
0x2e8: {  	[tilespmem:s10], [sflag:$0xF] =	stream.indirect.gather.add.f32 [hbm:s5], $0x40, s24, s19, $0xb8;
	[tilespmem:$0x1DB00] =	vst v63  }
0x2e9: {  	_ =	swait.ge [sflag:s11], $0x3200  }
0x2ea: {  	[sflag:s11] =	ssyncset.done $0x0  }
0x2eb: {  	[sflag:s11] =	ssyncadd.s32 $0xFFFFCE00  }
0x2ec: {  	_ =	swait.ge [sflag:s11], $0x3200  }
0x2ed: {  	[sflag:s11] =	ssyncset.done $0x0  }
0x2ee: {  	s12 =	rddreg [dreg:$0x1b];
	[sflag:s11] =	ssyncadd.s32 $0xFFFFCE00  }
0x2ef: {  	[hbm4b:s12+s29] =	stream.strided.scatter [tilespmem:s15], [sflag:$0x15], $0xC80, s30, s29, $0x38;
	[tilespmem:$0x1DB00] =	vst v63  }
0x2f0: {  	s13 =	rddreg [dreg:$0x1c];
	s11 =	simm.s32 $0x11F80  }
0x2f1: {  	[hbm4b:s13+s29] =	stream.strided.scatter [tilespmem:s11], [sflag:$0x15], $0xC80, s30, s29, $0x38;
	[tilespmem:$0x1DB00] =	vst v63  }
0x2f2: {  	s14 =	rddreg [dreg:$0x1d];
	s15 =	simm.s32 $0x12C00  }
0x2f3: {  	[hbm4b:s14+s29] =	stream.strided.scatter [tilespmem:s15], [sflag:$0x15], $0xC80, s30, s29, $0x38;
	[tilespmem:$0x1DB00] =	vst v63  }
0x2f4: {  	s18 =	simm.s32 $0x13880;
	s17 =	rddreg [dreg:$0x1e]  }
0x2f5: {  	[hbm4b:s17+s29] =	stream.strided.scatter [tilespmem:s18], [sflag:$0x15], $0xC80, s30, s29, $0x38;
	[tilespmem:$0x1DB00] =	vst v63  }
0x2f6: {  	_ =	swait.ge [sflag:s9], $0xC80  }
0x2f7: {  	[sflag:s9] =	ssyncset.done $0x0  }
0x2f8: {  	[sflag:s9] =	ssyncadd.s32 $0xFFFFF380  }
0x2f9: {  	_ =	swait.ge [sflag:s9], $0xC80  }
0x2fa: {  	[sflag:s9] =	ssyncset.done $0x0  }
0x2fb: {  	[sflag:s9] =	ssyncadd.s32 $0xFFFFF380  }
0x2fc: {  	_ =	swait.ge [sflag:s9], $0xC80  }
0x2fd: {  	[sflag:s9] =	ssyncset.done $0x0  }
0x2fe: {  	[sflag:s9] =	ssyncadd.s32 $0xFFFFF380  }
0x2ff: {  	_ =	swait.ge [sflag:s9], $0xC80  }
0x300: {  	[sflag:s9] =	ssyncset.done $0x0  }
0x301: {  	s20 =	simm.s32 $0x8;
	[sflag:s9] =	ssyncadd.s32 $0xFFFFF380  }
0x302: {  	_ =	swait.ge [sflag:s20], $0x3200  }
0x303: {  	[sflag:s20] =	ssyncset.done $0x0  }
0x304: {  	s21 =	simm.s32 $0x3138;
	s11 =	simm.s32 $0x1A900;
	[sflag:s20] =	ssyncadd.s32 $0xFFFFCE00  }
0x305: {  	[tilespmem:s11], [sflag:$0x10] =	stream.indirect.gather.add.f32 [hbm:s4], $0x40, s21, s19, $0xb8;
	[tilespmem:$0x1DB00] =	vst v63  }
0x306: {  	s22 =	simm.s32 $0x4A38;
	s23 =	simm.s32 $0xE  }
0x307: {  	[tilespmem:s11], [sflag:$0x10] =	stream.indirect.gather.add.f32 [hbm:s5], $0x40, s22, s19, $0xb8;
	[tilespmem:$0x1DB00] =	vst v63  }
0x308: {  	_ =	swait.ge [sflag:s23], $0x3200  }
0x309: {  	[sflag:s23] =	ssyncset.done $0x0  }
0x30a: {  	[sflag:s23] =	ssyncadd.s32 $0xFFFFCE00  }
0x30b: {  	_ =	swait.ge [sflag:s23], $0x3200  }
0x30c: {  	[sflag:s23] =	ssyncset.done $0x0  }
0x30d: {  	s24 =	rddreg [dreg:$0x1f];
	[sflag:s23] =	ssyncadd.s32 $0xFFFFCE00  }
0x30e: {  	[hbm4b:s24+s29] =	stream.strided.scatter [tilespmem:s8], [sflag:$0x16], $0xC80, s30, s29, $0x38;
	[tilespmem:$0x1DB00] =	vst v63  }
0x30f: {  	s8 =	sld [smem:$0x7E7];
	_ =	sdelay $0x1  }
0x310: {  	s12 =	simm.s32 $0x15180;
	s13 =	sld [smem:$0x7E8]  }
0x311: {  	[hbm4b:s8+s29] =	stream.strided.scatter [tilespmem:s12], [sflag:$0x16], $0xC80, s30, s29, $0x38;
	[tilespmem:$0x1DB00] =	vst v63  }
0x312: {  	s14 =	simm.s32 $0x15E00;
	s15 =	sld [smem:$0x7E9]  }
0x313: {  	[hbm4b:s13+s29] =	stream.strided.scatter [tilespmem:s14], [sflag:$0x16], $0xC80, s30, s29, $0x38;
	[tilespmem:$0x1DB00] =	vst v63  }
0x314: {  	s17 =	simm.s32 $0x16A80  }
0x315: {  	[hbm4b:s15+s29] =	stream.strided.scatter [tilespmem:s17], [sflag:$0x16], $0xC80, s30, s29, $0x38;
	[tilespmem:$0x1DB00] =	vst v63  }
0x316: {  	_ =	swait.ge [sflag:s25], $0xC80  }
0x317: {  	[sflag:s25] =	ssyncset.done $0x0  }
0x318: {  	[sflag:s25] =	ssyncadd.s32 $0xFFFFF380  }
0x319: {  	_ =	swait.ge [sflag:s25], $0xC80  }
0x31a: {  	[sflag:s25] =	ssyncset.done $0x0  }
0x31b: {  	[sflag:s25] =	ssyncadd.s32 $0xFFFFF380  }
0x31c: {  	_ =	swait.ge [sflag:s25], $0xC80  }
0x31d: {  	[sflag:s25] =	ssyncset.done $0x0  }
0x31e: {  	[sflag:s25] =	ssyncadd.s32 $0xFFFFF380  }
0x31f: {  	_ =	swait.ge [sflag:s25], $0xC80  }
0x320: {  	[sflag:s25] =	ssyncset.done $0x0  }
0x321: {  	s18 =	simm.s32 $0xF;
	[sflag:s25] =	ssyncadd.s32 $0xFFFFF380  }
0x322: {  	_ =	swait.ge [sflag:s18], $0x3200  }
0x323: {  	[sflag:s18] =	ssyncset.done $0x0  }
0x324: {  	[sflag:s18] =	ssyncadd.s32 $0xFFFFCE00  }
0x325: {  	_ =	swait.ge [sflag:s18], $0x3200  }
0x326: {  	s20 =	sld [smem:$0x7EA]  }
0x327: {  	[sflag:s18] =	ssyncset.done $0x0  }
0x328: {  	s21 =	sld [smem:$0x7EB];
	[sflag:s18] =	ssyncadd.s32 $0xFFFFCE00  }
0x329: {  	[hbm4b:s20+s29] =	stream.strided.scatter [tilespmem:s10], [sflag:$0x17], $0xC80, s30, s29, $0x38;
	[tilespmem:$0x1DB00] =	vst v63  }
0x32a: {  	s22 =	simm.s32 $0x18380;
	s23 =	sld [smem:$0x7EC]  }
0x32b: {  	[hbm4b:s21+s29] =	stream.strided.scatter [tilespmem:s22], [sflag:$0x17], $0xC80, s30, s29, $0x38;
	[tilespmem:$0x1DB00] =	vst v63  }
0x32c: {  	s24 =	simm.s32 $0x19000;
	s10 =	sld [smem:$0x7ED]  }
0x32d: {  	[hbm4b:s23+s29] =	stream.strided.scatter [tilespmem:s24], [sflag:$0x17], $0xC80, s30, s29, $0x38;
	[tilespmem:$0x1DB00] =	vst v63  }
0x32e: {  	s12 =	simm.s32 $0x19C80  }
0x32f: {  	[hbm4b:s10+s29] =	stream.strided.scatter [tilespmem:s12], [sflag:$0x17], $0xC80, s30, s29, $0x38;
	[tilespmem:$0x1DB00] =	vst v63  }
0x330: {  	_ =	swait.ge [sflag:s7], $0xC80  }
0x331: {  	[sflag:s7] =	ssyncset.done $0x0  }
0x332: {  	[sflag:s7] =	ssyncadd.s32 $0xFFFFF380  }
0x333: {  	_ =	swait.ge [sflag:s7], $0xC80  }
0x334: {  	[sflag:s7] =	ssyncset.done $0x0  }
0x335: {  	[sflag:s7] =	ssyncadd.s32 $0xFFFFF380  }
0x336: {  	_ =	swait.ge [sflag:s7], $0xC80  }
0x337: {  	[sflag:s7] =	ssyncset.done $0x0  }
0x338: {  	[sflag:s7] =	ssyncadd.s32 $0xFFFFF380  }
0x339: {  	_ =	swait.ge [sflag:s7], $0xC80  }
0x33a: {  	[sflag:s7] =	ssyncset.done $0x0  }
0x33b: {  	s13 =	simm.s32 $0x10;
	[sflag:s7] =	ssyncadd.s32 $0xFFFFF380  }
0x33c: {  	_ =	swait.ge [sflag:s13], $0x3200  }
0x33d: {  	[sflag:s13] =	ssyncset.done $0x0  }
0x33e: {  	[sflag:s13] =	ssyncadd.s32 $0xFFFFCE00  }
0x33f: {  	_ =	swait.ge [sflag:s13], $0x3200  }
0x340: {  	s14 =	sld [smem:$0x7EE]  }
0x341: {  	[sflag:s13] =	ssyncset.done $0x0  }
0x342: {  	s15 =	sld [smem:$0x7EF];
	[sflag:s13] =	ssyncadd.s32 $0xFFFFCE00  }
0x343: {  	[hbm4b:s14+s29] =	stream.strided.scatter [tilespmem:s11], [sflag:$0x18], $0xC80, s30, s29, $0x38;
	[tilespmem:$0x1DB00] =	vst v63  }
0x344: {  	s17 =	simm.s32 $0x1B580;
	s18 =	sld [smem:$0x7F0]  }
0x345: {  	[hbm4b:s15+s29] =	stream.strided.scatter [tilespmem:s17], [sflag:$0x18], $0xC80, s30, s29, $0x38;
	[tilespmem:$0x1DB00] =	vst v63  }
0x346: {  	s20 =	simm.s32 $0x1C200;
	s21 =	sld [smem:$0x7F1]  }
0x347: {  	[hbm4b:s18+s29] =	stream.strided.scatter [tilespmem:s20], [sflag:$0x18], $0xC80, s30, s29, $0x38;
	[tilespmem:$0x1DB00] =	vst v63  }
0x348: {  	s22 =	simm.s32 $0x1CE80  }
0x349: {  	[hbm4b:s21+s29] =	stream.strided.scatter [tilespmem:s22], [sflag:$0x18], $0xC80, s30, s29, $0x38;
	[tilespmem:$0x1DB00] =	vst v63  }
0x34a: {  	_ =	swait.ge [sflag:s0], $0xC80  }
0x34b: {  	[sflag:s0] =	ssyncset.done $0x0  }
0x34c: {  	[sflag:s0] =	ssyncadd.s32 $0xFFFFF380  }
0x34d: {  	_ =	swait.ge [sflag:s0], $0xC80  }
0x34e: {  	[sflag:s0] =	ssyncset.done $0x0  }
0x34f: {  	[sflag:s0] =	ssyncadd.s32 $0xFFFFF380  }
0x350: {  	_ =	swait.ge [sflag:s0], $0xC80  }
0x351: {  	[sflag:s0] =	ssyncset.done $0x0  }
0x352: {  	[sflag:s0] =	ssyncadd.s32 $0xFFFFF380  }
0x353: {  	_ =	swait.ge [sflag:s0], $0xC80  }
0x354: {  	[sflag:s0] =	ssyncset.done $0x0  }
0x355: {  	[sflag:s0] =	ssyncadd.s32 $0xFFFFF380  }
0x356: {  	_ =	swait.ge [sflag:s16], $0xC80  }
0x357: {  	[sflag:s16] =	ssyncset.done $0x0  }
0x358: {  	[sflag:s16] =	ssyncadd.s32 $0xFFFFF380  }
0x359: {  	_ =	swait.ge [sflag:s16], $0xC80  }
0x35a: {  	[sflag:s16] =	ssyncset.done $0x0  }
0x35b: {  	[sflag:s16] =	ssyncadd.s32 $0xFFFFF380  }
0x35c: {  	_ =	swait.ge [sflag:s16], $0xC80  }
0x35d: {  	[sflag:s16] =	ssyncset.done $0x0  }
0x35e: {  	[sflag:s16] =	ssyncadd.s32 $0xFFFFF380  }
0x35f: {  	_ =	swait.ge [sflag:s16], $0xC80  }
0x360: {  	s23 =	sld [smem:$0x7E6]  }
0x361: {  	s24 =	sld [smem:$0x7F2];
	_ =	sdelay $0x1  }
0x362: {  	s11 =	sadd.s32 $0x1, s23  }
0x363: {  	p0 =	sne.s32 s11, s24  }
.Ltmp1:
0x364: {  	_ = 	snop;
	(pc) =	sbr.rel @p0 .LBB2_1-.Ltmp1, $4  }
0x365: {  	s28 =	simm.s32 $0x3  }
0x366: {  	s8 =	simm.s32 $0xAF00;
	s10 =	simm.s32 $0x1;
	s13 =	simm.s32 $0x4B00  }
0x367: {  	s22 =	simm.s32 $0x7D00;
	s21 =	simm.s32 $0x9;
	[sflag:s16] =	ssyncset.done $0x0  }
0x368: {  	[sflag:s16] =	ssyncadd.s32 $0xFFFFF380;
	s23 =	simm.s32 $0x2;
	s24 =	simm.s32 $0x5780  }
0x369: {  	_ =	sfence.sel $0x180000  }
0x36a: {  	[bflag:$0x0] =	sbarrier.arrive $0xFFFF  }
0x36b: {  	_ =	strace $0x90000047  }
0x36c: {  	s0 =	stileid.u32;
	[bflag:$0x2] =	sbarrier.arrive $0xFFFF  }
0x36d: {  	p0 =	sne.s32 s0, $0x0;
	s0 =	rddreg [dreg:$0x1]  }
0x36e: {  	s0 =	sadd.s32 @!p0 $0x100000, s0  }
0x36f: {  	[sflag:s0] =	ssyncadd.tile.s32 @!p0 $0x1;
	_ =	shalt  }
.Lfunc_end2:
_tile_overlayer_lowered:
.L_overlay_start_2:
0x370: {  	(tag) =	ssettag $0x2  }
0x371: {  	s0 =	rddreg [dreg:$0x0];
	s2 =	stileid.u32  }
0x372: {  	s1 =	rddreg [dreg:$0x1];
	p0 =	sne.s32 s2, $0x0  }
0x373: {  	s3 =	rddreg [dreg:$0x2];
	[bflag:$0x3] =	sbarrier.arrive $0xFFFF;
	s2 =	simm.s32 @!p0 $0x1C19  }
0x374: {  	[timem:s3], [sflag:s2] =	dma.local @!p0 [hbm:s0], s1  }
0x375: {  	s0 =	simm.s32 @!p0 $0x19  }
0x376: {  	_ =	swait.ge @!p0 [sflag:s0], s1  }
0x377: {  	s1 =	ssub.s32 @!p0 $0x0, s1;
	[sflag:s0] =	ssyncset.done @!p0 $0x0  }
0x378: {  	[sflag:s0] =	ssyncadd.s32 @!p0 s1  }
0x379: {  	[bflag:$0x3] =	sbarrier.arrive $0xFFFF  }
0x37a: {  	_ =	shalt  }

// kernel: sparse-core-data-format-call.cloned.1.call-start
scs
called_computation_lowered:
.L_overlay_start_0:
0x0: {  	s2 =	sld [smem:$0x3FD9]  }
0x1: {  	s3 =	sld [smem:$0x3FFE];
	_ =	sdelay $0x1  }
0x2: {  	s1 =	srdreg.scid  }
0x3: {  	s0 =	sand.u32 $0x1, s1  }
0x4: {  	s18 =	sshll.u32 s0, $0xA;
	s2 =	sadd.s32 s3, s2  }
0x5: {  	s2 =	sadd.s32 s2, s18  }
0x6: {  	[smem:$0x3FC2] =	sst s2  }
0x7: {  	_ = 	snop  }
0x8: {  	s2 =	sld [smem:$0x3FD0];
	(tm) =	ssettm $0x1  }
0x9: {  	s19 =	sld [smem:$0x3FFB];
	_ =	sdelay $0x3  }
0xa: {  	_ =	strace s19  }
0xb: {  	s3 =	sld [smem:$0x3FFC];
	_ =	sdelay $0x3  }
0xc: {  	_ =	strace s3  }
0xd: {  	s3 =	sld [smem:$0x3FFD];
	_ =	sdelay $0x3  }
0xe: {  	_ =	strace s3  }
0xf: {  	_ =	strace $0x8FFFFFFF  }
0x10: {  	s20 =	sld [smem:$0x3FDB];
	_ =	sdelay $0x1  }
0x11: {  	s4 =	simm.s32 $_scs_section_size  }
0x12: {  	s5 =	simm.s32 $_size__tile_overlayer_lowered;
	s6 =	simm.s32 $_tile_overlayer_lowered  }
0x13: {  	s23 =	simm.s32 $0x1BFF;
	s22 =	sshll.u32 s6, $0x1;
	s3 =	sadd.s32 s4, s20  }
0x14: {  	s7 =	simm.s32 $0x0;
	s21 =	sshll.u32 s5, $0x1;
	s5 =	sadd.s32 s22, s3  }
0x15: {  	[timem:s7], [sflag:s23] =	dma.local [hbm:s5], s21  }
0x16: {  	_ =	swait.ge [sflag:s23], s21  }
0x17: {  	s4 =	ssub.s32 $0x0, s21;
	[sflag:s23] =	ssyncset.done $0x0  }
0x18: {  	[sflag:s23] =	ssyncadd.s32 s4;
	_ =	sdelay $0x1  }
0x19: {  	s24 =	simm.s32 $0x1B8B  }
0x1a: {  	_ =	swait.ge [sflag:s24], $0x1  }
0x1b: {  	[sflag:s24] =	ssyncset.done $0x0  }
0x1c: {  	s26 =	simm.s32 $0x1B8E;
	s25 =	sld [smem:$0x3FFE];
	[sflag:s24] =	ssyncadd.s32 $0xFFFFFFFF  }
0x1d: {  	s27 =	simm.s32 $execute0_lowered;
	[smem:$0x3FD2] =	sst s26  }
0x1e: {  	s5 =	sshll.u32 s27, $0x1;
	_ =	strace $0x80000049;
	[dreg:$0x1] =	wrdreg $0xFFFFFFFF  }
0x1f: {  	s28 =	simm.s32 $_size_execute0_lowered;
	s3 =	sadd.s32 s3, s5;
	[dreg:$0x0] =	wrdreg $0x0  }
0x20: {  	s5 =	sshll.u32 s28, $0x1;
	[dreg:$0x2] =	wrdreg s3  }
0x21: {  	[dreg:$0x3] =	wrdreg s5  }
0x22: {  	[dreg:$0x4] =	wrdreg $0xC0  }
0x23: {  	_ =	task [dreg:s7], $0x5FFFF  }
0x24: {  	[dreg:$0x1] =	wrdreg $0xFFFFFFFF  }
0x25: {  	[dreg:$0x0] =	wrdreg $0x60  }
0x26: {  	[dreg:$0x2] =	wrdreg s25  }
0x27: {  	[dreg:$0x3] =	wrdreg s2  }
0x28: {  	[dreg:$0x4] =	wrdreg $0x9  }
0x29: {  	_ =	task.clear_ibuf [dreg:s7], $0x5FFFF;
	_ =	strace $0x90000049  }
0x2a: {  	s29 =	simm.s32 $0x9;
	_ =	strace $0x8000004B  }
0x2b: {  	_ =	swait.ge [sflag:s29], $0x1  }
0x2c: {  	[sflag:s29] =	ssyncadd.s32 $0xFFFFFFFF  }
0x2d: {  	_ =	strace $0x9000004B  }
0x2e: {  	_ =	sfence  }
0x2f: {  	s30 =	sld [smem:$0x0];
	_ =	sdelay $0x2  }
0x30: {  	s31 =	sshll.u32 s1, $0xD;
	s1 =	sshrl.u32 s1, $0x2  }
0x31: {  	s3 =	sand.u32 $0x4000, s31;
	s1 =	sadd.s32 s1, s30  }
0x32: {  	s0 =	sor.u32 s3, s0;
	s1 =	sshll.u32 s1, $0x11  }
0x33: {  	s0 =	sor.u32 s1, s0  }
0x34: {  	s0 =	sadd.s32 $0x8F2B, s0  }
0x35: {  	[sflag:s0] =	ssyncadd.remote.s32 $0x1  }
0x36: {  	_ =	sfence.sel $0xFFFF  }
0x37: {  	[dreg:$0x0] =	wrdreg $0xFFFFFFFF;
	(pc) =	sbr.abs _section_cstart, $3  }
0x38: {  	[dreg:$0x1] =	wrdreg $0xFFFFFFFF  }
0x39: {  	_ =	task.clear_ibuf [dreg:s7], $0x2FFFF;
	_ =	strace $0x9FFFFFFF  }
0x3a: {  	(tm) =	ssettm $0x7FFFFFFF  }
0x3b: {  	_ =	shalt  }
tec
execute0_lowered:
.L_overlay_start_1:
0x0: {  	(tag) =	ssettag $0x1  }
0x1: {  	s0 =	srdreg.scid  }
0x2: {  	s1 =	sshll.u32 s0, $0x4  }
0x3: {  	s0 =	stileid.u32;
	s1 =	sand.u32 $0x10, s1  }
0x4: {  	s1 =	sor.u32 s0, s1  }
0x5: {  	s6 =	rddreg [dreg:$0x0];
	s4 =	simm.s32 $0x1;
	s2 =	sshll.u32 s1, $0x7  }
0x6: {  	s7 =	simm.s32 $0x2;
	s12 =	simm.s32 $0x0;
	s1 =	ssub.s32 $0x1000, s2  }
0x7: {  	s8 =	simm.s32 $0x8000;
	s13 =	simm.s32 $0x0;
	s3 =	sand.u32 $0xF80, s1  }
0x8: {  	s9 =	simm.s32 $0x0;
	s5 =	sshrl.u32 s1, $0xC;
	p0 =	sne.s32 s3, $0x0  }
.Ltmp0:
0x9: {  	s1 =	rddreg [dreg:$0x2];
	s4 =	simm.s32 @!p0 $0x0;
	(pc) =	sbr.rel .LBB1_1-.Ltmp0, $4  }
0xa: {  	s11 =	simm.s32 $0x0;
	s3 =	rddreg [dreg:$0x1];
	s5 =	sadd.s32 s4, s5  }
0xb: {  	_ =	strace $0x8000004A;
	s4 =	simm.s32 $0x1;
	s5 =	smul.u32 $0x32, s5  }
0xc: {  	s6 =	sadd.s32 $0x25F200, s6;
	s10 =	smov.u32 s2;
	[sflag:s4] =	ssyncpa.u1 $0x0  }
0xd: {  	p0 =	por $0x0, $0x0;
	[sflag:s7] =	ssyncpa.u1 $0x0;
	s7 =	sor.u32 $0x1, s5  }
.LBB1_4:
0xe: {  	s16 =	sshll.u32 s13, $0x3;
	s17 =	sand.u32 $0x78, s13  }
0xf: {  	s30 =	sand.u32 $0x7E00, s13;
	s12 =	sshll.u32 s12, $0xF;
	s16 =	sand.u32 $0xC00, s16  }
0x10: {  	[tilespmem:s15+$0x810 ss:$0x81] =	vst.msk $0xffff, v2;
	s31 =	sand.u32 $0x7, s13;
	s16 =	sor.u32 s17, s16;
	s17 =	sadd.s32 s3, s30  }
0x11: {  	[tilespmem:s15+$0x1020 ss:$0x81] =	vst.msk $0xffff, v0;
	s13 =	sshll.u32 s31, $0x12;
	s12 =	sadd.s32 s12, s17;
	s16 =	sshrl.u32 s16, $0x3  }
0x12: {  	[tilespmem:s15+$0x0 ss:$0x81] =	vst.msk $0xffff, v1;
	s13 =	sor.u32 $0x400, s13;
	s12 =	sadd.s32 s16, s12  }
0x13: {  	[hbm4b:s12+s13] =	stream.strided.scatter [tilespmem:s14], [sflag:$0x2], $0x2000, s8, s13, $0x20;
	[tilespmem:$0x8080] =	vst v63  }
.LBB1_5:
0x14: {  	s14 =	sadd.s32 $0x1, s9  }
0x15: {  	s12 =	sadd.s32 $0x1000, s10;
	s16 =	smov.u32 s10;
	p2 =	sgt.s32 s14, $0x31  }
0x16: {  	s16 =	smov.u32 @p2 s12  }
0x17: {  	s14 =	simm.s32 @p2 $0x0;
	p2 =	sgt.s32 s16, $0xFFF  }
0x18: {  	s16 =	smov.u32 @p2 s2;
	p2 =	sne.s32 s11, s7  }
.Ltmp1:
0x19: {  	p1 =	slt.u32 s11, $0x2;
	(pc) =	sbr.rel @!p2 .LBB1_6-.Ltmp1, $4  }
0x1a: {  	s15 =	simm.s32 @!p1 $0x2  }
0x1b: {  	s13 =	smov.u32 s10;
	p0 =	por !p0, !p0;
	_ =	swait.ge @!p1 [sflag:s15], $0x2000  }
0x1c: {  	s12 =	smov.u32 s9;
	[sflag:s15] =	ssyncset.done @!p1 $0x0;
	s9 =	smov.u32 s14  }
0x1d: {  	s11 =	sadd.s32 $0x1, s11;
	[sflag:s15] =	ssyncadd.s32 @!p1 $0xFFFFE000;
	s10 =	smov.u32 s16  }
.LBB1_1:
0x1e: {  	p1 =	sge.u32 s11, s5  }
0x1f: {  	s14 =	sand.u32 @!p1 $0x1FFFFFF, s9  }
0x20: {  	s15 =	smulhi.u32 @!p1 $0x4924925, s14;
	_ =	sdelay $0x1  }
0x21: {  	s15 =	smul.u32 @!p1 $0x38, s15  }
0x22: {  	s16 =	sxor.u32 @!p1 $0xFFFFFFFF, s11;
	s17 =	smul.u32 @!p1 $0x380, s10  }
0x23: {  	s31 =	sadd.s32 $0xFFFFFFFF, s11;
	s16 =	sshll.u32 @!p1 s16, $0xD;
	s14 =	ssub.s32 @!p1 s14, s15  }
0x24: {  	s15 =	sand.u32 @!p1 $0x2000, s16;
	s16 =	sadd.s32 @!p1 s6, s17;
	s14 =	sshll.u32 @!p1 s14, $0x4  }
0x25: {  	s17 =	simm.s32 @!p1 $0x1C00;
	s14 =	sadd.s32 @!p1 s14, s16;
	s16 =	simm.s32 @!p1 $0x40  }
0x26: {  	[tilespmem:s15], [sflag:$0x1] =	stream.strided.gather @!p1 [hbm4b:s14+s16], $0x2000, s17, s16, $0x38;
	[tilespmem:$0x8080] =	vst v63  }
0x27: {  	p1 =	sge.u32 s31, s5  }
.Ltmp2:
0x28: {  	_ = 	snop;
	(pc) =	sbr.rel @p1 .LBB1_5-.Ltmp2, $1  }
0x29: {  	_ =	sdelay $0x3  }
0x2a: {  	s14 =	simm.s32 $0x1  }
0x2b: {  	_ =	swait.ge [sflag:s4], $0x2000;
	s14 =	simm.s32 @!p0 $0x0  }
0x2c: {  	[sflag:s4] =	ssyncset.done $0x0;
	s15 =	sshll.u32 s14, $0xD  }
0x2d: {  	[sflag:s4] =	ssyncadd.s32 $0xFFFFE000;
	s18 =	sor.u32 $0x20, s15  }
0x2e: {  	s14 =	smul.u32 $0x8100, s14;
	v3 =	vld [tilespmem:s18+$0x10]  }
0x2f: {  	s30 =	sand.u32 $0x1, s11;
	v2 =	vld [tilespmem:s18+$0xFFFFFFF0]  }
0x30: {  	s15 =	smul.u32 $0x8100, s30;
	s14 =	sshrl.u32 s14, $0x2;
	v0 =	vld [tilespmem:s18+$0x0]  }
0x31: {  	v1 =	vld [tilespmem:s18+$0xFFFFFFE0];
	s16 =	sor.u32 $0x4000, s14  }
0x32: {  	s31 =	sshrl.u32 s15, $0x2;
	s15 =	sadd.s32 $0x0, s16  }
0x33: {  	s17 =	simm.s32 $0x4;
	s18 =	sadd.s32 $0x40, s18;
	s14 =	sor.u32 $0x4000, s31;
	[tilespmem:s15+$0x1830 ss:$0x81] =	vst.msk $0xffff, v3  }
.LBB1_3:
0x34: {  	v3 =	vld [tilespmem:s18+$0x10];
	p1 =	sne.s32 s17, $0x1FC;
	[tilespmem:s15+$0x810 ss:$0x81] =	vst.msk $0xffff, v2;
	s19 =	smov.u32 s17;
	s17 =	sadd.s32 $0x4, s17  }
.Ltmp3:
0x35: {  	v2 =	vld [tilespmem:s18+$0xFFFFFFF0];
	[tilespmem:s15+$0x1020 ss:$0x81] =	vst.msk $0xffff, v0;
	(pc) =	sbr.rel @p1 .LBB1_3-.Ltmp3, $4  }
0x36: {  	v0 =	vld [tilespmem:s18+$0x0];
	[tilespmem:s15+$0x0 ss:$0x81] =	vst.msk $0xffff, v1  }
0x37: {  	s15 =	sshra.s32 s19, $0x2;
	v1 =	vld [tilespmem:s18+$0xFFFFFFE0]  }
0x38: {  	s15 =	sadd.s32 s15, s16  }
0x39: {  	s18 =	sadd.s32 $0x40, s18;
	[tilespmem:s15+$0x1830 ss:$0x81] =	vst.msk $0xffff, v3  }
.Ltmp4:
0x3a: {  	_ = 	snop;
	(pc) =	sbr.rel .LBB1_4-.Ltmp4, $1  }
0x3b: {  	_ =	sdelay $0x3  }
.LBB1_6:
0x3c: {  	_ =	sfence.sel $0x180000  }
0x3d: {  	s2 =	simm.s32 $0x1;
	[bflag:$0x0] =	sbarrier.arrive $0xFFFF  }
0x3e: {  	s31 =	simm.s32 $0x2;
	[sflag:s2] =	ssyncpa.u1 $0x1  }
0x3f: {  	[sflag:s31] =	ssyncpa.u1 $0x1  }
0x40: {  	p0 =	sne.s32 s0, $0x0;
	_ =	strace $0x9000004A  }
0x41: {  	s0 =	sadd.s32 @!p0 $0x100000, s1;
	[bflag:$0x2] =	sbarrier.arrive $0xFFFF  }
0x42: {  	[sflag:s0] =	ssyncadd.tile.s32 @!p0 $0x1;
	_ =	shalt  }
.Lfunc_end1:
_tile_overlayer_lowered:
.L_overlay_start_2:
0x43: {  	(tag) =	ssettag $0x2  }
0x44: {  	s0 =	rddreg [dreg:$0x0];
	s2 =	stileid.u32  }
0x45: {  	s1 =	rddreg [dreg:$0x1];
	p0 =	sne.s32 s2, $0x0  }
0x46: {  	s3 =	rddreg [dreg:$0x2];
	[bflag:$0x3] =	sbarrier.arrive $0xFFFF;
	s2 =	simm.s32 @!p0 $0x1C01  }
0x47: {  	[timem:s3], [sflag:s2] =	dma.local @!p0 [hbm:s0], s1  }
0x48: {  	s0 =	simm.s32 @!p0 $0x1  }
0x49: {  	_ =	swait.ge @!p0 [sflag:s0], s1  }
0x4a: {  	s1 =	ssub.s32 @!p0 $0x0, s1;
	[sflag:s0] =	ssyncset.done @!p0 $0x0  }
0x4b: {  	[sflag:s0] =	ssyncadd.s32 @!p0 s1  }
0x4c: {  	[bflag:$0x3] =	sbarrier.arrive $0xFFFF  }
0x4d: {  	_ =	shalt  }

</sc_bundles>
